<compile_context>
chip_gen: v7x
topology: tpu7x:2x2x1
jax: 0.10.2.dev20260603
libtpu: 0.0.44.dev20260713+nightly
codegen_flags: <defaults>
</compile_context>

<pallas_src>
import functools

import jax
import jax.numpy as jnp
from jax import lax
from jax.experimental import pallas as pl
from jax.experimental.pallas import tpu as pltpu
from jax.experimental.pallas import tpu_sc as plsc

_L16 = 16


def _iota16():
    return lax.broadcasted_iota(jnp.int32, (_L16,), 0)


def _pack_body(tT_hbm, tail_hbm, packed_hbm, buf, obuf, gsem0, gsem1, wsem0,
               wsem1, *, num_lines, tail_lines):
    nc = 2
    wid = lax.axis_index("s") * nc + lax.axis_index("c")
    start = 244 * wid + 2 * jnp.minimum(wid, 2)
    n = 244 + 2 * (wid < 2).astype(jnp.int32)
    gsems = (gsem0, gsem1)
    wsems = (wsem0, wsem1)

    def fire(g, b):
        bl = start + g
        pltpu.async_copy(
            tT_hbm.at[:, pl.ds(bl * 128, 128)], buf.at[b], gsems[b]
        )

    def wait_g(g, b):
        bl = start + g
        pltpu.make_async_copy(
            tT_hbm.at[:, pl.ds(bl * 128, 128)], buf.at[b], gsems[b]
        ).wait()

    iota = _iota16()
    v_vecs = [16 * t + iota for t in range(8)]
    l_vecs = [8 * t + lax.shift_right_logical(iota, 1) for t in range(8)]
    colbase = lax.bitwise_and(iota, 1) * 64

    def transpose(b):
        def dsf(k2, carry):
            for u in (0, 1):
                k = 2 * k2 + u
                d_vec = lax.bitwise_and(iota + k, 15) + lax.bitwise_and(
                    k, 48
                )
                col_vec = colbase + d_vec
                vals = [
                    plsc.load_gather(buf.at[b], [d_vec, v_vecs[t]])
                    for t in range(8)
                ]
                for t in range(8):
                    plsc.store_scatter(
                        obuf.at[b], [l_vecs[t], col_vec], vals[t]
                    )
            return carry

        lax.fori_loop(0, 32, dsf, 0)

    def fire_wb(g, b):
        bl = start + g
        pltpu.async_copy(
            obuf.at[b], packed_hbm.at[pl.ds(bl * 64, 64), :], wsems[b]
        )

    def wait_wb(g, b):
        bl = start + g
        pltpu.make_async_copy(
            obuf.at[b], packed_hbm.at[pl.ds(bl * 64, 64), :], wsems[b]
        ).wait()

    fire(0, 0)
    fire(1, 1)

    def pair(p, carry):
        for b in (0, 1):
            g = 2 * p + b
            wait_g(g, b)

            @pl.when(p >= 1)
            def _():
                wait_wb(g - 2, b)

            transpose(b)
            fire_wb(g, b)

            @pl.when(g + 2 < n)
            def _():
                fire(g + 2, b)

        return carry

    lax.fori_loop(0, n // 2, pair, 0)
    for b in (0, 1):
        wait_wb(n - 2 + b, b)

    @pl.when(wid == 0)
    def _():
        pltpu.sync_copy(tail_hbm, obuf.at[0, pl.ds(0, tail_lines)])
        pltpu.sync_copy(
            obuf.at[0, pl.ds(0, tail_lines)],
            packed_hbm.at[pl.ds(num_lines - tail_lines, tail_lines), :],
        )


def _gather_body(xT_hbm, packed_hbm, outT_hbm, xbuf, gidx, cb, lines, obuf,
                 gsem0, gsem1, wsem0, wsem1, *, seq_len):
    nc = 2
    wid = lax.axis_index("s") * nc + lax.axis_index("c")
    b0 = wid * 128
    gsems = (gsem0, gsem1)
    wsems = (wsem0, wsem1)

    pltpu.sync_copy(xT_hbm.at[:, pl.ds(b0, 128)], xbuf)

    def prep(l, b):
        for c in range(8):
            v = xbuf[l, pl.ds(16 * c, _L16)]
            gidx[b, pl.ds(16 * c, _L16)] = lax.shift_right_logical(v, 1)
            cb[b, pl.ds(16 * c, _L16)] = lax.bitwise_and(v, 1) * 64

    def fire(l, b):
        pltpu.async_copy(packed_hbm.at[gidx.at[b]], lines.at[b], gsems[b])

    def wait_g(b):
        pltpu.make_async_copy(
            packed_hbm.at[gidx.at[b]], lines.at[b], gsems[b]
        ).wait()

    iota = _iota16()
    i_vecs = [16 * t + iota for t in range(8)]

    def transpose(b):
        cbvs = [cb[b, pl.ds(16 * t, _L16)] for t in range(8)]

        def dsf(k2, carry):
            for u in (0, 1):
                k = 2 * k2 + u
                d_vec = lax.bitwise_and(iota + k, 15) + lax.bitwise_and(
                    k, 48
                )
                cols = [cbvs[t] + d_vec for t in range(8)]
                vals = [
                    plsc.load_gather(lines.at[b], [i_vecs[t], cols[t]])
                    for t in range(8)
                ]
                for t in range(8):
                    plsc.store_scatter(
                        obuf.at[b], [d_vec, i_vecs[t]], vals[t]
                    )
            return carry

        lax.fori_loop(0, 32, dsf, 0)

    def fire_wb(l, b):
        pltpu.async_copy(
            obuf.at[b], outT_hbm.at[l, :, pl.ds(b0, 128)], wsems[b]
        )

    def wait_wb(l, b):
        pltpu.make_async_copy(
            obuf.at[b], outT_hbm.at[l, :, pl.ds(b0, 128)], wsems[b]
        ).wait()

    for b in (0, 1):
        prep(b, b)
        fire(b, b)

    def pair(p, carry):
        for b in (0, 1):
            l = 2 * p + b
            wait_g(b)

            @pl.when(p >= 1)
            def _():
                wait_wb(l - 2, b)

            transpose(b)
            fire_wb(l, b)

            @pl.when(l + 2 < seq_len)
            def _():
                prep(l + 2, b)
                fire(l + 2, b)

        return carry

    lax.fori_loop(0, seq_len // 2, pair, 0)
    for b in (0, 1):
        wait_wb(seq_len - 2 + b, b)


def kernel(x, table):
    bsz, seq = x.shape
    num_v, d = table.shape
    tT = table.T
    xT = x.T
    num_lines = num_v // 2

    mesh = plsc.VectorSubcoreMesh(core_axis_name="c", subcore_axis_name="s")
    params = pltpu.CompilerParams(
        use_tc_tiling_on_sc=True,
        needs_layout_passes=False,
        disable_bounds_checks=True,
    )

    pack = functools.partial(
        pl.kernel,
        mesh=mesh,
        out_type=jax.ShapeDtypeStruct((num_lines, 128), jnp.float32),
        scratch_types=[
            pltpu.VMEM((2, 64, 128), jnp.float32),
            pltpu.VMEM((2, 64, 128), jnp.float32),
            pltpu.SemaphoreType.DMA,
            pltpu.SemaphoreType.DMA,
            pltpu.SemaphoreType.DMA,
            pltpu.SemaphoreType.DMA,
        ],
        compiler_params=params,
    )(functools.partial(_pack_body, num_lines=num_lines, tail_lines=32))

    gather = functools.partial(
        pl.kernel,
        mesh=mesh,
        out_type=jax.ShapeDtypeStruct((seq, d, bsz), jnp.float32),
        scratch_types=[
            pltpu.VMEM((seq, 128), jnp.int32),
            pltpu.VMEM((2, 128), jnp.int32),
            pltpu.VMEM((2, 128), jnp.int32),
            pltpu.VMEM((2, 128, 128), jnp.float32),
            pltpu.VMEM((2, 64, 128), jnp.float32),
            pltpu.SemaphoreType.DMA,
            pltpu.SemaphoreType.DMA,
            pltpu.SemaphoreType.DMA,
            pltpu.SemaphoreType.DMA,
        ],
        compiler_params=params,
    )(functools.partial(_gather_body, seq_len=seq))

    full_v = (num_v // 128) * 128
    tail_packed = table[full_v:].reshape(-1, 128)
    packed = pack(tT, tail_packed)
    outT = gather(xT, packed)
    return jnp.transpose(outT, (2, 0, 1))

# --- scband reference (transcript-rebuilt; emitter-appended) ---
"""Pipeline reference for scband-neftune-embedding-68874095559328 (READ-ONLY COPY).

The authoritative reference and input builder live on the scoring server;
editing this copy changes nothing except your own understanding.
"""

import jax, jax.numpy as jnp
import numpy as np

NUM_EMBEDDINGS = 1000000
EMBED_DIM = 64


def setup_inputs(seed: int = 0) -> dict:
    key = jax.random.key(seed)
    k_idx, k_tab = jax.random.split(key)
    x = jax.random.randint(k_idx, (4096, 200), 0, NUM_EMBEDDINGS, dtype=jnp.int64 if jax.config.jax_enable_x64 else jnp.int32).astype(jnp.int32)
    table = jax.random.normal(k_tab, (NUM_EMBEDDINGS, EMBED_DIM), dtype=jnp.float32)
    return {"x": x, "table": table}


def reference(x, table):
    # Eval-mode NEFTune embedding: plain gather (noise disabled for determinism;
    # during eval the module is exactly nn.Embedding).
    embeddings = jnp.take(table, x, axis=0)  # (B, L, D)
    return embeddings

if __name__ == "__main__":
    import jax
    _d = setup_inputs()
    print(jax.jit(kernel)(*tuple(_d.values())))

</pallas_src>

<mosaic_0001>
#map = affine_map<(d0, d1) -> (0, 0)>
module attributes {stable_mosaic.version = 14 : i64} {
  func.func @_pack_body(%arg0: i32, %arg1: i32, %arg2: memref<64x1000000xf32, #tpu.memory_space<hbm>>, %arg3: memref<32x128xf32, #tpu.memory_space<hbm>>, %arg4: memref<500000x128xf32, #tpu.memory_space<hbm>>, %arg5: memref<2x64x128xf32, #tpu.memory_space<vmem>>, %arg6: memref<2x64x128xf32, #tpu.memory_space<vmem>>, %arg7: memref<!tpu.dma_semaphore, #tpu.memory_space<semaphore_mem>>, %arg8: memref<!tpu.dma_semaphore, #tpu.memory_space<semaphore_mem>>, %arg9: memref<!tpu.dma_semaphore, #tpu.memory_space<semaphore_mem>>, %arg10: memref<!tpu.dma_semaphore, #tpu.memory_space<semaphore_mem>>) attributes {dimension_semantics = [#tpu.dimension_semantics<core_parallel>, #tpu.dimension_semantics<subcore_parallel>], iteration_bounds = array<i64: 2, 16>, scalar_prefetch = 0 : i64, scratch_operands = 6 : i64, tpu.core_type = #tpu.core_type<sc_vector_subcore>, window_params = [{transform_indices = #map}, {transform_indices = #map}, {transform_indices = #map}]} {
    %mul3A = arith.constant 2 : i32
    %mul3A_0 = arith.muli %arg1, %mul3A : i32
    %add3A = arith.addi %mul3A_0, %arg0 : i32
    %mul3A_1 = arith.constant 244 : i32
    %mul3A_2 = arith.muli %mul3A_1, %add3A : i32
    %min3A = arith.constant 2 : i32
    %min3A_3 = arith.minsi %add3A, %min3A : i32
    %mul3A_4 = arith.constant 2 : i32
    %mul3A_5 = arith.muli %mul3A_4, %min3A_3 : i32
    %add3A_6 = arith.addi %mul3A_2, %mul3A_5 : i32
    %lt3A = arith.constant 2 : i32
    %lt3A_7 = arith.cmpi slt, %add3A, %lt3A : i32
    %convert_element_type3A = arith.extui %lt3A_7 : i1 to i32
    %mul3A_8 = arith.constant 2 : i32
    %mul3A_9 = arith.muli %mul3A_8, %convert_element_type3A : i32
    %add3A_10 = arith.constant 244 : i32
    %add3A_11 = arith.addi %add3A_10, %mul3A_9 : i32
    %iota3A = tpu.iota {dimensions = array<i32: 0>} : vector<16xi32>
    %add3A_12 = arith.constant 0 : i32
    %add3A_13 = vector.broadcast %add3A_12 : i32 to vector<16xi32>
    %add3A_14 = arith.addi %add3A_13, %iota3A : vector<16xi32>
    %add3A_15 = arith.constant 16 : i32
    %add3A_16 = vector.broadcast %add3A_15 : i32 to vector<16xi32>
    %add3A_17 = arith.addi %add3A_16, %iota3A : vector<16xi32>
    %add3A_18 = arith.constant 32 : i32
    %add3A_19 = vector.broadcast %add3A_18 : i32 to vector<16xi32>
    %add3A_20 = arith.addi %add3A_19, %iota3A : vector<16xi32>
    %add3A_21 = arith.constant 48 : i32
    %add3A_22 = vector.broadcast %add3A_21 : i32 to vector<16xi32>
    %add3A_23 = arith.addi %add3A_22, %iota3A : vector<16xi32>
    %add3A_24 = arith.constant 64 : i32
    %add3A_25 = vector.broadcast %add3A_24 : i32 to vector<16xi32>
    %add3A_26 = arith.addi %add3A_25, %iota3A : vector<16xi32>
    %add3A_27 = arith.constant 80 : i32
    %add3A_28 = vector.broadcast %add3A_27 : i32 to vector<16xi32>
    %add3A_29 = arith.addi %add3A_28, %iota3A : vector<16xi32>
    %add3A_30 = arith.constant 96 : i32
    %add3A_31 = vector.broadcast %add3A_30 : i32 to vector<16xi32>
    %add3A_32 = arith.addi %add3A_31, %iota3A : vector<16xi32>
    %add3A_33 = arith.constant 112 : i32
    %add3A_34 = vector.broadcast %add3A_33 : i32 to vector<16xi32>
    %add3A_35 = arith.addi %add3A_34, %iota3A : vector<16xi32>
    %shift_right_logical3A = arith.constant 1 : i32
    %shift_right_logical3A_36 = vector.broadcast %shift_right_logical3A : i32 to vector<16xi32>
    %shift_right_logical3A_37 = arith.shrui %iota3A, %shift_right_logical3A_36 : vector<16xi32>
    %add3A_38 = arith.constant 0 : i32
    %add3A_39 = vector.broadcast %add3A_38 : i32 to vector<16xi32>
    %add3A_40 = arith.addi %add3A_39, %shift_right_logical3A_37 : vector<16xi32>
    %shift_right_logical3A_41 = arith.constant 1 : i32
    %shift_right_logical3A_42 = vector.broadcast %shift_right_logical3A_41 : i32 to vector<16xi32>
    %shift_right_logical3A_43 = arith.shrui %iota3A, %shift_right_logical3A_42 : vector<16xi32>
    %add3A_44 = arith.constant 8 : i32
    %add3A_45 = vector.broadcast %add3A_44 : i32 to vector<16xi32>
    %add3A_46 = arith.addi %add3A_45, %shift_right_logical3A_43 : vector<16xi32>
    %shift_right_logical3A_47 = arith.constant 1 : i32
    %shift_right_logical3A_48 = vector.broadcast %shift_right_logical3A_47 : i32 to vector<16xi32>
    %shift_right_logical3A_49 = arith.shrui %iota3A, %shift_right_logical3A_48 : vector<16xi32>
    %add3A_50 = arith.constant 16 : i32
    %add3A_51 = vector.broadcast %add3A_50 : i32 to vector<16xi32>
    %add3A_52 = arith.addi %add3A_51, %shift_right_logical3A_49 : vector<16xi32>
    %shift_right_logical3A_53 = arith.constant 1 : i32
    %shift_right_logical3A_54 = vector.broadcast %shift_right_logical3A_53 : i32 to vector<16xi32>
    %shift_right_logical3A_55 = arith.shrui %iota3A, %shift_right_logical3A_54 : vector<16xi32>
    %add3A_56 = arith.constant 24 : i32
    %add3A_57 = vector.broadcast %add3A_56 : i32 to vector<16xi32>
    %add3A_58 = arith.addi %add3A_57, %shift_right_logical3A_55 : vector<16xi32>
    %shift_right_logical3A_59 = arith.constant 1 : i32
    %shift_right_logical3A_60 = vector.broadcast %shift_right_logical3A_59 : i32 to vector<16xi32>
    %shift_right_logical3A_61 = arith.shrui %iota3A, %shift_right_logical3A_60 : vector<16xi32>
    %add3A_62 = arith.constant 32 : i32
    %add3A_63 = vector.broadcast %add3A_62 : i32 to vector<16xi32>
    %add3A_64 = arith.addi %add3A_63, %shift_right_logical3A_61 : vector<16xi32>
    %shift_right_logical3A_65 = arith.constant 1 : i32
    %shift_right_logical3A_66 = vector.broadcast %shift_right_logical3A_65 : i32 to vector<16xi32>
    %shift_right_logical3A_67 = arith.shrui %iota3A, %shift_right_logical3A_66 : vector<16xi32>
    %add3A_68 = arith.constant 40 : i32
    %add3A_69 = vector.broadcast %add3A_68 : i32 to vector<16xi32>
    %add3A_70 = arith.addi %add3A_69, %shift_right_logical3A_67 : vector<16xi32>
    %shift_right_logical3A_71 = arith.constant 1 : i32
    %shift_right_logical3A_72 = vector.broadcast %shift_right_logical3A_71 : i32 to vector<16xi32>
    %shift_right_logical3A_73 = arith.shrui %iota3A, %shift_right_logical3A_72 : vector<16xi32>
    %add3A_74 = arith.constant 48 : i32
    %add3A_75 = vector.broadcast %add3A_74 : i32 to vector<16xi32>
    %add3A_76 = arith.addi %add3A_75, %shift_right_logical3A_73 : vector<16xi32>
    %shift_right_logical3A_77 = arith.constant 1 : i32
    %shift_right_logical3A_78 = vector.broadcast %shift_right_logical3A_77 : i32 to vector<16xi32>
    %shift_right_logical3A_79 = arith.shrui %iota3A, %shift_right_logical3A_78 : vector<16xi32>
    %add3A_80 = arith.constant 56 : i32
    %add3A_81 = vector.broadcast %add3A_80 : i32 to vector<16xi32>
    %add3A_82 = arith.addi %add3A_81, %shift_right_logical3A_79 : vector<16xi32>
    %and3A = arith.constant 1 : i32
    %and3A_83 = vector.broadcast %and3A : i32 to vector<16xi32>
    %and3A_84 = arith.andi %iota3A, %and3A_83 : vector<16xi32>
    %mul3A_85 = arith.constant 64 : i32
    %mul3A_86 = vector.broadcast %mul3A_85 : i32 to vector<16xi32>
    %mul3A_87 = arith.muli %and3A_84, %mul3A_86 : vector<16xi32>
    %add3A_88 = arith.constant 0 : i32
    %add3A_89 = arith.addi %add3A_6, %add3A_88 : i32
    %mul3A_90 = arith.constant 128 : i32
    %mul3A_91 = arith.muli %add3A_89, %mul3A_90 : i32
    %dma_start3A = arith.constant 0 : i32
    %dma_start3A_92 = arith.constant 0 : i32
    %dma_start3A_93 = arith.constant 0 : i32
    %dma_start3A_94 = tpu.memref_slice %arg5[%dma_start3A, %dma_start3A_92, %dma_start3A_93] : memref<2x64x128xf32, #tpu.memory_space<vmem>> -> memref<1x64x128xf32, #tpu.memory_space<vmem>>
    %dma_start3A_95 = tpu.memref_squeeze %dma_start3A_94 : memref<1x64x128xf32, #tpu.memory_space<vmem>> -> memref<64x128xf32, #tpu.memory_space<vmem>>
    %dma_start3A_96 = arith.constant 0 : i32
    %dma_start3A_97 = tpu.memref_slice %arg2[%dma_start3A_96, %mul3A_91] : memref<64x1000000xf32, #tpu.memory_space<hbm>> -> memref<64x128xf32, #tpu.memory_space<hbm>>
    %dma_start3A_98 = arith.constant 0 : i32
    %dma_start3A_99 = arith.constant 0 : i32
    %dma_start3A_100 = tpu.memref_slice %arg5[%dma_start3A, %dma_start3A_98, %dma_start3A_99] : memref<2x64x128xf32, #tpu.memory_space<vmem>> -> memref<1x64x128xf32, #tpu.memory_space<vmem>>
    %dma_start3A_101 = tpu.memref_squeeze %dma_start3A_100 : memref<1x64x128xf32, #tpu.memory_space<vmem>> -> memref<64x128xf32, #tpu.memory_space<vmem>>
    %dma_start3A_102 = arith.constant 0 : i32
    %dma_start3A_103 = tpu.memref_slice %arg2[%dma_start3A_102, %mul3A_91] : memref<64x1000000xf32, #tpu.memory_space<hbm>> -> memref<64x128xf32, #tpu.memory_space<hbm>>
    tpu.enqueue_dma source(%dma_start3A_103 : memref<64x128xf32, #tpu.memory_space<hbm>>) target(%dma_start3A_101 : memref<64x128xf32, #tpu.memory_space<vmem>>) target_semaphore(%arg7 : memref<!tpu.dma_semaphore, #tpu.memory_space<semaphore_mem>>)
    %add3A_104 = arith.constant 1 : i32
    %add3A_105 = arith.addi %add3A_6, %add3A_104 : i32
    %mul3A_106 = arith.constant 128 : i32
    %mul3A_107 = arith.muli %add3A_105, %mul3A_106 : i32
    %dma_start3A_108 = arith.constant 1 : i32
    %dma_start3A_109 = arith.constant 0 : i32
    %dma_start3A_110 = arith.constant 0 : i32
    %dma_start3A_111 = tpu.memref_slice %arg5[%dma_start3A_108, %dma_start3A_109, %dma_start3A_110] : memref<2x64x128xf32, #tpu.memory_space<vmem>> -> memref<1x64x128xf32, #tpu.memory_space<vmem>>
    %dma_start3A_112 = tpu.memref_squeeze %dma_start3A_111 : memref<1x64x128xf32, #tpu.memory_space<vmem>> -> memref<64x128xf32, #tpu.memory_space<vmem>>
    %dma_start3A_113 = arith.constant 0 : i32
    %dma_start3A_114 = tpu.memref_slice %arg2[%dma_start3A_113, %mul3A_107] : memref<64x1000000xf32, #tpu.memory_space<hbm>> -> memref<64x128xf32, #tpu.memory_space<hbm>>
    %dma_start3A_115 = arith.constant 0 : i32
    %dma_start3A_116 = arith.constant 0 : i32
    %dma_start3A_117 = tpu.memref_slice %arg5[%dma_start3A_108, %dma_start3A_115, %dma_start3A_116] : memref<2x64x128xf32, #tpu.memory_space<vmem>> -> memref<1x64x128xf32, #tpu.memory_space<vmem>>
    %dma_start3A_118 = tpu.memref_squeeze %dma_start3A_117 : memref<1x64x128xf32, #tpu.memory_space<vmem>> -> memref<64x128xf32, #tpu.memory_space<vmem>>
    %dma_start3A_119 = arith.constant 0 : i32
    %dma_start3A_120 = tpu.memref_slice %arg2[%dma_start3A_119, %mul3A_107] : memref<64x1000000xf32, #tpu.memory_space<hbm>> -> memref<64x128xf32, #tpu.memory_space<hbm>>
    tpu.enqueue_dma source(%dma_start3A_120 : memref<64x128xf32, #tpu.memory_space<hbm>>) target(%dma_start3A_118 : memref<64x128xf32, #tpu.memory_space<vmem>>) target_semaphore(%arg8 : memref<!tpu.dma_semaphore, #tpu.memory_space<semaphore_mem>>)
    %jit3A = arith.constant 2 : i32
    %div3A = arith.divsi %add3A_11, %jit3A : i32
    %sign3A = arith.constant 0 : i32
    %sign3A_121 = arith.cmpi sgt, %add3A_11, %sign3A : i32
    %sign3A_122 = arith.extui %sign3A_121 : i1 to i32
    %sign3A_123 = arith.constant 0 : i32
    %sign3A_124 = arith.cmpi slt, %add3A_11, %sign3A_123 : i32
    %sign3A_125 = arith.extui %sign3A_124 : i1 to i32
    %sign3A_126 = arith.subi %sign3A_122, %sign3A_125 : i32
    %sign3A_127 = arith.constant 0 : i32
    %sign3A_128 = arith.cmpi sgt, %jit3A, %sign3A_127 : i32
    %sign3A_129 = arith.extui %sign3A_128 : i1 to i32
    %sign3A_130 = arith.constant 0 : i32
    %sign3A_131 = arith.cmpi slt, %jit3A, %sign3A_130 : i32
    %sign3A_132 = arith.extui %sign3A_131 : i1 to i32
    %sign3A_133 = arith.subi %sign3A_129, %sign3A_132 : i32
    %ne3A = arith.cmpi ne, %sign3A_126, %sign3A_133 : i32
    %rem3A = arith.remsi %add3A_11, %jit3A : i32
    %ne3A_134 = arith.constant 0 : i32
    %ne3A_135 = arith.cmpi ne, %rem3A, %ne3A_134 : i32
    %and3A_136 = arith.andi %ne3A, %ne3A_135 : i1
    %sub3A = arith.constant 1 : i32
    %sub3A_137 = arith.subi %div3A, %sub3A : i32
    %select_n3A = arith.select %and3A_136, %sub3A_137, %div3A : i32
    %while3A = arith.constant 0 : i32
    %while3A_138 = arith.constant 0 : i32
    %while3A_139 = arith.subi %select_n3A, %while3A_138 : i32
    %while3A_140 = arith.addi %while3A_138, %while3A_139 : i32
    %while3A_141 = arith.constant 1 : i32
    %while3A_142 = arith.divsi %while3A_139, %while3A_141 : i32
    %while3A_143 = arith.muli %while3A_142, %while3A_141 : i32
    %while3A_144 = arith.addi %while3A_138, %while3A_143 : i32
    %while3A_145 = arith.constant 1 : i32
    scf.for %while3A_189 = %while3A_138 to %while3A_144 step %while3A_145  : i32 {
      %mul3A_190 = arith.constant 2 : i32
      %mul3A_191 = arith.muli %mul3A_190, %while3A_189 : i32
      %add3A_192 = arith.constant 0 : i32
      %add3A_193 = arith.addi %mul3A_191, %add3A_192 : i32
      %add3A_194 = arith.addi %add3A_6, %add3A_193 : i32
      %mul3A_195 = arith.constant 128 : i32
      %mul3A_196 = arith.muli %add3A_194, %mul3A_195 : i32
      %dma_wait3A_197 = arith.constant 0 : i32
      %dma_wait3A_198 = arith.constant 0 : i32
      %dma_wait3A_199 = arith.constant 0 : i32
      %dma_wait3A_200 = tpu.memref_slice %arg5[%dma_wait3A_197, %dma_wait3A_198, %dma_wait3A_199] : memref<2x64x128xf32, #tpu.memory_space<vmem>> -> memref<1x64x128xf32, #tpu.memory_space<vmem>>
      %dma_wait3A_201 = tpu.memref_squeeze %dma_wait3A_200 : memref<1x64x128xf32, #tpu.memory_space<vmem>> -> memref<64x128xf32, #tpu.memory_space<vmem>>
      %dma_wait3A_202 = arith.constant 0 : i32
      %dma_wait3A_203 = tpu.memref_slice %arg2[%dma_wait3A_202, %mul3A_196] : memref<64x1000000xf32, #tpu.memory_space<hbm>> -> memref<64x128xf32, #tpu.memory_space<hbm>>
      %dma_wait3A_204 = arith.constant 0 : i32
      %dma_wait3A_205 = arith.constant 0 : i32
      %dma_wait3A_206 = tpu.memref_slice %arg5[%dma_wait3A_197, %dma_wait3A_204, %dma_wait3A_205] : memref<2x64x128xf32, #tpu.memory_space<vmem>> -> memref<1x64x128xf32, #tpu.memory_space<vmem>>
      %dma_wait3A_207 = tpu.memref_squeeze %dma_wait3A_206 : memref<1x64x128xf32, #tpu.memory_space<vmem>> -> memref<64x128xf32, #tpu.memory_space<vmem>>
      %dma_wait3A_208 = arith.constant 0 : i32
      %dma_wait3A_209 = tpu.memref_slice %arg2[%dma_wait3A_208, %mul3A_196] : memref<64x1000000xf32, #tpu.memory_space<hbm>> -> memref<64x128xf32, #tpu.memory_space<hbm>>
      tpu.wait_dma2 semaphore(%arg7 : memref<!tpu.dma_semaphore, #tpu.memory_space<semaphore_mem>>) src(%dma_wait3A_209 : memref<64x128xf32, #tpu.memory_space<hbm>>) dst(%dma_wait3A_207 : memref<64x128xf32, #tpu.memory_space<vmem>>)
      %ge3A = arith.constant 1 : i32
      %ge3A_210 = arith.cmpi sge, %while3A_189, %ge3A : i32
      %convert_element_type3A_211 = arith.extui %ge3A_210 : i1 to i32
      %cond3A_212 = arith.constant 0 : i32
      %cond3A_213 = arith.cmpi ne, %convert_element_type3A_211, %cond3A_212 : i32
      scf.if %cond3A_213 {
        %sub3A_294 = arith.constant 2 : i32
        %sub3A_295 = arith.subi %add3A_193, %sub3A_294 : i32
        %add3A_296 = arith.addi %add3A_6, %sub3A_295 : i32
        %mul3A_297 = arith.constant 64 : i32
        %mul3A_298 = arith.muli %add3A_296, %mul3A_297 : i32
        %dma_wait3A_299 = arith.constant 0 : i32
        %dma_wait3A_300 = arith.constant 0 : i32
        %dma_wait3A_301 = arith.constant 0 : i32
        %dma_wait3A_302 = tpu.memref_slice %arg6[%dma_wait3A_299, %dma_wait3A_300, %dma_wait3A_301] : memref<2x64x128xf32, #tpu.memory_space<vmem>> -> memref<1x64x128xf32, #tpu.memory_space<vmem>>
        %dma_wait3A_303 = tpu.memref_squeeze %dma_wait3A_302 : memref<1x64x128xf32, #tpu.memory_space<vmem>> -> memref<64x128xf32, #tpu.memory_space<vmem>>
        %dma_wait3A_304 = arith.constant 0 : i32
        %dma_wait3A_305 = tpu.memref_slice %arg4[%mul3A_298, %dma_wait3A_304] : memref<500000x128xf32, #tpu.memory_space<hbm>> -> memref<64x128xf32, #tpu.memory_space<hbm>>
        %dma_wait3A_306 = arith.constant 0 : i32
        %dma_wait3A_307 = tpu.memref_slice %arg4[%mul3A_298, %dma_wait3A_306] : memref<500000x128xf32, #tpu.memory_space<hbm>> -> memref<64x128xf32, #tpu.memory_space<hbm>>
        %dma_wait3A_308 = arith.constant 0 : i32
        %dma_wait3A_309 = arith.constant 0 : i32
        %dma_wait3A_310 = tpu.memref_slice %arg6[%dma_wait3A_299, %dma_wait3A_308, %dma_wait3A_309] : memref<2x64x128xf32, #tpu.memory_space<vmem>> -> memref<1x64x128xf32, #tpu.memory_space<vmem>>
        %dma_wait3A_311 = tpu.memref_squeeze %dma_wait3A_310 : memref<1x64x128xf32, #tpu.memory_space<vmem>> -> memref<64x128xf32, #tpu.memory_space<vmem>>
        tpu.wait_dma2 semaphore(%arg9 : memref<!tpu.dma_semaphore, #tpu.memory_space<semaphore_mem>>) src(%dma_wait3A_311 : memref<64x128xf32, #tpu.memory_space<vmem>>) dst(%dma_wait3A_307 : memref<64x128xf32, #tpu.memory_space<hbm>>)
      } else {
      }
      %scan3A = arith.constant 0 : i32
      %scan3A_214 = arith.constant 0 : i32
      %scan3A_215 = arith.constant 32 : i32
      %scan3A_216 = arith.addi %scan3A_214, %scan3A_215 : i32
      %scan3A_217 = arith.constant 1 : i32
      scf.for %scan3A_294 = %scan3A_214 to %scan3A_216 step %scan3A_217  : i32 {
        %mul3A_295 = arith.constant 2 : i32
        %mul3A_296 = arith.muli %mul3A_295, %scan3A_294 : i32
        %add3A_297 = arith.constant 0 : i32
        %add3A_298 = arith.addi %mul3A_296, %add3A_297 : i32
        %add3A_299 = vector.broadcast %add3A_298 : i32 to vector<16xi32>
        %add3A_300 = arith.addi %iota3A, %add3A_299 : vector<16xi32>
        %and3A_301 = arith.constant 15 : i32
        %and3A_302 = vector.broadcast %and3A_301 : i32 to vector<16xi32>
        %and3A_303 = arith.andi %add3A_300, %and3A_302 : vector<16xi32>
        %and3A_304 = arith.constant 48 : i32
        %and3A_305 = arith.andi %add3A_298, %and3A_304 : i32
        %add3A_306 = vector.broadcast %and3A_305 : i32 to vector<16xi32>
        %add3A_307 = arith.addi %and3A_303, %add3A_306 : vector<16xi32>
        %add3A_308 = arith.addi %mul3A_87, %add3A_307 : vector<16xi32>
        %gather3A = arith.constant 0 : i32
        %gather3A_309 = arith.constant 0 : i32
        %gather3A_310 = arith.constant 0 : i32
        %gather3A_311 = tpu.memref_slice %arg5[%gather3A, %gather3A_309, %gather3A_310] : memref<2x64x128xf32, #tpu.memory_space<vmem>> -> memref<1x64x128xf32, #tpu.memory_space<vmem>>
        %gather3A_312 = tpu.memref_squeeze %gather3A_311 : memref<1x64x128xf32, #tpu.memory_space<vmem>> -> memref<64x128xf32, #tpu.memory_space<vmem>>
        %gather3A_313 = tpu.vector_load_idx %gather3A_312[%add3A_307, %add3A_14] : memref<64x128xf32, #tpu.memory_space<vmem>>[vector<16xi32>, vector<16xi32>], vector<16xf32>,
        %gather3A_314 = arith.constant 0 : i32
        %gather3A_315 = arith.constant 0 : i32
        %gather3A_316 = arith.constant 0 : i32
        %gather3A_317 = tpu.memref_slice %arg5[%gather3A_314, %gather3A_315, %gather3A_316] : memref<2x64x128xf32, #tpu.memory_space<vmem>> -> memref<1x64x128xf32, #tpu.memory_space<vmem>>
        %gather3A_318 = tpu.memref_squeeze %gather3A_317 : memref<1x64x128xf32, #tpu.memory_space<vmem>> -> memref<64x128xf32, #tpu.memory_space<vmem>>
        %gather3A_319 = tpu.vector_load_idx %gather3A_318[%add3A_307, %add3A_17] : memref<64x128xf32, #tpu.memory_space<vmem>>[vector<16xi32>, vector<16xi32>], vector<16xf32>,
        %gather3A_320 = arith.constant 0 : i32
        %gather3A_321 = arith.constant 0 : i32
        %gather3A_322 = arith.constant 0 : i32
        %gather3A_323 = tpu.memref_slice %arg5[%gather3A_320, %gather3A_321, %gather3A_322] : memref<2x64x128xf32, #tpu.memory_space<vmem>> -> memref<1x64x128xf32, #tpu.memory_space<vmem>>
        %gather3A_324 = tpu.memref_squeeze %gather3A_323 : memref<1x64x128xf32, #tpu.memory_space<vmem>> -> memref<64x128xf32, #tpu.memory_space<vmem>>
        %gather3A_325 = tpu.vector_load_idx %gather3A_324[%add3A_307, %add3A_20] : memref<64x128xf32, #tpu.memory_space<vmem>>[vector<16xi32>, vector<16xi32>], vector<16xf32>,
        %gather3A_326 = arith.constant 0 : i32
        %gather3A_327 = arith.constant 0 : i32
        %gather3A_328 = arith.constant 0 : i32
        %gather3A_329 = tpu.memref_slice %arg5[%gather3A_326, %gather3A_327, %gather3A_328] : memref<2x64x128xf32, #tpu.memory_space<vmem>> -> memref<1x64x128xf32, #tpu.memory_space<vmem>>
        %gather3A_330 = tpu.memref_squeeze %gather3A_329 : memref<1x64x128xf32, #tpu.memory_space<vmem>> -> memref<64x128xf32, #tpu.memory_space<vmem>>
        %gather3A_331 = tpu.vector_load_idx %gather3A_330[%add3A_307, %add3A_23] : memref<64x128xf32, #tpu.memory_space<vmem>>[vector<16xi32>, vector<16xi32>], vector<16xf32>,
        %gather3A_332 = arith.constant 0 : i32
        %gather3A_333 = arith.constant 0 : i32
        %gather3A_334 = arith.constant 0 : i32
        %gather3A_335 = tpu.memref_slice %arg5[%gather3A_332, %gather3A_333, %gather3A_334] : memref<2x64x128xf32, #tpu.memory_space<vmem>> -> memref<1x64x128xf32, #tpu.memory_space<vmem>>
        %gather3A_336 = tpu.memref_squeeze %gather3A_335 : memref<1x64x128xf32, #tpu.memory_space<vmem>> -> memref<64x128xf32, #tpu.memory_space<vmem>>
        %gather3A_337 = tpu.vector_load_idx %gather3A_336[%add3A_307, %add3A_26] : memref<64x128xf32, #tpu.memory_space<vmem>>[vector<16xi32>, vector<16xi32>], vector<16xf32>,
        %gather3A_338 = arith.constant 0 : i32
        %gather3A_339 = arith.constant 0 : i32
        %gather3A_340 = arith.constant 0 : i32
        %gather3A_341 = tpu.memref_slice %arg5[%gather3A_338, %gather3A_339, %gather3A_340] : memref<2x64x128xf32, #tpu.memory_space<vmem>> -> memref<1x64x128xf32, #tpu.memory_space<vmem>>
        %gather3A_342 = tpu.memref_squeeze %gather3A_341 : memref<1x64x128xf32, #tpu.memory_space<vmem>> -> memref<64x128xf32, #tpu.memory_space<vmem>>
        %gather3A_343 = tpu.vector_load_idx %gather3A_342[%add3A_307, %add3A_29] : memref<64x128xf32, #tpu.memory_space<vmem>>[vector<16xi32>, vector<16xi32>], vector<16xf32>,
        %gather3A_344 = arith.constant 0 : i32
        %gather3A_345 = arith.constant 0 : i32
        %gather3A_346 = arith.constant 0 : i32
        %gather3A_347 = tpu.memref_slice %arg5[%gather3A_344, %gather3A_345, %gather3A_346] : memref<2x64x128xf32, #tpu.memory_space<vmem>> -> memref<1x64x128xf32, #tpu.memory_space<vmem>>
        %gather3A_348 = tpu.memref_squeeze %gather3A_347 : memref<1x64x128xf32, #tpu.memory_space<vmem>> -> memref<64x128xf32, #tpu.memory_space<vmem>>
        %gather3A_349 = tpu.vector_load_idx %gather3A_348[%add3A_307, %add3A_32] : memref<64x128xf32, #tpu.memory_space<vmem>>[vector<16xi32>, vector<16xi32>], vector<16xf32>,
        %gather3A_350 = arith.constant 0 : i32
        %gather3A_351 = arith.constant 0 : i32
        %gather3A_352 = arith.constant 0 : i32
        %gather3A_353 = tpu.memref_slice %arg5[%gather3A_350, %gather3A_351, %gather3A_352] : memref<2x64x128xf32, #tpu.memory_space<vmem>> -> memref<1x64x128xf32, #tpu.memory_space<vmem>>
        %gather3A_354 = tpu.memref_squeeze %gather3A_353 : memref<1x64x128xf32, #tpu.memory_space<vmem>> -> memref<64x128xf32, #tpu.memory_space<vmem>>
        %gather3A_355 = tpu.vector_load_idx %gather3A_354[%add3A_307, %add3A_35] : memref<64x128xf32, #tpu.memory_space<vmem>>[vector<16xi32>, vector<16xi32>], vector<16xf32>,
        %scatter3A = arith.constant 0 : i32
        %scatter3A_356 = arith.constant 0 : i32
        %scatter3A_357 = arith.constant 0 : i32
        %scatter3A_358 = tpu.memref_slice %arg6[%scatter3A, %scatter3A_356, %scatter3A_357] : memref<2x64x128xf32, #tpu.memory_space<vmem>> -> memref<1x64x128xf32, #tpu.memory_space<vmem>>
        %scatter3A_359 = tpu.memref_squeeze %scatter3A_358 : memref<1x64x128xf32, #tpu.memory_space<vmem>> -> memref<64x128xf32, #tpu.memory_space<vmem>>
        tpu.vector_store_idx %scatter3A_359[%add3A_40, %add3A_308], %gather3A_313 : memref<64x128xf32, #tpu.memory_space<vmem>>[vector<16xi32>, vector<16xi32>], vector<16xf32>,
        %scatter3A_360 = arith.constant 0 : i32
        %scatter3A_361 = arith.constant 0 : i32
        %scatter3A_362 = arith.constant 0 : i32
        %scatter3A_363 = tpu.memref_slice %arg6[%scatter3A_360, %scatter3A_361, %scatter3A_362] : memref<2x64x128xf32, #tpu.memory_space<vmem>> -> memref<1x64x128xf32, #tpu.memory_space<vmem>>
        %scatter3A_364 = tpu.memref_squeeze %scatter3A_363 : memref<1x64x128xf32, #tpu.memory_space<vmem>> -> memref<64x128xf32, #tpu.memory_space<vmem>>
        tpu.vector_store_idx %scatter3A_364[%add3A_46, %add3A_308], %gather3A_319 : memref<64x128xf32, #tpu.memory_space<vmem>>[vector<16xi32>, vector<16xi32>], vector<16xf32>,
        %scatter3A_365 = arith.constant 0 : i32
        %scatter3A_366 = arith.constant 0 : i32
        %scatter3A_367 = arith.constant 0 : i32
        %scatter3A_368 = tpu.memref_slice %arg6[%scatter3A_365, %scatter3A_366, %scatter3A_367] : memref<2x64x128xf32, #tpu.memory_space<vmem>> -> memref<1x64x128xf32, #tpu.memory_space<vmem>>
        %scatter3A_369 = tpu.memref_squeeze %scatter3A_368 : memref<1x64x128xf32, #tpu.memory_space<vmem>> -> memref<64x128xf32, #tpu.memory_space<vmem>>
        tpu.vector_store_idx %scatter3A_369[%add3A_52, %add3A_308], %gather3A_325 : memref<64x128xf32, #tpu.memory_space<vmem>>[vector<16xi32>, vector<16xi32>], vector<16xf32>,
        %scatter3A_370 = arith.constant 0 : i32
        %scatter3A_371 = arith.constant 0 : i32
        %scatter3A_372 = arith.constant 0 : i32
        %scatter3A_373 = tpu.memref_slice %arg6[%scatter3A_370, %scatter3A_371, %scatter3A_372] : memref<2x64x128xf32, #tpu.memory_space<vmem>> -> memref<1x64x128xf32, #tpu.memory_space<vmem>>
        %scatter3A_374 = tpu.memref_squeeze %scatter3A_373 : memref<1x64x128xf32, #tpu.memory_space<vmem>> -> memref<64x128xf32, #tpu.memory_space<vmem>>
        tpu.vector_store_idx %scatter3A_374[%add3A_58, %add3A_308], %gather3A_331 : memref<64x128xf32, #tpu.memory_space<vmem>>[vector<16xi32>, vector<16xi32>], vector<16xf32>,
        %scatter3A_375 = arith.constant 0 : i32
        %scatter3A_376 = arith.constant 0 : i32
        %scatter3A_377 = arith.constant 0 : i32
        %scatter3A_378 = tpu.memref_slice %arg6[%scatter3A_375, %scatter3A_376, %scatter3A_377] : memref<2x64x128xf32, #tpu.memory_space<vmem>> -> memref<1x64x128xf32, #tpu.memory_space<vmem>>
        %scatter3A_379 = tpu.memref_squeeze %scatter3A_378 : memref<1x64x128xf32, #tpu.memory_space<vmem>> -> memref<64x128xf32, #tpu.memory_space<vmem>>
        tpu.vector_store_idx %scatter3A_379[%add3A_64, %add3A_308], %gather3A_337 : memref<64x128xf32, #tpu.memory_space<vmem>>[vector<16xi32>, vector<16xi32>], vector<16xf32>,
        %scatter3A_380 = arith.constant 0 : i32
        %scatter3A_381 = arith.constant 0 : i32
        %scatter3A_382 = arith.constant 0 : i32
        %scatter3A_383 = tpu.memref_slice %arg6[%scatter3A_380, %scatter3A_381, %scatter3A_382] : memref<2x64x128xf32, #tpu.memory_space<vmem>> -> memref<1x64x128xf32, #tpu.memory_space<vmem>>
        %scatter3A_384 = tpu.memref_squeeze %scatter3A_383 : memref<1x64x128xf32, #tpu.memory_space<vmem>> -> memref<64x128xf32, #tpu.memory_space<vmem>>
        tpu.vector_store_idx %scatter3A_384[%add3A_70, %add3A_308], %gather3A_343 : memref<64x128xf32, #tpu.memory_space<vmem>>[vector<16xi32>, vector<16xi32>], vector<16xf32>,
        %scatter3A_385 = arith.constant 0 : i32
        %scatter3A_386 = arith.constant 0 : i32
        %scatter3A_387 = arith.constant 0 : i32
        %scatter3A_388 = tpu.memref_slice %arg6[%scatter3A_385, %scatter3A_386, %scatter3A_387] : memref<2x64x128xf32, #tpu.memory_space<vmem>> -> memref<1x64x128xf32, #tpu.memory_space<vmem>>
        %scatter3A_389 = tpu.memref_squeeze %scatter3A_388 : memref<1x64x128xf32, #tpu.memory_space<vmem>> -> memref<64x128xf32, #tpu.memory_space<vmem>>
        tpu.vector_store_idx %scatter3A_389[%add3A_76, %add3A_308], %gather3A_349 : memref<64x128xf32, #tpu.memory_space<vmem>>[vector<16xi32>, vector<16xi32>], vector<16xf32>,
        %scatter3A_390 = arith.constant 0 : i32
        %scatter3A_391 = arith.constant 0 : i32
        %scatter3A_392 = arith.constant 0 : i32
        %scatter3A_393 = tpu.memref_slice %arg6[%scatter3A_390, %scatter3A_391, %scatter3A_392] : memref<2x64x128xf32, #tpu.memory_space<vmem>> -> memref<1x64x128xf32, #tpu.memory_space<vmem>>
        %scatter3A_394 = tpu.memref_squeeze %scatter3A_393 : memref<1x64x128xf32, #tpu.memory_space<vmem>> -> memref<64x128xf32, #tpu.memory_space<vmem>>
        tpu.vector_store_idx %scatter3A_394[%add3A_82, %add3A_308], %gather3A_355 : memref<64x128xf32, #tpu.memory_space<vmem>>[vector<16xi32>, vector<16xi32>], vector<16xf32>,
        %mul3A_395 = arith.constant 2 : i32
        %mul3A_396 = arith.muli %mul3A_395, %scan3A_294 : i32
        %add3A_397 = arith.constant 1 : i32
        %add3A_398 = arith.addi %mul3A_396, %add3A_397 : i32
        %add3A_399 = vector.broadcast %add3A_398 : i32 to vector<16xi32>
        %add3A_400 = arith.addi %iota3A, %add3A_399 : vector<16xi32>
        %and3A_401 = arith.constant 15 : i32
        %and3A_402 = vector.broadcast %and3A_401 : i32 to vector<16xi32>
        %and3A_403 = arith.andi %add3A_400, %and3A_402 : vector<16xi32>
        %and3A_404 = arith.constant 48 : i32
        %and3A_405 = arith.andi %add3A_398, %and3A_404 : i32
        %add3A_406 = vector.broadcast %and3A_405 : i32 to vector<16xi32>
        %add3A_407 = arith.addi %and3A_403, %add3A_406 : vector<16xi32>
        %add3A_408 = arith.addi %mul3A_87, %add3A_407 : vector<16xi32>
        %gather3A_409 = arith.constant 0 : i32
        %gather3A_410 = arith.constant 0 : i32
        %gather3A_411 = arith.constant 0 : i32
        %gather3A_412 = tpu.memref_slice %arg5[%gather3A_409, %gather3A_410, %gather3A_411] : memref<2x64x128xf32, #tpu.memory_space<vmem>> -> memref<1x64x128xf32, #tpu.memory_space<vmem>>
        %gather3A_413 = tpu.memref_squeeze %gather3A_412 : memref<1x64x128xf32, #tpu.memory_space<vmem>> -> memref<64x128xf32, #tpu.memory_space<vmem>>
        %gather3A_414 = tpu.vector_load_idx %gather3A_413[%add3A_407, %add3A_14] : memref<64x128xf32, #tpu.memory_space<vmem>>[vector<16xi32>, vector<16xi32>], vector<16xf32>,
        %gather3A_415 = arith.constant 0 : i32
        %gather3A_416 = arith.constant 0 : i32
        %gather3A_417 = arith.constant 0 : i32
        %gather3A_418 = tpu.memref_slice %arg5[%gather3A_415, %gather3A_416, %gather3A_417] : memref<2x64x128xf32, #tpu.memory_space<vmem>> -> memref<1x64x128xf32, #tpu.memory_space<vmem>>
        %gather3A_419 = tpu.memref_squeeze %gather3A_418 : memref<1x64x128xf32, #tpu.memory_space<vmem>> -> memref<64x128xf32, #tpu.memory_space<vmem>>
        %gather3A_420 = tpu.vector_load_idx %gather3A_419[%add3A_407, %add3A_17] : memref<64x128xf32, #tpu.memory_space<vmem>>[vector<16xi32>, vector<16xi32>], vector<16xf32>,
        %gather3A_421 = arith.constant 0 : i32
        %gather3A_422 = arith.constant 0 : i32
        %gather3A_423 = arith.constant 0 : i32
        %gather3A_424 = tpu.memref_slice %arg5[%gather3A_421, %gather3A_422, %gather3A_423] : memref<2x64x128xf32, #tpu.memory_space<vmem>> -> memref<1x64x128xf32, #tpu.memory_space<vmem>>
        %gather3A_425 = tpu.memref_squeeze %gather3A_424 : memref<1x64x128xf32, #tpu.memory_space<vmem>> -> memref<64x128xf32, #tpu.memory_space<vmem>>
        %gather3A_426 = tpu.vector_load_idx %gather3A_425[%add3A_407, %add3A_20] : memref<64x128xf32, #tpu.memory_space<vmem>>[vector<16xi32>, vector<16xi32>], vector<16xf32>,
        %gather3A_427 = arith.constant 0 : i32
        %gather3A_428 = arith.constant 0 : i32
        %gather3A_429 = arith.constant 0 : i32
        %gather3A_430 = tpu.memref_slice %arg5[%gather3A_427, %gather3A_428, %gather3A_429] : memref<2x64x128xf32, #tpu.memory_space<vmem>> -> memref<1x64x128xf32, #tpu.memory_space<vmem>>
        %gather3A_431 = tpu.memref_squeeze %gather3A_430 : memref<1x64x128xf32, #tpu.memory_space<vmem>> -> memref<64x128xf32, #tpu.memory_space<vmem>>
        %gather3A_432 = tpu.vector_load_idx %gather3A_431[%add3A_407, %add3A_23] : memref<64x128xf32, #tpu.memory_space<vmem>>[vector<16xi32>, vector<16xi32>], vector<16xf32>,
        %gather3A_433 = arith.constant 0 : i32
        %gather3A_434 = arith.constant 0 : i32
        %gather3A_435 = arith.constant 0 : i32
        %gather3A_436 = tpu.memref_slice %arg5[%gather3A_433, %gather3A_434, %gather3A_435] : memref<2x64x128xf32, #tpu.memory_space<vmem>> -> memref<1x64x128xf32, #tpu.memory_space<vmem>>
        %gather3A_437 = tpu.memref_squeeze %gather3A_436 : memref<1x64x128xf32, #tpu.memory_space<vmem>> -> memref<64x128xf32, #tpu.memory_space<vmem>>
        %gather3A_438 = tpu.vector_load_idx %gather3A_437[%add3A_407, %add3A_26] : memref<64x128xf32, #tpu.memory_space<vmem>>[vector<16xi32>, vector<16xi32>], vector<16xf32>,
        %gather3A_439 = arith.constant 0 : i32
        %gather3A_440 = arith.constant 0 : i32
        %gather3A_441 = arith.constant 0 : i32
        %gather3A_442 = tpu.memref_slice %arg5[%gather3A_439, %gather3A_440, %gather3A_441] : memref<2x64x128xf32, #tpu.memory_space<vmem>> -> memref<1x64x128xf32, #tpu.memory_space<vmem>>
        %gather3A_443 = tpu.memref_squeeze %gather3A_442 : memref<1x64x128xf32, #tpu.memory_space<vmem>> -> memref<64x128xf32, #tpu.memory_space<vmem>>
        %gather3A_444 = tpu.vector_load_idx %gather3A_443[%add3A_407, %add3A_29] : memref<64x128xf32, #tpu.memory_space<vmem>>[vector<16xi32>, vector<16xi32>], vector<16xf32>,
        %gather3A_445 = arith.constant 0 : i32
        %gather3A_446 = arith.constant 0 : i32
        %gather3A_447 = arith.constant 0 : i32
        %gather3A_448 = tpu.memref_slice %arg5[%gather3A_445, %gather3A_446, %gather3A_447] : memref<2x64x128xf32, #tpu.memory_space<vmem>> -> memref<1x64x128xf32, #tpu.memory_space<vmem>>
        %gather3A_449 = tpu.memref_squeeze %gather3A_448 : memref<1x64x128xf32, #tpu.memory_space<vmem>> -> memref<64x128xf32, #tpu.memory_space<vmem>>
        %gather3A_450 = tpu.vector_load_idx %gather3A_449[%add3A_407, %add3A_32] : memref<64x128xf32, #tpu.memory_space<vmem>>[vector<16xi32>, vector<16xi32>], vector<16xf32>,
        %gather3A_451 = arith.constant 0 : i32
        %gather3A_452 = arith.constant 0 : i32
        %gather3A_453 = arith.constant 0 : i32
        %gather3A_454 = tpu.memref_slice %arg5[%gather3A_451, %gather3A_452, %gather3A_453] : memref<2x64x128xf32, #tpu.memory_space<vmem>> -> memref<1x64x128xf32, #tpu.memory_space<vmem>>
        %gather3A_455 = tpu.memref_squeeze %gather3A_454 : memref<1x64x128xf32, #tpu.memory_space<vmem>> -> memref<64x128xf32, #tpu.memory_space<vmem>>
        %gather3A_456 = tpu.vector_load_idx %gather3A_455[%add3A_407, %add3A_35] : memref<64x128xf32, #tpu.memory_space<vmem>>[vector<16xi32>, vector<16xi32>], vector<16xf32>,
        %scatter3A_457 = arith.constant 0 : i32
        %scatter3A_458 = arith.constant 0 : i32
        %scatter3A_459 = arith.constant 0 : i32
        %scatter3A_460 = tpu.memref_slice %arg6[%scatter3A_457, %scatter3A_458, %scatter3A_459] : memref<2x64x128xf32, #tpu.memory_space<vmem>> -> memref<1x64x128xf32, #tpu.memory_space<vmem>>
        %scatter3A_461 = tpu.memref_squeeze %scatter3A_460 : memref<1x64x128xf32, #tpu.memory_space<vmem>> -> memref<64x128xf32, #tpu.memory_space<vmem>>
        tpu.vector_store_idx %scatter3A_461[%add3A_40, %add3A_408], %gather3A_414 : memref<64x128xf32, #tpu.memory_space<vmem>>[vector<16xi32>, vector<16xi32>], vector<16xf32>,
        %scatter3A_462 = arith.constant 0 : i32
        %scatter3A_463 = arith.constant 0 : i32
        %scatter3A_464 = arith.constant 0 : i32
        %scatter3A_465 = tpu.memref_slice %arg6[%scatter3A_462, %scatter3A_463, %scatter3A_464] : memref<2x64x128xf32, #tpu.memory_space<vmem>> -> memref<1x64x128xf32, #tpu.memory_space<vmem>>
        %scatter3A_466 = tpu.memref_squeeze %scatter3A_465 : memref<1x64x128xf32, #tpu.memory_space<vmem>> -> memref<64x128xf32, #tpu.memory_space<vmem>>
        tpu.vector_store_idx %scatter3A_466[%add3A_46, %add3A_408], %gather3A_420 : memref<64x128xf32, #tpu.memory_space<vmem>>[vector<16xi32>, vector<16xi32>], vector<16xf32>,
        %scatter3A_467 = arith.constant 0 : i32
        %scatter3A_468 = arith.constant 0 : i32
        %scatter3A_469 = arith.constant 0 : i32
        %scatter3A_470 = tpu.memref_slice %arg6[%scatter3A_467, %scatter3A_468, %scatter3A_469] : memref<2x64x128xf32, #tpu.memory_space<vmem>> -> memref<1x64x128xf32, #tpu.memory_space<vmem>>
        %scatter3A_471 = tpu.memref_squeeze %scatter3A_470 : memref<1x64x128xf32, #tpu.memory_space<vmem>> -> memref<64x128xf32, #tpu.memory_space<vmem>>
        tpu.vector_store_idx %scatter3A_471[%add3A_52, %add3A_408], %gather3A_426 : memref<64x128xf32, #tpu.memory_space<vmem>>[vector<16xi32>, vector<16xi32>], vector<16xf32>,
        %scatter3A_472 = arith.constant 0 : i32
        %scatter3A_473 = arith.constant 0 : i32
        %scatter3A_474 = arith.constant 0 : i32
        %scatter3A_475 = tpu.memref_slice %arg6[%scatter3A_472, %scatter3A_473, %scatter3A_474] : memref<2x64x128xf32, #tpu.memory_space<vmem>> -> memref<1x64x128xf32, #tpu.memory_space<vmem>>
        %scatter3A_476 = tpu.memref_squeeze %scatter3A_475 : memref<1x64x128xf32, #tpu.memory_space<vmem>> -> memref<64x128xf32, #tpu.memory_space<vmem>>
        tpu.vector_store_idx %scatter3A_476[%add3A_58, %add3A_408], %gather3A_432 : memref<64x128xf32, #tpu.memory_space<vmem>>[vector<16xi32>, vector<16xi32>], vector<16xf32>,
        %scatter3A_477 = arith.constant 0 : i32
        %scatter3A_478 = arith.constant 0 : i32
        %scatter3A_479 = arith.constant 0 : i32
        %scatter3A_480 = tpu.memref_slice %arg6[%scatter3A_477, %scatter3A_478, %scatter3A_479] : memref<2x64x128xf32, #tpu.memory_space<vmem>> -> memref<1x64x128xf32, #tpu.memory_space<vmem>>
        %scatter3A_481 = tpu.memref_squeeze %scatter3A_480 : memref<1x64x128xf32, #tpu.memory_space<vmem>> -> memref<64x128xf32, #tpu.memory_space<vmem>>
        tpu.vector_store_idx %scatter3A_481[%add3A_64, %add3A_408], %gather3A_438 : memref<64x128xf32, #tpu.memory_space<vmem>>[vector<16xi32>, vector<16xi32>], vector<16xf32>,
        %scatter3A_482 = arith.constant 0 : i32
        %scatter3A_483 = arith.constant 0 : i32
        %scatter3A_484 = arith.constant 0 : i32
        %scatter3A_485 = tpu.memref_slice %arg6[%scatter3A_482, %scatter3A_483, %scatter3A_484] : memref<2x64x128xf32, #tpu.memory_space<vmem>> -> memref<1x64x128xf32, #tpu.memory_space<vmem>>
        %scatter3A_486 = tpu.memref_squeeze %scatter3A_485 : memref<1x64x128xf32, #tpu.memory_space<vmem>> -> memref<64x128xf32, #tpu.memory_space<vmem>>
        tpu.vector_store_idx %scatter3A_486[%add3A_70, %add3A_408], %gather3A_444 : memref<64x128xf32, #tpu.memory_space<vmem>>[vector<16xi32>, vector<16xi32>], vector<16xf32>,
        %scatter3A_487 = arith.constant 0 : i32
        %scatter3A_488 = arith.constant 0 : i32
        %scatter3A_489 = arith.constant 0 : i32
        %scatter3A_490 = tpu.memref_slice %arg6[%scatter3A_487, %scatter3A_488, %scatter3A_489] : memref<2x64x128xf32, #tpu.memory_space<vmem>> -> memref<1x64x128xf32, #tpu.memory_space<vmem>>
        %scatter3A_491 = tpu.memref_squeeze %scatter3A_490 : memref<1x64x128xf32, #tpu.memory_space<vmem>> -> memref<64x128xf32, #tpu.memory_space<vmem>>
        tpu.vector_store_idx %scatter3A_491[%add3A_76, %add3A_408], %gather3A_450 : memref<64x128xf32, #tpu.memory_space<vmem>>[vector<16xi32>, vector<16xi32>], vector<16xf32>,
        %scatter3A_492 = arith.constant 0 : i32
        %scatter3A_493 = arith.constant 0 : i32
        %scatter3A_494 = arith.constant 0 : i32
        %scatter3A_495 = tpu.memref_slice %arg6[%scatter3A_492, %scatter3A_493, %scatter3A_494] : memref<2x64x128xf32, #tpu.memory_space<vmem>> -> memref<1x64x128xf32, #tpu.memory_space<vmem>>
        %scatter3A_496 = tpu.memref_squeeze %scatter3A_495 : memref<1x64x128xf32, #tpu.memory_space<vmem>> -> memref<64x128xf32, #tpu.memory_space<vmem>>
        tpu.vector_store_idx %scatter3A_496[%add3A_82, %add3A_408], %gather3A_456 : memref<64x128xf32, #tpu.memory_space<vmem>>[vector<16xi32>, vector<16xi32>], vector<16xf32>,
      }
      %scan3A_218 = arith.constant 32 : i32
      %add3A_219 = arith.addi %add3A_6, %add3A_193 : i32
      %mul3A_220 = arith.constant 64 : i32
      %mul3A_221 = arith.muli %add3A_219, %mul3A_220 : i32
      %dma_start3A_222 = arith.constant 0 : i32
      %dma_start3A_223 = arith.constant 0 : i32
      %dma_start3A_224 = arith.constant 0 : i32
      %dma_start3A_225 = tpu.memref_slice %arg6[%dma_start3A_222, %dma_start3A_223, %dma_start3A_224] : memref<2x64x128xf32, #tpu.memory_space<vmem>> -> memref<1x64x128xf32, #tpu.memory_space<vmem>>
      %dma_start3A_226 = tpu.memref_squeeze %dma_start3A_225 : memref<1x64x128xf32, #tpu.memory_space<vmem>> -> memref<64x128xf32, #tpu.memory_space<vmem>>
      %dma_start3A_227 = arith.constant 0 : i32
      %dma_start3A_228 = tpu.memref_slice %arg4[%mul3A_221, %dma_start3A_227] : memref<500000x128xf32, #tpu.memory_space<hbm>> -> memref<64x128xf32, #tpu.memory_space<hbm>>
      %dma_start3A_229 = arith.constant 0 : i32
      %dma_start3A_230 = tpu.memref_slice %arg4[%mul3A_221, %dma_start3A_229] : memref<500000x128xf32, #tpu.memory_space<hbm>> -> memref<64x128xf32, #tpu.memory_space<hbm>>
      %dma_start3A_231 = arith.constant 0 : i32
      %dma_start3A_232 = arith.constant 0 : i32
      %dma_start3A_233 = tpu.memref_slice %arg6[%dma_start3A_222, %dma_start3A_231, %dma_start3A_232] : memref<2x64x128xf32, #tpu.memory_space<vmem>> -> memref<1x64x128xf32, #tpu.memory_space<vmem>>
      %dma_start3A_234 = tpu.memref_squeeze %dma_start3A_233 : memref<1x64x128xf32, #tpu.memory_space<vmem>> -> memref<64x128xf32, #tpu.memory_space<vmem>>
      tpu.enqueue_dma source(%dma_start3A_234 : memref<64x128xf32, #tpu.memory_space<vmem>>) target(%dma_start3A_230 : memref<64x128xf32, #tpu.memory_space<hbm>>) target_semaphore(%arg9 : memref<!tpu.dma_semaphore, #tpu.memory_space<semaphore_mem>>)
      %add3A_235 = arith.constant 2 : i32
      %add3A_236 = arith.addi %add3A_193, %add3A_235 : i32
      %lt3A_237 = arith.cmpi slt, %add3A_236, %add3A_11 : i32
      %convert_element_type3A_238 = arith.extui %lt3A_237 : i1 to i32
      %cond3A_239 = arith.constant 0 : i32
      %cond3A_240 = arith.cmpi ne, %convert_element_type3A_238, %cond3A_239 : i32
      scf.if %cond3A_240 {
        %add3A_294 = arith.constant 2 : i32
        %add3A_295 = arith.addi %add3A_193, %add3A_294 : i32
        %add3A_296 = arith.addi %add3A_6, %add3A_295 : i32
        %mul3A_297 = arith.constant 128 : i32
        %mul3A_298 = arith.muli %add3A_296, %mul3A_297 : i32
        %dma_start3A_299 = arith.constant 0 : i32
        %dma_start3A_300 = arith.constant 0 : i32
        %dma_start3A_301 = arith.constant 0 : i32
        %dma_start3A_302 = tpu.memref_slice %arg5[%dma_start3A_299, %dma_start3A_300, %dma_start3A_301] : memref<2x64x128xf32, #tpu.memory_space<vmem>> -> memref<1x64x128xf32, #tpu.memory_space<vmem>>
        %dma_start3A_303 = tpu.memref_squeeze %dma_start3A_302 : memref<1x64x128xf32, #tpu.memory_space<vmem>> -> memref<64x128xf32, #tpu.memory_space<vmem>>
        %dma_start3A_304 = arith.constant 0 : i32
        %dma_start3A_305 = tpu.memref_slice %arg2[%dma_start3A_304, %mul3A_298] : memref<64x1000000xf32, #tpu.memory_space<hbm>> -> memref<64x128xf32, #tpu.memory_space<hbm>>
        %dma_start3A_306 = arith.constant 0 : i32
        %dma_start3A_307 = arith.constant 0 : i32
        %dma_start3A_308 = tpu.memref_slice %arg5[%dma_start3A_299, %dma_start3A_306, %dma_start3A_307] : memref<2x64x128xf32, #tpu.memory_space<vmem>> -> memref<1x64x128xf32, #tpu.memory_space<vmem>>
        %dma_start3A_309 = tpu.memref_squeeze %dma_start3A_308 : memref<1x64x128xf32, #tpu.memory_space<vmem>> -> memref<64x128xf32, #tpu.memory_space<vmem>>
        %dma_start3A_310 = arith.constant 0 : i32
        %dma_start3A_311 = tpu.memref_slice %arg2[%dma_start3A_310, %mul3A_298] : memref<64x1000000xf32, #tpu.memory_space<hbm>> -> memref<64x128xf32, #tpu.memory_space<hbm>>
        tpu.enqueue_dma source(%dma_start3A_311 : memref<64x128xf32, #tpu.memory_space<hbm>>) target(%dma_start3A_309 : memref<64x128xf32, #tpu.memory_space<vmem>>) target_semaphore(%arg7 : memref<!tpu.dma_semaphore, #tpu.memory_space<semaphore_mem>>)
      } else {
      }
      %mul3A_241 = arith.constant 2 : i32
      %mul3A_242 = arith.muli %mul3A_241, %while3A_189 : i32
      %add3A_243 = arith.constant 1 : i32
      %add3A_244 = arith.addi %mul3A_242, %add3A_243 : i32
      %add3A_245 = arith.addi %add3A_6, %add3A_244 : i32
      %mul3A_246 = arith.constant 128 : i32
      %mul3A_247 = arith.muli %add3A_245, %mul3A_246 : i32
      %dma_wait3A_248 = arith.constant 1 : i32
      %dma_wait3A_249 = arith.constant 0 : i32
      %dma_wait3A_250 = arith.constant 0 : i32
      %dma_wait3A_251 = tpu.memref_slice %arg5[%dma_wait3A_248, %dma_wait3A_249, %dma_wait3A_250] : memref<2x64x128xf32, #tpu.memory_space<vmem>> -> memref<1x64x128xf32, #tpu.memory_space<vmem>>
      %dma_wait3A_252 = tpu.memref_squeeze %dma_wait3A_251 : memref<1x64x128xf32, #tpu.memory_space<vmem>> -> memref<64x128xf32, #tpu.memory_space<vmem>>
      %dma_wait3A_253 = arith.constant 0 : i32
      %dma_wait3A_254 = tpu.memref_slice %arg2[%dma_wait3A_253, %mul3A_247] : memref<64x1000000xf32, #tpu.memory_space<hbm>> -> memref<64x128xf32, #tpu.memory_space<hbm>>
      %dma_wait3A_255 = arith.constant 0 : i32
      %dma_wait3A_256 = arith.constant 0 : i32
      %dma_wait3A_257 = tpu.memref_slice %arg5[%dma_wait3A_248, %dma_wait3A_255, %dma_wait3A_256] : memref<2x64x128xf32, #tpu.memory_space<vmem>> -> memref<1x64x128xf32, #tpu.memory_space<vmem>>
      %dma_wait3A_258 = tpu.memref_squeeze %dma_wait3A_257 : memref<1x64x128xf32, #tpu.memory_space<vmem>> -> memref<64x128xf32, #tpu.memory_space<vmem>>
      %dma_wait3A_259 = arith.constant 0 : i32
      %dma_wait3A_260 = tpu.memref_slice %arg2[%dma_wait3A_259, %mul3A_247] : memref<64x1000000xf32, #tpu.memory_space<hbm>> -> memref<64x128xf32, #tpu.memory_space<hbm>>
      tpu.wait_dma2 semaphore(%arg8 : memref<!tpu.dma_semaphore, #tpu.memory_space<semaphore_mem>>) src(%dma_wait3A_260 : memref<64x128xf32, #tpu.memory_space<hbm>>) dst(%dma_wait3A_258 : memref<64x128xf32, #tpu.memory_space<vmem>>)
      %ge3A_261 = arith.constant 1 : i32
      %ge3A_262 = arith.cmpi sge, %while3A_189, %ge3A_261 : i32
      %convert_element_type3A_263 = arith.extui %ge3A_262 : i1 to i32
      %cond3A_264 = arith.constant 0 : i32
      %cond3A_265 = arith.cmpi ne, %convert_element_type3A_263, %cond3A_264 : i32
      scf.if %cond3A_265 {
        %sub3A_294 = arith.constant 2 : i32
        %sub3A_295 = arith.subi %add3A_244, %sub3A_294 : i32
        %add3A_296 = arith.addi %add3A_6, %sub3A_295 : i32
        %mul3A_297 = arith.constant 64 : i32
        %mul3A_298 = arith.muli %add3A_296, %mul3A_297 : i32
        %dma_wait3A_299 = arith.constant 1 : i32
        %dma_wait3A_300 = arith.constant 0 : i32
        %dma_wait3A_301 = arith.constant 0 : i32
        %dma_wait3A_302 = tpu.memref_slice %arg6[%dma_wait3A_299, %dma_wait3A_300, %dma_wait3A_301] : memref<2x64x128xf32, #tpu.memory_space<vmem>> -> memref<1x64x128xf32, #tpu.memory_space<vmem>>
        %dma_wait3A_303 = tpu.memref_squeeze %dma_wait3A_302 : memref<1x64x128xf32, #tpu.memory_space<vmem>> -> memref<64x128xf32, #tpu.memory_space<vmem>>
        %dma_wait3A_304 = arith.constant 0 : i32
        %dma_wait3A_305 = tpu.memref_slice %arg4[%mul3A_298, %dma_wait3A_304] : memref<500000x128xf32, #tpu.memory_space<hbm>> -> memref<64x128xf32, #tpu.memory_space<hbm>>
        %dma_wait3A_306 = arith.constant 0 : i32
        %dma_wait3A_307 = tpu.memref_slice %arg4[%mul3A_298, %dma_wait3A_306] : memref<500000x128xf32, #tpu.memory_space<hbm>> -> memref<64x128xf32, #tpu.memory_space<hbm>>
        %dma_wait3A_308 = arith.constant 0 : i32
        %dma_wait3A_309 = arith.constant 0 : i32
        %dma_wait3A_310 = tpu.memref_slice %arg6[%dma_wait3A_299, %dma_wait3A_308, %dma_wait3A_309] : memref<2x64x128xf32, #tpu.memory_space<vmem>> -> memref<1x64x128xf32, #tpu.memory_space<vmem>>
        %dma_wait3A_311 = tpu.memref_squeeze %dma_wait3A_310 : memref<1x64x128xf32, #tpu.memory_space<vmem>> -> memref<64x128xf32, #tpu.memory_space<vmem>>
        tpu.wait_dma2 semaphore(%arg10 : memref<!tpu.dma_semaphore, #tpu.memory_space<semaphore_mem>>) src(%dma_wait3A_311 : memref<64x128xf32, #tpu.memory_space<vmem>>) dst(%dma_wait3A_307 : memref<64x128xf32, #tpu.memory_space<hbm>>)
      } else {
      }
      %scan3A_266 = arith.constant 0 : i32
      %scan3A_267 = arith.constant 0 : i32
      %scan3A_268 = arith.constant 32 : i32
      %scan3A_269 = arith.addi %scan3A_267, %scan3A_268 : i32
      %scan3A_270 = arith.constant 1 : i32
      scf.for %scan3A_294 = %scan3A_267 to %scan3A_269 step %scan3A_270  : i32 {
        %mul3A_295 = arith.constant 2 : i32
        %mul3A_296 = arith.muli %mul3A_295, %scan3A_294 : i32
        %add3A_297 = arith.constant 0 : i32
        %add3A_298 = arith.addi %mul3A_296, %add3A_297 : i32
        %add3A_299 = vector.broadcast %add3A_298 : i32 to vector<16xi32>
        %add3A_300 = arith.addi %iota3A, %add3A_299 : vector<16xi32>
        %and3A_301 = arith.constant 15 : i32
        %and3A_302 = vector.broadcast %and3A_301 : i32 to vector<16xi32>
        %and3A_303 = arith.andi %add3A_300, %and3A_302 : vector<16xi32>
        %and3A_304 = arith.constant 48 : i32
        %and3A_305 = arith.andi %add3A_298, %and3A_304 : i32
        %add3A_306 = vector.broadcast %and3A_305 : i32 to vector<16xi32>
        %add3A_307 = arith.addi %and3A_303, %add3A_306 : vector<16xi32>
        %add3A_308 = arith.addi %mul3A_87, %add3A_307 : vector<16xi32>
        %gather3A = arith.constant 1 : i32
        %gather3A_309 = arith.constant 0 : i32
        %gather3A_310 = arith.constant 0 : i32
        %gather3A_311 = tpu.memref_slice %arg5[%gather3A, %gather3A_309, %gather3A_310] : memref<2x64x128xf32, #tpu.memory_space<vmem>> -> memref<1x64x128xf32, #tpu.memory_space<vmem>>
        %gather3A_312 = tpu.memref_squeeze %gather3A_311 : memref<1x64x128xf32, #tpu.memory_space<vmem>> -> memref<64x128xf32, #tpu.memory_space<vmem>>
        %gather3A_313 = tpu.vector_load_idx %gather3A_312[%add3A_307, %add3A_14] : memref<64x128xf32, #tpu.memory_space<vmem>>[vector<16xi32>, vector<16xi32>], vector<16xf32>,
        %gather3A_314 = arith.constant 1 : i32
        %gather3A_315 = arith.constant 0 : i32
        %gather3A_316 = arith.constant 0 : i32
        %gather3A_317 = tpu.memref_slice %arg5[%gather3A_314, %gather3A_315, %gather3A_316] : memref<2x64x128xf32, #tpu.memory_space<vmem>> -> memref<1x64x128xf32, #tpu.memory_space<vmem>>
        %gather3A_318 = tpu.memref_squeeze %gather3A_317 : memref<1x64x128xf32, #tpu.memory_space<vmem>> -> memref<64x128xf32, #tpu.memory_space<vmem>>
        %gather3A_319 = tpu.vector_load_idx %gather3A_318[%add3A_307, %add3A_17] : memref<64x128xf32, #tpu.memory_space<vmem>>[vector<16xi32>, vector<16xi32>], vector<16xf32>,
        %gather3A_320 = arith.constant 1 : i32
        %gather3A_321 = arith.constant 0 : i32
        %gather3A_322 = arith.constant 0 : i32
        %gather3A_323 = tpu.memref_slice %arg5[%gather3A_320, %gather3A_321, %gather3A_322] : memref<2x64x128xf32, #tpu.memory_space<vmem>> -> memref<1x64x128xf32, #tpu.memory_space<vmem>>
        %gather3A_324 = tpu.memref_squeeze %gather3A_323 : memref<1x64x128xf32, #tpu.memory_space<vmem>> -> memref<64x128xf32, #tpu.memory_space<vmem>>
        %gather3A_325 = tpu.vector_load_idx %gather3A_324[%add3A_307, %add3A_20] : memref<64x128xf32, #tpu.memory_space<vmem>>[vector<16xi32>, vector<16xi32>], vector<16xf32>,
        %gather3A_326 = arith.constant 1 : i32
        %gather3A_327 = arith.constant 0 : i32
        %gather3A_328 = arith.constant 0 : i32
        %gather3A_329 = tpu.memref_slice %arg5[%gather3A_326, %gather3A_327, %gather3A_328] : memref<2x64x128xf32, #tpu.memory_space<vmem>> -> memref<1x64x128xf32, #tpu.memory_space<vmem>>
        %gather3A_330 = tpu.memref_squeeze %gather3A_329 : memref<1x64x128xf32, #tpu.memory_space<vmem>> -> memref<64x128xf32, #tpu.memory_space<vmem>>
        %gather3A_331 = tpu.vector_load_idx %gather3A_330[%add3A_307, %add3A_23] : memref<64x128xf32, #tpu.memory_space<vmem>>[vector<16xi32>, vector<16xi32>], vector<16xf32>,
        %gather3A_332 = arith.constant 1 : i32
        %gather3A_333 = arith.constant 0 : i32
        %gather3A_334 = arith.constant 0 : i32
        %gather3A_335 = tpu.memref_slice %arg5[%gather3A_332, %gather3A_333, %gather3A_334] : memref<2x64x128xf32, #tpu.memory_space<vmem>> -> memref<1x64x128xf32, #tpu.memory_space<vmem>>
        %gather3A_336 = tpu.memref_squeeze %gather3A_335 : memref<1x64x128xf32, #tpu.memory_space<vmem>> -> memref<64x128xf32, #tpu.memory_space<vmem>>
        %gather3A_337 = tpu.vector_load_idx %gather3A_336[%add3A_307, %add3A_26] : memref<64x128xf32, #tpu.memory_space<vmem>>[vector<16xi32>, vector<16xi32>], vector<16xf32>,
        %gather3A_338 = arith.constant 1 : i32
        %gather3A_339 = arith.constant 0 : i32
        %gather3A_340 = arith.constant 0 : i32
        %gather3A_341 = tpu.memref_slice %arg5[%gather3A_338, %gather3A_339, %gather3A_340] : memref<2x64x128xf32, #tpu.memory_space<vmem>> -> memref<1x64x128xf32, #tpu.memory_space<vmem>>
        %gather3A_342 = tpu.memref_squeeze %gather3A_341 : memref<1x64x128xf32, #tpu.memory_space<vmem>> -> memref<64x128xf32, #tpu.memory_space<vmem>>
        %gather3A_343 = tpu.vector_load_idx %gather3A_342[%add3A_307, %add3A_29] : memref<64x128xf32, #tpu.memory_space<vmem>>[vector<16xi32>, vector<16xi32>], vector<16xf32>,
        %gather3A_344 = arith.constant 1 : i32
        %gather3A_345 = arith.constant 0 : i32
        %gather3A_346 = arith.constant 0 : i32
        %gather3A_347 = tpu.memref_slice %arg5[%gather3A_344, %gather3A_345, %gather3A_346] : memref<2x64x128xf32, #tpu.memory_space<vmem>> -> memref<1x64x128xf32, #tpu.memory_space<vmem>>
        %gather3A_348 = tpu.memref_squeeze %gather3A_347 : memref<1x64x128xf32, #tpu.memory_space<vmem>> -> memref<64x128xf32, #tpu.memory_space<vmem>>
        %gather3A_349 = tpu.vector_load_idx %gather3A_348[%add3A_307, %add3A_32] : memref<64x128xf32, #tpu.memory_space<vmem>>[vector<16xi32>, vector<16xi32>], vector<16xf32>,
        %gather3A_350 = arith.constant 1 : i32
        %gather3A_351 = arith.constant 0 : i32
        %gather3A_352 = arith.constant 0 : i32
        %gather3A_353 = tpu.memref_slice %arg5[%gather3A_350, %gather3A_351, %gather3A_352] : memref<2x64x128xf32, #tpu.memory_space<vmem>> -> memref<1x64x128xf32, #tpu.memory_space<vmem>>
        %gather3A_354 = tpu.memref_squeeze %gather3A_353 : memref<1x64x128xf32, #tpu.memory_space<vmem>> -> memref<64x128xf32, #tpu.memory_space<vmem>>
        %gather3A_355 = tpu.vector_load_idx %gather3A_354[%add3A_307, %add3A_35] : memref<64x128xf32, #tpu.memory_space<vmem>>[vector<16xi32>, vector<16xi32>], vector<16xf32>,
        %scatter3A = arith.constant 1 : i32
        %scatter3A_356 = arith.constant 0 : i32
        %scatter3A_357 = arith.constant 0 : i32
        %scatter3A_358 = tpu.memref_slice %arg6[%scatter3A, %scatter3A_356, %scatter3A_357] : memref<2x64x128xf32, #tpu.memory_space<vmem>> -> memref<1x64x128xf32, #tpu.memory_space<vmem>>
        %scatter3A_359 = tpu.memref_squeeze %scatter3A_358 : memref<1x64x128xf32, #tpu.memory_space<vmem>> -> memref<64x128xf32, #tpu.memory_space<vmem>>
        tpu.vector_store_idx %scatter3A_359[%add3A_40, %add3A_308], %gather3A_313 : memref<64x128xf32, #tpu.memory_space<vmem>>[vector<16xi32>, vector<16xi32>], vector<16xf32>,
        %scatter3A_360 = arith.constant 1 : i32
        %scatter3A_361 = arith.constant 0 : i32
        %scatter3A_362 = arith.constant 0 : i32
        %scatter3A_363 = tpu.memref_slice %arg6[%scatter3A_360, %scatter3A_361, %scatter3A_362] : memref<2x64x128xf32, #tpu.memory_space<vmem>> -> memref<1x64x128xf32, #tpu.memory_space<vmem>>
        %scatter3A_364 = tpu.memref_squeeze %scatter3A_363 : memref<1x64x128xf32, #tpu.memory_space<vmem>> -> memref<64x128xf32, #tpu.memory_space<vmem>>
        tpu.vector_store_idx %scatter3A_364[%add3A_46, %add3A_308], %gather3A_319 : memref<64x128xf32, #tpu.memory_space<vmem>>[vector<16xi32>, vector<16xi32>], vector<16xf32>,
        %scatter3A_365 = arith.constant 1 : i32
        %scatter3A_366 = arith.constant 0 : i32
        %scatter3A_367 = arith.constant 0 : i32
        %scatter3A_368 = tpu.memref_slice %arg6[%scatter3A_365, %scatter3A_366, %scatter3A_367] : memref<2x64x128xf32, #tpu.memory_space<vmem>> -> memref<1x64x128xf32, #tpu.memory_space<vmem>>
        %scatter3A_369 = tpu.memref_squeeze %scatter3A_368 : memref<1x64x128xf32, #tpu.memory_space<vmem>> -> memref<64x128xf32, #tpu.memory_space<vmem>>
        tpu.vector_store_idx %scatter3A_369[%add3A_52, %add3A_308], %gather3A_325 : memref<64x128xf32, #tpu.memory_space<vmem>>[vector<16xi32>, vector<16xi32>], vector<16xf32>,
        %scatter3A_370 = arith.constant 1 : i32
        %scatter3A_371 = arith.constant 0 : i32
        %scatter3A_372 = arith.constant 0 : i32
        %scatter3A_373 = tpu.memref_slice %arg6[%scatter3A_370, %scatter3A_371, %scatter3A_372] : memref<2x64x128xf32, #tpu.memory_space<vmem>> -> memref<1x64x128xf32, #tpu.memory_space<vmem>>
        %scatter3A_374 = tpu.memref_squeeze %scatter3A_373 : memref<1x64x128xf32, #tpu.memory_space<vmem>> -> memref<64x128xf32, #tpu.memory_space<vmem>>
        tpu.vector_store_idx %scatter3A_374[%add3A_58, %add3A_308], %gather3A_331 : memref<64x128xf32, #tpu.memory_space<vmem>>[vector<16xi32>, vector<16xi32>], vector<16xf32>,
        %scatter3A_375 = arith.constant 1 : i32
        %scatter3A_376 = arith.constant 0 : i32
        %scatter3A_377 = arith.constant 0 : i32
        %scatter3A_378 = tpu.memref_slice %arg6[%scatter3A_375, %scatter3A_376, %scatter3A_377] : memref<2x64x128xf32, #tpu.memory_space<vmem>> -> memref<1x64x128xf32, #tpu.memory_space<vmem>>
        %scatter3A_379 = tpu.memref_squeeze %scatter3A_378 : memref<1x64x128xf32, #tpu.memory_space<vmem>> -> memref<64x128xf32, #tpu.memory_space<vmem>>
        tpu.vector_store_idx %scatter3A_379[%add3A_64, %add3A_308], %gather3A_337 : memref<64x128xf32, #tpu.memory_space<vmem>>[vector<16xi32>, vector<16xi32>], vector<16xf32>,
        %scatter3A_380 = arith.constant 1 : i32
        %scatter3A_381 = arith.constant 0 : i32
        %scatter3A_382 = arith.constant 0 : i32
        %scatter3A_383 = tpu.memref_slice %arg6[%scatter3A_380, %scatter3A_381, %scatter3A_382] : memref<2x64x128xf32, #tpu.memory_space<vmem>> -> memref<1x64x128xf32, #tpu.memory_space<vmem>>
        %scatter3A_384 = tpu.memref_squeeze %scatter3A_383 : memref<1x64x128xf32, #tpu.memory_space<vmem>> -> memref<64x128xf32, #tpu.memory_space<vmem>>
        tpu.vector_store_idx %scatter3A_384[%add3A_70, %add3A_308], %gather3A_343 : memref<64x128xf32, #tpu.memory_space<vmem>>[vector<16xi32>, vector<16xi32>], vector<16xf32>,
        %scatter3A_385 = arith.constant 1 : i32
        %scatter3A_386 = arith.constant 0 : i32
        %scatter3A_387 = arith.constant 0 : i32
        %scatter3A_388 = tpu.memref_slice %arg6[%scatter3A_385, %scatter3A_386, %scatter3A_387] : memref<2x64x128xf32, #tpu.memory_space<vmem>> -> memref<1x64x128xf32, #tpu.memory_space<vmem>>
        %scatter3A_389 = tpu.memref_squeeze %scatter3A_388 : memref<1x64x128xf32, #tpu.memory_space<vmem>> -> memref<64x128xf32, #tpu.memory_space<vmem>>
        tpu.vector_store_idx %scatter3A_389[%add3A_76, %add3A_308], %gather3A_349 : memref<64x128xf32, #tpu.memory_space<vmem>>[vector<16xi32>, vector<16xi32>], vector<16xf32>,
        %scatter3A_390 = arith.constant 1 : i32
        %scatter3A_391 = arith.constant 0 : i32
        %scatter3A_392 = arith.constant 0 : i32
        %scatter3A_393 = tpu.memref_slice %arg6[%scatter3A_390, %scatter3A_391, %scatter3A_392] : memref<2x64x128xf32, #tpu.memory_space<vmem>> -> memref<1x64x128xf32, #tpu.memory_space<vmem>>
        %scatter3A_394 = tpu.memref_squeeze %scatter3A_393 : memref<1x64x128xf32, #tpu.memory_space<vmem>> -> memref<64x128xf32, #tpu.memory_space<vmem>>
        tpu.vector_store_idx %scatter3A_394[%add3A_82, %add3A_308], %gather3A_355 : memref<64x128xf32, #tpu.memory_space<vmem>>[vector<16xi32>, vector<16xi32>], vector<16xf32>,
        %mul3A_395 = arith.constant 2 : i32
        %mul3A_396 = arith.muli %mul3A_395, %scan3A_294 : i32
        %add3A_397 = arith.constant 1 : i32
        %add3A_398 = arith.addi %mul3A_396, %add3A_397 : i32
        %add3A_399 = vector.broadcast %add3A_398 : i32 to vector<16xi32>
        %add3A_400 = arith.addi %iota3A, %add3A_399 : vector<16xi32>
        %and3A_401 = arith.constant 15 : i32
        %and3A_402 = vector.broadcast %and3A_401 : i32 to vector<16xi32>
        %and3A_403 = arith.andi %add3A_400, %and3A_402 : vector<16xi32>
        %and3A_404 = arith.constant 48 : i32
        %and3A_405 = arith.andi %add3A_398, %and3A_404 : i32
        %add3A_406 = vector.broadcast %and3A_405 : i32 to vector<16xi32>
        %add3A_407 = arith.addi %and3A_403, %add3A_406 : vector<16xi32>
        %add3A_408 = arith.addi %mul3A_87, %add3A_407 : vector<16xi32>
        %gather3A_409 = arith.constant 1 : i32
        %gather3A_410 = arith.constant 0 : i32
        %gather3A_411 = arith.constant 0 : i32
        %gather3A_412 = tpu.memref_slice %arg5[%gather3A_409, %gather3A_410, %gather3A_411] : memref<2x64x128xf32, #tpu.memory_space<vmem>> -> memref<1x64x128xf32, #tpu.memory_space<vmem>>
        %gather3A_413 = tpu.memref_squeeze %gather3A_412 : memref<1x64x128xf32, #tpu.memory_space<vmem>> -> memref<64x128xf32, #tpu.memory_space<vmem>>
        %gather3A_414 = tpu.vector_load_idx %gather3A_413[%add3A_407, %add3A_14] : memref<64x128xf32, #tpu.memory_space<vmem>>[vector<16xi32>, vector<16xi32>], vector<16xf32>,
        %gather3A_415 = arith.constant 1 : i32
        %gather3A_416 = arith.constant 0 : i32
        %gather3A_417 = arith.constant 0 : i32
        %gather3A_418 = tpu.memref_slice %arg5[%gather3A_415, %gather3A_416, %gather3A_417] : memref<2x64x128xf32, #tpu.memory_space<vmem>> -> memref<1x64x128xf32, #tpu.memory_space<vmem>>
        %gather3A_419 = tpu.memref_squeeze %gather3A_418 : memref<1x64x128xf32, #tpu.memory_space<vmem>> -> memref<64x128xf32, #tpu.memory_space<vmem>>
        %gather3A_420 = tpu.vector_load_idx %gather3A_419[%add3A_407, %add3A_17] : memref<64x128xf32, #tpu.memory_space<vmem>>[vector<16xi32>, vector<16xi32>], vector<16xf32>,
        %gather3A_421 = arith.constant 1 : i32
        %gather3A_422 = arith.constant 0 : i32
        %gather3A_423 = arith.constant 0 : i32
        %gather3A_424 = tpu.memref_slice %arg5[%gather3A_421, %gather3A_422, %gather3A_423] : memref<2x64x128xf32, #tpu.memory_space<vmem>> -> memref<1x64x128xf32, #tpu.memory_space<vmem>>
        %gather3A_425 = tpu.memref_squeeze %gather3A_424 : memref<1x64x128xf32, #tpu.memory_space<vmem>> -> memref<64x128xf32, #tpu.memory_space<vmem>>
        %gather3A_426 = tpu.vector_load_idx %gather3A_425[%add3A_407, %add3A_20] : memref<64x128xf32, #tpu.memory_space<vmem>>[vector<16xi32>, vector<16xi32>], vector<16xf32>,
        %gather3A_427 = arith.constant 1 : i32
        %gather3A_428 = arith.constant 0 : i32
        %gather3A_429 = arith.constant 0 : i32
        %gather3A_430 = tpu.memref_slice %arg5[%gather3A_427, %gather3A_428, %gather3A_429] : memref<2x64x128xf32, #tpu.memory_space<vmem>> -> memref<1x64x128xf32, #tpu.memory_space<vmem>>
        %gather3A_431 = tpu.memref_squeeze %gather3A_430 : memref<1x64x128xf32, #tpu.memory_space<vmem>> -> memref<64x128xf32, #tpu.memory_space<vmem>>
        %gather3A_432 = tpu.vector_load_idx %gather3A_431[%add3A_407, %add3A_23] : memref<64x128xf32, #tpu.memory_space<vmem>>[vector<16xi32>, vector<16xi32>], vector<16xf32>,
        %gather3A_433 = arith.constant 1 : i32
        %gather3A_434 = arith.constant 0 : i32
        %gather3A_435 = arith.constant 0 : i32
        %gather3A_436 = tpu.memref_slice %arg5[%gather3A_433, %gather3A_434, %gather3A_435] : memref<2x64x128xf32, #tpu.memory_space<vmem>> -> memref<1x64x128xf32, #tpu.memory_space<vmem>>
        %gather3A_437 = tpu.memref_squeeze %gather3A_436 : memref<1x64x128xf32, #tpu.memory_space<vmem>> -> memref<64x128xf32, #tpu.memory_space<vmem>>
        %gather3A_438 = tpu.vector_load_idx %gather3A_437[%add3A_407, %add3A_26] : memref<64x128xf32, #tpu.memory_space<vmem>>[vector<16xi32>, vector<16xi32>], vector<16xf32>,
        %gather3A_439 = arith.constant 1 : i32
        %gather3A_440 = arith.constant 0 : i32
        %gather3A_441 = arith.constant 0 : i32
        %gather3A_442 = tpu.memref_slice %arg5[%gather3A_439, %gather3A_440, %gather3A_441] : memref<2x64x128xf32, #tpu.memory_space<vmem>> -> memref<1x64x128xf32, #tpu.memory_space<vmem>>
        %gather3A_443 = tpu.memref_squeeze %gather3A_442 : memref<1x64x128xf32, #tpu.memory_space<vmem>> -> memref<64x128xf32, #tpu.memory_space<vmem>>
        %gather3A_444 = tpu.vector_load_idx %gather3A_443[%add3A_407, %add3A_29] : memref<64x128xf32, #tpu.memory_space<vmem>>[vector<16xi32>, vector<16xi32>], vector<16xf32>,
        %gather3A_445 = arith.constant 1 : i32
        %gather3A_446 = arith.constant 0 : i32
        %gather3A_447 = arith.constant 0 : i32
        %gather3A_448 = tpu.memref_slice %arg5[%gather3A_445, %gather3A_446, %gather3A_447] : memref<2x64x128xf32, #tpu.memory_space<vmem>> -> memref<1x64x128xf32, #tpu.memory_space<vmem>>
        %gather3A_449 = tpu.memref_squeeze %gather3A_448 : memref<1x64x128xf32, #tpu.memory_space<vmem>> -> memref<64x128xf32, #tpu.memory_space<vmem>>
        %gather3A_450 = tpu.vector_load_idx %gather3A_449[%add3A_407, %add3A_32] : memref<64x128xf32, #tpu.memory_space<vmem>>[vector<16xi32>, vector<16xi32>], vector<16xf32>,
        %gather3A_451 = arith.constant 1 : i32
        %gather3A_452 = arith.constant 0 : i32
        %gather3A_453 = arith.constant 0 : i32
        %gather3A_454 = tpu.memref_slice %arg5[%gather3A_451, %gather3A_452, %gather3A_453] : memref<2x64x128xf32, #tpu.memory_space<vmem>> -> memref<1x64x128xf32, #tpu.memory_space<vmem>>
        %gather3A_455 = tpu.memref_squeeze %gather3A_454 : memref<1x64x128xf32, #tpu.memory_space<vmem>> -> memref<64x128xf32, #tpu.memory_space<vmem>>
        %gather3A_456 = tpu.vector_load_idx %gather3A_455[%add3A_407, %add3A_35] : memref<64x128xf32, #tpu.memory_space<vmem>>[vector<16xi32>, vector<16xi32>], vector<16xf32>,
        %scatter3A_457 = arith.constant 1 : i32
        %scatter3A_458 = arith.constant 0 : i32
        %scatter3A_459 = arith.constant 0 : i32
        %scatter3A_460 = tpu.memref_slice %arg6[%scatter3A_457, %scatter3A_458, %scatter3A_459] : memref<2x64x128xf32, #tpu.memory_space<vmem>> -> memref<1x64x128xf32, #tpu.memory_space<vmem>>
        %scatter3A_461 = tpu.memref_squeeze %scatter3A_460 : memref<1x64x128xf32, #tpu.memory_space<vmem>> -> memref<64x128xf32, #tpu.memory_space<vmem>>
        tpu.vector_store_idx %scatter3A_461[%add3A_40, %add3A_408], %gather3A_414 : memref<64x128xf32, #tpu.memory_space<vmem>>[vector<16xi32>, vector<16xi32>], vector<16xf32>,
        %scatter3A_462 = arith.constant 1 : i32
        %scatter3A_463 = arith.constant 0 : i32
        %scatter3A_464 = arith.constant 0 : i32
        %scatter3A_465 = tpu.memref_slice %arg6[%scatter3A_462, %scatter3A_463, %scatter3A_464] : memref<2x64x128xf32, #tpu.memory_space<vmem>> -> memref<1x64x128xf32, #tpu.memory_space<vmem>>
        %scatter3A_466 = tpu.memref_squeeze %scatter3A_465 : memref<1x64x128xf32, #tpu.memory_space<vmem>> -> memref<64x128xf32, #tpu.memory_space<vmem>>
        tpu.vector_store_idx %scatter3A_466[%add3A_46, %add3A_408], %gather3A_420 : memref<64x128xf32, #tpu.memory_space<vmem>>[vector<16xi32>, vector<16xi32>], vector<16xf32>,
        %scatter3A_467 = arith.constant 1 : i32
        %scatter3A_468 = arith.constant 0 : i32
        %scatter3A_469 = arith.constant 0 : i32
        %scatter3A_470 = tpu.memref_slice %arg6[%scatter3A_467, %scatter3A_468, %scatter3A_469] : memref<2x64x128xf32, #tpu.memory_space<vmem>> -> memref<1x64x128xf32, #tpu.memory_space<vmem>>
        %scatter3A_471 = tpu.memref_squeeze %scatter3A_470 : memref<1x64x128xf32, #tpu.memory_space<vmem>> -> memref<64x128xf32, #tpu.memory_space<vmem>>
        tpu.vector_store_idx %scatter3A_471[%add3A_52, %add3A_408], %gather3A_426 : memref<64x128xf32, #tpu.memory_space<vmem>>[vector<16xi32>, vector<16xi32>], vector<16xf32>,
        %scatter3A_472 = arith.constant 1 : i32
        %scatter3A_473 = arith.constant 0 : i32
        %scatter3A_474 = arith.constant 0 : i32
        %scatter3A_475 = tpu.memref_slice %arg6[%scatter3A_472, %scatter3A_473, %scatter3A_474] : memref<2x64x128xf32, #tpu.memory_space<vmem>> -> memref<1x64x128xf32, #tpu.memory_space<vmem>>
        %scatter3A_476 = tpu.memref_squeeze %scatter3A_475 : memref<1x64x128xf32, #tpu.memory_space<vmem>> -> memref<64x128xf32, #tpu.memory_space<vmem>>
        tpu.vector_store_idx %scatter3A_476[%add3A_58, %add3A_408], %gather3A_432 : memref<64x128xf32, #tpu.memory_space<vmem>>[vector<16xi32>, vector<16xi32>], vector<16xf32>,
        %scatter3A_477 = arith.constant 1 : i32
        %scatter3A_478 = arith.constant 0 : i32
        %scatter3A_479 = arith.constant 0 : i32
        %scatter3A_480 = tpu.memref_slice %arg6[%scatter3A_477, %scatter3A_478, %scatter3A_479] : memref<2x64x128xf32, #tpu.memory_space<vmem>> -> memref<1x64x128xf32, #tpu.memory_space<vmem>>
        %scatter3A_481 = tpu.memref_squeeze %scatter3A_480 : memref<1x64x128xf32, #tpu.memory_space<vmem>> -> memref<64x128xf32, #tpu.memory_space<vmem>>
        tpu.vector_store_idx %scatter3A_481[%add3A_64, %add3A_408], %gather3A_438 : memref<64x128xf32, #tpu.memory_space<vmem>>[vector<16xi32>, vector<16xi32>], vector<16xf32>,
        %scatter3A_482 = arith.constant 1 : i32
        %scatter3A_483 = arith.constant 0 : i32
        %scatter3A_484 = arith.constant 0 : i32
        %scatter3A_485 = tpu.memref_slice %arg6[%scatter3A_482, %scatter3A_483, %scatter3A_484] : memref<2x64x128xf32, #tpu.memory_space<vmem>> -> memref<1x64x128xf32, #tpu.memory_space<vmem>>
        %scatter3A_486 = tpu.memref_squeeze %scatter3A_485 : memref<1x64x128xf32, #tpu.memory_space<vmem>> -> memref<64x128xf32, #tpu.memory_space<vmem>>
        tpu.vector_store_idx %scatter3A_486[%add3A_70, %add3A_408], %gather3A_444 : memref<64x128xf32, #tpu.memory_space<vmem>>[vector<16xi32>, vector<16xi32>], vector<16xf32>,
        %scatter3A_487 = arith.constant 1 : i32
        %scatter3A_488 = arith.constant 0 : i32
        %scatter3A_489 = arith.constant 0 : i32
        %scatter3A_490 = tpu.memref_slice %arg6[%scatter3A_487, %scatter3A_488, %scatter3A_489] : memref<2x64x128xf32, #tpu.memory_space<vmem>> -> memref<1x64x128xf32, #tpu.memory_space<vmem>>
        %scatter3A_491 = tpu.memref_squeeze %scatter3A_490 : memref<1x64x128xf32, #tpu.memory_space<vmem>> -> memref<64x128xf32, #tpu.memory_space<vmem>>
        tpu.vector_store_idx %scatter3A_491[%add3A_76, %add3A_408], %gather3A_450 : memref<64x128xf32, #tpu.memory_space<vmem>>[vector<16xi32>, vector<16xi32>], vector<16xf32>,
        %scatter3A_492 = arith.constant 1 : i32
        %scatter3A_493 = arith.constant 0 : i32
        %scatter3A_494 = arith.constant 0 : i32
        %scatter3A_495 = tpu.memref_slice %arg6[%scatter3A_492, %scatter3A_493, %scatter3A_494] : memref<2x64x128xf32, #tpu.memory_space<vmem>> -> memref<1x64x128xf32, #tpu.memory_space<vmem>>
        %scatter3A_496 = tpu.memref_squeeze %scatter3A_495 : memref<1x64x128xf32, #tpu.memory_space<vmem>> -> memref<64x128xf32, #tpu.memory_space<vmem>>
        tpu.vector_store_idx %scatter3A_496[%add3A_82, %add3A_408], %gather3A_456 : memref<64x128xf32, #tpu.memory_space<vmem>>[vector<16xi32>, vector<16xi32>], vector<16xf32>,
      }
      %scan3A_271 = arith.constant 32 : i32
      %add3A_272 = arith.addi %add3A_6, %add3A_244 : i32
      %mul3A_273 = arith.constant 64 : i32
      %mul3A_274 = arith.muli %add3A_272, %mul3A_273 : i32
      %dma_start3A_275 = arith.constant 1 : i32
      %dma_start3A_276 = arith.constant 0 : i32
      %dma_start3A_277 = arith.constant 0 : i32
      %dma_start3A_278 = tpu.memref_slice %arg6[%dma_start3A_275, %dma_start3A_276, %dma_start3A_277] : memref<2x64x128xf32, #tpu.memory_space<vmem>> -> memref<1x64x128xf32, #tpu.memory_space<vmem>>
      %dma_start3A_279 = tpu.memref_squeeze %dma_start3A_278 : memref<1x64x128xf32, #tpu.memory_space<vmem>> -> memref<64x128xf32, #tpu.memory_space<vmem>>
      %dma_start3A_280 = arith.constant 0 : i32
      %dma_start3A_281 = tpu.memref_slice %arg4[%mul3A_274, %dma_start3A_280] : memref<500000x128xf32, #tpu.memory_space<hbm>> -> memref<64x128xf32, #tpu.memory_space<hbm>>
      %dma_start3A_282 = arith.constant 0 : i32
      %dma_start3A_283 = tpu.memref_slice %arg4[%mul3A_274, %dma_start3A_282] : memref<500000x128xf32, #tpu.memory_space<hbm>> -> memref<64x128xf32, #tpu.memory_space<hbm>>
      %dma_start3A_284 = arith.constant 0 : i32
      %dma_start3A_285 = arith.constant 0 : i32
      %dma_start3A_286 = tpu.memref_slice %arg6[%dma_start3A_275, %dma_start3A_284, %dma_start3A_285] : memref<2x64x128xf32, #tpu.memory_space<vmem>> -> memref<1x64x128xf32, #tpu.memory_space<vmem>>
      %dma_start3A_287 = tpu.memref_squeeze %dma_start3A_286 : memref<1x64x128xf32, #tpu.memory_space<vmem>> -> memref<64x128xf32, #tpu.memory_space<vmem>>
      tpu.enqueue_dma source(%dma_start3A_287 : memref<64x128xf32, #tpu.memory_space<vmem>>) target(%dma_start3A_283 : memref<64x128xf32, #tpu.memory_space<hbm>>) target_semaphore(%arg10 : memref<!tpu.dma_semaphore, #tpu.memory_space<semaphore_mem>>)
      %add3A_288 = arith.constant 2 : i32
      %add3A_289 = arith.addi %add3A_244, %add3A_288 : i32
      %lt3A_290 = arith.cmpi slt, %add3A_289, %add3A_11 : i32
      %convert_element_type3A_291 = arith.extui %lt3A_290 : i1 to i32
      %cond3A_292 = arith.constant 0 : i32
      %cond3A_293 = arith.cmpi ne, %convert_element_type3A_291, %cond3A_292 : i32
      scf.if %cond3A_293 {
        %add3A_294 = arith.constant 2 : i32
        %add3A_295 = arith.addi %add3A_244, %add3A_294 : i32
        %add3A_296 = arith.addi %add3A_6, %add3A_295 : i32
        %mul3A_297 = arith.constant 128 : i32
        %mul3A_298 = arith.muli %add3A_296, %mul3A_297 : i32
        %dma_start3A_299 = arith.constant 1 : i32
        %dma_start3A_300 = arith.constant 0 : i32
        %dma_start3A_301 = arith.constant 0 : i32
        %dma_start3A_302 = tpu.memref_slice %arg5[%dma_start3A_299, %dma_start3A_300, %dma_start3A_301] : memref<2x64x128xf32, #tpu.memory_space<vmem>> -> memref<1x64x128xf32, #tpu.memory_space<vmem>>
        %dma_start3A_303 = tpu.memref_squeeze %dma_start3A_302 : memref<1x64x128xf32, #tpu.memory_space<vmem>> -> memref<64x128xf32, #tpu.memory_space<vmem>>
        %dma_start3A_304 = arith.constant 0 : i32
        %dma_start3A_305 = tpu.memref_slice %arg2[%dma_start3A_304, %mul3A_298] : memref<64x1000000xf32, #tpu.memory_space<hbm>> -> memref<64x128xf32, #tpu.memory_space<hbm>>
        %dma_start3A_306 = arith.constant 0 : i32
        %dma_start3A_307 = arith.constant 0 : i32
        %dma_start3A_308 = tpu.memref_slice %arg5[%dma_start3A_299, %dma_start3A_306, %dma_start3A_307] : memref<2x64x128xf32, #tpu.memory_space<vmem>> -> memref<1x64x128xf32, #tpu.memory_space<vmem>>
        %dma_start3A_309 = tpu.memref_squeeze %dma_start3A_308 : memref<1x64x128xf32, #tpu.memory_space<vmem>> -> memref<64x128xf32, #tpu.memory_space<vmem>>
        %dma_start3A_310 = arith.constant 0 : i32
        %dma_start3A_311 = tpu.memref_slice %arg2[%dma_start3A_310, %mul3A_298] : memref<64x1000000xf32, #tpu.memory_space<hbm>> -> memref<64x128xf32, #tpu.memory_space<hbm>>
        tpu.enqueue_dma source(%dma_start3A_311 : memref<64x128xf32, #tpu.memory_space<hbm>>) target(%dma_start3A_309 : memref<64x128xf32, #tpu.memory_space<vmem>>) target_semaphore(%arg8 : memref<!tpu.dma_semaphore, #tpu.memory_space<semaphore_mem>>)
      } else {
      }
    }
    %while3A_146 = arith.constant 1 : i32
    scf.for %while3A_189 = %while3A_144 to %while3A_140 step %while3A_146  : i32 {
      %mul3A_190 = arith.constant 2 : i32
      %mul3A_191 = arith.muli %mul3A_190, %while3A_189 : i32
      %add3A_192 = arith.constant 0 : i32
      %add3A_193 = arith.addi %mul3A_191, %add3A_192 : i32
      %add3A_194 = arith.addi %add3A_6, %add3A_193 : i32
      %mul3A_195 = arith.constant 128 : i32
      %mul3A_196 = arith.muli %add3A_194, %mul3A_195 : i32
      %dma_wait3A_197 = arith.constant 0 : i32
      %dma_wait3A_198 = arith.constant 0 : i32
      %dma_wait3A_199 = arith.constant 0 : i32
      %dma_wait3A_200 = tpu.memref_slice %arg5[%dma_wait3A_197, %dma_wait3A_198, %dma_wait3A_199] : memref<2x64x128xf32, #tpu.memory_space<vmem>> -> memref<1x64x128xf32, #tpu.memory_space<vmem>>
      %dma_wait3A_201 = tpu.memref_squeeze %dma_wait3A_200 : memref<1x64x128xf32, #tpu.memory_space<vmem>> -> memref<64x128xf32, #tpu.memory_space<vmem>>
      %dma_wait3A_202 = arith.constant 0 : i32
      %dma_wait3A_203 = tpu.memref_slice %arg2[%dma_wait3A_202, %mul3A_196] : memref<64x1000000xf32, #tpu.memory_space<hbm>> -> memref<64x128xf32, #tpu.memory_space<hbm>>
      %dma_wait3A_204 = arith.constant 0 : i32
      %dma_wait3A_205 = arith.constant 0 : i32
      %dma_wait3A_206 = tpu.memref_slice %arg5[%dma_wait3A_197, %dma_wait3A_204, %dma_wait3A_205] : memref<2x64x128xf32, #tpu.memory_space<vmem>> -> memref<1x64x128xf32, #tpu.memory_space<vmem>>
      %dma_wait3A_207 = tpu.memref_squeeze %dma_wait3A_206 : memref<1x64x128xf32, #tpu.memory_space<vmem>> -> memref<64x128xf32, #tpu.memory_space<vmem>>
      %dma_wait3A_208 = arith.constant 0 : i32
      %dma_wait3A_209 = tpu.memref_slice %arg2[%dma_wait3A_208, %mul3A_196] : memref<64x1000000xf32, #tpu.memory_space<hbm>> -> memref<64x128xf32, #tpu.memory_space<hbm>>
      tpu.wait_dma2 semaphore(%arg7 : memref<!tpu.dma_semaphore, #tpu.memory_space<semaphore_mem>>) src(%dma_wait3A_209 : memref<64x128xf32, #tpu.memory_space<hbm>>) dst(%dma_wait3A_207 : memref<64x128xf32, #tpu.memory_space<vmem>>)
      %ge3A = arith.constant 1 : i32
      %ge3A_210 = arith.cmpi sge, %while3A_189, %ge3A : i32
      %convert_element_type3A_211 = arith.extui %ge3A_210 : i1 to i32
      %cond3A_212 = arith.constant 0 : i32
      %cond3A_213 = arith.cmpi ne, %convert_element_type3A_211, %cond3A_212 : i32
      scf.if %cond3A_213 {
        %sub3A_294 = arith.constant 2 : i32
        %sub3A_295 = arith.subi %add3A_193, %sub3A_294 : i32
        %add3A_296 = arith.addi %add3A_6, %sub3A_295 : i32
        %mul3A_297 = arith.constant 64 : i32
        %mul3A_298 = arith.muli %add3A_296, %mul3A_297 : i32
        %dma_wait3A_299 = arith.constant 0 : i32
        %dma_wait3A_300 = arith.constant 0 : i32
        %dma_wait3A_301 = arith.constant 0 : i32
        %dma_wait3A_302 = tpu.memref_slice %arg6[%dma_wait3A_299, %dma_wait3A_300, %dma_wait3A_301] : memref<2x64x128xf32, #tpu.memory_space<vmem>> -> memref<1x64x128xf32, #tpu.memory_space<vmem>>
        %dma_wait3A_303 = tpu.memref_squeeze %dma_wait3A_302 : memref<1x64x128xf32, #tpu.memory_space<vmem>> -> memref<64x128xf32, #tpu.memory_space<vmem>>
        %dma_wait3A_304 = arith.constant 0 : i32
        %dma_wait3A_305 = tpu.memref_slice %arg4[%mul3A_298, %dma_wait3A_304] : memref<500000x128xf32, #tpu.memory_space<hbm>> -> memref<64x128xf32, #tpu.memory_space<hbm>>
        %dma_wait3A_306 = arith.constant 0 : i32
        %dma_wait3A_307 = tpu.memref_slice %arg4[%mul3A_298, %dma_wait3A_306] : memref<500000x128xf32, #tpu.memory_space<hbm>> -> memref<64x128xf32, #tpu.memory_space<hbm>>
        %dma_wait3A_308 = arith.constant 0 : i32
        %dma_wait3A_309 = arith.constant 0 : i32
        %dma_wait3A_310 = tpu.memref_slice %arg6[%dma_wait3A_299, %dma_wait3A_308, %dma_wait3A_309] : memref<2x64x128xf32, #tpu.memory_space<vmem>> -> memref<1x64x128xf32, #tpu.memory_space<vmem>>
        %dma_wait3A_311 = tpu.memref_squeeze %dma_wait3A_310 : memref<1x64x128xf32, #tpu.memory_space<vmem>> -> memref<64x128xf32, #tpu.memory_space<vmem>>
        tpu.wait_dma2 semaphore(%arg9 : memref<!tpu.dma_semaphore, #tpu.memory_space<semaphore_mem>>) src(%dma_wait3A_311 : memref<64x128xf32, #tpu.memory_space<vmem>>) dst(%dma_wait3A_307 : memref<64x128xf32, #tpu.memory_space<hbm>>)
      } else {
      }
      %scan3A = arith.constant 0 : i32
      %scan3A_214 = arith.constant 0 : i32
      %scan3A_215 = arith.constant 32 : i32
      %scan3A_216 = arith.addi %scan3A_214, %scan3A_215 : i32
      %scan3A_217 = arith.constant 1 : i32
      scf.for %scan3A_294 = %scan3A_214 to %scan3A_216 step %scan3A_217  : i32 {
        %mul3A_295 = arith.constant 2 : i32
        %mul3A_296 = arith.muli %mul3A_295, %scan3A_294 : i32
        %add3A_297 = arith.constant 0 : i32
        %add3A_298 = arith.addi %mul3A_296, %add3A_297 : i32
        %add3A_299 = vector.broadcast %add3A_298 : i32 to vector<16xi32>
        %add3A_300 = arith.addi %iota3A, %add3A_299 : vector<16xi32>
        %and3A_301 = arith.constant 15 : i32
        %and3A_302 = vector.broadcast %and3A_301 : i32 to vector<16xi32>
        %and3A_303 = arith.andi %add3A_300, %and3A_302 : vector<16xi32>
        %and3A_304 = arith.constant 48 : i32
        %and3A_305 = arith.andi %add3A_298, %and3A_304 : i32
        %add3A_306 = vector.broadcast %and3A_305 : i32 to vector<16xi32>
        %add3A_307 = arith.addi %and3A_303, %add3A_306 : vector<16xi32>
        %add3A_308 = arith.addi %mul3A_87, %add3A_307 : vector<16xi32>
        %gather3A = arith.constant 0 : i32
        %gather3A_309 = arith.constant 0 : i32
        %gather3A_310 = arith.constant 0 : i32
        %gather3A_311 = tpu.memref_slice %arg5[%gather3A, %gather3A_309, %gather3A_310] : memref<2x64x128xf32, #tpu.memory_space<vmem>> -> memref<1x64x128xf32, #tpu.memory_space<vmem>>
        %gather3A_312 = tpu.memref_squeeze %gather3A_311 : memref<1x64x128xf32, #tpu.memory_space<vmem>> -> memref<64x128xf32, #tpu.memory_space<vmem>>
        %gather3A_313 = tpu.vector_load_idx %gather3A_312[%add3A_307, %add3A_14] : memref<64x128xf32, #tpu.memory_space<vmem>>[vector<16xi32>, vector<16xi32>], vector<16xf32>,
        %gather3A_314 = arith.constant 0 : i32
        %gather3A_315 = arith.constant 0 : i32
        %gather3A_316 = arith.constant 0 : i32
        %gather3A_317 = tpu.memref_slice %arg5[%gather3A_314, %gather3A_315, %gather3A_316] : memref<2x64x128xf32, #tpu.memory_space<vmem>> -> memref<1x64x128xf32, #tpu.memory_space<vmem>>
        %gather3A_318 = tpu.memref_squeeze %gather3A_317 : memref<1x64x128xf32, #tpu.memory_space<vmem>> -> memref<64x128xf32, #tpu.memory_space<vmem>>
        %gather3A_319 = tpu.vector_load_idx %gather3A_318[%add3A_307, %add3A_17] : memref<64x128xf32, #tpu.memory_space<vmem>>[vector<16xi32>, vector<16xi32>], vector<16xf32>,
        %gather3A_320 = arith.constant 0 : i32
        %gather3A_321 = arith.constant 0 : i32
        %gather3A_322 = arith.constant 0 : i32
        %gather3A_323 = tpu.memref_slice %arg5[%gather3A_320, %gather3A_321, %gather3A_322] : memref<2x64x128xf32, #tpu.memory_space<vmem>> -> memref<1x64x128xf32, #tpu.memory_space<vmem>>
        %gather3A_324 = tpu.memref_squeeze %gather3A_323 : memref<1x64x128xf32, #tpu.memory_space<vmem>> -> memref<64x128xf32, #tpu.memory_space<vmem>>
        %gather3A_325 = tpu.vector_load_idx %gather3A_324[%add3A_307, %add3A_20] : memref<64x128xf32, #tpu.memory_space<vmem>>[vector<16xi32>, vector<16xi32>], vector<16xf32>,
        %gather3A_326 = arith.constant 0 : i32
        %gather3A_327 = arith.constant 0 : i32
        %gather3A_328 = arith.constant 0 : i32
        %gather3A_329 = tpu.memref_slice %arg5[%gather3A_326, %gather3A_327, %gather3A_328] : memref<2x64x128xf32, #tpu.memory_space<vmem>> -> memref<1x64x128xf32, #tpu.memory_space<vmem>>
        %gather3A_330 = tpu.memref_squeeze %gather3A_329 : memref<1x64x128xf32, #tpu.memory_space<vmem>> -> memref<64x128xf32, #tpu.memory_space<vmem>>
        %gather3A_331 = tpu.vector_load_idx %gather3A_330[%add3A_307, %add3A_23] : memref<64x128xf32, #tpu.memory_space<vmem>>[vector<16xi32>, vector<16xi32>], vector<16xf32>,
        %gather3A_332 = arith.constant 0 : i32
        %gather3A_333 = arith.constant 0 : i32
        %gather3A_334 = arith.constant 0 : i32
        %gather3A_335 = tpu.memref_slice %arg5[%gather3A_332, %gather3A_333, %gather3A_334] : memref<2x64x128xf32, #tpu.memory_space<vmem>> -> memref<1x64x128xf32, #tpu.memory_space<vmem>>
        %gather3A_336 = tpu.memref_squeeze %gather3A_335 : memref<1x64x128xf32, #tpu.memory_space<vmem>> -> memref<64x128xf32, #tpu.memory_space<vmem>>
        %gather3A_337 = tpu.vector_load_idx %gather3A_336[%add3A_307, %add3A_26] : memref<64x128xf32, #tpu.memory_space<vmem>>[vector<16xi32>, vector<16xi32>], vector<16xf32>,
        %gather3A_338 = arith.constant 0 : i32
        %gather3A_339 = arith.constant 0 : i32
        %gather3A_340 = arith.constant 0 : i32
        %gather3A_341 = tpu.memref_slice %arg5[%gather3A_338, %gather3A_339, %gather3A_340] : memref<2x64x128xf32, #tpu.memory_space<vmem>> -> memref<1x64x128xf32, #tpu.memory_space<vmem>>
        %gather3A_342 = tpu.memref_squeeze %gather3A_341 : memref<1x64x128xf32, #tpu.memory_space<vmem>> -> memref<64x128xf32, #tpu.memory_space<vmem>>
        %gather3A_343 = tpu.vector_load_idx %gather3A_342[%add3A_307, %add3A_29] : memref<64x128xf32, #tpu.memory_space<vmem>>[vector<16xi32>, vector<16xi32>], vector<16xf32>,
        %gather3A_344 = arith.constant 0 : i32
        %gather3A_345 = arith.constant 0 : i32
        %gather3A_346 = arith.constant 0 : i32
        %gather3A_347 = tpu.memref_slice %arg5[%gather3A_344, %gather3A_345, %gather3A_346] : memref<2x64x128xf32, #tpu.memory_space<vmem>> -> memref<1x64x128xf32, #tpu.memory_space<vmem>>
        %gather3A_348 = tpu.memref_squeeze %gather3A_347 : memref<1x64x128xf32, #tpu.memory_space<vmem>> -> memref<64x128xf32, #tpu.memory_space<vmem>>
        %gather3A_349 = tpu.vector_load_idx %gather3A_348[%add3A_307, %add3A_32] : memref<64x128xf32, #tpu.memory_space<vmem>>[vector<16xi32>, vector<16xi32>], vector<16xf32>,
        %gather3A_350 = arith.constant 0 : i32
        %gather3A_351 = arith.constant 0 : i32
        %gather3A_352 = arith.constant 0 : i32
        %gather3A_353 = tpu.memref_slice %arg5[%gather3A_350, %gather3A_351, %gather3A_352] : memref<2x64x128xf32, #tpu.memory_space<vmem>> -> memref<1x64x128xf32, #tpu.memory_space<vmem>>
        %gather3A_354 = tpu.memref_squeeze %gather3A_353 : memref<1x64x128xf32, #tpu.memory_space<vmem>> -> memref<64x128xf32, #tpu.memory_space<vmem>>
        %gather3A_355 = tpu.vector_load_idx %gather3A_354[%add3A_307, %add3A_35] : memref<64x128xf32, #tpu.memory_space<vmem>>[vector<16xi32>, vector<16xi32>], vector<16xf32>,
        %scatter3A = arith.constant 0 : i32
        %scatter3A_356 = arith.constant 0 : i32
        %scatter3A_357 = arith.constant 0 : i32
        %scatter3A_358 = tpu.memref_slice %arg6[%scatter3A, %scatter3A_356, %scatter3A_357] : memref<2x64x128xf32, #tpu.memory_space<vmem>> -> memref<1x64x128xf32, #tpu.memory_space<vmem>>
        %scatter3A_359 = tpu.memref_squeeze %scatter3A_358 : memref<1x64x128xf32, #tpu.memory_space<vmem>> -> memref<64x128xf32, #tpu.memory_space<vmem>>
        tpu.vector_store_idx %scatter3A_359[%add3A_40, %add3A_308], %gather3A_313 : memref<64x128xf32, #tpu.memory_space<vmem>>[vector<16xi32>, vector<16xi32>], vector<16xf32>,
        %scatter3A_360 = arith.constant 0 : i32
        %scatter3A_361 = arith.constant 0 : i32
        %scatter3A_362 = arith.constant 0 : i32
        %scatter3A_363 = tpu.memref_slice %arg6[%scatter3A_360, %scatter3A_361, %scatter3A_362] : memref<2x64x128xf32, #tpu.memory_space<vmem>> -> memref<1x64x128xf32, #tpu.memory_space<vmem>>
        %scatter3A_364 = tpu.memref_squeeze %scatter3A_363 : memref<1x64x128xf32, #tpu.memory_space<vmem>> -> memref<64x128xf32, #tpu.memory_space<vmem>>
        tpu.vector_store_idx %scatter3A_364[%add3A_46, %add3A_308], %gather3A_319 : memref<64x128xf32, #tpu.memory_space<vmem>>[vector<16xi32>, vector<16xi32>], vector<16xf32>,
        %scatter3A_365 = arith.constant 0 : i32
        %scatter3A_366 = arith.constant 0 : i32
        %scatter3A_367 = arith.constant 0 : i32
        %scatter3A_368 = tpu.memref_slice %arg6[%scatter3A_365, %scatter3A_366, %scatter3A_367] : memref<2x64x128xf32, #tpu.memory_space<vmem>> -> memref<1x64x128xf32, #tpu.memory_space<vmem>>
        %scatter3A_369 = tpu.memref_squeeze %scatter3A_368 : memref<1x64x128xf32, #tpu.memory_space<vmem>> -> memref<64x128xf32, #tpu.memory_space<vmem>>
        tpu.vector_store_idx %scatter3A_369[%add3A_52, %add3A_308], %gather3A_325 : memref<64x128xf32, #tpu.memory_space<vmem>>[vector<16xi32>, vector<16xi32>], vector<16xf32>,
        %scatter3A_370 = arith.constant 0 : i32
        %scatter3A_371 = arith.constant 0 : i32
        %scatter3A_372 = arith.constant 0 : i32
        %scatter3A_373 = tpu.memref_slice %arg6[%scatter3A_370, %scatter3A_371, %scatter3A_372] : memref<2x64x128xf32, #tpu.memory_space<vmem>> -> memref<1x64x128xf32, #tpu.memory_space<vmem>>
        %scatter3A_374 = tpu.memref_squeeze %scatter3A_373 : memref<1x64x128xf32, #tpu.memory_space<vmem>> -> memref<64x128xf32, #tpu.memory_space<vmem>>
        tpu.vector_store_idx %scatter3A_374[%add3A_58, %add3A_308], %gather3A_331 : memref<64x128xf32, #tpu.memory_space<vmem>>[vector<16xi32>, vector<16xi32>], vector<16xf32>,
        %scatter3A_375 = arith.constant 0 : i32
        %scatter3A_376 = arith.constant 0 : i32
        %scatter3A_377 = arith.constant 0 : i32
        %scatter3A_378 = tpu.memref_slice %arg6[%scatter3A_375, %scatter3A_376, %scatter3A_377] : memref<2x64x128xf32, #tpu.memory_space<vmem>> -> memref<1x64x128xf32, #tpu.memory_space<vmem>>
        %scatter3A_379 = tpu.memref_squeeze %scatter3A_378 : memref<1x64x128xf32, #tpu.memory_space<vmem>> -> memref<64x128xf32, #tpu.memory_space<vmem>>
        tpu.vector_store_idx %scatter3A_379[%add3A_64, %add3A_308], %gather3A_337 : memref<64x128xf32, #tpu.memory_space<vmem>>[vector<16xi32>, vector<16xi32>], vector<16xf32>,
        %scatter3A_380 = arith.constant 0 : i32
        %scatter3A_381 = arith.constant 0 : i32
        %scatter3A_382 = arith.constant 0 : i32
        %scatter3A_383 = tpu.memref_slice %arg6[%scatter3A_380, %scatter3A_381, %scatter3A_382] : memref<2x64x128xf32, #tpu.memory_space<vmem>> -> memref<1x64x128xf32, #tpu.memory_space<vmem>>
        %scatter3A_384 = tpu.memref_squeeze %scatter3A_383 : memref<1x64x128xf32, #tpu.memory_space<vmem>> -> memref<64x128xf32, #tpu.memory_space<vmem>>
        tpu.vector_store_idx %scatter3A_384[%add3A_70, %add3A_308], %gather3A_343 : memref<64x128xf32, #tpu.memory_space<vmem>>[vector<16xi32>, vector<16xi32>], vector<16xf32>,
        %scatter3A_385 = arith.constant 0 : i32
        %scatter3A_386 = arith.constant 0 : i32
        %scatter3A_387 = arith.constant 0 : i32
        %scatter3A_388 = tpu.memref_slice %arg6[%scatter3A_385, %scatter3A_386, %scatter3A_387] : memref<2x64x128xf32, #tpu.memory_space<vmem>> -> memref<1x64x128xf32, #tpu.memory_space<vmem>>
        %scatter3A_389 = tpu.memref_squeeze %scatter3A_388 : memref<1x64x128xf32, #tpu.memory_space<vmem>> -> memref<64x128xf32, #tpu.memory_space<vmem>>
        tpu.vector_store_idx %scatter3A_389[%add3A_76, %add3A_308], %gather3A_349 : memref<64x128xf32, #tpu.memory_space<vmem>>[vector<16xi32>, vector<16xi32>], vector<16xf32>,
        %scatter3A_390 = arith.constant 0 : i32
        %scatter3A_391 = arith.constant 0 : i32
        %scatter3A_392 = arith.constant 0 : i32
        %scatter3A_393 = tpu.memref_slice %arg6[%scatter3A_390, %scatter3A_391, %scatter3A_392] : memref<2x64x128xf32, #tpu.memory_space<vmem>> -> memref<1x64x128xf32, #tpu.memory_space<vmem>>
        %scatter3A_394 = tpu.memref_squeeze %scatter3A_393 : memref<1x64x128xf32, #tpu.memory_space<vmem>> -> memref<64x128xf32, #tpu.memory_space<vmem>>
        tpu.vector_store_idx %scatter3A_394[%add3A_82, %add3A_308], %gather3A_355 : memref<64x128xf32, #tpu.memory_space<vmem>>[vector<16xi32>, vector<16xi32>], vector<16xf32>,
        %mul3A_395 = arith.constant 2 : i32
        %mul3A_396 = arith.muli %mul3A_395, %scan3A_294 : i32
        %add3A_397 = arith.constant 1 : i32
        %add3A_398 = arith.addi %mul3A_396, %add3A_397 : i32
        %add3A_399 = vector.broadcast %add3A_398 : i32 to vector<16xi32>
        %add3A_400 = arith.addi %iota3A, %add3A_399 : vector<16xi32>
        %and3A_401 = arith.constant 15 : i32
        %and3A_402 = vector.broadcast %and3A_401 : i32 to vector<16xi32>
        %and3A_403 = arith.andi %add3A_400, %and3A_402 : vector<16xi32>
        %and3A_404 = arith.constant 48 : i32
        %and3A_405 = arith.andi %add3A_398, %and3A_404 : i32
        %add3A_406 = vector.broadcast %and3A_405 : i32 to vector<16xi32>
        %add3A_407 = arith.addi %and3A_403, %add3A_406 : vector<16xi32>
        %add3A_408 = arith.addi %mul3A_87, %add3A_407 : vector<16xi32>
        %gather3A_409 = arith.constant 0 : i32
        %gather3A_410 = arith.constant 0 : i32
        %gather3A_411 = arith.constant 0 : i32
        %gather3A_412 = tpu.memref_slice %arg5[%gather3A_409, %gather3A_410, %gather3A_411] : memref<2x64x128xf32, #tpu.memory_space<vmem>> -> memref<1x64x128xf32, #tpu.memory_space<vmem>>
        %gather3A_413 = tpu.memref_squeeze %gather3A_412 : memref<1x64x128xf32, #tpu.memory_space<vmem>> -> memref<64x128xf32, #tpu.memory_space<vmem>>
        %gather3A_414 = tpu.vector_load_idx %gather3A_413[%add3A_407, %add3A_14] : memref<64x128xf32, #tpu.memory_space<vmem>>[vector<16xi32>, vector<16xi32>], vector<16xf32>,
        %gather3A_415 = arith.constant 0 : i32
        %gather3A_416 = arith.constant 0 : i32
        %gather3A_417 = arith.constant 0 : i32
        %gather3A_418 = tpu.memref_slice %arg5[%gather3A_415, %gather3A_416, %gather3A_417] : memref<2x64x128xf32, #tpu.memory_space<vmem>> -> memref<1x64x128xf32, #tpu.memory_space<vmem>>
        %gather3A_419 = tpu.memref_squeeze %gather3A_418 : memref<1x64x128xf32, #tpu.memory_space<vmem>> -> memref<64x128xf32, #tpu.memory_space<vmem>>
        %gather3A_420 = tpu.vector_load_idx %gather3A_419[%add3A_407, %add3A_17] : memref<64x128xf32, #tpu.memory_space<vmem>>[vector<16xi32>, vector<16xi32>], vector<16xf32>,
        %gather3A_421 = arith.constant 0 : i32
        %gather3A_422 = arith.constant 0 : i32
        %gather3A_423 = arith.constant 0 : i32
        %gather3A_424 = tpu.memref_slice %arg5[%gather3A_421, %gather3A_422, %gather3A_423] : memref<2x64x128xf32, #tpu.memory_space<vmem>> -> memref<1x64x128xf32, #tpu.memory_space<vmem>>
        %gather3A_425 = tpu.memref_squeeze %gather3A_424 : memref<1x64x128xf32, #tpu.memory_space<vmem>> -> memref<64x128xf32, #tpu.memory_space<vmem>>
        %gather3A_426 = tpu.vector_load_idx %gather3A_425[%add3A_407, %add3A_20] : memref<64x128xf32, #tpu.memory_space<vmem>>[vector<16xi32>, vector<16xi32>], vector<16xf32>,
        %gather3A_427 = arith.constant 0 : i32
        %gather3A_428 = arith.constant 0 : i32
        %gather3A_429 = arith.constant 0 : i32
        %gather3A_430 = tpu.memref_slice %arg5[%gather3A_427, %gather3A_428, %gather3A_429] : memref<2x64x128xf32, #tpu.memory_space<vmem>> -> memref<1x64x128xf32, #tpu.memory_space<vmem>>
        %gather3A_431 = tpu.memref_squeeze %gather3A_430 : memref<1x64x128xf32, #tpu.memory_space<vmem>> -> memref<64x128xf32, #tpu.memory_space<vmem>>
        %gather3A_432 = tpu.vector_load_idx %gather3A_431[%add3A_407, %add3A_23] : memref<64x128xf32, #tpu.memory_space<vmem>>[vector<16xi32>, vector<16xi32>], vector<16xf32>,
        %gather3A_433 = arith.constant 0 : i32
        %gather3A_434 = arith.constant 0 : i32
        %gather3A_435 = arith.constant 0 : i32
        %gather3A_436 = tpu.memref_slice %arg5[%gather3A_433, %gather3A_434, %gather3A_435] : memref<2x64x128xf32, #tpu.memory_space<vmem>> -> memref<1x64x128xf32, #tpu.memory_space<vmem>>
        %gather3A_437 = tpu.memref_squeeze %gather3A_436 : memref<1x64x128xf32, #tpu.memory_space<vmem>> -> memref<64x128xf32, #tpu.memory_space<vmem>>
        %gather3A_438 = tpu.vector_load_idx %gather3A_437[%add3A_407, %add3A_26] : memref<64x128xf32, #tpu.memory_space<vmem>>[vector<16xi32>, vector<16xi32>], vector<16xf32>,
        %gather3A_439 = arith.constant 0 : i32
        %gather3A_440 = arith.constant 0 : i32
        %gather3A_441 = arith.constant 0 : i32
        %gather3A_442 = tpu.memref_slice %arg5[%gather3A_439, %gather3A_440, %gather3A_441] : memref<2x64x128xf32, #tpu.memory_space<vmem>> -> memref<1x64x128xf32, #tpu.memory_space<vmem>>
        %gather3A_443 = tpu.memref_squeeze %gather3A_442 : memref<1x64x128xf32, #tpu.memory_space<vmem>> -> memref<64x128xf32, #tpu.memory_space<vmem>>
        %gather3A_444 = tpu.vector_load_idx %gather3A_443[%add3A_407, %add3A_29] : memref<64x128xf32, #tpu.memory_space<vmem>>[vector<16xi32>, vector<16xi32>], vector<16xf32>,
        %gather3A_445 = arith.constant 0 : i32
        %gather3A_446 = arith.constant 0 : i32
        %gather3A_447 = arith.constant 0 : i32
        %gather3A_448 = tpu.memref_slice %arg5[%gather3A_445, %gather3A_446, %gather3A_447] : memref<2x64x128xf32, #tpu.memory_space<vmem>> -> memref<1x64x128xf32, #tpu.memory_space<vmem>>
        %gather3A_449 = tpu.memref_squeeze %gather3A_448 : memref<1x64x128xf32, #tpu.memory_space<vmem>> -> memref<64x128xf32, #tpu.memory_space<vmem>>
        %gather3A_450 = tpu.vector_load_idx %gather3A_449[%add3A_407, %add3A_32] : memref<64x128xf32, #tpu.memory_space<vmem>>[vector<16xi32>, vector<16xi32>], vector<16xf32>,
        %gather3A_451 = arith.constant 0 : i32
        %gather3A_452 = arith.constant 0 : i32
        %gather3A_453 = arith.constant 0 : i32
        %gather3A_454 = tpu.memref_slice %arg5[%gather3A_451, %gather3A_452, %gather3A_453] : memref<2x64x128xf32, #tpu.memory_space<vmem>> -> memref<1x64x128xf32, #tpu.memory_space<vmem>>
        %gather3A_455 = tpu.memref_squeeze %gather3A_454 : memref<1x64x128xf32, #tpu.memory_space<vmem>> -> memref<64x128xf32, #tpu.memory_space<vmem>>
        %gather3A_456 = tpu.vector_load_idx %gather3A_455[%add3A_407, %add3A_35] : memref<64x128xf32, #tpu.memory_space<vmem>>[vector<16xi32>, vector<16xi32>], vector<16xf32>,
        %scatter3A_457 = arith.constant 0 : i32
        %scatter3A_458 = arith.constant 0 : i32
        %scatter3A_459 = arith.constant 0 : i32
        %scatter3A_460 = tpu.memref_slice %arg6[%scatter3A_457, %scatter3A_458, %scatter3A_459] : memref<2x64x128xf32, #tpu.memory_space<vmem>> -> memref<1x64x128xf32, #tpu.memory_space<vmem>>
        %scatter3A_461 = tpu.memref_squeeze %scatter3A_460 : memref<1x64x128xf32, #tpu.memory_space<vmem>> -> memref<64x128xf32, #tpu.memory_space<vmem>>
        tpu.vector_store_idx %scatter3A_461[%add3A_40, %add3A_408], %gather3A_414 : memref<64x128xf32, #tpu.memory_space<vmem>>[vector<16xi32>, vector<16xi32>], vector<16xf32>,
        %scatter3A_462 = arith.constant 0 : i32
        %scatter3A_463 = arith.constant 0 : i32
        %scatter3A_464 = arith.constant 0 : i32
        %scatter3A_465 = tpu.memref_slice %arg6[%scatter3A_462, %scatter3A_463, %scatter3A_464] : memref<2x64x128xf32, #tpu.memory_space<vmem>> -> memref<1x64x128xf32, #tpu.memory_space<vmem>>
        %scatter3A_466 = tpu.memref_squeeze %scatter3A_465 : memref<1x64x128xf32, #tpu.memory_space<vmem>> -> memref<64x128xf32, #tpu.memory_space<vmem>>
        tpu.vector_store_idx %scatter3A_466[%add3A_46, %add3A_408], %gather3A_420 : memref<64x128xf32, #tpu.memory_space<vmem>>[vector<16xi32>, vector<16xi32>], vector<16xf32>,
        %scatter3A_467 = arith.constant 0 : i32
        %scatter3A_468 = arith.constant 0 : i32
        %scatter3A_469 = arith.constant 0 : i32
        %scatter3A_470 = tpu.memref_slice %arg6[%scatter3A_467, %scatter3A_468, %scatter3A_469] : memref<2x64x128xf32, #tpu.memory_space<vmem>> -> memref<1x64x128xf32, #tpu.memory_space<vmem>>
        %scatter3A_471 = tpu.memref_squeeze %scatter3A_470 : memref<1x64x128xf32, #tpu.memory_space<vmem>> -> memref<64x128xf32, #tpu.memory_space<vmem>>
        tpu.vector_store_idx %scatter3A_471[%add3A_52, %add3A_408], %gather3A_426 : memref<64x128xf32, #tpu.memory_space<vmem>>[vector<16xi32>, vector<16xi32>], vector<16xf32>,
        %scatter3A_472 = arith.constant 0 : i32
        %scatter3A_473 = arith.constant 0 : i32
        %scatter3A_474 = arith.constant 0 : i32
        %scatter3A_475 = tpu.memref_slice %arg6[%scatter3A_472, %scatter3A_473, %scatter3A_474] : memref<2x64x128xf32, #tpu.memory_space<vmem>> -> memref<1x64x128xf32, #tpu.memory_space<vmem>>
        %scatter3A_476 = tpu.memref_squeeze %scatter3A_475 : memref<1x64x128xf32, #tpu.memory_space<vmem>> -> memref<64x128xf32, #tpu.memory_space<vmem>>
        tpu.vector_store_idx %scatter3A_476[%add3A_58, %add3A_408], %gather3A_432 : memref<64x128xf32, #tpu.memory_space<vmem>>[vector<16xi32>, vector<16xi32>], vector<16xf32>,
        %scatter3A_477 = arith.constant 0 : i32
        %scatter3A_478 = arith.constant 0 : i32
        %scatter3A_479 = arith.constant 0 : i32
        %scatter3A_480 = tpu.memref_slice %arg6[%scatter3A_477, %scatter3A_478, %scatter3A_479] : memref<2x64x128xf32, #tpu.memory_space<vmem>> -> memref<1x64x128xf32, #tpu.memory_space<vmem>>
        %scatter3A_481 = tpu.memref_squeeze %scatter3A_480 : memref<1x64x128xf32, #tpu.memory_space<vmem>> -> memref<64x128xf32, #tpu.memory_space<vmem>>
        tpu.vector_store_idx %scatter3A_481[%add3A_64, %add3A_408], %gather3A_438 : memref<64x128xf32, #tpu.memory_space<vmem>>[vector<16xi32>, vector<16xi32>], vector<16xf32>,
        %scatter3A_482 = arith.constant 0 : i32
        %scatter3A_483 = arith.constant 0 : i32
        %scatter3A_484 = arith.constant 0 : i32
        %scatter3A_485 = tpu.memref_slice %arg6[%scatter3A_482, %scatter3A_483, %scatter3A_484] : memref<2x64x128xf32, #tpu.memory_space<vmem>> -> memref<1x64x128xf32, #tpu.memory_space<vmem>>
        %scatter3A_486 = tpu.memref_squeeze %scatter3A_485 : memref<1x64x128xf32, #tpu.memory_space<vmem>> -> memref<64x128xf32, #tpu.memory_space<vmem>>
        tpu.vector_store_idx %scatter3A_486[%add3A_70, %add3A_408], %gather3A_444 : memref<64x128xf32, #tpu.memory_space<vmem>>[vector<16xi32>, vector<16xi32>], vector<16xf32>,
        %scatter3A_487 = arith.constant 0 : i32
        %scatter3A_488 = arith.constant 0 : i32
        %scatter3A_489 = arith.constant 0 : i32
        %scatter3A_490 = tpu.memref_slice %arg6[%scatter3A_487, %scatter3A_488, %scatter3A_489] : memref<2x64x128xf32, #tpu.memory_space<vmem>> -> memref<1x64x128xf32, #tpu.memory_space<vmem>>
        %scatter3A_491 = tpu.memref_squeeze %scatter3A_490 : memref<1x64x128xf32, #tpu.memory_space<vmem>> -> memref<64x128xf32, #tpu.memory_space<vmem>>
        tpu.vector_store_idx %scatter3A_491[%add3A_76, %add3A_408], %gather3A_450 : memref<64x128xf32, #tpu.memory_space<vmem>>[vector<16xi32>, vector<16xi32>], vector<16xf32>,
        %scatter3A_492 = arith.constant 0 : i32
        %scatter3A_493 = arith.constant 0 : i32
        %scatter3A_494 = arith.constant 0 : i32
        %scatter3A_495 = tpu.memref_slice %arg6[%scatter3A_492, %scatter3A_493, %scatter3A_494] : memref<2x64x128xf32, #tpu.memory_space<vmem>> -> memref<1x64x128xf32, #tpu.memory_space<vmem>>
        %scatter3A_496 = tpu.memref_squeeze %scatter3A_495 : memref<1x64x128xf32, #tpu.memory_space<vmem>> -> memref<64x128xf32, #tpu.memory_space<vmem>>
        tpu.vector_store_idx %scatter3A_496[%add3A_82, %add3A_408], %gather3A_456 : memref<64x128xf32, #tpu.memory_space<vmem>>[vector<16xi32>, vector<16xi32>], vector<16xf32>,
      }
      %scan3A_218 = arith.constant 32 : i32
      %add3A_219 = arith.addi %add3A_6, %add3A_193 : i32
      %mul3A_220 = arith.constant 64 : i32
      %mul3A_221 = arith.muli %add3A_219, %mul3A_220 : i32
      %dma_start3A_222 = arith.constant 0 : i32
      %dma_start3A_223 = arith.constant 0 : i32
      %dma_start3A_224 = arith.constant 0 : i32
      %dma_start3A_225 = tpu.memref_slice %arg6[%dma_start3A_222, %dma_start3A_223, %dma_start3A_224] : memref<2x64x128xf32, #tpu.memory_space<vmem>> -> memref<1x64x128xf32, #tpu.memory_space<vmem>>
      %dma_start3A_226 = tpu.memref_squeeze %dma_start3A_225 : memref<1x64x128xf32, #tpu.memory_space<vmem>> -> memref<64x128xf32, #tpu.memory_space<vmem>>
      %dma_start3A_227 = arith.constant 0 : i32
      %dma_start3A_228 = tpu.memref_slice %arg4[%mul3A_221, %dma_start3A_227] : memref<500000x128xf32, #tpu.memory_space<hbm>> -> memref<64x128xf32, #tpu.memory_space<hbm>>
      %dma_start3A_229 = arith.constant 0 : i32
      %dma_start3A_230 = tpu.memref_slice %arg4[%mul3A_221, %dma_start3A_229] : memref<500000x128xf32, #tpu.memory_space<hbm>> -> memref<64x128xf32, #tpu.memory_space<hbm>>
      %dma_start3A_231 = arith.constant 0 : i32
      %dma_start3A_232 = arith.constant 0 : i32
      %dma_start3A_233 = tpu.memref_slice %arg6[%dma_start3A_222, %dma_start3A_231, %dma_start3A_232] : memref<2x64x128xf32, #tpu.memory_space<vmem>> -> memref<1x64x128xf32, #tpu.memory_space<vmem>>
      %dma_start3A_234 = tpu.memref_squeeze %dma_start3A_233 : memref<1x64x128xf32, #tpu.memory_space<vmem>> -> memref<64x128xf32, #tpu.memory_space<vmem>>
      tpu.enqueue_dma source(%dma_start3A_234 : memref<64x128xf32, #tpu.memory_space<vmem>>) target(%dma_start3A_230 : memref<64x128xf32, #tpu.memory_space<hbm>>) target_semaphore(%arg9 : memref<!tpu.dma_semaphore, #tpu.memory_space<semaphore_mem>>)
      %add3A_235 = arith.constant 2 : i32
      %add3A_236 = arith.addi %add3A_193, %add3A_235 : i32
      %lt3A_237 = arith.cmpi slt, %add3A_236, %add3A_11 : i32
      %convert_element_type3A_238 = arith.extui %lt3A_237 : i1 to i32
      %cond3A_239 = arith.constant 0 : i32
      %cond3A_240 = arith.cmpi ne, %convert_element_type3A_238, %cond3A_239 : i32
      scf.if %cond3A_240 {
        %add3A_294 = arith.constant 2 : i32
        %add3A_295 = arith.addi %add3A_193, %add3A_294 : i32
        %add3A_296 = arith.addi %add3A_6, %add3A_295 : i32
        %mul3A_297 = arith.constant 128 : i32
        %mul3A_298 = arith.muli %add3A_296, %mul3A_297 : i32
        %dma_start3A_299 = arith.constant 0 : i32
        %dma_start3A_300 = arith.constant 0 : i32
        %dma_start3A_301 = arith.constant 0 : i32
        %dma_start3A_302 = tpu.memref_slice %arg5[%dma_start3A_299, %dma_start3A_300, %dma_start3A_301] : memref<2x64x128xf32, #tpu.memory_space<vmem>> -> memref<1x64x128xf32, #tpu.memory_space<vmem>>
        %dma_start3A_303 = tpu.memref_squeeze %dma_start3A_302 : memref<1x64x128xf32, #tpu.memory_space<vmem>> -> memref<64x128xf32, #tpu.memory_space<vmem>>
        %dma_start3A_304 = arith.constant 0 : i32
        %dma_start3A_305 = tpu.memref_slice %arg2[%dma_start3A_304, %mul3A_298] : memref<64x1000000xf32, #tpu.memory_space<hbm>> -> memref<64x128xf32, #tpu.memory_space<hbm>>
        %dma_start3A_306 = arith.constant 0 : i32
        %dma_start3A_307 = arith.constant 0 : i32
        %dma_start3A_308 = tpu.memref_slice %arg5[%dma_start3A_299, %dma_start3A_306, %dma_start3A_307] : memref<2x64x128xf32, #tpu.memory_space<vmem>> -> memref<1x64x128xf32, #tpu.memory_space<vmem>>
        %dma_start3A_309 = tpu.memref_squeeze %dma_start3A_308 : memref<1x64x128xf32, #tpu.memory_space<vmem>> -> memref<64x128xf32, #tpu.memory_space<vmem>>
        %dma_start3A_310 = arith.constant 0 : i32
        %dma_start3A_311 = tpu.memref_slice %arg2[%dma_start3A_310, %mul3A_298] : memref<64x1000000xf32, #tpu.memory_space<hbm>> -> memref<64x128xf32, #tpu.memory_space<hbm>>
        tpu.enqueue_dma source(%dma_start3A_311 : memref<64x128xf32, #tpu.memory_space<hbm>>) target(%dma_start3A_309 : memref<64x128xf32, #tpu.memory_space<vmem>>) target_semaphore(%arg7 : memref<!tpu.dma_semaphore, #tpu.memory_space<semaphore_mem>>)
      } else {
      }
      %mul3A_241 = arith.constant 2 : i32
      %mul3A_242 = arith.muli %mul3A_241, %while3A_189 : i32
      %add3A_243 = arith.constant 1 : i32
      %add3A_244 = arith.addi %mul3A_242, %add3A_243 : i32
      %add3A_245 = arith.addi %add3A_6, %add3A_244 : i32
      %mul3A_246 = arith.constant 128 : i32
      %mul3A_247 = arith.muli %add3A_245, %mul3A_246 : i32
      %dma_wait3A_248 = arith.constant 1 : i32
      %dma_wait3A_249 = arith.constant 0 : i32
      %dma_wait3A_250 = arith.constant 0 : i32
      %dma_wait3A_251 = tpu.memref_slice %arg5[%dma_wait3A_248, %dma_wait3A_249, %dma_wait3A_250] : memref<2x64x128xf32, #tpu.memory_space<vmem>> -> memref<1x64x128xf32, #tpu.memory_space<vmem>>
      %dma_wait3A_252 = tpu.memref_squeeze %dma_wait3A_251 : memref<1x64x128xf32, #tpu.memory_space<vmem>> -> memref<64x128xf32, #tpu.memory_space<vmem>>
      %dma_wait3A_253 = arith.constant 0 : i32
      %dma_wait3A_254 = tpu.memref_slice %arg2[%dma_wait3A_253, %mul3A_247] : memref<64x1000000xf32, #tpu.memory_space<hbm>> -> memref<64x128xf32, #tpu.memory_space<hbm>>
      %dma_wait3A_255 = arith.constant 0 : i32
      %dma_wait3A_256 = arith.constant 0 : i32
      %dma_wait3A_257 = tpu.memref_slice %arg5[%dma_wait3A_248, %dma_wait3A_255, %dma_wait3A_256] : memref<2x64x128xf32, #tpu.memory_space<vmem>> -> memref<1x64x128xf32, #tpu.memory_space<vmem>>
      %dma_wait3A_258 = tpu.memref_squeeze %dma_wait3A_257 : memref<1x64x128xf32, #tpu.memory_space<vmem>> -> memref<64x128xf32, #tpu.memory_space<vmem>>
      %dma_wait3A_259 = arith.constant 0 : i32
      %dma_wait3A_260 = tpu.memref_slice %arg2[%dma_wait3A_259, %mul3A_247] : memref<64x1000000xf32, #tpu.memory_space<hbm>> -> memref<64x128xf32, #tpu.memory_space<hbm>>
      tpu.wait_dma2 semaphore(%arg8 : memref<!tpu.dma_semaphore, #tpu.memory_space<semaphore_mem>>) src(%dma_wait3A_260 : memref<64x128xf32, #tpu.memory_space<hbm>>) dst(%dma_wait3A_258 : memref<64x128xf32, #tpu.memory_space<vmem>>)
      %ge3A_261 = arith.constant 1 : i32
      %ge3A_262 = arith.cmpi sge, %while3A_189, %ge3A_261 : i32
      %convert_element_type3A_263 = arith.extui %ge3A_262 : i1 to i32
      %cond3A_264 = arith.constant 0 : i32
      %cond3A_265 = arith.cmpi ne, %convert_element_type3A_263, %cond3A_264 : i32
      scf.if %cond3A_265 {
        %sub3A_294 = arith.constant 2 : i32
        %sub3A_295 = arith.subi %add3A_244, %sub3A_294 : i32
        %add3A_296 = arith.addi %add3A_6, %sub3A_295 : i32
        %mul3A_297 = arith.constant 64 : i32
        %mul3A_298 = arith.muli %add3A_296, %mul3A_297 : i32
        %dma_wait3A_299 = arith.constant 1 : i32
        %dma_wait3A_300 = arith.constant 0 : i32
        %dma_wait3A_301 = arith.constant 0 : i32
        %dma_wait3A_302 = tpu.memref_slice %arg6[%dma_wait3A_299, %dma_wait3A_300, %dma_wait3A_301] : memref<2x64x128xf32, #tpu.memory_space<vmem>> -> memref<1x64x128xf32, #tpu.memory_space<vmem>>
        %dma_wait3A_303 = tpu.memref_squeeze %dma_wait3A_302 : memref<1x64x128xf32, #tpu.memory_space<vmem>> -> memref<64x128xf32, #tpu.memory_space<vmem>>
        %dma_wait3A_304 = arith.constant 0 : i32
        %dma_wait3A_305 = tpu.memref_slice %arg4[%mul3A_298, %dma_wait3A_304] : memref<500000x128xf32, #tpu.memory_space<hbm>> -> memref<64x128xf32, #tpu.memory_space<hbm>>
        %dma_wait3A_306 = arith.constant 0 : i32
        %dma_wait3A_307 = tpu.memref_slice %arg4[%mul3A_298, %dma_wait3A_306] : memref<500000x128xf32, #tpu.memory_space<hbm>> -> memref<64x128xf32, #tpu.memory_space<hbm>>
        %dma_wait3A_308 = arith.constant 0 : i32
        %dma_wait3A_309 = arith.constant 0 : i32
        %dma_wait3A_310 = tpu.memref_slice %arg6[%dma_wait3A_299, %dma_wait3A_308, %dma_wait3A_309] : memref<2x64x128xf32, #tpu.memory_space<vmem>> -> memref<1x64x128xf32, #tpu.memory_space<vmem>>
        %dma_wait3A_311 = tpu.memref_squeeze %dma_wait3A_310 : memref<1x64x128xf32, #tpu.memory_space<vmem>> -> memref<64x128xf32, #tpu.memory_space<vmem>>
        tpu.wait_dma2 semaphore(%arg10 : memref<!tpu.dma_semaphore, #tpu.memory_space<semaphore_mem>>) src(%dma_wait3A_311 : memref<64x128xf32, #tpu.memory_space<vmem>>) dst(%dma_wait3A_307 : memref<64x128xf32, #tpu.memory_space<hbm>>)
      } else {
      }
      %scan3A_266 = arith.constant 0 : i32
      %scan3A_267 = arith.constant 0 : i32
      %scan3A_268 = arith.constant 32 : i32
      %scan3A_269 = arith.addi %scan3A_267, %scan3A_268 : i32
      %scan3A_270 = arith.constant 1 : i32
      scf.for %scan3A_294 = %scan3A_267 to %scan3A_269 step %scan3A_270  : i32 {
        %mul3A_295 = arith.constant 2 : i32
        %mul3A_296 = arith.muli %mul3A_295, %scan3A_294 : i32
        %add3A_297 = arith.constant 0 : i32
        %add3A_298 = arith.addi %mul3A_296, %add3A_297 : i32
        %add3A_299 = vector.broadcast %add3A_298 : i32 to vector<16xi32>
        %add3A_300 = arith.addi %iota3A, %add3A_299 : vector<16xi32>
        %and3A_301 = arith.constant 15 : i32
        %and3A_302 = vector.broadcast %and3A_301 : i32 to vector<16xi32>
        %and3A_303 = arith.andi %add3A_300, %and3A_302 : vector<16xi32>
        %and3A_304 = arith.constant 48 : i32
        %and3A_305 = arith.andi %add3A_298, %and3A_304 : i32
        %add3A_306 = vector.broadcast %and3A_305 : i32 to vector<16xi32>
        %add3A_307 = arith.addi %and3A_303, %add3A_306 : vector<16xi32>
        %add3A_308 = arith.addi %mul3A_87, %add3A_307 : vector<16xi32>
        %gather3A = arith.constant 1 : i32
        %gather3A_309 = arith.constant 0 : i32
        %gather3A_310 = arith.constant 0 : i32
        %gather3A_311 = tpu.memref_slice %arg5[%gather3A, %gather3A_309, %gather3A_310] : memref<2x64x128xf32, #tpu.memory_space<vmem>> -> memref<1x64x128xf32, #tpu.memory_space<vmem>>
        %gather3A_312 = tpu.memref_squeeze %gather3A_311 : memref<1x64x128xf32, #tpu.memory_space<vmem>> -> memref<64x128xf32, #tpu.memory_space<vmem>>
        %gather3A_313 = tpu.vector_load_idx %gather3A_312[%add3A_307, %add3A_14] : memref<64x128xf32, #tpu.memory_space<vmem>>[vector<16xi32>, vector<16xi32>], vector<16xf32>,
        %gather3A_314 = arith.constant 1 : i32
        %gather3A_315 = arith.constant 0 : i32
        %gather3A_316 = arith.constant 0 : i32
        %gather3A_317 = tpu.memref_slice %arg5[%gather3A_314, %gather3A_315, %gather3A_316] : memref<2x64x128xf32, #tpu.memory_space<vmem>> -> memref<1x64x128xf32, #tpu.memory_space<vmem>>
        %gather3A_318 = tpu.memref_squeeze %gather3A_317 : memref<1x64x128xf32, #tpu.memory_space<vmem>> -> memref<64x128xf32, #tpu.memory_space<vmem>>
        %gather3A_319 = tpu.vector_load_idx %gather3A_318[%add3A_307, %add3A_17] : memref<64x128xf32, #tpu.memory_space<vmem>>[vector<16xi32>, vector<16xi32>], vector<16xf32>,
        %gather3A_320 = arith.constant 1 : i32
        %gather3A_321 = arith.constant 0 : i32
        %gather3A_322 = arith.constant 0 : i32
        %gather3A_323 = tpu.memref_slice %arg5[%gather3A_320, %gather3A_321, %gather3A_322] : memref<2x64x128xf32, #tpu.memory_space<vmem>> -> memref<1x64x128xf32, #tpu.memory_space<vmem>>
        %gather3A_324 = tpu.memref_squeeze %gather3A_323 : memref<1x64x128xf32, #tpu.memory_space<vmem>> -> memref<64x128xf32, #tpu.memory_space<vmem>>
        %gather3A_325 = tpu.vector_load_idx %gather3A_324[%add3A_307, %add3A_20] : memref<64x128xf32, #tpu.memory_space<vmem>>[vector<16xi32>, vector<16xi32>], vector<16xf32>,
        %gather3A_326 = arith.constant 1 : i32
        %gather3A_327 = arith.constant 0 : i32
        %gather3A_328 = arith.constant 0 : i32
        %gather3A_329 = tpu.memref_slice %arg5[%gather3A_326, %gather3A_327, %gather3A_328] : memref<2x64x128xf32, #tpu.memory_space<vmem>> -> memref<1x64x128xf32, #tpu.memory_space<vmem>>
        %gather3A_330 = tpu.memref_squeeze %gather3A_329 : memref<1x64x128xf32, #tpu.memory_space<vmem>> -> memref<64x128xf32, #tpu.memory_space<vmem>>
        %gather3A_331 = tpu.vector_load_idx %gather3A_330[%add3A_307, %add3A_23] : memref<64x128xf32, #tpu.memory_space<vmem>>[vector<16xi32>, vector<16xi32>], vector<16xf32>,
        %gather3A_332 = arith.constant 1 : i32
        %gather3A_333 = arith.constant 0 : i32
        %gather3A_334 = arith.constant 0 : i32
        %gather3A_335 = tpu.memref_slice %arg5[%gather3A_332, %gather3A_333, %gather3A_334] : memref<2x64x128xf32, #tpu.memory_space<vmem>> -> memref<1x64x128xf32, #tpu.memory_space<vmem>>
        %gather3A_336 = tpu.memref_squeeze %gather3A_335 : memref<1x64x128xf32, #tpu.memory_space<vmem>> -> memref<64x128xf32, #tpu.memory_space<vmem>>
        %gather3A_337 = tpu.vector_load_idx %gather3A_336[%add3A_307, %add3A_26] : memref<64x128xf32, #tpu.memory_space<vmem>>[vector<16xi32>, vector<16xi32>], vector<16xf32>,
        %gather3A_338 = arith.constant 1 : i32
        %gather3A_339 = arith.constant 0 : i32
        %gather3A_340 = arith.constant 0 : i32
        %gather3A_341 = tpu.memref_slice %arg5[%gather3A_338, %gather3A_339, %gather3A_340] : memref<2x64x128xf32, #tpu.memory_space<vmem>> -> memref<1x64x128xf32, #tpu.memory_space<vmem>>
        %gather3A_342 = tpu.memref_squeeze %gather3A_341 : memref<1x64x128xf32, #tpu.memory_space<vmem>> -> memref<64x128xf32, #tpu.memory_space<vmem>>
        %gather3A_343 = tpu.vector_load_idx %gather3A_342[%add3A_307, %add3A_29] : memref<64x128xf32, #tpu.memory_space<vmem>>[vector<16xi32>, vector<16xi32>], vector<16xf32>,
        %gather3A_344 = arith.constant 1 : i32
        %gather3A_345 = arith.constant 0 : i32
        %gather3A_346 = arith.constant 0 : i32
        %gather3A_347 = tpu.memref_slice %arg5[%gather3A_344, %gather3A_345, %gather3A_346] : memref<2x64x128xf32, #tpu.memory_space<vmem>> -> memref<1x64x128xf32, #tpu.memory_space<vmem>>
        %gather3A_348 = tpu.memref_squeeze %gather3A_347 : memref<1x64x128xf32, #tpu.memory_space<vmem>> -> memref<64x128xf32, #tpu.memory_space<vmem>>
        %gather3A_349 = tpu.vector_load_idx %gather3A_348[%add3A_307, %add3A_32] : memref<64x128xf32, #tpu.memory_space<vmem>>[vector<16xi32>, vector<16xi32>], vector<16xf32>,
        %gather3A_350 = arith.constant 1 : i32
        %gather3A_351 = arith.constant 0 : i32
        %gather3A_352 = arith.constant 0 : i32
        %gather3A_353 = tpu.memref_slice %arg5[%gather3A_350, %gather3A_351, %gather3A_352] : memref<2x64x128xf32, #tpu.memory_space<vmem>> -> memref<1x64x128xf32, #tpu.memory_space<vmem>>
        %gather3A_354 = tpu.memref_squeeze %gather3A_353 : memref<1x64x128xf32, #tpu.memory_space<vmem>> -> memref<64x128xf32, #tpu.memory_space<vmem>>
        %gather3A_355 = tpu.vector_load_idx %gather3A_354[%add3A_307, %add3A_35] : memref<64x128xf32, #tpu.memory_space<vmem>>[vector<16xi32>, vector<16xi32>], vector<16xf32>,
        %scatter3A = arith.constant 1 : i32
        %scatter3A_356 = arith.constant 0 : i32
        %scatter3A_357 = arith.constant 0 : i32
        %scatter3A_358 = tpu.memref_slice %arg6[%scatter3A, %scatter3A_356, %scatter3A_357] : memref<2x64x128xf32, #tpu.memory_space<vmem>> -> memref<1x64x128xf32, #tpu.memory_space<vmem>>
        %scatter3A_359 = tpu.memref_squeeze %scatter3A_358 : memref<1x64x128xf32, #tpu.memory_space<vmem>> -> memref<64x128xf32, #tpu.memory_space<vmem>>
        tpu.vector_store_idx %scatter3A_359[%add3A_40, %add3A_308], %gather3A_313 : memref<64x128xf32, #tpu.memory_space<vmem>>[vector<16xi32>, vector<16xi32>], vector<16xf32>,
        %scatter3A_360 = arith.constant 1 : i32
        %scatter3A_361 = arith.constant 0 : i32
        %scatter3A_362 = arith.constant 0 : i32
        %scatter3A_363 = tpu.memref_slice %arg6[%scatter3A_360, %scatter3A_361, %scatter3A_362] : memref<2x64x128xf32, #tpu.memory_space<vmem>> -> memref<1x64x128xf32, #tpu.memory_space<vmem>>
        %scatter3A_364 = tpu.memref_squeeze %scatter3A_363 : memref<1x64x128xf32, #tpu.memory_space<vmem>> -> memref<64x128xf32, #tpu.memory_space<vmem>>
        tpu.vector_store_idx %scatter3A_364[%add3A_46, %add3A_308], %gather3A_319 : memref<64x128xf32, #tpu.memory_space<vmem>>[vector<16xi32>, vector<16xi32>], vector<16xf32>,
        %scatter3A_365 = arith.constant 1 : i32
        %scatter3A_366 = arith.constant 0 : i32
        %scatter3A_367 = arith.constant 0 : i32
        %scatter3A_368 = tpu.memref_slice %arg6[%scatter3A_365, %scatter3A_366, %scatter3A_367] : memref<2x64x128xf32, #tpu.memory_space<vmem>> -> memref<1x64x128xf32, #tpu.memory_space<vmem>>
        %scatter3A_369 = tpu.memref_squeeze %scatter3A_368 : memref<1x64x128xf32, #tpu.memory_space<vmem>> -> memref<64x128xf32, #tpu.memory_space<vmem>>
        tpu.vector_store_idx %scatter3A_369[%add3A_52, %add3A_308], %gather3A_325 : memref<64x128xf32, #tpu.memory_space<vmem>>[vector<16xi32>, vector<16xi32>], vector<16xf32>,
        %scatter3A_370 = arith.constant 1 : i32
        %scatter3A_371 = arith.constant 0 : i32
        %scatter3A_372 = arith.constant 0 : i32
        %scatter3A_373 = tpu.memref_slice %arg6[%scatter3A_370, %scatter3A_371, %scatter3A_372] : memref<2x64x128xf32, #tpu.memory_space<vmem>> -> memref<1x64x128xf32, #tpu.memory_space<vmem>>
        %scatter3A_374 = tpu.memref_squeeze %scatter3A_373 : memref<1x64x128xf32, #tpu.memory_space<vmem>> -> memref<64x128xf32, #tpu.memory_space<vmem>>
        tpu.vector_store_idx %scatter3A_374[%add3A_58, %add3A_308], %gather3A_331 : memref<64x128xf32, #tpu.memory_space<vmem>>[vector<16xi32>, vector<16xi32>], vector<16xf32>,
        %scatter3A_375 = arith.constant 1 : i32
        %scatter3A_376 = arith.constant 0 : i32
        %scatter3A_377 = arith.constant 0 : i32
        %scatter3A_378 = tpu.memref_slice %arg6[%scatter3A_375, %scatter3A_376, %scatter3A_377] : memref<2x64x128xf32, #tpu.memory_space<vmem>> -> memref<1x64x128xf32, #tpu.memory_space<vmem>>
        %scatter3A_379 = tpu.memref_squeeze %scatter3A_378 : memref<1x64x128xf32, #tpu.memory_space<vmem>> -> memref<64x128xf32, #tpu.memory_space<vmem>>
        tpu.vector_store_idx %scatter3A_379[%add3A_64, %add3A_308], %gather3A_337 : memref<64x128xf32, #tpu.memory_space<vmem>>[vector<16xi32>, vector<16xi32>], vector<16xf32>,
        %scatter3A_380 = arith.constant 1 : i32
        %scatter3A_381 = arith.constant 0 : i32
        %scatter3A_382 = arith.constant 0 : i32
        %scatter3A_383 = tpu.memref_slice %arg6[%scatter3A_380, %scatter3A_381, %scatter3A_382] : memref<2x64x128xf32, #tpu.memory_space<vmem>> -> memref<1x64x128xf32, #tpu.memory_space<vmem>>
        %scatter3A_384 = tpu.memref_squeeze %scatter3A_383 : memref<1x64x128xf32, #tpu.memory_space<vmem>> -> memref<64x128xf32, #tpu.memory_space<vmem>>
        tpu.vector_store_idx %scatter3A_384[%add3A_70, %add3A_308], %gather3A_343 : memref<64x128xf32, #tpu.memory_space<vmem>>[vector<16xi32>, vector<16xi32>], vector<16xf32>,
        %scatter3A_385 = arith.constant 1 : i32
        %scatter3A_386 = arith.constant 0 : i32
        %scatter3A_387 = arith.constant 0 : i32
        %scatter3A_388 = tpu.memref_slice %arg6[%scatter3A_385, %scatter3A_386, %scatter3A_387] : memref<2x64x128xf32, #tpu.memory_space<vmem>> -> memref<1x64x128xf32, #tpu.memory_space<vmem>>
        %scatter3A_389 = tpu.memref_squeeze %scatter3A_388 : memref<1x64x128xf32, #tpu.memory_space<vmem>> -> memref<64x128xf32, #tpu.memory_space<vmem>>
        tpu.vector_store_idx %scatter3A_389[%add3A_76, %add3A_308], %gather3A_349 : memref<64x128xf32, #tpu.memory_space<vmem>>[vector<16xi32>, vector<16xi32>], vector<16xf32>,
        %scatter3A_390 = arith.constant 1 : i32
        %scatter3A_391 = arith.constant 0 : i32
        %scatter3A_392 = arith.constant 0 : i32
        %scatter3A_393 = tpu.memref_slice %arg6[%scatter3A_390, %scatter3A_391, %scatter3A_392] : memref<2x64x128xf32, #tpu.memory_space<vmem>> -> memref<1x64x128xf32, #tpu.memory_space<vmem>>
        %scatter3A_394 = tpu.memref_squeeze %scatter3A_393 : memref<1x64x128xf32, #tpu.memory_space<vmem>> -> memref<64x128xf32, #tpu.memory_space<vmem>>
        tpu.vector_store_idx %scatter3A_394[%add3A_82, %add3A_308], %gather3A_355 : memref<64x128xf32, #tpu.memory_space<vmem>>[vector<16xi32>, vector<16xi32>], vector<16xf32>,
        %mul3A_395 = arith.constant 2 : i32
        %mul3A_396 = arith.muli %mul3A_395, %scan3A_294 : i32
        %add3A_397 = arith.constant 1 : i32
        %add3A_398 = arith.addi %mul3A_396, %add3A_397 : i32
        %add3A_399 = vector.broadcast %add3A_398 : i32 to vector<16xi32>
        %add3A_400 = arith.addi %iota3A, %add3A_399 : vector<16xi32>
        %and3A_401 = arith.constant 15 : i32
        %and3A_402 = vector.broadcast %and3A_401 : i32 to vector<16xi32>
        %and3A_403 = arith.andi %add3A_400, %and3A_402 : vector<16xi32>
        %and3A_404 = arith.constant 48 : i32
        %and3A_405 = arith.andi %add3A_398, %and3A_404 : i32
        %add3A_406 = vector.broadcast %and3A_405 : i32 to vector<16xi32>
        %add3A_407 = arith.addi %and3A_403, %add3A_406 : vector<16xi32>
        %add3A_408 = arith.addi %mul3A_87, %add3A_407 : vector<16xi32>
        %gather3A_409 = arith.constant 1 : i32
        %gather3A_410 = arith.constant 0 : i32
        %gather3A_411 = arith.constant 0 : i32
        %gather3A_412 = tpu.memref_slice %arg5[%gather3A_409, %gather3A_410, %gather3A_411] : memref<2x64x128xf32, #tpu.memory_space<vmem>> -> memref<1x64x128xf32, #tpu.memory_space<vmem>>
        %gather3A_413 = tpu.memref_squeeze %gather3A_412 : memref<1x64x128xf32, #tpu.memory_space<vmem>> -> memref<64x128xf32, #tpu.memory_space<vmem>>
        %gather3A_414 = tpu.vector_load_idx %gather3A_413[%add3A_407, %add3A_14] : memref<64x128xf32, #tpu.memory_space<vmem>>[vector<16xi32>, vector<16xi32>], vector<16xf32>,
        %gather3A_415 = arith.constant 1 : i32
        %gather3A_416 = arith.constant 0 : i32
        %gather3A_417 = arith.constant 0 : i32
        %gather3A_418 = tpu.memref_slice %arg5[%gather3A_415, %gather3A_416, %gather3A_417] : memref<2x64x128xf32, #tpu.memory_space<vmem>> -> memref<1x64x128xf32, #tpu.memory_space<vmem>>
        %gather3A_419 = tpu.memref_squeeze %gather3A_418 : memref<1x64x128xf32, #tpu.memory_space<vmem>> -> memref<64x128xf32, #tpu.memory_space<vmem>>
        %gather3A_420 = tpu.vector_load_idx %gather3A_419[%add3A_407, %add3A_17] : memref<64x128xf32, #tpu.memory_space<vmem>>[vector<16xi32>, vector<16xi32>], vector<16xf32>,
        %gather3A_421 = arith.constant 1 : i32
        %gather3A_422 = arith.constant 0 : i32
        %gather3A_423 = arith.constant 0 : i32
        %gather3A_424 = tpu.memref_slice %arg5[%gather3A_421, %gather3A_422, %gather3A_423] : memref<2x64x128xf32, #tpu.memory_space<vmem>> -> memref<1x64x128xf32, #tpu.memory_space<vmem>>
        %gather3A_425 = tpu.memref_squeeze %gather3A_424 : memref<1x64x128xf32, #tpu.memory_space<vmem>> -> memref<64x128xf32, #tpu.memory_space<vmem>>
        %gather3A_426 = tpu.vector_load_idx %gather3A_425[%add3A_407, %add3A_20] : memref<64x128xf32, #tpu.memory_space<vmem>>[vector<16xi32>, vector<16xi32>], vector<16xf32>,
        %gather3A_427 = arith.constant 1 : i32
        %gather3A_428 = arith.constant 0 : i32
        %gather3A_429 = arith.constant 0 : i32
        %gather3A_430 = tpu.memref_slice %arg5[%gather3A_427, %gather3A_428, %gather3A_429] : memref<2x64x128xf32, #tpu.memory_space<vmem>> -> memref<1x64x128xf32, #tpu.memory_space<vmem>>
        %gather3A_431 = tpu.memref_squeeze %gather3A_430 : memref<1x64x128xf32, #tpu.memory_space<vmem>> -> memref<64x128xf32, #tpu.memory_space<vmem>>
        %gather3A_432 = tpu.vector_load_idx %gather3A_431[%add3A_407, %add3A_23] : memref<64x128xf32, #tpu.memory_space<vmem>>[vector<16xi32>, vector<16xi32>], vector<16xf32>,
        %gather3A_433 = arith.constant 1 : i32
        %gather3A_434 = arith.constant 0 : i32
        %gather3A_435 = arith.constant 0 : i32
        %gather3A_436 = tpu.memref_slice %arg5[%gather3A_433, %gather3A_434, %gather3A_435] : memref<2x64x128xf32, #tpu.memory_space<vmem>> -> memref<1x64x128xf32, #tpu.memory_space<vmem>>
        %gather3A_437 = tpu.memref_squeeze %gather3A_436 : memref<1x64x128xf32, #tpu.memory_space<vmem>> -> memref<64x128xf32, #tpu.memory_space<vmem>>
        %gather3A_438 = tpu.vector_load_idx %gather3A_437[%add3A_407, %add3A_26] : memref<64x128xf32, #tpu.memory_space<vmem>>[vector<16xi32>, vector<16xi32>], vector<16xf32>,
        %gather3A_439 = arith.constant 1 : i32
        %gather3A_440 = arith.constant 0 : i32
        %gather3A_441 = arith.constant 0 : i32
        %gather3A_442 = tpu.memref_slice %arg5[%gather3A_439, %gather3A_440, %gather3A_441] : memref<2x64x128xf32, #tpu.memory_space<vmem>> -> memref<1x64x128xf32, #tpu.memory_space<vmem>>
        %gather3A_443 = tpu.memref_squeeze %gather3A_442 : memref<1x64x128xf32, #tpu.memory_space<vmem>> -> memref<64x128xf32, #tpu.memory_space<vmem>>
        %gather3A_444 = tpu.vector_load_idx %gather3A_443[%add3A_407, %add3A_29] : memref<64x128xf32, #tpu.memory_space<vmem>>[vector<16xi32>, vector<16xi32>], vector<16xf32>,
        %gather3A_445 = arith.constant 1 : i32
        %gather3A_446 = arith.constant 0 : i32
        %gather3A_447 = arith.constant 0 : i32
        %gather3A_448 = tpu.memref_slice %arg5[%gather3A_445, %gather3A_446, %gather3A_447] : memref<2x64x128xf32, #tpu.memory_space<vmem>> -> memref<1x64x128xf32, #tpu.memory_space<vmem>>
        %gather3A_449 = tpu.memref_squeeze %gather3A_448 : memref<1x64x128xf32, #tpu.memory_space<vmem>> -> memref<64x128xf32, #tpu.memory_space<vmem>>
        %gather3A_450 = tpu.vector_load_idx %gather3A_449[%add3A_407, %add3A_32] : memref<64x128xf32, #tpu.memory_space<vmem>>[vector<16xi32>, vector<16xi32>], vector<16xf32>,
        %gather3A_451 = arith.constant 1 : i32
        %gather3A_452 = arith.constant 0 : i32
        %gather3A_453 = arith.constant 0 : i32
        %gather3A_454 = tpu.memref_slice %arg5[%gather3A_451, %gather3A_452, %gather3A_453] : memref<2x64x128xf32, #tpu.memory_space<vmem>> -> memref<1x64x128xf32, #tpu.memory_space<vmem>>
        %gather3A_455 = tpu.memref_squeeze %gather3A_454 : memref<1x64x128xf32, #tpu.memory_space<vmem>> -> memref<64x128xf32, #tpu.memory_space<vmem>>
        %gather3A_456 = tpu.vector_load_idx %gather3A_455[%add3A_407, %add3A_35] : memref<64x128xf32, #tpu.memory_space<vmem>>[vector<16xi32>, vector<16xi32>], vector<16xf32>,
        %scatter3A_457 = arith.constant 1 : i32
        %scatter3A_458 = arith.constant 0 : i32
        %scatter3A_459 = arith.constant 0 : i32
        %scatter3A_460 = tpu.memref_slice %arg6[%scatter3A_457, %scatter3A_458, %scatter3A_459] : memref<2x64x128xf32, #tpu.memory_space<vmem>> -> memref<1x64x128xf32, #tpu.memory_space<vmem>>
        %scatter3A_461 = tpu.memref_squeeze %scatter3A_460 : memref<1x64x128xf32, #tpu.memory_space<vmem>> -> memref<64x128xf32, #tpu.memory_space<vmem>>
        tpu.vector_store_idx %scatter3A_461[%add3A_40, %add3A_408], %gather3A_414 : memref<64x128xf32, #tpu.memory_space<vmem>>[vector<16xi32>, vector<16xi32>], vector<16xf32>,
        %scatter3A_462 = arith.constant 1 : i32
        %scatter3A_463 = arith.constant 0 : i32
        %scatter3A_464 = arith.constant 0 : i32
        %scatter3A_465 = tpu.memref_slice %arg6[%scatter3A_462, %scatter3A_463, %scatter3A_464] : memref<2x64x128xf32, #tpu.memory_space<vmem>> -> memref<1x64x128xf32, #tpu.memory_space<vmem>>
        %scatter3A_466 = tpu.memref_squeeze %scatter3A_465 : memref<1x64x128xf32, #tpu.memory_space<vmem>> -> memref<64x128xf32, #tpu.memory_space<vmem>>
        tpu.vector_store_idx %scatter3A_466[%add3A_46, %add3A_408], %gather3A_420 : memref<64x128xf32, #tpu.memory_space<vmem>>[vector<16xi32>, vector<16xi32>], vector<16xf32>,
        %scatter3A_467 = arith.constant 1 : i32
        %scatter3A_468 = arith.constant 0 : i32
        %scatter3A_469 = arith.constant 0 : i32
        %scatter3A_470 = tpu.memref_slice %arg6[%scatter3A_467, %scatter3A_468, %scatter3A_469] : memref<2x64x128xf32, #tpu.memory_space<vmem>> -> memref<1x64x128xf32, #tpu.memory_space<vmem>>
        %scatter3A_471 = tpu.memref_squeeze %scatter3A_470 : memref<1x64x128xf32, #tpu.memory_space<vmem>> -> memref<64x128xf32, #tpu.memory_space<vmem>>
        tpu.vector_store_idx %scatter3A_471[%add3A_52, %add3A_408], %gather3A_426 : memref<64x128xf32, #tpu.memory_space<vmem>>[vector<16xi32>, vector<16xi32>], vector<16xf32>,
        %scatter3A_472 = arith.constant 1 : i32
        %scatter3A_473 = arith.constant 0 : i32
        %scatter3A_474 = arith.constant 0 : i32
        %scatter3A_475 = tpu.memref_slice %arg6[%scatter3A_472, %scatter3A_473, %scatter3A_474] : memref<2x64x128xf32, #tpu.memory_space<vmem>> -> memref<1x64x128xf32, #tpu.memory_space<vmem>>
        %scatter3A_476 = tpu.memref_squeeze %scatter3A_475 : memref<1x64x128xf32, #tpu.memory_space<vmem>> -> memref<64x128xf32, #tpu.memory_space<vmem>>
        tpu.vector_store_idx %scatter3A_476[%add3A_58, %add3A_408], %gather3A_432 : memref<64x128xf32, #tpu.memory_space<vmem>>[vector<16xi32>, vector<16xi32>], vector<16xf32>,
        %scatter3A_477 = arith.constant 1 : i32
        %scatter3A_478 = arith.constant 0 : i32
        %scatter3A_479 = arith.constant 0 : i32
        %scatter3A_480 = tpu.memref_slice %arg6[%scatter3A_477, %scatter3A_478, %scatter3A_479] : memref<2x64x128xf32, #tpu.memory_space<vmem>> -> memref<1x64x128xf32, #tpu.memory_space<vmem>>
        %scatter3A_481 = tpu.memref_squeeze %scatter3A_480 : memref<1x64x128xf32, #tpu.memory_space<vmem>> -> memref<64x128xf32, #tpu.memory_space<vmem>>
        tpu.vector_store_idx %scatter3A_481[%add3A_64, %add3A_408], %gather3A_438 : memref<64x128xf32, #tpu.memory_space<vmem>>[vector<16xi32>, vector<16xi32>], vector<16xf32>,
        %scatter3A_482 = arith.constant 1 : i32
        %scatter3A_483 = arith.constant 0 : i32
        %scatter3A_484 = arith.constant 0 : i32
        %scatter3A_485 = tpu.memref_slice %arg6[%scatter3A_482, %scatter3A_483, %scatter3A_484] : memref<2x64x128xf32, #tpu.memory_space<vmem>> -> memref<1x64x128xf32, #tpu.memory_space<vmem>>
        %scatter3A_486 = tpu.memref_squeeze %scatter3A_485 : memref<1x64x128xf32, #tpu.memory_space<vmem>> -> memref<64x128xf32, #tpu.memory_space<vmem>>
        tpu.vector_store_idx %scatter3A_486[%add3A_70, %add3A_408], %gather3A_444 : memref<64x128xf32, #tpu.memory_space<vmem>>[vector<16xi32>, vector<16xi32>], vector<16xf32>,
        %scatter3A_487 = arith.constant 1 : i32
        %scatter3A_488 = arith.constant 0 : i32
        %scatter3A_489 = arith.constant 0 : i32
        %scatter3A_490 = tpu.memref_slice %arg6[%scatter3A_487, %scatter3A_488, %scatter3A_489] : memref<2x64x128xf32, #tpu.memory_space<vmem>> -> memref<1x64x128xf32, #tpu.memory_space<vmem>>
        %scatter3A_491 = tpu.memref_squeeze %scatter3A_490 : memref<1x64x128xf32, #tpu.memory_space<vmem>> -> memref<64x128xf32, #tpu.memory_space<vmem>>
        tpu.vector_store_idx %scatter3A_491[%add3A_76, %add3A_408], %gather3A_450 : memref<64x128xf32, #tpu.memory_space<vmem>>[vector<16xi32>, vector<16xi32>], vector<16xf32>,
        %scatter3A_492 = arith.constant 1 : i32
        %scatter3A_493 = arith.constant 0 : i32
        %scatter3A_494 = arith.constant 0 : i32
        %scatter3A_495 = tpu.memref_slice %arg6[%scatter3A_492, %scatter3A_493, %scatter3A_494] : memref<2x64x128xf32, #tpu.memory_space<vmem>> -> memref<1x64x128xf32, #tpu.memory_space<vmem>>
        %scatter3A_496 = tpu.memref_squeeze %scatter3A_495 : memref<1x64x128xf32, #tpu.memory_space<vmem>> -> memref<64x128xf32, #tpu.memory_space<vmem>>
        tpu.vector_store_idx %scatter3A_496[%add3A_82, %add3A_408], %gather3A_456 : memref<64x128xf32, #tpu.memory_space<vmem>>[vector<16xi32>, vector<16xi32>], vector<16xf32>,
      }
      %scan3A_271 = arith.constant 32 : i32
      %add3A_272 = arith.addi %add3A_6, %add3A_244 : i32
      %mul3A_273 = arith.constant 64 : i32
      %mul3A_274 = arith.muli %add3A_272, %mul3A_273 : i32
      %dma_start3A_275 = arith.constant 1 : i32
      %dma_start3A_276 = arith.constant 0 : i32
      %dma_start3A_277 = arith.constant 0 : i32
      %dma_start3A_278 = tpu.memref_slice %arg6[%dma_start3A_275, %dma_start3A_276, %dma_start3A_277] : memref<2x64x128xf32, #tpu.memory_space<vmem>> -> memref<1x64x128xf32, #tpu.memory_space<vmem>>
      %dma_start3A_279 = tpu.memref_squeeze %dma_start3A_278 : memref<1x64x128xf32, #tpu.memory_space<vmem>> -> memref<64x128xf32, #tpu.memory_space<vmem>>
      %dma_start3A_280 = arith.constant 0 : i32
      %dma_start3A_281 = tpu.memref_slice %arg4[%mul3A_274, %dma_start3A_280] : memref<500000x128xf32, #tpu.memory_space<hbm>> -> memref<64x128xf32, #tpu.memory_space<hbm>>
      %dma_start3A_282 = arith.constant 0 : i32
      %dma_start3A_283 = tpu.memref_slice %arg4[%mul3A_274, %dma_start3A_282] : memref<500000x128xf32, #tpu.memory_space<hbm>> -> memref<64x128xf32, #tpu.memory_space<hbm>>
      %dma_start3A_284 = arith.constant 0 : i32
      %dma_start3A_285 = arith.constant 0 : i32
      %dma_start3A_286 = tpu.memref_slice %arg6[%dma_start3A_275, %dma_start3A_284, %dma_start3A_285] : memref<2x64x128xf32, #tpu.memory_space<vmem>> -> memref<1x64x128xf32, #tpu.memory_space<vmem>>
      %dma_start3A_287 = tpu.memref_squeeze %dma_start3A_286 : memref<1x64x128xf32, #tpu.memory_space<vmem>> -> memref<64x128xf32, #tpu.memory_space<vmem>>
      tpu.enqueue_dma source(%dma_start3A_287 : memref<64x128xf32, #tpu.memory_space<vmem>>) target(%dma_start3A_283 : memref<64x128xf32, #tpu.memory_space<hbm>>) target_semaphore(%arg10 : memref<!tpu.dma_semaphore, #tpu.memory_space<semaphore_mem>>)
      %add3A_288 = arith.constant 2 : i32
      %add3A_289 = arith.addi %add3A_244, %add3A_288 : i32
      %lt3A_290 = arith.cmpi slt, %add3A_289, %add3A_11 : i32
      %convert_element_type3A_291 = arith.extui %lt3A_290 : i1 to i32
      %cond3A_292 = arith.constant 0 : i32
      %cond3A_293 = arith.cmpi ne, %convert_element_type3A_291, %cond3A_292 : i32
      scf.if %cond3A_293 {
        %add3A_294 = arith.constant 2 : i32
        %add3A_295 = arith.addi %add3A_244, %add3A_294 : i32
        %add3A_296 = arith.addi %add3A_6, %add3A_295 : i32
        %mul3A_297 = arith.constant 128 : i32
        %mul3A_298 = arith.muli %add3A_296, %mul3A_297 : i32
        %dma_start3A_299 = arith.constant 1 : i32
        %dma_start3A_300 = arith.constant 0 : i32
        %dma_start3A_301 = arith.constant 0 : i32
        %dma_start3A_302 = tpu.memref_slice %arg5[%dma_start3A_299, %dma_start3A_300, %dma_start3A_301] : memref<2x64x128xf32, #tpu.memory_space<vmem>> -> memref<1x64x128xf32, #tpu.memory_space<vmem>>
        %dma_start3A_303 = tpu.memref_squeeze %dma_start3A_302 : memref<1x64x128xf32, #tpu.memory_space<vmem>> -> memref<64x128xf32, #tpu.memory_space<vmem>>
        %dma_start3A_304 = arith.constant 0 : i32
        %dma_start3A_305 = tpu.memref_slice %arg2[%dma_start3A_304, %mul3A_298] : memref<64x1000000xf32, #tpu.memory_space<hbm>> -> memref<64x128xf32, #tpu.memory_space<hbm>>
        %dma_start3A_306 = arith.constant 0 : i32
        %dma_start3A_307 = arith.constant 0 : i32
        %dma_start3A_308 = tpu.memref_slice %arg5[%dma_start3A_299, %dma_start3A_306, %dma_start3A_307] : memref<2x64x128xf32, #tpu.memory_space<vmem>> -> memref<1x64x128xf32, #tpu.memory_space<vmem>>
        %dma_start3A_309 = tpu.memref_squeeze %dma_start3A_308 : memref<1x64x128xf32, #tpu.memory_space<vmem>> -> memref<64x128xf32, #tpu.memory_space<vmem>>
        %dma_start3A_310 = arith.constant 0 : i32
        %dma_start3A_311 = tpu.memref_slice %arg2[%dma_start3A_310, %mul3A_298] : memref<64x1000000xf32, #tpu.memory_space<hbm>> -> memref<64x128xf32, #tpu.memory_space<hbm>>
        tpu.enqueue_dma source(%dma_start3A_311 : memref<64x128xf32, #tpu.memory_space<hbm>>) target(%dma_start3A_309 : memref<64x128xf32, #tpu.memory_space<vmem>>) target_semaphore(%arg8 : memref<!tpu.dma_semaphore, #tpu.memory_space<semaphore_mem>>)
      } else {
      }
    }
    %sub3A_147 = arith.constant 2 : i32
    %sub3A_148 = arith.subi %add3A_11, %sub3A_147 : i32
    %add3A_149 = arith.constant 0 : i32
    %add3A_150 = arith.addi %sub3A_148, %add3A_149 : i32
    %add3A_151 = arith.addi %add3A_6, %add3A_150 : i32
    %mul3A_152 = arith.constant 64 : i32
    %mul3A_153 = arith.muli %add3A_151, %mul3A_152 : i32
    %dma_wait3A = arith.constant 0 : i32
    %dma_wait3A_154 = arith.constant 0 : i32
    %dma_wait3A_155 = arith.constant 0 : i32
    %dma_wait3A_156 = tpu.memref_slice %arg6[%dma_wait3A, %dma_wait3A_154, %dma_wait3A_155] : memref<2x64x128xf32, #tpu.memory_space<vmem>> -> memref<1x64x128xf32, #tpu.memory_space<vmem>>
    %dma_wait3A_157 = tpu.memref_squeeze %dma_wait3A_156 : memref<1x64x128xf32, #tpu.memory_space<vmem>> -> memref<64x128xf32, #tpu.memory_space<vmem>>
    %dma_wait3A_158 = arith.constant 0 : i32
    %dma_wait3A_159 = tpu.memref_slice %arg4[%mul3A_153, %dma_wait3A_158] : memref<500000x128xf32, #tpu.memory_space<hbm>> -> memref<64x128xf32, #tpu.memory_space<hbm>>
    %dma_wait3A_160 = arith.constant 0 : i32
    %dma_wait3A_161 = tpu.memref_slice %arg4[%mul3A_153, %dma_wait3A_160] : memref<500000x128xf32, #tpu.memory_space<hbm>> -> memref<64x128xf32, #tpu.memory_space<hbm>>
    %dma_wait3A_162 = arith.constant 0 : i32
    %dma_wait3A_163 = arith.constant 0 : i32
    %dma_wait3A_164 = tpu.memref_slice %arg6[%dma_wait3A, %dma_wait3A_162, %dma_wait3A_163] : memref<2x64x128xf32, #tpu.memory_space<vmem>> -> memref<1x64x128xf32, #tpu.memory_space<vmem>>
    %dma_wait3A_165 = tpu.memref_squeeze %dma_wait3A_164 : memref<1x64x128xf32, #tpu.memory_space<vmem>> -> memref<64x128xf32, #tpu.memory_space<vmem>>
    tpu.wait_dma2 semaphore(%arg9 : memref<!tpu.dma_semaphore, #tpu.memory_space<semaphore_mem>>) src(%dma_wait3A_165 : memref<64x128xf32, #tpu.memory_space<vmem>>) dst(%dma_wait3A_161 : memref<64x128xf32, #tpu.memory_space<hbm>>)
    %sub3A_166 = arith.constant 2 : i32
    %sub3A_167 = arith.subi %add3A_11, %sub3A_166 : i32
    %add3A_168 = arith.constant 1 : i32
    %add3A_169 = arith.addi %sub3A_167, %add3A_168 : i32
    %add3A_170 = arith.addi %add3A_6, %add3A_169 : i32
    %mul3A_171 = arith.constant 64 : i32
    %mul3A_172 = arith.muli %add3A_170, %mul3A_171 : i32
    %dma_wait3A_173 = arith.constant 1 : i32
    %dma_wait3A_174 = arith.constant 0 : i32
    %dma_wait3A_175 = arith.constant 0 : i32
    %dma_wait3A_176 = tpu.memref_slice %arg6[%dma_wait3A_173, %dma_wait3A_174, %dma_wait3A_175] : memref<2x64x128xf32, #tpu.memory_space<vmem>> -> memref<1x64x128xf32, #tpu.memory_space<vmem>>
    %dma_wait3A_177 = tpu.memref_squeeze %dma_wait3A_176 : memref<1x64x128xf32, #tpu.memory_space<vmem>> -> memref<64x128xf32, #tpu.memory_space<vmem>>
    %dma_wait3A_178 = arith.constant 0 : i32
    %dma_wait3A_179 = tpu.memref_slice %arg4[%mul3A_172, %dma_wait3A_178] : memref<500000x128xf32, #tpu.memory_space<hbm>> -> memref<64x128xf32, #tpu.memory_space<hbm>>
    %dma_wait3A_180 = arith.constant 0 : i32
    %dma_wait3A_181 = tpu.memref_slice %arg4[%mul3A_172, %dma_wait3A_180] : memref<500000x128xf32, #tpu.memory_space<hbm>> -> memref<64x128xf32, #tpu.memory_space<hbm>>
    %dma_wait3A_182 = arith.constant 0 : i32
    %dma_wait3A_183 = arith.constant 0 : i32
    %dma_wait3A_184 = tpu.memref_slice %arg6[%dma_wait3A_173, %dma_wait3A_182, %dma_wait3A_183] : memref<2x64x128xf32, #tpu.memory_space<vmem>> -> memref<1x64x128xf32, #tpu.memory_space<vmem>>
    %dma_wait3A_185 = tpu.memref_squeeze %dma_wait3A_184 : memref<1x64x128xf32, #tpu.memory_space<vmem>> -> memref<64x128xf32, #tpu.memory_space<vmem>>
    tpu.wait_dma2 semaphore(%arg10 : memref<!tpu.dma_semaphore, #tpu.memory_space<semaphore_mem>>) src(%dma_wait3A_185 : memref<64x128xf32, #tpu.memory_space<vmem>>) dst(%dma_wait3A_181 : memref<64x128xf32, #tpu.memory_space<hbm>>)
    %eq3A = arith.constant 0 : i32
    %eq3A_186 = arith.cmpi eq, %add3A, %eq3A : i32
    %convert_element_type3A_187 = arith.extui %eq3A_186 : i1 to i32
    %cond3A = arith.constant 0 : i32
    %cond3A_188 = arith.cmpi ne, %convert_element_type3A_187, %cond3A : i32
    scf.if %cond3A_188 {
      %run_scoped3A = arith.constant 0 : i32
      "tpu.region"() ({
        %run_scoped3A_190 = tpu.sem_alloc : memref<!tpu.dma_semaphore, #tpu.memory_space<semaphore_mem>>
        %dma_start3A_191 = arith.constant 0 : i32
        %dma_start3A_192 = arith.constant 0 : i32
        %dma_start3A_193 = tpu.memref_slice %arg6[%run_scoped3A, %dma_start3A_191, %dma_start3A_192] : memref<2x64x128xf32, #tpu.memory_space<vmem>> -> memref<1x32x128xf32, #tpu.memory_space<vmem>>
        %dma_start3A_194 = tpu.memref_squeeze %dma_start3A_193 : memref<1x32x128xf32, #tpu.memory_space<vmem>> -> memref<32x128xf32, #tpu.memory_space<vmem>>
        %dma_start3A_195 = arith.constant 0 : i32
        %dma_start3A_196 = arith.constant 0 : i32
        %dma_start3A_197 = tpu.memref_slice %arg6[%run_scoped3A, %dma_start3A_195, %dma_start3A_196] : memref<2x64x128xf32, #tpu.memory_space<vmem>> -> memref<1x32x128xf32, #tpu.memory_space<vmem>>
        %dma_start3A_198 = tpu.memref_squeeze %dma_start3A_197 : memref<1x32x128xf32, #tpu.memory_space<vmem>> -> memref<32x128xf32, #tpu.memory_space<vmem>>
        tpu.enqueue_dma source(%arg3 : memref<32x128xf32, #tpu.memory_space<hbm>>) target(%dma_start3A_198 : memref<32x128xf32, #tpu.memory_space<vmem>>) target_semaphore(%run_scoped3A_190 : memref<!tpu.dma_semaphore, #tpu.memory_space<semaphore_mem>>)
        %dma_wait3A_199 = arith.constant 0 : i32
        %dma_wait3A_200 = arith.constant 0 : i32
        %dma_wait3A_201 = tpu.memref_slice %arg6[%run_scoped3A, %dma_wait3A_199, %dma_wait3A_200] : memref<2x64x128xf32, #tpu.memory_space<vmem>> -> memref<1x32x128xf32, #tpu.memory_space<vmem>>
        %dma_wait3A_202 = tpu.memref_squeeze %dma_wait3A_201 : memref<1x32x128xf32, #tpu.memory_space<vmem>> -> memref<32x128xf32, #tpu.memory_space<vmem>>
        %dma_wait3A_203 = arith.constant 0 : i32
        %dma_wait3A_204 = arith.constant 0 : i32
        %dma_wait3A_205 = tpu.memref_slice %arg6[%run_scoped3A, %dma_wait3A_203, %dma_wait3A_204] : memref<2x64x128xf32, #tpu.memory_space<vmem>> -> memref<1x32x128xf32, #tpu.memory_space<vmem>>
        %dma_wait3A_206 = tpu.memref_squeeze %dma_wait3A_205 : memref<1x32x128xf32, #tpu.memory_space<vmem>> -> memref<32x128xf32, #tpu.memory_space<vmem>>
        tpu.wait_dma2 semaphore(%run_scoped3A_190 : memref<!tpu.dma_semaphore, #tpu.memory_space<semaphore_mem>>) src(%arg3 : memref<32x128xf32, #tpu.memory_space<hbm>>) dst(%dma_wait3A_206 : memref<32x128xf32, #tpu.memory_space<vmem>>)
        tpu.yield
      }) : () -> ()
      %run_scoped3A_189 = arith.constant 0 : i32
      "tpu.region"() ({
        %run_scoped3A_190 = tpu.sem_alloc : memref<!tpu.dma_semaphore, #tpu.memory_space<semaphore_mem>>
        %dma_start3A_191 = arith.constant 0 : i32
        %dma_start3A_192 = arith.constant 0 : i32
        %dma_start3A_193 = tpu.memref_slice %arg6[%run_scoped3A_189, %dma_start3A_191, %dma_start3A_192] : memref<2x64x128xf32, #tpu.memory_space<vmem>> -> memref<1x32x128xf32, #tpu.memory_space<vmem>>
        %dma_start3A_194 = tpu.memref_squeeze %dma_start3A_193 : memref<1x32x128xf32, #tpu.memory_space<vmem>> -> memref<32x128xf32, #tpu.memory_space<vmem>>
        %dma_start3A_195 = arith.constant 499968 : i32
        %dma_start3A_196 = arith.constant 0 : i32
        %dma_start3A_197 = tpu.memref_slice %arg4[%dma_start3A_195, %dma_start3A_196] : memref<500000x128xf32, #tpu.memory_space<hbm>> -> memref<32x128xf32, #tpu.memory_space<hbm>>
        %dma_start3A_198 = arith.constant 499968 : i32
        %dma_start3A_199 = arith.constant 0 : i32
        %dma_start3A_200 = tpu.memref_slice %arg4[%dma_start3A_198, %dma_start3A_199] : memref<500000x128xf32, #tpu.memory_space<hbm>> -> memref<32x128xf32, #tpu.memory_space<hbm>>
        %dma_start3A_201 = arith.constant 0 : i32
        %dma_start3A_202 = arith.constant 0 : i32
        %dma_start3A_203 = tpu.memref_slice %arg6[%run_scoped3A_189, %dma_start3A_201, %dma_start3A_202] : memref<2x64x128xf32, #tpu.memory_space<vmem>> -> memref<1x32x128xf32, #tpu.memory_space<vmem>>
        %dma_start3A_204 = tpu.memref_squeeze %dma_start3A_203 : memref<1x32x128xf32, #tpu.memory_space<vmem>> -> memref<32x128xf32, #tpu.memory_space<vmem>>
        tpu.enqueue_dma source(%dma_start3A_204 : memref<32x128xf32, #tpu.memory_space<vmem>>) target(%dma_start3A_200 : memref<32x128xf32, #tpu.memory_space<hbm>>) target_semaphore(%run_scoped3A_190 : memref<!tpu.dma_semaphore, #tpu.memory_space<semaphore_mem>>)
        %dma_wait3A_205 = arith.constant 0 : i32
        %dma_wait3A_206 = arith.constant 0 : i32
        %dma_wait3A_207 = tpu.memref_slice %arg6[%run_scoped3A_189, %dma_wait3A_205, %dma_wait3A_206] : memref<2x64x128xf32, #tpu.memory_space<vmem>> -> memref<1x32x128xf32, #tpu.memory_space<vmem>>
        %dma_wait3A_208 = tpu.memref_squeeze %dma_wait3A_207 : memref<1x32x128xf32, #tpu.memory_space<vmem>> -> memref<32x128xf32, #tpu.memory_space<vmem>>
        %dma_wait3A_209 = arith.constant 499968 : i32
        %dma_wait3A_210 = arith.constant 0 : i32
        %dma_wait3A_211 = tpu.memref_slice %arg4[%dma_wait3A_209, %dma_wait3A_210] : memref<500000x128xf32, #tpu.memory_space<hbm>> -> memref<32x128xf32, #tpu.memory_space<hbm>>
        %dma_wait3A_212 = arith.constant 499968 : i32
        %dma_wait3A_213 = arith.constant 0 : i32
        %dma_wait3A_214 = tpu.memref_slice %arg4[%dma_wait3A_212, %dma_wait3A_213] : memref<500000x128xf32, #tpu.memory_space<hbm>> -> memref<32x128xf32, #tpu.memory_space<hbm>>
        %dma_wait3A_215 = arith.constant 0 : i32
        %dma_wait3A_216 = arith.constant 0 : i32
        %dma_wait3A_217 = tpu.memref_slice %arg6[%run_scoped3A_189, %dma_wait3A_215, %dma_wait3A_216] : memref<2x64x128xf32, #tpu.memory_space<vmem>> -> memref<1x32x128xf32, #tpu.memory_space<vmem>>
        %dma_wait3A_218 = tpu.memref_squeeze %dma_wait3A_217 : memref<1x32x128xf32, #tpu.memory_space<vmem>> -> memref<32x128xf32, #tpu.memory_space<vmem>>
        tpu.wait_dma2 semaphore(%run_scoped3A_190 : memref<!tpu.dma_semaphore, #tpu.memory_space<semaphore_mem>>) src(%dma_wait3A_218 : memref<32x128xf32, #tpu.memory_space<vmem>>) dst(%dma_wait3A_214 : memref<32x128xf32, #tpu.memory_space<hbm>>)
        tpu.yield
      }) : () -> ()
    } else {
    }
    return
  }
}

#map = affine_map<(d0, d1) -> (0, 0)>
#map1 = affine_map<(d0, d1) -> (0, 0, 0)>
module attributes {stable_mosaic.version = 14 : i64} {
  func.func @_gather_body(%arg0: i32, %arg1: i32, %arg2: memref<200x4096xi32, #tpu.memory_space<hbm>>, %arg3: memref<500000x128xf32, #tpu.memory_space<hbm>>, %arg4: memref<200x64x4096xf32, #tpu.memory_space<hbm>>, %arg5: memref<200x128xi32, #tpu.memory_space<vmem>>, %arg6: memref<2x128xi32, #tpu.memory_space<vmem>>, %arg7: memref<2x128xi32, #tpu.memory_space<vmem>>, %arg8: memref<2x128x128xf32, #tpu.memory_space<vmem>>, %arg9: memref<2x64x128xf32, #tpu.memory_space<vmem>>, %arg10: memref<!tpu.dma_semaphore, #tpu.memory_space<semaphore_mem>>, %arg11: memref<!tpu.dma_semaphore, #tpu.memory_space<semaphore_mem>>, %arg12: memref<!tpu.dma_semaphore, #tpu.memory_space<semaphore_mem>>, %arg13: memref<!tpu.dma_semaphore, #tpu.memory_space<semaphore_mem>>) attributes {dimension_semantics = [#tpu.dimension_semantics<core_parallel>, #tpu.dimension_semantics<subcore_parallel>], iteration_bounds = array<i64: 2, 16>, scalar_prefetch = 0 : i64, scratch_operands = 9 : i64, tpu.core_type = #tpu.core_type<sc_vector_subcore>, window_params = [{transform_indices = #map}, {transform_indices = #map}, {transform_indices = #map1}]} {
    %mul3A = arith.constant 2 : i32
    %mul3A_0 = arith.muli %arg1, %mul3A : i32
    %add3A = arith.addi %mul3A_0, %arg0 : i32
    %mul3A_1 = arith.constant 128 : i32
    %mul3A_2 = arith.muli %add3A, %mul3A_1 : i32
    "tpu.region"() ({
      %run_scoped3A = tpu.sem_alloc : memref<!tpu.dma_semaphore, #tpu.memory_space<semaphore_mem>>
      %dma_start3A_418 = arith.constant 0 : i32
      %dma_start3A_419 = tpu.memref_slice %arg2[%dma_start3A_418, %mul3A_2] : memref<200x4096xi32, #tpu.memory_space<hbm>> -> memref<200x128xi32, #tpu.memory_space<hbm>>
      %dma_start3A_420 = arith.constant 0 : i32
      %dma_start3A_421 = tpu.memref_slice %arg2[%dma_start3A_420, %mul3A_2] : memref<200x4096xi32, #tpu.memory_space<hbm>> -> memref<200x128xi32, #tpu.memory_space<hbm>>
      tpu.enqueue_dma source(%dma_start3A_421 : memref<200x128xi32, #tpu.memory_space<hbm>>) target(%arg5 : memref<200x128xi32, #tpu.memory_space<vmem>>) target_semaphore(%run_scoped3A : memref<!tpu.dma_semaphore, #tpu.memory_space<semaphore_mem>>)
      %dma_wait3A_422 = arith.constant 0 : i32
      %dma_wait3A_423 = tpu.memref_slice %arg2[%dma_wait3A_422, %mul3A_2] : memref<200x4096xi32, #tpu.memory_space<hbm>> -> memref<200x128xi32, #tpu.memory_space<hbm>>
      %dma_wait3A_424 = arith.constant 0 : i32
      %dma_wait3A_425 = tpu.memref_slice %arg2[%dma_wait3A_424, %mul3A_2] : memref<200x4096xi32, #tpu.memory_space<hbm>> -> memref<200x128xi32, #tpu.memory_space<hbm>>
      tpu.wait_dma2 semaphore(%run_scoped3A : memref<!tpu.dma_semaphore, #tpu.memory_space<semaphore_mem>>) src(%dma_wait3A_425 : memref<200x128xi32, #tpu.memory_space<hbm>>) dst(%arg5 : memref<200x128xi32, #tpu.memory_space<vmem>>)
      tpu.yield
    }) : () -> ()
    %iota3A = tpu.iota {dimensions = array<i32: 0>} : vector<16xi32>
    %add3A_3 = arith.constant 0 : i32
    %add3A_4 = vector.broadcast %add3A_3 : i32 to vector<16xi32>
    %add3A_5 = arith.addi %add3A_4, %iota3A : vector<16xi32>
    %add3A_6 = arith.constant 16 : i32
    %add3A_7 = vector.broadcast %add3A_6 : i32 to vector<16xi32>
    %add3A_8 = arith.addi %add3A_7, %iota3A : vector<16xi32>
    %add3A_9 = arith.constant 32 : i32
    %add3A_10 = vector.broadcast %add3A_9 : i32 to vector<16xi32>
    %add3A_11 = arith.addi %add3A_10, %iota3A : vector<16xi32>
    %add3A_12 = arith.constant 48 : i32
    %add3A_13 = vector.broadcast %add3A_12 : i32 to vector<16xi32>
    %add3A_14 = arith.addi %add3A_13, %iota3A : vector<16xi32>
    %add3A_15 = arith.constant 64 : i32
    %add3A_16 = vector.broadcast %add3A_15 : i32 to vector<16xi32>
    %add3A_17 = arith.addi %add3A_16, %iota3A : vector<16xi32>
    %add3A_18 = arith.constant 80 : i32
    %add3A_19 = vector.broadcast %add3A_18 : i32 to vector<16xi32>
    %add3A_20 = arith.addi %add3A_19, %iota3A : vector<16xi32>
    %add3A_21 = arith.constant 96 : i32
    %add3A_22 = vector.broadcast %add3A_21 : i32 to vector<16xi32>
    %add3A_23 = arith.addi %add3A_22, %iota3A : vector<16xi32>
    %add3A_24 = arith.constant 112 : i32
    %add3A_25 = vector.broadcast %add3A_24 : i32 to vector<16xi32>
    %add3A_26 = arith.addi %add3A_25, %iota3A : vector<16xi32>
    %get3A = arith.constant 0 : i32
    %get3A_27 = arith.index_cast %get3A : i32 to index
    %get3A_28 = arith.constant 0 : index
    %get3A_29 = tpu.vector_load %arg5[%get3A_27, %get3A_28] {strides = array<i32>} : memref<200x128xi32, #tpu.memory_space<vmem>>, vector<16xi32>,
    %shift_right_logical3A = arith.constant 1 : i32
    %shift_right_logical3A_30 = vector.broadcast %shift_right_logical3A : i32 to vector<16xi32>
    %shift_right_logical3A_31 = arith.shrui %get3A_29, %shift_right_logical3A_30 : vector<16xi32>
    %swap3A = arith.constant 0 : i32
    %swap3A_32 = arith.index_cast %swap3A : i32 to index
    %swap3A_33 = arith.constant 0 : index
    %swap3A_34 = tpu.vector_load %arg6[%swap3A_32, %swap3A_33] {strides = array<i32>} : memref<2x128xi32, #tpu.memory_space<vmem>>, vector<16xi32>,
    tpu.vector_store %arg6[%swap3A_32, %swap3A_33], %shift_right_logical3A_31 {strides = array<i32>} : memref<2x128xi32, #tpu.memory_space<vmem>>, vector<16xi32>,
    %and3A = arith.constant 1 : i32
    %and3A_35 = vector.broadcast %and3A : i32 to vector<16xi32>
    %and3A_36 = arith.andi %get3A_29, %and3A_35 : vector<16xi32>
    %mul3A_37 = arith.constant 64 : i32
    %mul3A_38 = vector.broadcast %mul3A_37 : i32 to vector<16xi32>
    %mul3A_39 = arith.muli %and3A_36, %mul3A_38 : vector<16xi32>
    %swap3A_40 = arith.constant 0 : i32
    %swap3A_41 = arith.index_cast %swap3A_40 : i32 to index
    %swap3A_42 = arith.constant 0 : index
    %swap3A_43 = tpu.vector_load %arg7[%swap3A_41, %swap3A_42] {strides = array<i32>} : memref<2x128xi32, #tpu.memory_space<vmem>>, vector<16xi32>,
    tpu.vector_store %arg7[%swap3A_41, %swap3A_42], %mul3A_39 {strides = array<i32>} : memref<2x128xi32, #tpu.memory_space<vmem>>, vector<16xi32>,
    %get3A_44 = arith.constant 0 : i32
    %get3A_45 = arith.index_cast %get3A_44 : i32 to index
    %get3A_46 = arith.constant 16 : index
    %get3A_47 = tpu.vector_load %arg5[%get3A_45, %get3A_46] {strides = array<i32>} : memref<200x128xi32, #tpu.memory_space<vmem>>, vector<16xi32>,
    %shift_right_logical3A_48 = arith.constant 1 : i32
    %shift_right_logical3A_49 = vector.broadcast %shift_right_logical3A_48 : i32 to vector<16xi32>
    %shift_right_logical3A_50 = arith.shrui %get3A_47, %shift_right_logical3A_49 : vector<16xi32>
    %swap3A_51 = arith.constant 0 : i32
    %swap3A_52 = arith.index_cast %swap3A_51 : i32 to index
    %swap3A_53 = arith.constant 16 : index
    %swap3A_54 = tpu.vector_load %arg6[%swap3A_52, %swap3A_53] {strides = array<i32>} : memref<2x128xi32, #tpu.memory_space<vmem>>, vector<16xi32>,
    tpu.vector_store %arg6[%swap3A_52, %swap3A_53], %shift_right_logical3A_50 {strides = array<i32>} : memref<2x128xi32, #tpu.memory_space<vmem>>, vector<16xi32>,
    %and3A_55 = arith.constant 1 : i32
    %and3A_56 = vector.broadcast %and3A_55 : i32 to vector<16xi32>
    %and3A_57 = arith.andi %get3A_47, %and3A_56 : vector<16xi32>
    %mul3A_58 = arith.constant 64 : i32
    %mul3A_59 = vector.broadcast %mul3A_58 : i32 to vector<16xi32>
    %mul3A_60 = arith.muli %and3A_57, %mul3A_59 : vector<16xi32>
    %swap3A_61 = arith.constant 0 : i32
    %swap3A_62 = arith.index_cast %swap3A_61 : i32 to index
    %swap3A_63 = arith.constant 16 : index
    %swap3A_64 = tpu.vector_load %arg7[%swap3A_62, %swap3A_63] {strides = array<i32>} : memref<2x128xi32, #tpu.memory_space<vmem>>, vector<16xi32>,
    tpu.vector_store %arg7[%swap3A_62, %swap3A_63], %mul3A_60 {strides = array<i32>} : memref<2x128xi32, #tpu.memory_space<vmem>>, vector<16xi32>,
    %get3A_65 = arith.constant 0 : i32
    %get3A_66 = arith.index_cast %get3A_65 : i32 to index
    %get3A_67 = arith.constant 32 : index
    %get3A_68 = tpu.vector_load %arg5[%get3A_66, %get3A_67] {strides = array<i32>} : memref<200x128xi32, #tpu.memory_space<vmem>>, vector<16xi32>,
    %shift_right_logical3A_69 = arith.constant 1 : i32
    %shift_right_logical3A_70 = vector.broadcast %shift_right_logical3A_69 : i32 to vector<16xi32>
    %shift_right_logical3A_71 = arith.shrui %get3A_68, %shift_right_logical3A_70 : vector<16xi32>
    %swap3A_72 = arith.constant 0 : i32
    %swap3A_73 = arith.index_cast %swap3A_72 : i32 to index
    %swap3A_74 = arith.constant 32 : index
    %swap3A_75 = tpu.vector_load %arg6[%swap3A_73, %swap3A_74] {strides = array<i32>} : memref<2x128xi32, #tpu.memory_space<vmem>>, vector<16xi32>,
    tpu.vector_store %arg6[%swap3A_73, %swap3A_74], %shift_right_logical3A_71 {strides = array<i32>} : memref<2x128xi32, #tpu.memory_space<vmem>>, vector<16xi32>,
    %and3A_76 = arith.constant 1 : i32
    %and3A_77 = vector.broadcast %and3A_76 : i32 to vector<16xi32>
    %and3A_78 = arith.andi %get3A_68, %and3A_77 : vector<16xi32>
    %mul3A_79 = arith.constant 64 : i32
    %mul3A_80 = vector.broadcast %mul3A_79 : i32 to vector<16xi32>
    %mul3A_81 = arith.muli %and3A_78, %mul3A_80 : vector<16xi32>
    %swap3A_82 = arith.constant 0 : i32
    %swap3A_83 = arith.index_cast %swap3A_82 : i32 to index
    %swap3A_84 = arith.constant 32 : index
    %swap3A_85 = tpu.vector_load %arg7[%swap3A_83, %swap3A_84] {strides = array<i32>} : memref<2x128xi32, #tpu.memory_space<vmem>>, vector<16xi32>,
    tpu.vector_store %arg7[%swap3A_83, %swap3A_84], %mul3A_81 {strides = array<i32>} : memref<2x128xi32, #tpu.memory_space<vmem>>, vector<16xi32>,
    %get3A_86 = arith.constant 0 : i32
    %get3A_87 = arith.index_cast %get3A_86 : i32 to index
    %get3A_88 = arith.constant 48 : index
    %get3A_89 = tpu.vector_load %arg5[%get3A_87, %get3A_88] {strides = array<i32>} : memref<200x128xi32, #tpu.memory_space<vmem>>, vector<16xi32>,
    %shift_right_logical3A_90 = arith.constant 1 : i32
    %shift_right_logical3A_91 = vector.broadcast %shift_right_logical3A_90 : i32 to vector<16xi32>
    %shift_right_logical3A_92 = arith.shrui %get3A_89, %shift_right_logical3A_91 : vector<16xi32>
    %swap3A_93 = arith.constant 0 : i32
    %swap3A_94 = arith.index_cast %swap3A_93 : i32 to index
    %swap3A_95 = arith.constant 48 : index
    %swap3A_96 = tpu.vector_load %arg6[%swap3A_94, %swap3A_95] {strides = array<i32>} : memref<2x128xi32, #tpu.memory_space<vmem>>, vector<16xi32>,
    tpu.vector_store %arg6[%swap3A_94, %swap3A_95], %shift_right_logical3A_92 {strides = array<i32>} : memref<2x128xi32, #tpu.memory_space<vmem>>, vector<16xi32>,
    %and3A_97 = arith.constant 1 : i32
    %and3A_98 = vector.broadcast %and3A_97 : i32 to vector<16xi32>
    %and3A_99 = arith.andi %get3A_89, %and3A_98 : vector<16xi32>
    %mul3A_100 = arith.constant 64 : i32
    %mul3A_101 = vector.broadcast %mul3A_100 : i32 to vector<16xi32>
    %mul3A_102 = arith.muli %and3A_99, %mul3A_101 : vector<16xi32>
    %swap3A_103 = arith.constant 0 : i32
    %swap3A_104 = arith.index_cast %swap3A_103 : i32 to index
    %swap3A_105 = arith.constant 48 : index
    %swap3A_106 = tpu.vector_load %arg7[%swap3A_104, %swap3A_105] {strides = array<i32>} : memref<2x128xi32, #tpu.memory_space<vmem>>, vector<16xi32>,
    tpu.vector_store %arg7[%swap3A_104, %swap3A_105], %mul3A_102 {strides = array<i32>} : memref<2x128xi32, #tpu.memory_space<vmem>>, vector<16xi32>,
    %get3A_107 = arith.constant 0 : i32
    %get3A_108 = arith.index_cast %get3A_107 : i32 to index
    %get3A_109 = arith.constant 64 : index
    %get3A_110 = tpu.vector_load %arg5[%get3A_108, %get3A_109] {strides = array<i32>} : memref<200x128xi32, #tpu.memory_space<vmem>>, vector<16xi32>,
    %shift_right_logical3A_111 = arith.constant 1 : i32
    %shift_right_logical3A_112 = vector.broadcast %shift_right_logical3A_111 : i32 to vector<16xi32>
    %shift_right_logical3A_113 = arith.shrui %get3A_110, %shift_right_logical3A_112 : vector<16xi32>
    %swap3A_114 = arith.constant 0 : i32
    %swap3A_115 = arith.index_cast %swap3A_114 : i32 to index
    %swap3A_116 = arith.constant 64 : index
    %swap3A_117 = tpu.vector_load %arg6[%swap3A_115, %swap3A_116] {strides = array<i32>} : memref<2x128xi32, #tpu.memory_space<vmem>>, vector<16xi32>,
    tpu.vector_store %arg6[%swap3A_115, %swap3A_116], %shift_right_logical3A_113 {strides = array<i32>} : memref<2x128xi32, #tpu.memory_space<vmem>>, vector<16xi32>,
    %and3A_118 = arith.constant 1 : i32
    %and3A_119 = vector.broadcast %and3A_118 : i32 to vector<16xi32>
    %and3A_120 = arith.andi %get3A_110, %and3A_119 : vector<16xi32>
    %mul3A_121 = arith.constant 64 : i32
    %mul3A_122 = vector.broadcast %mul3A_121 : i32 to vector<16xi32>
    %mul3A_123 = arith.muli %and3A_120, %mul3A_122 : vector<16xi32>
    %swap3A_124 = arith.constant 0 : i32
    %swap3A_125 = arith.index_cast %swap3A_124 : i32 to index
    %swap3A_126 = arith.constant 64 : index
    %swap3A_127 = tpu.vector_load %arg7[%swap3A_125, %swap3A_126] {strides = array<i32>} : memref<2x128xi32, #tpu.memory_space<vmem>>, vector<16xi32>,
    tpu.vector_store %arg7[%swap3A_125, %swap3A_126], %mul3A_123 {strides = array<i32>} : memref<2x128xi32, #tpu.memory_space<vmem>>, vector<16xi32>,
    %get3A_128 = arith.constant 0 : i32
    %get3A_129 = arith.index_cast %get3A_128 : i32 to index
    %get3A_130 = arith.constant 80 : index
    %get3A_131 = tpu.vector_load %arg5[%get3A_129, %get3A_130] {strides = array<i32>} : memref<200x128xi32, #tpu.memory_space<vmem>>, vector<16xi32>,
    %shift_right_logical3A_132 = arith.constant 1 : i32
    %shift_right_logical3A_133 = vector.broadcast %shift_right_logical3A_132 : i32 to vector<16xi32>
    %shift_right_logical3A_134 = arith.shrui %get3A_131, %shift_right_logical3A_133 : vector<16xi32>
    %swap3A_135 = arith.constant 0 : i32
    %swap3A_136 = arith.index_cast %swap3A_135 : i32 to index
    %swap3A_137 = arith.constant 80 : index
    %swap3A_138 = tpu.vector_load %arg6[%swap3A_136, %swap3A_137] {strides = array<i32>} : memref<2x128xi32, #tpu.memory_space<vmem>>, vector<16xi32>,
    tpu.vector_store %arg6[%swap3A_136, %swap3A_137], %shift_right_logical3A_134 {strides = array<i32>} : memref<2x128xi32, #tpu.memory_space<vmem>>, vector<16xi32>,
    %and3A_139 = arith.constant 1 : i32
    %and3A_140 = vector.broadcast %and3A_139 : i32 to vector<16xi32>
    %and3A_141 = arith.andi %get3A_131, %and3A_140 : vector<16xi32>
    %mul3A_142 = arith.constant 64 : i32
    %mul3A_143 = vector.broadcast %mul3A_142 : i32 to vector<16xi32>
    %mul3A_144 = arith.muli %and3A_141, %mul3A_143 : vector<16xi32>
    %swap3A_145 = arith.constant 0 : i32
    %swap3A_146 = arith.index_cast %swap3A_145 : i32 to index
    %swap3A_147 = arith.constant 80 : index
    %swap3A_148 = tpu.vector_load %arg7[%swap3A_146, %swap3A_147] {strides = array<i32>} : memref<2x128xi32, #tpu.memory_space<vmem>>, vector<16xi32>,
    tpu.vector_store %arg7[%swap3A_146, %swap3A_147], %mul3A_144 {strides = array<i32>} : memref<2x128xi32, #tpu.memory_space<vmem>>, vector<16xi32>,
    %get3A_149 = arith.constant 0 : i32
    %get3A_150 = arith.index_cast %get3A_149 : i32 to index
    %get3A_151 = arith.constant 96 : index
    %get3A_152 = tpu.vector_load %arg5[%get3A_150, %get3A_151] {strides = array<i32>} : memref<200x128xi32, #tpu.memory_space<vmem>>, vector<16xi32>,
    %shift_right_logical3A_153 = arith.constant 1 : i32
    %shift_right_logical3A_154 = vector.broadcast %shift_right_logical3A_153 : i32 to vector<16xi32>
    %shift_right_logical3A_155 = arith.shrui %get3A_152, %shift_right_logical3A_154 : vector<16xi32>
    %swap3A_156 = arith.constant 0 : i32
    %swap3A_157 = arith.index_cast %swap3A_156 : i32 to index
    %swap3A_158 = arith.constant 96 : index
    %swap3A_159 = tpu.vector_load %arg6[%swap3A_157, %swap3A_158] {strides = array<i32>} : memref<2x128xi32, #tpu.memory_space<vmem>>, vector<16xi32>,
    tpu.vector_store %arg6[%swap3A_157, %swap3A_158], %shift_right_logical3A_155 {strides = array<i32>} : memref<2x128xi32, #tpu.memory_space<vmem>>, vector<16xi32>,
    %and3A_160 = arith.constant 1 : i32
    %and3A_161 = vector.broadcast %and3A_160 : i32 to vector<16xi32>
    %and3A_162 = arith.andi %get3A_152, %and3A_161 : vector<16xi32>
    %mul3A_163 = arith.constant 64 : i32
    %mul3A_164 = vector.broadcast %mul3A_163 : i32 to vector<16xi32>
    %mul3A_165 = arith.muli %and3A_162, %mul3A_164 : vector<16xi32>
    %swap3A_166 = arith.constant 0 : i32
    %swap3A_167 = arith.index_cast %swap3A_166 : i32 to index
    %swap3A_168 = arith.constant 96 : index
    %swap3A_169 = tpu.vector_load %arg7[%swap3A_167, %swap3A_168] {strides = array<i32>} : memref<2x128xi32, #tpu.memory_space<vmem>>, vector<16xi32>,
    tpu.vector_store %arg7[%swap3A_167, %swap3A_168], %mul3A_165 {strides = array<i32>} : memref<2x128xi32, #tpu.memory_space<vmem>>, vector<16xi32>,
    %get3A_170 = arith.constant 0 : i32
    %get3A_171 = arith.index_cast %get3A_170 : i32 to index
    %get3A_172 = arith.constant 112 : index
    %get3A_173 = tpu.vector_load %arg5[%get3A_171, %get3A_172] {strides = array<i32>} : memref<200x128xi32, #tpu.memory_space<vmem>>, vector<16xi32>,
    %shift_right_logical3A_174 = arith.constant 1 : i32
    %shift_right_logical3A_175 = vector.broadcast %shift_right_logical3A_174 : i32 to vector<16xi32>
    %shift_right_logical3A_176 = arith.shrui %get3A_173, %shift_right_logical3A_175 : vector<16xi32>
    %swap3A_177 = arith.constant 0 : i32
    %swap3A_178 = arith.index_cast %swap3A_177 : i32 to index
    %swap3A_179 = arith.constant 112 : index
    %swap3A_180 = tpu.vector_load %arg6[%swap3A_178, %swap3A_179] {strides = array<i32>} : memref<2x128xi32, #tpu.memory_space<vmem>>, vector<16xi32>,
    tpu.vector_store %arg6[%swap3A_178, %swap3A_179], %shift_right_logical3A_176 {strides = array<i32>} : memref<2x128xi32, #tpu.memory_space<vmem>>, vector<16xi32>,
    %and3A_181 = arith.constant 1 : i32
    %and3A_182 = vector.broadcast %and3A_181 : i32 to vector<16xi32>
    %and3A_183 = arith.andi %get3A_173, %and3A_182 : vector<16xi32>
    %mul3A_184 = arith.constant 64 : i32
    %mul3A_185 = vector.broadcast %mul3A_184 : i32 to vector<16xi32>
    %mul3A_186 = arith.muli %and3A_183, %mul3A_185 : vector<16xi32>
    %swap3A_187 = arith.constant 0 : i32
    %swap3A_188 = arith.index_cast %swap3A_187 : i32 to index
    %swap3A_189 = arith.constant 112 : index
    %swap3A_190 = tpu.vector_load %arg7[%swap3A_188, %swap3A_189] {strides = array<i32>} : memref<2x128xi32, #tpu.memory_space<vmem>>, vector<16xi32>,
    tpu.vector_store %arg7[%swap3A_188, %swap3A_189], %mul3A_186 {strides = array<i32>} : memref<2x128xi32, #tpu.memory_space<vmem>>, vector<16xi32>,
    %dma_start3A = arith.constant 0 : i32
    %dma_start3A_191 = arith.constant 0 : i32
    %dma_start3A_192 = arith.constant 0 : i32
    %dma_start3A_193 = arith.constant 0 : i32
    %dma_start3A_194 = tpu.memref_slice %arg8[%dma_start3A_191, %dma_start3A_192, %dma_start3A_193] : memref<2x128x128xf32, #tpu.memory_space<vmem>> -> memref<1x128x128xf32, #tpu.memory_space<vmem>>
    %dma_start3A_195 = tpu.memref_squeeze %dma_start3A_194 : memref<1x128x128xf32, #tpu.memory_space<vmem>> -> memref<128x128xf32, #tpu.memory_space<vmem>>
    %dma_start3A_196 = arith.constant 0 : i32
    %dma_start3A_197 = tpu.memref_slice %arg6[%dma_start3A, %dma_start3A_196] : memref<2x128xi32, #tpu.memory_space<vmem>> -> memref<1x128xi32, #tpu.memory_space<vmem>>
    %dma_start3A_198 = tpu.memref_squeeze %dma_start3A_197 : memref<1x128xi32, #tpu.memory_space<vmem>> -> memref<128xi32, #tpu.memory_space<vmem>>
    %dma_start3A_199 = arith.constant 0 : i32
    %dma_start3A_200 = arith.constant 0 : i32
    %dma_start3A_201 = tpu.memref_slice %arg3[%dma_start3A_199, %dma_start3A_200] : memref<500000x128xf32, #tpu.memory_space<hbm>> -> memref<500000x128xf32, #tpu.memory_space<hbm>>
    tpu.enqueue_indirect_dma source(%dma_start3A_201 : memref<500000x128xf32, #tpu.memory_space<hbm>>) target(%dma_start3A_195 : memref<128x128xf32, #tpu.memory_space<vmem>>) offsets(%dma_start3A_198 : memref<128xi32, #tpu.memory_space<vmem>>) semaphore(%arg10 : memref<!tpu.dma_semaphore, #tpu.memory_space<semaphore_mem>>)
    %get3A_202 = arith.constant 1 : i32
    %get3A_203 = arith.index_cast %get3A_202 : i32 to index
    %get3A_204 = arith.constant 0 : index
    %get3A_205 = tpu.vector_load %arg5[%get3A_203, %get3A_204] {strides = array<i32>} : memref<200x128xi32, #tpu.memory_space<vmem>>, vector<16xi32>,
    %shift_right_logical3A_206 = arith.constant 1 : i32
    %shift_right_logical3A_207 = vector.broadcast %shift_right_logical3A_206 : i32 to vector<16xi32>
    %shift_right_logical3A_208 = arith.shrui %get3A_205, %shift_right_logical3A_207 : vector<16xi32>
    %swap3A_209 = arith.constant 1 : i32
    %swap3A_210 = arith.index_cast %swap3A_209 : i32 to index
    %swap3A_211 = arith.constant 0 : index
    %swap3A_212 = tpu.vector_load %arg6[%swap3A_210, %swap3A_211] {strides = array<i32>} : memref<2x128xi32, #tpu.memory_space<vmem>>, vector<16xi32>,
    tpu.vector_store %arg6[%swap3A_210, %swap3A_211], %shift_right_logical3A_208 {strides = array<i32>} : memref<2x128xi32, #tpu.memory_space<vmem>>, vector<16xi32>,
    %and3A_213 = arith.constant 1 : i32
    %and3A_214 = vector.broadcast %and3A_213 : i32 to vector<16xi32>
    %and3A_215 = arith.andi %get3A_205, %and3A_214 : vector<16xi32>
    %mul3A_216 = arith.constant 64 : i32
    %mul3A_217 = vector.broadcast %mul3A_216 : i32 to vector<16xi32>
    %mul3A_218 = arith.muli %and3A_215, %mul3A_217 : vector<16xi32>
    %swap3A_219 = arith.constant 1 : i32
    %swap3A_220 = arith.index_cast %swap3A_219 : i32 to index
    %swap3A_221 = arith.constant 0 : index
    %swap3A_222 = tpu.vector_load %arg7[%swap3A_220, %swap3A_221] {strides = array<i32>} : memref<2x128xi32, #tpu.memory_space<vmem>>, vector<16xi32>,
    tpu.vector_store %arg7[%swap3A_220, %swap3A_221], %mul3A_218 {strides = array<i32>} : memref<2x128xi32, #tpu.memory_space<vmem>>, vector<16xi32>,
    %get3A_223 = arith.constant 1 : i32
    %get3A_224 = arith.index_cast %get3A_223 : i32 to index
    %get3A_225 = arith.constant 16 : index
    %get3A_226 = tpu.vector_load %arg5[%get3A_224, %get3A_225] {strides = array<i32>} : memref<200x128xi32, #tpu.memory_space<vmem>>, vector<16xi32>,
    %shift_right_logical3A_227 = arith.constant 1 : i32
    %shift_right_logical3A_228 = vector.broadcast %shift_right_logical3A_227 : i32 to vector<16xi32>
    %shift_right_logical3A_229 = arith.shrui %get3A_226, %shift_right_logical3A_228 : vector<16xi32>
    %swap3A_230 = arith.constant 1 : i32
    %swap3A_231 = arith.index_cast %swap3A_230 : i32 to index
    %swap3A_232 = arith.constant 16 : index
    %swap3A_233 = tpu.vector_load %arg6[%swap3A_231, %swap3A_232] {strides = array<i32>} : memref<2x128xi32, #tpu.memory_space<vmem>>, vector<16xi32>,
    tpu.vector_store %arg6[%swap3A_231, %swap3A_232], %shift_right_logical3A_229 {strides = array<i32>} : memref<2x128xi32, #tpu.memory_space<vmem>>, vector<16xi32>,
    %and3A_234 = arith.constant 1 : i32
    %and3A_235 = vector.broadcast %and3A_234 : i32 to vector<16xi32>
    %and3A_236 = arith.andi %get3A_226, %and3A_235 : vector<16xi32>
    %mul3A_237 = arith.constant 64 : i32
    %mul3A_238 = vector.broadcast %mul3A_237 : i32 to vector<16xi32>
    %mul3A_239 = arith.muli %and3A_236, %mul3A_238 : vector<16xi32>
    %swap3A_240 = arith.constant 1 : i32
    %swap3A_241 = arith.index_cast %swap3A_240 : i32 to index
    %swap3A_242 = arith.constant 16 : index
    %swap3A_243 = tpu.vector_load %arg7[%swap3A_241, %swap3A_242] {strides = array<i32>} : memref<2x128xi32, #tpu.memory_space<vmem>>, vector<16xi32>,
    tpu.vector_store %arg7[%swap3A_241, %swap3A_242], %mul3A_239 {strides = array<i32>} : memref<2x128xi32, #tpu.memory_space<vmem>>, vector<16xi32>,
    %get3A_244 = arith.constant 1 : i32
    %get3A_245 = arith.index_cast %get3A_244 : i32 to index
    %get3A_246 = arith.constant 32 : index
    %get3A_247 = tpu.vector_load %arg5[%get3A_245, %get3A_246] {strides = array<i32>} : memref<200x128xi32, #tpu.memory_space<vmem>>, vector<16xi32>,
    %shift_right_logical3A_248 = arith.constant 1 : i32
    %shift_right_logical3A_249 = vector.broadcast %shift_right_logical3A_248 : i32 to vector<16xi32>
    %shift_right_logical3A_250 = arith.shrui %get3A_247, %shift_right_logical3A_249 : vector<16xi32>
    %swap3A_251 = arith.constant 1 : i32
    %swap3A_252 = arith.index_cast %swap3A_251 : i32 to index
    %swap3A_253 = arith.constant 32 : index
    %swap3A_254 = tpu.vector_load %arg6[%swap3A_252, %swap3A_253] {strides = array<i32>} : memref<2x128xi32, #tpu.memory_space<vmem>>, vector<16xi32>,
    tpu.vector_store %arg6[%swap3A_252, %swap3A_253], %shift_right_logical3A_250 {strides = array<i32>} : memref<2x128xi32, #tpu.memory_space<vmem>>, vector<16xi32>,
    %and3A_255 = arith.constant 1 : i32
    %and3A_256 = vector.broadcast %and3A_255 : i32 to vector<16xi32>
    %and3A_257 = arith.andi %get3A_247, %and3A_256 : vector<16xi32>
    %mul3A_258 = arith.constant 64 : i32
    %mul3A_259 = vector.broadcast %mul3A_258 : i32 to vector<16xi32>
    %mul3A_260 = arith.muli %and3A_257, %mul3A_259 : vector<16xi32>
    %swap3A_261 = arith.constant 1 : i32
    %swap3A_262 = arith.index_cast %swap3A_261 : i32 to index
    %swap3A_263 = arith.constant 32 : index
    %swap3A_264 = tpu.vector_load %arg7[%swap3A_262, %swap3A_263] {strides = array<i32>} : memref<2x128xi32, #tpu.memory_space<vmem>>, vector<16xi32>,
    tpu.vector_store %arg7[%swap3A_262, %swap3A_263], %mul3A_260 {strides = array<i32>} : memref<2x128xi32, #tpu.memory_space<vmem>>, vector<16xi32>,
    %get3A_265 = arith.constant 1 : i32
    %get3A_266 = arith.index_cast %get3A_265 : i32 to index
    %get3A_267 = arith.constant 48 : index
    %get3A_268 = tpu.vector_load %arg5[%get3A_266, %get3A_267] {strides = array<i32>} : memref<200x128xi32, #tpu.memory_space<vmem>>, vector<16xi32>,
    %shift_right_logical3A_269 = arith.constant 1 : i32
    %shift_right_logical3A_270 = vector.broadcast %shift_right_logical3A_269 : i32 to vector<16xi32>
    %shift_right_logical3A_271 = arith.shrui %get3A_268, %shift_right_logical3A_270 : vector<16xi32>
    %swap3A_272 = arith.constant 1 : i32
    %swap3A_273 = arith.index_cast %swap3A_272 : i32 to index
    %swap3A_274 = arith.constant 48 : index
    %swap3A_275 = tpu.vector_load %arg6[%swap3A_273, %swap3A_274] {strides = array<i32>} : memref<2x128xi32, #tpu.memory_space<vmem>>, vector<16xi32>,
    tpu.vector_store %arg6[%swap3A_273, %swap3A_274], %shift_right_logical3A_271 {strides = array<i32>} : memref<2x128xi32, #tpu.memory_space<vmem>>, vector<16xi32>,
    %and3A_276 = arith.constant 1 : i32
    %and3A_277 = vector.broadcast %and3A_276 : i32 to vector<16xi32>
    %and3A_278 = arith.andi %get3A_268, %and3A_277 : vector<16xi32>
    %mul3A_279 = arith.constant 64 : i32
    %mul3A_280 = vector.broadcast %mul3A_279 : i32 to vector<16xi32>
    %mul3A_281 = arith.muli %and3A_278, %mul3A_280 : vector<16xi32>
    %swap3A_282 = arith.constant 1 : i32
    %swap3A_283 = arith.index_cast %swap3A_282 : i32 to index
    %swap3A_284 = arith.constant 48 : index
    %swap3A_285 = tpu.vector_load %arg7[%swap3A_283, %swap3A_284] {strides = array<i32>} : memref<2x128xi32, #tpu.memory_space<vmem>>, vector<16xi32>,
    tpu.vector_store %arg7[%swap3A_283, %swap3A_284], %mul3A_281 {strides = array<i32>} : memref<2x128xi32, #tpu.memory_space<vmem>>, vector<16xi32>,
    %get3A_286 = arith.constant 1 : i32
    %get3A_287 = arith.index_cast %get3A_286 : i32 to index
    %get3A_288 = arith.constant 64 : index
    %get3A_289 = tpu.vector_load %arg5[%get3A_287, %get3A_288] {strides = array<i32>} : memref<200x128xi32, #tpu.memory_space<vmem>>, vector<16xi32>,
    %shift_right_logical3A_290 = arith.constant 1 : i32
    %shift_right_logical3A_291 = vector.broadcast %shift_right_logical3A_290 : i32 to vector<16xi32>
    %shift_right_logical3A_292 = arith.shrui %get3A_289, %shift_right_logical3A_291 : vector<16xi32>
    %swap3A_293 = arith.constant 1 : i32
    %swap3A_294 = arith.index_cast %swap3A_293 : i32 to index
    %swap3A_295 = arith.constant 64 : index
    %swap3A_296 = tpu.vector_load %arg6[%swap3A_294, %swap3A_295] {strides = array<i32>} : memref<2x128xi32, #tpu.memory_space<vmem>>, vector<16xi32>,
    tpu.vector_store %arg6[%swap3A_294, %swap3A_295], %shift_right_logical3A_292 {strides = array<i32>} : memref<2x128xi32, #tpu.memory_space<vmem>>, vector<16xi32>,
    %and3A_297 = arith.constant 1 : i32
    %and3A_298 = vector.broadcast %and3A_297 : i32 to vector<16xi32>
    %and3A_299 = arith.andi %get3A_289, %and3A_298 : vector<16xi32>
    %mul3A_300 = arith.constant 64 : i32
    %mul3A_301 = vector.broadcast %mul3A_300 : i32 to vector<16xi32>
    %mul3A_302 = arith.muli %and3A_299, %mul3A_301 : vector<16xi32>
    %swap3A_303 = arith.constant 1 : i32
    %swap3A_304 = arith.index_cast %swap3A_303 : i32 to index
    %swap3A_305 = arith.constant 64 : index
    %swap3A_306 = tpu.vector_load %arg7[%swap3A_304, %swap3A_305] {strides = array<i32>} : memref<2x128xi32, #tpu.memory_space<vmem>>, vector<16xi32>,
    tpu.vector_store %arg7[%swap3A_304, %swap3A_305], %mul3A_302 {strides = array<i32>} : memref<2x128xi32, #tpu.memory_space<vmem>>, vector<16xi32>,
    %get3A_307 = arith.constant 1 : i32
    %get3A_308 = arith.index_cast %get3A_307 : i32 to index
    %get3A_309 = arith.constant 80 : index
    %get3A_310 = tpu.vector_load %arg5[%get3A_308, %get3A_309] {strides = array<i32>} : memref<200x128xi32, #tpu.memory_space<vmem>>, vector<16xi32>,
    %shift_right_logical3A_311 = arith.constant 1 : i32
    %shift_right_logical3A_312 = vector.broadcast %shift_right_logical3A_311 : i32 to vector<16xi32>
    %shift_right_logical3A_313 = arith.shrui %get3A_310, %shift_right_logical3A_312 : vector<16xi32>
    %swap3A_314 = arith.constant 1 : i32
    %swap3A_315 = arith.index_cast %swap3A_314 : i32 to index
    %swap3A_316 = arith.constant 80 : index
    %swap3A_317 = tpu.vector_load %arg6[%swap3A_315, %swap3A_316] {strides = array<i32>} : memref<2x128xi32, #tpu.memory_space<vmem>>, vector<16xi32>,
    tpu.vector_store %arg6[%swap3A_315, %swap3A_316], %shift_right_logical3A_313 {strides = array<i32>} : memref<2x128xi32, #tpu.memory_space<vmem>>, vector<16xi32>,
    %and3A_318 = arith.constant 1 : i32
    %and3A_319 = vector.broadcast %and3A_318 : i32 to vector<16xi32>
    %and3A_320 = arith.andi %get3A_310, %and3A_319 : vector<16xi32>
    %mul3A_321 = arith.constant 64 : i32
    %mul3A_322 = vector.broadcast %mul3A_321 : i32 to vector<16xi32>
    %mul3A_323 = arith.muli %and3A_320, %mul3A_322 : vector<16xi32>
    %swap3A_324 = arith.constant 1 : i32
    %swap3A_325 = arith.index_cast %swap3A_324 : i32 to index
    %swap3A_326 = arith.constant 80 : index
    %swap3A_327 = tpu.vector_load %arg7[%swap3A_325, %swap3A_326] {strides = array<i32>} : memref<2x128xi32, #tpu.memory_space<vmem>>, vector<16xi32>,
    tpu.vector_store %arg7[%swap3A_325, %swap3A_326], %mul3A_323 {strides = array<i32>} : memref<2x128xi32, #tpu.memory_space<vmem>>, vector<16xi32>,
    %get3A_328 = arith.constant 1 : i32
    %get3A_329 = arith.index_cast %get3A_328 : i32 to index
    %get3A_330 = arith.constant 96 : index
    %get3A_331 = tpu.vector_load %arg5[%get3A_329, %get3A_330] {strides = array<i32>} : memref<200x128xi32, #tpu.memory_space<vmem>>, vector<16xi32>,
    %shift_right_logical3A_332 = arith.constant 1 : i32
    %shift_right_logical3A_333 = vector.broadcast %shift_right_logical3A_332 : i32 to vector<16xi32>
    %shift_right_logical3A_334 = arith.shrui %get3A_331, %shift_right_logical3A_333 : vector<16xi32>
    %swap3A_335 = arith.constant 1 : i32
    %swap3A_336 = arith.index_cast %swap3A_335 : i32 to index
    %swap3A_337 = arith.constant 96 : index
    %swap3A_338 = tpu.vector_load %arg6[%swap3A_336, %swap3A_337] {strides = array<i32>} : memref<2x128xi32, #tpu.memory_space<vmem>>, vector<16xi32>,
    tpu.vector_store %arg6[%swap3A_336, %swap3A_337], %shift_right_logical3A_334 {strides = array<i32>} : memref<2x128xi32, #tpu.memory_space<vmem>>, vector<16xi32>,
    %and3A_339 = arith.constant 1 : i32
    %and3A_340 = vector.broadcast %and3A_339 : i32 to vector<16xi32>
    %and3A_341 = arith.andi %get3A_331, %and3A_340 : vector<16xi32>
    %mul3A_342 = arith.constant 64 : i32
    %mul3A_343 = vector.broadcast %mul3A_342 : i32 to vector<16xi32>
    %mul3A_344 = arith.muli %and3A_341, %mul3A_343 : vector<16xi32>
    %swap3A_345 = arith.constant 1 : i32
    %swap3A_346 = arith.index_cast %swap3A_345 : i32 to index
    %swap3A_347 = arith.constant 96 : index
    %swap3A_348 = tpu.vector_load %arg7[%swap3A_346, %swap3A_347] {strides = array<i32>} : memref<2x128xi32, #tpu.memory_space<vmem>>, vector<16xi32>,
    tpu.vector_store %arg7[%swap3A_346, %swap3A_347], %mul3A_344 {strides = array<i32>} : memref<2x128xi32, #tpu.memory_space<vmem>>, vector<16xi32>,
    %get3A_349 = arith.constant 1 : i32
    %get3A_350 = arith.index_cast %get3A_349 : i32 to index
    %get3A_351 = arith.constant 112 : index
    %get3A_352 = tpu.vector_load %arg5[%get3A_350, %get3A_351] {strides = array<i32>} : memref<200x128xi32, #tpu.memory_space<vmem>>, vector<16xi32>,
    %shift_right_logical3A_353 = arith.constant 1 : i32
    %shift_right_logical3A_354 = vector.broadcast %shift_right_logical3A_353 : i32 to vector<16xi32>
    %shift_right_logical3A_355 = arith.shrui %get3A_352, %shift_right_logical3A_354 : vector<16xi32>
    %swap3A_356 = arith.constant 1 : i32
    %swap3A_357 = arith.index_cast %swap3A_356 : i32 to index
    %swap3A_358 = arith.constant 112 : index
    %swap3A_359 = tpu.vector_load %arg6[%swap3A_357, %swap3A_358] {strides = array<i32>} : memref<2x128xi32, #tpu.memory_space<vmem>>, vector<16xi32>,
    tpu.vector_store %arg6[%swap3A_357, %swap3A_358], %shift_right_logical3A_355 {strides = array<i32>} : memref<2x128xi32, #tpu.memory_space<vmem>>, vector<16xi32>,
    %and3A_360 = arith.constant 1 : i32
    %and3A_361 = vector.broadcast %and3A_360 : i32 to vector<16xi32>
    %and3A_362 = arith.andi %get3A_352, %and3A_361 : vector<16xi32>
    %mul3A_363 = arith.constant 64 : i32
    %mul3A_364 = vector.broadcast %mul3A_363 : i32 to vector<16xi32>
    %mul3A_365 = arith.muli %and3A_362, %mul3A_364 : vector<16xi32>
    %swap3A_366 = arith.constant 1 : i32
    %swap3A_367 = arith.index_cast %swap3A_366 : i32 to index
    %swap3A_368 = arith.constant 112 : index
    %swap3A_369 = tpu.vector_load %arg7[%swap3A_367, %swap3A_368] {strides = array<i32>} : memref<2x128xi32, #tpu.memory_space<vmem>>, vector<16xi32>,
    tpu.vector_store %arg7[%swap3A_367, %swap3A_368], %mul3A_365 {strides = array<i32>} : memref<2x128xi32, #tpu.memory_space<vmem>>, vector<16xi32>,
    %dma_start3A_370 = arith.constant 1 : i32
    %dma_start3A_371 = arith.constant 1 : i32
    %dma_start3A_372 = arith.constant 0 : i32
    %dma_start3A_373 = arith.constant 0 : i32
    %dma_start3A_374 = tpu.memref_slice %arg8[%dma_start3A_371, %dma_start3A_372, %dma_start3A_373] : memref<2x128x128xf32, #tpu.memory_space<vmem>> -> memref<1x128x128xf32, #tpu.memory_space<vmem>>
    %dma_start3A_375 = tpu.memref_squeeze %dma_start3A_374 : memref<1x128x128xf32, #tpu.memory_space<vmem>> -> memref<128x128xf32, #tpu.memory_space<vmem>>
    %dma_start3A_376 = arith.constant 0 : i32
    %dma_start3A_377 = tpu.memref_slice %arg6[%dma_start3A_370, %dma_start3A_376] : memref<2x128xi32, #tpu.memory_space<vmem>> -> memref<1x128xi32, #tpu.memory_space<vmem>>
    %dma_start3A_378 = tpu.memref_squeeze %dma_start3A_377 : memref<1x128xi32, #tpu.memory_space<vmem>> -> memref<128xi32, #tpu.memory_space<vmem>>
    %dma_start3A_379 = arith.constant 0 : i32
    %dma_start3A_380 = arith.constant 0 : i32
    %dma_start3A_381 = tpu.memref_slice %arg3[%dma_start3A_379, %dma_start3A_380] : memref<500000x128xf32, #tpu.memory_space<hbm>> -> memref<500000x128xf32, #tpu.memory_space<hbm>>
    tpu.enqueue_indirect_dma source(%dma_start3A_381 : memref<500000x128xf32, #tpu.memory_space<hbm>>) target(%dma_start3A_375 : memref<128x128xf32, #tpu.memory_space<vmem>>) offsets(%dma_start3A_378 : memref<128xi32, #tpu.memory_space<vmem>>) semaphore(%arg11 : memref<!tpu.dma_semaphore, #tpu.memory_space<semaphore_mem>>)
    %scan3A = arith.constant 0 : i32
    %scan3A_382 = arith.constant 0 : i32
    %scan3A_383 = arith.constant 100 : i32
    %scan3A_384 = arith.addi %scan3A_382, %scan3A_383 : i32
    %scan3A_385 = arith.constant 1 : i32
    scf.for %scan3A_418 = %scan3A_382 to %scan3A_384 step %scan3A_385  : i32 {
      %mul3A_419 = arith.constant 2 : i32
      %mul3A_420 = arith.muli %mul3A_419, %scan3A_418 : i32
      %add3A_421 = arith.constant 0 : i32
      %add3A_422 = arith.addi %mul3A_420, %add3A_421 : i32
      %dma_wait3A_423 = arith.constant 0 : i32
      %dma_wait3A_424 = arith.constant 0 : i32
      %dma_wait3A_425 = arith.constant 0 : i32
      %dma_wait3A_426 = arith.constant 0 : i32
      %dma_wait3A_427 = tpu.memref_slice %arg8[%dma_wait3A_424, %dma_wait3A_425, %dma_wait3A_426] : memref<2x128x128xf32, #tpu.memory_space<vmem>> -> memref<1x128x128xf32, #tpu.memory_space<vmem>>
      %dma_wait3A_428 = tpu.memref_squeeze %dma_wait3A_427 : memref<1x128x128xf32, #tpu.memory_space<vmem>> -> memref<128x128xf32, #tpu.memory_space<vmem>>
      %dma_wait3A_429 = arith.constant 0 : i32
      %dma_wait3A_430 = tpu.memref_slice %arg6[%dma_wait3A_423, %dma_wait3A_429] : memref<2x128xi32, #tpu.memory_space<vmem>> -> memref<1x128xi32, #tpu.memory_space<vmem>>
      %dma_wait3A_431 = tpu.memref_squeeze %dma_wait3A_430 : memref<1x128xi32, #tpu.memory_space<vmem>> -> memref<128xi32, #tpu.memory_space<vmem>>
      %dma_wait3A_432 = arith.constant 0 : i32
      %dma_wait3A_433 = arith.constant 0 : i32
      %dma_wait3A_434 = tpu.memref_slice %arg3[%dma_wait3A_432, %dma_wait3A_433] : memref<500000x128xf32, #tpu.memory_space<hbm>> -> memref<500000x128xf32, #tpu.memory_space<hbm>>
      tpu.wait_indirect_dma semaphore(%arg10 : memref<!tpu.dma_semaphore, #tpu.memory_space<semaphore_mem>>) src(%dma_wait3A_434 : memref<500000x128xf32, #tpu.memory_space<hbm>>) dst(%dma_wait3A_428 : memref<128x128xf32, #tpu.memory_space<vmem>>)
      %ge3A = arith.constant 1 : i32
      %ge3A_435 = arith.cmpi sge, %scan3A_418, %ge3A : i32
      %convert_element_type3A = arith.extui %ge3A_435 : i1 to i32
      %cond3A = arith.constant 0 : i32
      %cond3A_436 = arith.cmpi ne, %convert_element_type3A, %cond3A : i32
      scf.if %cond3A_436 {
        %sub3A = arith.constant 2 : i32
        %sub3A_577 = arith.subi %add3A_422, %sub3A : i32
        %dma_wait3A_578 = arith.constant 0 : i32
        %dma_wait3A_579 = arith.constant 0 : i32
        %dma_wait3A_580 = arith.constant 0 : i32
        %dma_wait3A_581 = tpu.memref_slice %arg9[%dma_wait3A_578, %dma_wait3A_579, %dma_wait3A_580] : memref<2x64x128xf32, #tpu.memory_space<vmem>> -> memref<1x64x128xf32, #tpu.memory_space<vmem>>
        %dma_wait3A_582 = tpu.memref_squeeze %dma_wait3A_581 : memref<1x64x128xf32, #tpu.memory_space<vmem>> -> memref<64x128xf32, #tpu.memory_space<vmem>>
        %dma_wait3A_583 = arith.constant 0 : i32
        %dma_wait3A_584 = tpu.memref_slice %arg4[%sub3A_577, %dma_wait3A_583, %mul3A_2] : memref<200x64x4096xf32, #tpu.memory_space<hbm>> -> memref<1x64x128xf32, #tpu.memory_space<hbm>>
        %dma_wait3A_585 = tpu.memref_squeeze %dma_wait3A_584 : memref<1x64x128xf32, #tpu.memory_space<hbm>> -> memref<64x128xf32, #tpu.memory_space<hbm>>
        %dma_wait3A_586 = arith.constant 0 : i32
        %dma_wait3A_587 = tpu.memref_slice %arg4[%sub3A_577, %dma_wait3A_586, %mul3A_2] : memref<200x64x4096xf32, #tpu.memory_space<hbm>> -> memref<1x64x128xf32, #tpu.memory_space<hbm>>
        %dma_wait3A_588 = tpu.memref_squeeze %dma_wait3A_587 : memref<1x64x128xf32, #tpu.memory_space<hbm>> -> memref<64x128xf32, #tpu.memory_space<hbm>>
        %dma_wait3A_589 = arith.constant 0 : i32
        %dma_wait3A_590 = arith.constant 0 : i32
        %dma_wait3A_591 = tpu.memref_slice %arg9[%dma_wait3A_578, %dma_wait3A_589, %dma_wait3A_590] : memref<2x64x128xf32, #tpu.memory_space<vmem>> -> memref<1x64x128xf32, #tpu.memory_space<vmem>>
        %dma_wait3A_592 = tpu.memref_squeeze %dma_wait3A_591 : memref<1x64x128xf32, #tpu.memory_space<vmem>> -> memref<64x128xf32, #tpu.memory_space<vmem>>
        tpu.wait_dma2 semaphore(%arg12 : memref<!tpu.dma_semaphore, #tpu.memory_space<semaphore_mem>>) src(%dma_wait3A_592 : memref<64x128xf32, #tpu.memory_space<vmem>>) dst(%dma_wait3A_588 : memref<64x128xf32, #tpu.memory_space<hbm>>)
      } else {
      }
      %get3A_437 = arith.constant 0 : i32
      %get3A_438 = arith.index_cast %get3A_437 : i32 to index
      %get3A_439 = arith.constant 0 : index
      %get3A_440 = tpu.vector_load %arg7[%get3A_438, %get3A_439] {strides = array<i32>} : memref<2x128xi32, #tpu.memory_space<vmem>>, vector<16xi32>,
      %get3A_441 = arith.constant 0 : i32
      %get3A_442 = arith.index_cast %get3A_441 : i32 to index
      %get3A_443 = arith.constant 16 : index
      %get3A_444 = tpu.vector_load %arg7[%get3A_442, %get3A_443] {strides = array<i32>} : memref<2x128xi32, #tpu.memory_space<vmem>>, vector<16xi32>,
      %get3A_445 = arith.constant 0 : i32
      %get3A_446 = arith.index_cast %get3A_445 : i32 to index
      %get3A_447 = arith.constant 32 : index
      %get3A_448 = tpu.vector_load %arg7[%get3A_446, %get3A_447] {strides = array<i32>} : memref<2x128xi32, #tpu.memory_space<vmem>>, vector<16xi32>,
      %get3A_449 = arith.constant 0 : i32
      %get3A_450 = arith.index_cast %get3A_449 : i32 to index
      %get3A_451 = arith.constant 48 : index
      %get3A_452 = tpu.vector_load %arg7[%get3A_450, %get3A_451] {strides = array<i32>} : memref<2x128xi32, #tpu.memory_space<vmem>>, vector<16xi32>,
      %get3A_453 = arith.constant 0 : i32
      %get3A_454 = arith.index_cast %get3A_453 : i32 to index
      %get3A_455 = arith.constant 64 : index
      %get3A_456 = tpu.vector_load %arg7[%get3A_454, %get3A_455] {strides = array<i32>} : memref<2x128xi32, #tpu.memory_space<vmem>>, vector<16xi32>,
      %get3A_457 = arith.constant 0 : i32
      %get3A_458 = arith.index_cast %get3A_457 : i32 to index
      %get3A_459 = arith.constant 80 : index
      %get3A_460 = tpu.vector_load %arg7[%get3A_458, %get3A_459] {strides = array<i32>} : memref<2x128xi32, #tpu.memory_space<vmem>>, vector<16xi32>,
      %get3A_461 = arith.constant 0 : i32
      %get3A_462 = arith.index_cast %get3A_461 : i32 to index
      %get3A_463 = arith.constant 96 : index
      %get3A_464 = tpu.vector_load %arg7[%get3A_462, %get3A_463] {strides = array<i32>} : memref<2x128xi32, #tpu.memory_space<vmem>>, vector<16xi32>,
      %get3A_465 = arith.constant 0 : i32
      %get3A_466 = arith.index_cast %get3A_465 : i32 to index
      %get3A_467 = arith.constant 112 : index
      %get3A_468 = tpu.vector_load %arg7[%get3A_466, %get3A_467] {strides = array<i32>} : memref<2x128xi32, #tpu.memory_space<vmem>>, vector<16xi32>,
      %scan3A_469 = arith.constant 0 : i32
      %scan3A_470 = arith.constant 0 : i32
      %scan3A_471 = arith.constant 32 : i32
      %scan3A_472 = arith.addi %scan3A_470, %scan3A_471 : i32
      %scan3A_473 = arith.constant 1 : i32
      scf.for %scan3A_577 = %scan3A_470 to %scan3A_472 step %scan3A_473  : i32 {
        %mul3A_578 = arith.constant 2 : i32
        %mul3A_579 = arith.muli %mul3A_578, %scan3A_577 : i32
        %add3A_580 = arith.constant 0 : i32
        %add3A_581 = arith.addi %mul3A_579, %add3A_580 : i32
        %add3A_582 = vector.broadcast %add3A_581 : i32 to vector<16xi32>
        %add3A_583 = arith.addi %iota3A, %add3A_582 : vector<16xi32>
        %and3A_584 = arith.constant 15 : i32
        %and3A_585 = vector.broadcast %and3A_584 : i32 to vector<16xi32>
        %and3A_586 = arith.andi %add3A_583, %and3A_585 : vector<16xi32>
        %and3A_587 = arith.constant 48 : i32
        %and3A_588 = arith.andi %add3A_581, %and3A_587 : i32
        %add3A_589 = vector.broadcast %and3A_588 : i32 to vector<16xi32>
        %add3A_590 = arith.addi %and3A_586, %add3A_589 : vector<16xi32>
        %add3A_591 = arith.addi %get3A_440, %add3A_590 : vector<16xi32>
        %add3A_592 = arith.addi %get3A_444, %add3A_590 : vector<16xi32>
        %add3A_593 = arith.addi %get3A_448, %add3A_590 : vector<16xi32>
        %add3A_594 = arith.addi %get3A_452, %add3A_590 : vector<16xi32>
        %add3A_595 = arith.addi %get3A_456, %add3A_590 : vector<16xi32>
        %add3A_596 = arith.addi %get3A_460, %add3A_590 : vector<16xi32>
        %add3A_597 = arith.addi %get3A_464, %add3A_590 : vector<16xi32>
        %add3A_598 = arith.addi %get3A_468, %add3A_590 : vector<16xi32>
        %gather3A = arith.constant 0 : i32
        %gather3A_599 = arith.constant 0 : i32
        %gather3A_600 = arith.constant 0 : i32
        %gather3A_601 = tpu.memref_slice %arg8[%gather3A, %gather3A_599, %gather3A_600] : memref<2x128x128xf32, #tpu.memory_space<vmem>> -> memref<1x128x128xf32, #tpu.memory_space<vmem>>
        %gather3A_602 = tpu.memref_squeeze %gather3A_601 : memref<1x128x128xf32, #tpu.memory_space<vmem>> -> memref<128x128xf32, #tpu.memory_space<vmem>>
        %gather3A_603 = tpu.vector_load_idx %gather3A_602[%add3A_5, %add3A_591] : memref<128x128xf32, #tpu.memory_space<vmem>>[vector<16xi32>, vector<16xi32>], vector<16xf32>,
        %gather3A_604 = arith.constant 0 : i32
        %gather3A_605 = arith.constant 0 : i32
        %gather3A_606 = arith.constant 0 : i32
        %gather3A_607 = tpu.memref_slice %arg8[%gather3A_604, %gather3A_605, %gather3A_606] : memref<2x128x128xf32, #tpu.memory_space<vmem>> -> memref<1x128x128xf32, #tpu.memory_space<vmem>>
        %gather3A_608 = tpu.memref_squeeze %gather3A_607 : memref<1x128x128xf32, #tpu.memory_space<vmem>> -> memref<128x128xf32, #tpu.memory_space<vmem>>
        %gather3A_609 = tpu.vector_load_idx %gather3A_608[%add3A_8, %add3A_592] : memref<128x128xf32, #tpu.memory_space<vmem>>[vector<16xi32>, vector<16xi32>], vector<16xf32>,
        %gather3A_610 = arith.constant 0 : i32
        %gather3A_611 = arith.constant 0 : i32
        %gather3A_612 = arith.constant 0 : i32
        %gather3A_613 = tpu.memref_slice %arg8[%gather3A_610, %gather3A_611, %gather3A_612] : memref<2x128x128xf32, #tpu.memory_space<vmem>> -> memref<1x128x128xf32, #tpu.memory_space<vmem>>
        %gather3A_614 = tpu.memref_squeeze %gather3A_613 : memref<1x128x128xf32, #tpu.memory_space<vmem>> -> memref<128x128xf32, #tpu.memory_space<vmem>>
        %gather3A_615 = tpu.vector_load_idx %gather3A_614[%add3A_11, %add3A_593] : memref<128x128xf32, #tpu.memory_space<vmem>>[vector<16xi32>, vector<16xi32>], vector<16xf32>,
        %gather3A_616 = arith.constant 0 : i32
        %gather3A_617 = arith.constant 0 : i32
        %gather3A_618 = arith.constant 0 : i32
        %gather3A_619 = tpu.memref_slice %arg8[%gather3A_616, %gather3A_617, %gather3A_618] : memref<2x128x128xf32, #tpu.memory_space<vmem>> -> memref<1x128x128xf32, #tpu.memory_space<vmem>>
        %gather3A_620 = tpu.memref_squeeze %gather3A_619 : memref<1x128x128xf32, #tpu.memory_space<vmem>> -> memref<128x128xf32, #tpu.memory_space<vmem>>
        %gather3A_621 = tpu.vector_load_idx %gather3A_620[%add3A_14, %add3A_594] : memref<128x128xf32, #tpu.memory_space<vmem>>[vector<16xi32>, vector<16xi32>], vector<16xf32>,
        %gather3A_622 = arith.constant 0 : i32
        %gather3A_623 = arith.constant 0 : i32
        %gather3A_624 = arith.constant 0 : i32
        %gather3A_625 = tpu.memref_slice %arg8[%gather3A_622, %gather3A_623, %gather3A_624] : memref<2x128x128xf32, #tpu.memory_space<vmem>> -> memref<1x128x128xf32, #tpu.memory_space<vmem>>
        %gather3A_626 = tpu.memref_squeeze %gather3A_625 : memref<1x128x128xf32, #tpu.memory_space<vmem>> -> memref<128x128xf32, #tpu.memory_space<vmem>>
        %gather3A_627 = tpu.vector_load_idx %gather3A_626[%add3A_17, %add3A_595] : memref<128x128xf32, #tpu.memory_space<vmem>>[vector<16xi32>, vector<16xi32>], vector<16xf32>,
        %gather3A_628 = arith.constant 0 : i32
        %gather3A_629 = arith.constant 0 : i32
        %gather3A_630 = arith.constant 0 : i32
        %gather3A_631 = tpu.memref_slice %arg8[%gather3A_628, %gather3A_629, %gather3A_630] : memref<2x128x128xf32, #tpu.memory_space<vmem>> -> memref<1x128x128xf32, #tpu.memory_space<vmem>>
        %gather3A_632 = tpu.memref_squeeze %gather3A_631 : memref<1x128x128xf32, #tpu.memory_space<vmem>> -> memref<128x128xf32, #tpu.memory_space<vmem>>
        %gather3A_633 = tpu.vector_load_idx %gather3A_632[%add3A_20, %add3A_596] : memref<128x128xf32, #tpu.memory_space<vmem>>[vector<16xi32>, vector<16xi32>], vector<16xf32>,
        %gather3A_634 = arith.constant 0 : i32
        %gather3A_635 = arith.constant 0 : i32
        %gather3A_636 = arith.constant 0 : i32
        %gather3A_637 = tpu.memref_slice %arg8[%gather3A_634, %gather3A_635, %gather3A_636] : memref<2x128x128xf32, #tpu.memory_space<vmem>> -> memref<1x128x128xf32, #tpu.memory_space<vmem>>
        %gather3A_638 = tpu.memref_squeeze %gather3A_637 : memref<1x128x128xf32, #tpu.memory_space<vmem>> -> memref<128x128xf32, #tpu.memory_space<vmem>>
        %gather3A_639 = tpu.vector_load_idx %gather3A_638[%add3A_23, %add3A_597] : memref<128x128xf32, #tpu.memory_space<vmem>>[vector<16xi32>, vector<16xi32>], vector<16xf32>,
        %gather3A_640 = arith.constant 0 : i32
        %gather3A_641 = arith.constant 0 : i32
        %gather3A_642 = arith.constant 0 : i32
        %gather3A_643 = tpu.memref_slice %arg8[%gather3A_640, %gather3A_641, %gather3A_642] : memref<2x128x128xf32, #tpu.memory_space<vmem>> -> memref<1x128x128xf32, #tpu.memory_space<vmem>>
        %gather3A_644 = tpu.memref_squeeze %gather3A_643 : memref<1x128x128xf32, #tpu.memory_space<vmem>> -> memref<128x128xf32, #tpu.memory_space<vmem>>
        %gather3A_645 = tpu.vector_load_idx %gather3A_644[%add3A_26, %add3A_598] : memref<128x128xf32, #tpu.memory_space<vmem>>[vector<16xi32>, vector<16xi32>], vector<16xf32>,
        %scatter3A = arith.constant 0 : i32
        %scatter3A_646 = arith.constant 0 : i32
        %scatter3A_647 = arith.constant 0 : i32
        %scatter3A_648 = tpu.memref_slice %arg9[%scatter3A, %scatter3A_646, %scatter3A_647] : memref<2x64x128xf32, #tpu.memory_space<vmem>> -> memref<1x64x128xf32, #tpu.memory_space<vmem>>
        %scatter3A_649 = tpu.memref_squeeze %scatter3A_648 : memref<1x64x128xf32, #tpu.memory_space<vmem>> -> memref<64x128xf32, #tpu.memory_space<vmem>>
        tpu.vector_store_idx %scatter3A_649[%add3A_590, %add3A_5], %gather3A_603 : memref<64x128xf32, #tpu.memory_space<vmem>>[vector<16xi32>, vector<16xi32>], vector<16xf32>,
        %scatter3A_650 = arith.constant 0 : i32
        %scatter3A_651 = arith.constant 0 : i32
        %scatter3A_652 = arith.constant 0 : i32
        %scatter3A_653 = tpu.memref_slice %arg9[%scatter3A_650, %scatter3A_651, %scatter3A_652] : memref<2x64x128xf32, #tpu.memory_space<vmem>> -> memref<1x64x128xf32, #tpu.memory_space<vmem>>
        %scatter3A_654 = tpu.memref_squeeze %scatter3A_653 : memref<1x64x128xf32, #tpu.memory_space<vmem>> -> memref<64x128xf32, #tpu.memory_space<vmem>>
        tpu.vector_store_idx %scatter3A_654[%add3A_590, %add3A_8], %gather3A_609 : memref<64x128xf32, #tpu.memory_space<vmem>>[vector<16xi32>, vector<16xi32>], vector<16xf32>,
        %scatter3A_655 = arith.constant 0 : i32
        %scatter3A_656 = arith.constant 0 : i32
        %scatter3A_657 = arith.constant 0 : i32
        %scatter3A_658 = tpu.memref_slice %arg9[%scatter3A_655, %scatter3A_656, %scatter3A_657] : memref<2x64x128xf32, #tpu.memory_space<vmem>> -> memref<1x64x128xf32, #tpu.memory_space<vmem>>
        %scatter3A_659 = tpu.memref_squeeze %scatter3A_658 : memref<1x64x128xf32, #tpu.memory_space<vmem>> -> memref<64x128xf32, #tpu.memory_space<vmem>>
        tpu.vector_store_idx %scatter3A_659[%add3A_590, %add3A_11], %gather3A_615 : memref<64x128xf32, #tpu.memory_space<vmem>>[vector<16xi32>, vector<16xi32>], vector<16xf32>,
        %scatter3A_660 = arith.constant 0 : i32
        %scatter3A_661 = arith.constant 0 : i32
        %scatter3A_662 = arith.constant 0 : i32
        %scatter3A_663 = tpu.memref_slice %arg9[%scatter3A_660, %scatter3A_661, %scatter3A_662] : memref<2x64x128xf32, #tpu.memory_space<vmem>> -> memref<1x64x128xf32, #tpu.memory_space<vmem>>
        %scatter3A_664 = tpu.memref_squeeze %scatter3A_663 : memref<1x64x128xf32, #tpu.memory_space<vmem>> -> memref<64x128xf32, #tpu.memory_space<vmem>>
        tpu.vector_store_idx %scatter3A_664[%add3A_590, %add3A_14], %gather3A_621 : memref<64x128xf32, #tpu.memory_space<vmem>>[vector<16xi32>, vector<16xi32>], vector<16xf32>,
        %scatter3A_665 = arith.constant 0 : i32
        %scatter3A_666 = arith.constant 0 : i32
        %scatter3A_667 = arith.constant 0 : i32
        %scatter3A_668 = tpu.memref_slice %arg9[%scatter3A_665, %scatter3A_666, %scatter3A_667] : memref<2x64x128xf32, #tpu.memory_space<vmem>> -> memref<1x64x128xf32, #tpu.memory_space<vmem>>
        %scatter3A_669 = tpu.memref_squeeze %scatter3A_668 : memref<1x64x128xf32, #tpu.memory_space<vmem>> -> memref<64x128xf32, #tpu.memory_space<vmem>>
        tpu.vector_store_idx %scatter3A_669[%add3A_590, %add3A_17], %gather3A_627 : memref<64x128xf32, #tpu.memory_space<vmem>>[vector<16xi32>, vector<16xi32>], vector<16xf32>,
        %scatter3A_670 = arith.constant 0 : i32
        %scatter3A_671 = arith.constant 0 : i32
        %scatter3A_672 = arith.constant 0 : i32
        %scatter3A_673 = tpu.memref_slice %arg9[%scatter3A_670, %scatter3A_671, %scatter3A_672] : memref<2x64x128xf32, #tpu.memory_space<vmem>> -> memref<1x64x128xf32, #tpu.memory_space<vmem>>
        %scatter3A_674 = tpu.memref_squeeze %scatter3A_673 : memref<1x64x128xf32, #tpu.memory_space<vmem>> -> memref<64x128xf32, #tpu.memory_space<vmem>>
        tpu.vector_store_idx %scatter3A_674[%add3A_590, %add3A_20], %gather3A_633 : memref<64x128xf32, #tpu.memory_space<vmem>>[vector<16xi32>, vector<16xi32>], vector<16xf32>,
        %scatter3A_675 = arith.constant 0 : i32
        %scatter3A_676 = arith.constant 0 : i32
        %scatter3A_677 = arith.constant 0 : i32
        %scatter3A_678 = tpu.memref_slice %arg9[%scatter3A_675, %scatter3A_676, %scatter3A_677] : memref<2x64x128xf32, #tpu.memory_space<vmem>> -> memref<1x64x128xf32, #tpu.memory_space<vmem>>
        %scatter3A_679 = tpu.memref_squeeze %scatter3A_678 : memref<1x64x128xf32, #tpu.memory_space<vmem>> -> memref<64x128xf32, #tpu.memory_space<vmem>>
        tpu.vector_store_idx %scatter3A_679[%add3A_590, %add3A_23], %gather3A_639 : memref<64x128xf32, #tpu.memory_space<vmem>>[vector<16xi32>, vector<16xi32>], vector<16xf32>,
        %scatter3A_680 = arith.constant 0 : i32
        %scatter3A_681 = arith.constant 0 : i32
        %scatter3A_682 = arith.constant 0 : i32
        %scatter3A_683 = tpu.memref_slice %arg9[%scatter3A_680, %scatter3A_681, %scatter3A_682] : memref<2x64x128xf32, #tpu.memory_space<vmem>> -> memref<1x64x128xf32, #tpu.memory_space<vmem>>
        %scatter3A_684 = tpu.memref_squeeze %scatter3A_683 : memref<1x64x128xf32, #tpu.memory_space<vmem>> -> memref<64x128xf32, #tpu.memory_space<vmem>>
        tpu.vector_store_idx %scatter3A_684[%add3A_590, %add3A_26], %gather3A_645 : memref<64x128xf32, #tpu.memory_space<vmem>>[vector<16xi32>, vector<16xi32>], vector<16xf32>,
        %mul3A_685 = arith.constant 2 : i32
        %mul3A_686 = arith.muli %mul3A_685, %scan3A_577 : i32
        %add3A_687 = arith.constant 1 : i32
        %add3A_688 = arith.addi %mul3A_686, %add3A_687 : i32
        %add3A_689 = vector.broadcast %add3A_688 : i32 to vector<16xi32>
        %add3A_690 = arith.addi %iota3A, %add3A_689 : vector<16xi32>
        %and3A_691 = arith.constant 15 : i32
        %and3A_692 = vector.broadcast %and3A_691 : i32 to vector<16xi32>
        %and3A_693 = arith.andi %add3A_690, %and3A_692 : vector<16xi32>
        %and3A_694 = arith.constant 48 : i32
        %and3A_695 = arith.andi %add3A_688, %and3A_694 : i32
        %add3A_696 = vector.broadcast %and3A_695 : i32 to vector<16xi32>
        %add3A_697 = arith.addi %and3A_693, %add3A_696 : vector<16xi32>
        %add3A_698 = arith.addi %get3A_440, %add3A_697 : vector<16xi32>
        %add3A_699 = arith.addi %get3A_444, %add3A_697 : vector<16xi32>
        %add3A_700 = arith.addi %get3A_448, %add3A_697 : vector<16xi32>
        %add3A_701 = arith.addi %get3A_452, %add3A_697 : vector<16xi32>
        %add3A_702 = arith.addi %get3A_456, %add3A_697 : vector<16xi32>
        %add3A_703 = arith.addi %get3A_460, %add3A_697 : vector<16xi32>
        %add3A_704 = arith.addi %get3A_464, %add3A_697 : vector<16xi32>
        %add3A_705 = arith.addi %get3A_468, %add3A_697 : vector<16xi32>
        %gather3A_706 = arith.constant 0 : i32
        %gather3A_707 = arith.constant 0 : i32
        %gather3A_708 = arith.constant 0 : i32
        %gather3A_709 = tpu.memref_slice %arg8[%gather3A_706, %gather3A_707, %gather3A_708] : memref<2x128x128xf32, #tpu.memory_space<vmem>> -> memref<1x128x128xf32, #tpu.memory_space<vmem>>
        %gather3A_710 = tpu.memref_squeeze %gather3A_709 : memref<1x128x128xf32, #tpu.memory_space<vmem>> -> memref<128x128xf32, #tpu.memory_space<vmem>>
        %gather3A_711 = tpu.vector_load_idx %gather3A_710[%add3A_5, %add3A_698] : memref<128x128xf32, #tpu.memory_space<vmem>>[vector<16xi32>, vector<16xi32>], vector<16xf32>,
        %gather3A_712 = arith.constant 0 : i32
        %gather3A_713 = arith.constant 0 : i32
        %gather3A_714 = arith.constant 0 : i32
        %gather3A_715 = tpu.memref_slice %arg8[%gather3A_712, %gather3A_713, %gather3A_714] : memref<2x128x128xf32, #tpu.memory_space<vmem>> -> memref<1x128x128xf32, #tpu.memory_space<vmem>>
        %gather3A_716 = tpu.memref_squeeze %gather3A_715 : memref<1x128x128xf32, #tpu.memory_space<vmem>> -> memref<128x128xf32, #tpu.memory_space<vmem>>
        %gather3A_717 = tpu.vector_load_idx %gather3A_716[%add3A_8, %add3A_699] : memref<128x128xf32, #tpu.memory_space<vmem>>[vector<16xi32>, vector<16xi32>], vector<16xf32>,
        %gather3A_718 = arith.constant 0 : i32
        %gather3A_719 = arith.constant 0 : i32
        %gather3A_720 = arith.constant 0 : i32
        %gather3A_721 = tpu.memref_slice %arg8[%gather3A_718, %gather3A_719, %gather3A_720] : memref<2x128x128xf32, #tpu.memory_space<vmem>> -> memref<1x128x128xf32, #tpu.memory_space<vmem>>
        %gather3A_722 = tpu.memref_squeeze %gather3A_721 : memref<1x128x128xf32, #tpu.memory_space<vmem>> -> memref<128x128xf32, #tpu.memory_space<vmem>>
        %gather3A_723 = tpu.vector_load_idx %gather3A_722[%add3A_11, %add3A_700] : memref<128x128xf32, #tpu.memory_space<vmem>>[vector<16xi32>, vector<16xi32>], vector<16xf32>,
        %gather3A_724 = arith.constant 0 : i32
        %gather3A_725 = arith.constant 0 : i32
        %gather3A_726 = arith.constant 0 : i32
        %gather3A_727 = tpu.memref_slice %arg8[%gather3A_724, %gather3A_725, %gather3A_726] : memref<2x128x128xf32, #tpu.memory_space<vmem>> -> memref<1x128x128xf32, #tpu.memory_space<vmem>>
        %gather3A_728 = tpu.memref_squeeze %gather3A_727 : memref<1x128x128xf32, #tpu.memory_space<vmem>> -> memref<128x128xf32, #tpu.memory_space<vmem>>
        %gather3A_729 = tpu.vector_load_idx %gather3A_728[%add3A_14, %add3A_701] : memref<128x128xf32, #tpu.memory_space<vmem>>[vector<16xi32>, vector<16xi32>], vector<16xf32>,
        %gather3A_730 = arith.constant 0 : i32
        %gather3A_731 = arith.constant 0 : i32
        %gather3A_732 = arith.constant 0 : i32
        %gather3A_733 = tpu.memref_slice %arg8[%gather3A_730, %gather3A_731, %gather3A_732] : memref<2x128x128xf32, #tpu.memory_space<vmem>> -> memref<1x128x128xf32, #tpu.memory_space<vmem>>
        %gather3A_734 = tpu.memref_squeeze %gather3A_733 : memref<1x128x128xf32, #tpu.memory_space<vmem>> -> memref<128x128xf32, #tpu.memory_space<vmem>>
        %gather3A_735 = tpu.vector_load_idx %gather3A_734[%add3A_17, %add3A_702] : memref<128x128xf32, #tpu.memory_space<vmem>>[vector<16xi32>, vector<16xi32>], vector<16xf32>,
        %gather3A_736 = arith.constant 0 : i32
        %gather3A_737 = arith.constant 0 : i32
        %gather3A_738 = arith.constant 0 : i32
        %gather3A_739 = tpu.memref_slice %arg8[%gather3A_736, %gather3A_737, %gather3A_738] : memref<2x128x128xf32, #tpu.memory_space<vmem>> -> memref<1x128x128xf32, #tpu.memory_space<vmem>>
        %gather3A_740 = tpu.memref_squeeze %gather3A_739 : memref<1x128x128xf32, #tpu.memory_space<vmem>> -> memref<128x128xf32, #tpu.memory_space<vmem>>
        %gather3A_741 = tpu.vector_load_idx %gather3A_740[%add3A_20, %add3A_703] : memref<128x128xf32, #tpu.memory_space<vmem>>[vector<16xi32>, vector<16xi32>], vector<16xf32>,
        %gather3A_742 = arith.constant 0 : i32
        %gather3A_743 = arith.constant 0 : i32
        %gather3A_744 = arith.constant 0 : i32
        %gather3A_745 = tpu.memref_slice %arg8[%gather3A_742, %gather3A_743, %gather3A_744] : memref<2x128x128xf32, #tpu.memory_space<vmem>> -> memref<1x128x128xf32, #tpu.memory_space<vmem>>
        %gather3A_746 = tpu.memref_squeeze %gather3A_745 : memref<1x128x128xf32, #tpu.memory_space<vmem>> -> memref<128x128xf32, #tpu.memory_space<vmem>>
        %gather3A_747 = tpu.vector_load_idx %gather3A_746[%add3A_23, %add3A_704] : memref<128x128xf32, #tpu.memory_space<vmem>>[vector<16xi32>, vector<16xi32>], vector<16xf32>,
        %gather3A_748 = arith.constant 0 : i32
        %gather3A_749 = arith.constant 0 : i32
        %gather3A_750 = arith.constant 0 : i32
        %gather3A_751 = tpu.memref_slice %arg8[%gather3A_748, %gather3A_749, %gather3A_750] : memref<2x128x128xf32, #tpu.memory_space<vmem>> -> memref<1x128x128xf32, #tpu.memory_space<vmem>>
        %gather3A_752 = tpu.memref_squeeze %gather3A_751 : memref<1x128x128xf32, #tpu.memory_space<vmem>> -> memref<128x128xf32, #tpu.memory_space<vmem>>
        %gather3A_753 = tpu.vector_load_idx %gather3A_752[%add3A_26, %add3A_705] : memref<128x128xf32, #tpu.memory_space<vmem>>[vector<16xi32>, vector<16xi32>], vector<16xf32>,
        %scatter3A_754 = arith.constant 0 : i32
        %scatter3A_755 = arith.constant 0 : i32
        %scatter3A_756 = arith.constant 0 : i32
        %scatter3A_757 = tpu.memref_slice %arg9[%scatter3A_754, %scatter3A_755, %scatter3A_756] : memref<2x64x128xf32, #tpu.memory_space<vmem>> -> memref<1x64x128xf32, #tpu.memory_space<vmem>>
        %scatter3A_758 = tpu.memref_squeeze %scatter3A_757 : memref<1x64x128xf32, #tpu.memory_space<vmem>> -> memref<64x128xf32, #tpu.memory_space<vmem>>
        tpu.vector_store_idx %scatter3A_758[%add3A_697, %add3A_5], %gather3A_711 : memref<64x128xf32, #tpu.memory_space<vmem>>[vector<16xi32>, vector<16xi32>], vector<16xf32>,
        %scatter3A_759 = arith.constant 0 : i32
        %scatter3A_760 = arith.constant 0 : i32
        %scatter3A_761 = arith.constant 0 : i32
        %scatter3A_762 = tpu.memref_slice %arg9[%scatter3A_759, %scatter3A_760, %scatter3A_761] : memref<2x64x128xf32, #tpu.memory_space<vmem>> -> memref<1x64x128xf32, #tpu.memory_space<vmem>>
        %scatter3A_763 = tpu.memref_squeeze %scatter3A_762 : memref<1x64x128xf32, #tpu.memory_space<vmem>> -> memref<64x128xf32, #tpu.memory_space<vmem>>
        tpu.vector_store_idx %scatter3A_763[%add3A_697, %add3A_8], %gather3A_717 : memref<64x128xf32, #tpu.memory_space<vmem>>[vector<16xi32>, vector<16xi32>], vector<16xf32>,
        %scatter3A_764 = arith.constant 0 : i32
        %scatter3A_765 = arith.constant 0 : i32
        %scatter3A_766 = arith.constant 0 : i32
        %scatter3A_767 = tpu.memref_slice %arg9[%scatter3A_764, %scatter3A_765, %scatter3A_766] : memref<2x64x128xf32, #tpu.memory_space<vmem>> -> memref<1x64x128xf32, #tpu.memory_space<vmem>>
        %scatter3A_768 = tpu.memref_squeeze %scatter3A_767 : memref<1x64x128xf32, #tpu.memory_space<vmem>> -> memref<64x128xf32, #tpu.memory_space<vmem>>
        tpu.vector_store_idx %scatter3A_768[%add3A_697, %add3A_11], %gather3A_723 : memref<64x128xf32, #tpu.memory_space<vmem>>[vector<16xi32>, vector<16xi32>], vector<16xf32>,
        %scatter3A_769 = arith.constant 0 : i32
        %scatter3A_770 = arith.constant 0 : i32
        %scatter3A_771 = arith.constant 0 : i32
        %scatter3A_772 = tpu.memref_slice %arg9[%scatter3A_769, %scatter3A_770, %scatter3A_771] : memref<2x64x128xf32, #tpu.memory_space<vmem>> -> memref<1x64x128xf32, #tpu.memory_space<vmem>>
        %scatter3A_773 = tpu.memref_squeeze %scatter3A_772 : memref<1x64x128xf32, #tpu.memory_space<vmem>> -> memref<64x128xf32, #tpu.memory_space<vmem>>
        tpu.vector_store_idx %scatter3A_773[%add3A_697, %add3A_14], %gather3A_729 : memref<64x128xf32, #tpu.memory_space<vmem>>[vector<16xi32>, vector<16xi32>], vector<16xf32>,
        %scatter3A_774 = arith.constant 0 : i32
        %scatter3A_775 = arith.constant 0 : i32
        %scatter3A_776 = arith.constant 0 : i32
        %scatter3A_777 = tpu.memref_slice %arg9[%scatter3A_774, %scatter3A_775, %scatter3A_776] : memref<2x64x128xf32, #tpu.memory_space<vmem>> -> memref<1x64x128xf32, #tpu.memory_space<vmem>>
        %scatter3A_778 = tpu.memref_squeeze %scatter3A_777 : memref<1x64x128xf32, #tpu.memory_space<vmem>> -> memref<64x128xf32, #tpu.memory_space<vmem>>
        tpu.vector_store_idx %scatter3A_778[%add3A_697, %add3A_17], %gather3A_735 : memref<64x128xf32, #tpu.memory_space<vmem>>[vector<16xi32>, vector<16xi32>], vector<16xf32>,
        %scatter3A_779 = arith.constant 0 : i32
        %scatter3A_780 = arith.constant 0 : i32
        %scatter3A_781 = arith.constant 0 : i32
        %scatter3A_782 = tpu.memref_slice %arg9[%scatter3A_779, %scatter3A_780, %scatter3A_781] : memref<2x64x128xf32, #tpu.memory_space<vmem>> -> memref<1x64x128xf32, #tpu.memory_space<vmem>>
        %scatter3A_783 = tpu.memref_squeeze %scatter3A_782 : memref<1x64x128xf32, #tpu.memory_space<vmem>> -> memref<64x128xf32, #tpu.memory_space<vmem>>
        tpu.vector_store_idx %scatter3A_783[%add3A_697, %add3A_20], %gather3A_741 : memref<64x128xf32, #tpu.memory_space<vmem>>[vector<16xi32>, vector<16xi32>], vector<16xf32>,
        %scatter3A_784 = arith.constant 0 : i32
        %scatter3A_785 = arith.constant 0 : i32
        %scatter3A_786 = arith.constant 0 : i32
        %scatter3A_787 = tpu.memref_slice %arg9[%scatter3A_784, %scatter3A_785, %scatter3A_786] : memref<2x64x128xf32, #tpu.memory_space<vmem>> -> memref<1x64x128xf32, #tpu.memory_space<vmem>>
        %scatter3A_788 = tpu.memref_squeeze %scatter3A_787 : memref<1x64x128xf32, #tpu.memory_space<vmem>> -> memref<64x128xf32, #tpu.memory_space<vmem>>
        tpu.vector_store_idx %scatter3A_788[%add3A_697, %add3A_23], %gather3A_747 : memref<64x128xf32, #tpu.memory_space<vmem>>[vector<16xi32>, vector<16xi32>], vector<16xf32>,
        %scatter3A_789 = arith.constant 0 : i32
        %scatter3A_790 = arith.constant 0 : i32
        %scatter3A_791 = arith.constant 0 : i32
        %scatter3A_792 = tpu.memref_slice %arg9[%scatter3A_789, %scatter3A_790, %scatter3A_791] : memref<2x64x128xf32, #tpu.memory_space<vmem>> -> memref<1x64x128xf32, #tpu.memory_space<vmem>>
        %scatter3A_793 = tpu.memref_squeeze %scatter3A_792 : memref<1x64x128xf32, #tpu.memory_space<vmem>> -> memref<64x128xf32, #tpu.memory_space<vmem>>
        tpu.vector_store_idx %scatter3A_793[%add3A_697, %add3A_26], %gather3A_753 : memref<64x128xf32, #tpu.memory_space<vmem>>[vector<16xi32>, vector<16xi32>], vector<16xf32>,
      }
      %scan3A_474 = arith.constant 32 : i32
      %dma_start3A_475 = arith.constant 0 : i32
      %dma_start3A_476 = arith.constant 0 : i32
      %dma_start3A_477 = arith.constant 0 : i32
      %dma_start3A_478 = tpu.memref_slice %arg9[%dma_start3A_475, %dma_start3A_476, %dma_start3A_477] : memref<2x64x128xf32, #tpu.memory_space<vmem>> -> memref<1x64x128xf32, #tpu.memory_space<vmem>>
      %dma_start3A_479 = tpu.memref_squeeze %dma_start3A_478 : memref<1x64x128xf32, #tpu.memory_space<vmem>> -> memref<64x128xf32, #tpu.memory_space<vmem>>
      %dma_start3A_480 = arith.constant 0 : i32
      %dma_start3A_481 = tpu.memref_slice %arg4[%add3A_422, %dma_start3A_480, %mul3A_2] : memref<200x64x4096xf32, #tpu.memory_space<hbm>> -> memref<1x64x128xf32, #tpu.memory_space<hbm>>
      %dma_start3A_482 = tpu.memref_squeeze %dma_start3A_481 : memref<1x64x128xf32, #tpu.memory_space<hbm>> -> memref<64x128xf32, #tpu.memory_space<hbm>>
      %dma_start3A_483 = arith.constant 0 : i32
      %dma_start3A_484 = tpu.memref_slice %arg4[%add3A_422, %dma_start3A_483, %mul3A_2] : memref<200x64x4096xf32, #tpu.memory_space<hbm>> -> memref<1x64x128xf32, #tpu.memory_space<hbm>>
      %dma_start3A_485 = tpu.memref_squeeze %dma_start3A_484 : memref<1x64x128xf32, #tpu.memory_space<hbm>> -> memref<64x128xf32, #tpu.memory_space<hbm>>
      %dma_start3A_486 = arith.constant 0 : i32
      %dma_start3A_487 = arith.constant 0 : i32
      %dma_start3A_488 = tpu.memref_slice %arg9[%dma_start3A_475, %dma_start3A_486, %dma_start3A_487] : memref<2x64x128xf32, #tpu.memory_space<vmem>> -> memref<1x64x128xf32, #tpu.memory_space<vmem>>
      %dma_start3A_489 = tpu.memref_squeeze %dma_start3A_488 : memref<1x64x128xf32, #tpu.memory_space<vmem>> -> memref<64x128xf32, #tpu.memory_space<vmem>>
      tpu.enqueue_dma source(%dma_start3A_489 : memref<64x128xf32, #tpu.memory_space<vmem>>) target(%dma_start3A_485 : memref<64x128xf32, #tpu.memory_space<hbm>>) target_semaphore(%arg12 : memref<!tpu.dma_semaphore, #tpu.memory_space<semaphore_mem>>)
      %add3A_490 = arith.constant 2 : i32
      %add3A_491 = arith.addi %add3A_422, %add3A_490 : i32
      %lt3A = arith.constant 200 : i32
      %lt3A_492 = arith.cmpi slt, %add3A_491, %lt3A : i32
      %convert_element_type3A_493 = arith.extui %lt3A_492 : i1 to i32
      %cond3A_494 = arith.constant 0 : i32
      %cond3A_495 = arith.cmpi ne, %convert_element_type3A_493, %cond3A_494 : i32
      scf.if %cond3A_495 {
        %add3A_577 = arith.constant 2 : i32
        %add3A_578 = arith.addi %add3A_422, %add3A_577 : i32
        %get3A_579 = arith.index_cast %add3A_578 : i32 to index
        %get3A_580 = arith.constant 0 : index
        %get3A_581 = tpu.vector_load %arg5[%get3A_579, %get3A_580] {strides = array<i32>} : memref<200x128xi32, #tpu.memory_space<vmem>>, vector<16xi32>,
        %shift_right_logical3A_582 = arith.constant 1 : i32
        %shift_right_logical3A_583 = vector.broadcast %shift_right_logical3A_582 : i32 to vector<16xi32>
        %shift_right_logical3A_584 = arith.shrui %get3A_581, %shift_right_logical3A_583 : vector<16xi32>
        %swap3A_585 = arith.constant 0 : i32
        %swap3A_586 = arith.index_cast %swap3A_585 : i32 to index
        %swap3A_587 = arith.constant 0 : index
        %swap3A_588 = tpu.vector_load %arg6[%swap3A_586, %swap3A_587] {strides = array<i32>} : memref<2x128xi32, #tpu.memory_space<vmem>>, vector<16xi32>,
        tpu.vector_store %arg6[%swap3A_586, %swap3A_587], %shift_right_logical3A_584 {strides = array<i32>} : memref<2x128xi32, #tpu.memory_space<vmem>>, vector<16xi32>,
        %and3A_589 = arith.constant 1 : i32
        %and3A_590 = vector.broadcast %and3A_589 : i32 to vector<16xi32>
        %and3A_591 = arith.andi %get3A_581, %and3A_590 : vector<16xi32>
        %mul3A_592 = arith.constant 64 : i32
        %mul3A_593 = vector.broadcast %mul3A_592 : i32 to vector<16xi32>
        %mul3A_594 = arith.muli %and3A_591, %mul3A_593 : vector<16xi32>
        %swap3A_595 = arith.constant 0 : i32
        %swap3A_596 = arith.index_cast %swap3A_595 : i32 to index
        %swap3A_597 = arith.constant 0 : index
        %swap3A_598 = tpu.vector_load %arg7[%swap3A_596, %swap3A_597] {strides = array<i32>} : memref<2x128xi32, #tpu.memory_space<vmem>>, vector<16xi32>,
        tpu.vector_store %arg7[%swap3A_596, %swap3A_597], %mul3A_594 {strides = array<i32>} : memref<2x128xi32, #tpu.memory_space<vmem>>, vector<16xi32>,
        %get3A_599 = arith.index_cast %add3A_578 : i32 to index
        %get3A_600 = arith.constant 16 : index
        %get3A_601 = tpu.vector_load %arg5[%get3A_599, %get3A_600] {strides = array<i32>} : memref<200x128xi32, #tpu.memory_space<vmem>>, vector<16xi32>,
        %shift_right_logical3A_602 = arith.constant 1 : i32
        %shift_right_logical3A_603 = vector.broadcast %shift_right_logical3A_602 : i32 to vector<16xi32>
        %shift_right_logical3A_604 = arith.shrui %get3A_601, %shift_right_logical3A_603 : vector<16xi32>
        %swap3A_605 = arith.constant 0 : i32
        %swap3A_606 = arith.index_cast %swap3A_605 : i32 to index
        %swap3A_607 = arith.constant 16 : index
        %swap3A_608 = tpu.vector_load %arg6[%swap3A_606, %swap3A_607] {strides = array<i32>} : memref<2x128xi32, #tpu.memory_space<vmem>>, vector<16xi32>,
        tpu.vector_store %arg6[%swap3A_606, %swap3A_607], %shift_right_logical3A_604 {strides = array<i32>} : memref<2x128xi32, #tpu.memory_space<vmem>>, vector<16xi32>,
        %and3A_609 = arith.constant 1 : i32
        %and3A_610 = vector.broadcast %and3A_609 : i32 to vector<16xi32>
        %and3A_611 = arith.andi %get3A_601, %and3A_610 : vector<16xi32>
        %mul3A_612 = arith.constant 64 : i32
        %mul3A_613 = vector.broadcast %mul3A_612 : i32 to vector<16xi32>
        %mul3A_614 = arith.muli %and3A_611, %mul3A_613 : vector<16xi32>
        %swap3A_615 = arith.constant 0 : i32
        %swap3A_616 = arith.index_cast %swap3A_615 : i32 to index
        %swap3A_617 = arith.constant 16 : index
        %swap3A_618 = tpu.vector_load %arg7[%swap3A_616, %swap3A_617] {strides = array<i32>} : memref<2x128xi32, #tpu.memory_space<vmem>>, vector<16xi32>,
        tpu.vector_store %arg7[%swap3A_616, %swap3A_617], %mul3A_614 {strides = array<i32>} : memref<2x128xi32, #tpu.memory_space<vmem>>, vector<16xi32>,
        %get3A_619 = arith.index_cast %add3A_578 : i32 to index
        %get3A_620 = arith.constant 32 : index
        %get3A_621 = tpu.vector_load %arg5[%get3A_619, %get3A_620] {strides = array<i32>} : memref<200x128xi32, #tpu.memory_space<vmem>>, vector<16xi32>,
        %shift_right_logical3A_622 = arith.constant 1 : i32
        %shift_right_logical3A_623 = vector.broadcast %shift_right_logical3A_622 : i32 to vector<16xi32>
        %shift_right_logical3A_624 = arith.shrui %get3A_621, %shift_right_logical3A_623 : vector<16xi32>
        %swap3A_625 = arith.constant 0 : i32
        %swap3A_626 = arith.index_cast %swap3A_625 : i32 to index
        %swap3A_627 = arith.constant 32 : index
        %swap3A_628 = tpu.vector_load %arg6[%swap3A_626, %swap3A_627] {strides = array<i32>} : memref<2x128xi32, #tpu.memory_space<vmem>>, vector<16xi32>,
        tpu.vector_store %arg6[%swap3A_626, %swap3A_627], %shift_right_logical3A_624 {strides = array<i32>} : memref<2x128xi32, #tpu.memory_space<vmem>>, vector<16xi32>,
        %and3A_629 = arith.constant 1 : i32
        %and3A_630 = vector.broadcast %and3A_629 : i32 to vector<16xi32>
        %and3A_631 = arith.andi %get3A_621, %and3A_630 : vector<16xi32>
        %mul3A_632 = arith.constant 64 : i32
        %mul3A_633 = vector.broadcast %mul3A_632 : i32 to vector<16xi32>
        %mul3A_634 = arith.muli %and3A_631, %mul3A_633 : vector<16xi32>
        %swap3A_635 = arith.constant 0 : i32
        %swap3A_636 = arith.index_cast %swap3A_635 : i32 to index
        %swap3A_637 = arith.constant 32 : index
        %swap3A_638 = tpu.vector_load %arg7[%swap3A_636, %swap3A_637] {strides = array<i32>} : memref<2x128xi32, #tpu.memory_space<vmem>>, vector<16xi32>,
        tpu.vector_store %arg7[%swap3A_636, %swap3A_637], %mul3A_634 {strides = array<i32>} : memref<2x128xi32, #tpu.memory_space<vmem>>, vector<16xi32>,
        %get3A_639 = arith.index_cast %add3A_578 : i32 to index
        %get3A_640 = arith.constant 48 : index
        %get3A_641 = tpu.vector_load %arg5[%get3A_639, %get3A_640] {strides = array<i32>} : memref<200x128xi32, #tpu.memory_space<vmem>>, vector<16xi32>,
        %shift_right_logical3A_642 = arith.constant 1 : i32
        %shift_right_logical3A_643 = vector.broadcast %shift_right_logical3A_642 : i32 to vector<16xi32>
        %shift_right_logical3A_644 = arith.shrui %get3A_641, %shift_right_logical3A_643 : vector<16xi32>
        %swap3A_645 = arith.constant 0 : i32
        %swap3A_646 = arith.index_cast %swap3A_645 : i32 to index
        %swap3A_647 = arith.constant 48 : index
        %swap3A_648 = tpu.vector_load %arg6[%swap3A_646, %swap3A_647] {strides = array<i32>} : memref<2x128xi32, #tpu.memory_space<vmem>>, vector<16xi32>,
        tpu.vector_store %arg6[%swap3A_646, %swap3A_647], %shift_right_logical3A_644 {strides = array<i32>} : memref<2x128xi32, #tpu.memory_space<vmem>>, vector<16xi32>,
        %and3A_649 = arith.constant 1 : i32
        %and3A_650 = vector.broadcast %and3A_649 : i32 to vector<16xi32>
        %and3A_651 = arith.andi %get3A_641, %and3A_650 : vector<16xi32>
        %mul3A_652 = arith.constant 64 : i32
        %mul3A_653 = vector.broadcast %mul3A_652 : i32 to vector<16xi32>
        %mul3A_654 = arith.muli %and3A_651, %mul3A_653 : vector<16xi32>
        %swap3A_655 = arith.constant 0 : i32
        %swap3A_656 = arith.index_cast %swap3A_655 : i32 to index
        %swap3A_657 = arith.constant 48 : index
        %swap3A_658 = tpu.vector_load %arg7[%swap3A_656, %swap3A_657] {strides = array<i32>} : memref<2x128xi32, #tpu.memory_space<vmem>>, vector<16xi32>,
        tpu.vector_store %arg7[%swap3A_656, %swap3A_657], %mul3A_654 {strides = array<i32>} : memref<2x128xi32, #tpu.memory_space<vmem>>, vector<16xi32>,
        %get3A_659 = arith.index_cast %add3A_578 : i32 to index
        %get3A_660 = arith.constant 64 : index
        %get3A_661 = tpu.vector_load %arg5[%get3A_659, %get3A_660] {strides = array<i32>} : memref<200x128xi32, #tpu.memory_space<vmem>>, vector<16xi32>,
        %shift_right_logical3A_662 = arith.constant 1 : i32
        %shift_right_logical3A_663 = vector.broadcast %shift_right_logical3A_662 : i32 to vector<16xi32>
        %shift_right_logical3A_664 = arith.shrui %get3A_661, %shift_right_logical3A_663 : vector<16xi32>
        %swap3A_665 = arith.constant 0 : i32
        %swap3A_666 = arith.index_cast %swap3A_665 : i32 to index
        %swap3A_667 = arith.constant 64 : index
        %swap3A_668 = tpu.vector_load %arg6[%swap3A_666, %swap3A_667] {strides = array<i32>} : memref<2x128xi32, #tpu.memory_space<vmem>>, vector<16xi32>,
        tpu.vector_store %arg6[%swap3A_666, %swap3A_667], %shift_right_logical3A_664 {strides = array<i32>} : memref<2x128xi32, #tpu.memory_space<vmem>>, vector<16xi32>,
        %and3A_669 = arith.constant 1 : i32
        %and3A_670 = vector.broadcast %and3A_669 : i32 to vector<16xi32>
        %and3A_671 = arith.andi %get3A_661, %and3A_670 : vector<16xi32>
        %mul3A_672 = arith.constant 64 : i32
        %mul3A_673 = vector.broadcast %mul3A_672 : i32 to vector<16xi32>
        %mul3A_674 = arith.muli %and3A_671, %mul3A_673 : vector<16xi32>
        %swap3A_675 = arith.constant 0 : i32
        %swap3A_676 = arith.index_cast %swap3A_675 : i32 to index
        %swap3A_677 = arith.constant 64 : index
        %swap3A_678 = tpu.vector_load %arg7[%swap3A_676, %swap3A_677] {strides = array<i32>} : memref<2x128xi32, #tpu.memory_space<vmem>>, vector<16xi32>,
        tpu.vector_store %arg7[%swap3A_676, %swap3A_677], %mul3A_674 {strides = array<i32>} : memref<2x128xi32, #tpu.memory_space<vmem>>, vector<16xi32>,
        %get3A_679 = arith.index_cast %add3A_578 : i32 to index
        %get3A_680 = arith.constant 80 : index
        %get3A_681 = tpu.vector_load %arg5[%get3A_679, %get3A_680] {strides = array<i32>} : memref<200x128xi32, #tpu.memory_space<vmem>>, vector<16xi32>,
        %shift_right_logical3A_682 = arith.constant 1 : i32
        %shift_right_logical3A_683 = vector.broadcast %shift_right_logical3A_682 : i32 to vector<16xi32>
        %shift_right_logical3A_684 = arith.shrui %get3A_681, %shift_right_logical3A_683 : vector<16xi32>
        %swap3A_685 = arith.constant 0 : i32
        %swap3A_686 = arith.index_cast %swap3A_685 : i32 to index
        %swap3A_687 = arith.constant 80 : index
        %swap3A_688 = tpu.vector_load %arg6[%swap3A_686, %swap3A_687] {strides = array<i32>} : memref<2x128xi32, #tpu.memory_space<vmem>>, vector<16xi32>,
        tpu.vector_store %arg6[%swap3A_686, %swap3A_687], %shift_right_logical3A_684 {strides = array<i32>} : memref<2x128xi32, #tpu.memory_space<vmem>>, vector<16xi32>,
        %and3A_689 = arith.constant 1 : i32
        %and3A_690 = vector.broadcast %and3A_689 : i32 to vector<16xi32>
        %and3A_691 = arith.andi %get3A_681, %and3A_690 : vector<16xi32>
        %mul3A_692 = arith.constant 64 : i32
        %mul3A_693 = vector.broadcast %mul3A_692 : i32 to vector<16xi32>
        %mul3A_694 = arith.muli %and3A_691, %mul3A_693 : vector<16xi32>
        %swap3A_695 = arith.constant 0 : i32
        %swap3A_696 = arith.index_cast %swap3A_695 : i32 to index
        %swap3A_697 = arith.constant 80 : index
        %swap3A_698 = tpu.vector_load %arg7[%swap3A_696, %swap3A_697] {strides = array<i32>} : memref<2x128xi32, #tpu.memory_space<vmem>>, vector<16xi32>,
        tpu.vector_store %arg7[%swap3A_696, %swap3A_697], %mul3A_694 {strides = array<i32>} : memref<2x128xi32, #tpu.memory_space<vmem>>, vector<16xi32>,
        %get3A_699 = arith.index_cast %add3A_578 : i32 to index
        %get3A_700 = arith.constant 96 : index
        %get3A_701 = tpu.vector_load %arg5[%get3A_699, %get3A_700] {strides = array<i32>} : memref<200x128xi32, #tpu.memory_space<vmem>>, vector<16xi32>,
        %shift_right_logical3A_702 = arith.constant 1 : i32
        %shift_right_logical3A_703 = vector.broadcast %shift_right_logical3A_702 : i32 to vector<16xi32>
        %shift_right_logical3A_704 = arith.shrui %get3A_701, %shift_right_logical3A_703 : vector<16xi32>
        %swap3A_705 = arith.constant 0 : i32
        %swap3A_706 = arith.index_cast %swap3A_705 : i32 to index
        %swap3A_707 = arith.constant 96 : index
        %swap3A_708 = tpu.vector_load %arg6[%swap3A_706, %swap3A_707] {strides = array<i32>} : memref<2x128xi32, #tpu.memory_space<vmem>>, vector<16xi32>,
        tpu.vector_store %arg6[%swap3A_706, %swap3A_707], %shift_right_logical3A_704 {strides = array<i32>} : memref<2x128xi32, #tpu.memory_space<vmem>>, vector<16xi32>,
        %and3A_709 = arith.constant 1 : i32
        %and3A_710 = vector.broadcast %and3A_709 : i32 to vector<16xi32>
        %and3A_711 = arith.andi %get3A_701, %and3A_710 : vector<16xi32>
        %mul3A_712 = arith.constant 64 : i32
        %mul3A_713 = vector.broadcast %mul3A_712 : i32 to vector<16xi32>
        %mul3A_714 = arith.muli %and3A_711, %mul3A_713 : vector<16xi32>
        %swap3A_715 = arith.constant 0 : i32
        %swap3A_716 = arith.index_cast %swap3A_715 : i32 to index
        %swap3A_717 = arith.constant 96 : index
        %swap3A_718 = tpu.vector_load %arg7[%swap3A_716, %swap3A_717] {strides = array<i32>} : memref<2x128xi32, #tpu.memory_space<vmem>>, vector<16xi32>,
        tpu.vector_store %arg7[%swap3A_716, %swap3A_717], %mul3A_714 {strides = array<i32>} : memref<2x128xi32, #tpu.memory_space<vmem>>, vector<16xi32>,
        %get3A_719 = arith.index_cast %add3A_578 : i32 to index
        %get3A_720 = arith.constant 112 : index
        %get3A_721 = tpu.vector_load %arg5[%get3A_719, %get3A_720] {strides = array<i32>} : memref<200x128xi32, #tpu.memory_space<vmem>>, vector<16xi32>,
        %shift_right_logical3A_722 = arith.constant 1 : i32
        %shift_right_logical3A_723 = vector.broadcast %shift_right_logical3A_722 : i32 to vector<16xi32>
        %shift_right_logical3A_724 = arith.shrui %get3A_721, %shift_right_logical3A_723 : vector<16xi32>
        %swap3A_725 = arith.constant 0 : i32
        %swap3A_726 = arith.index_cast %swap3A_725 : i32 to index
        %swap3A_727 = arith.constant 112 : index
        %swap3A_728 = tpu.vector_load %arg6[%swap3A_726, %swap3A_727] {strides = array<i32>} : memref<2x128xi32, #tpu.memory_space<vmem>>, vector<16xi32>,
        tpu.vector_store %arg6[%swap3A_726, %swap3A_727], %shift_right_logical3A_724 {strides = array<i32>} : memref<2x128xi32, #tpu.memory_space<vmem>>, vector<16xi32>,
        %and3A_729 = arith.constant 1 : i32
        %and3A_730 = vector.broadcast %and3A_729 : i32 to vector<16xi32>
        %and3A_731 = arith.andi %get3A_721, %and3A_730 : vector<16xi32>
        %mul3A_732 = arith.constant 64 : i32
        %mul3A_733 = vector.broadcast %mul3A_732 : i32 to vector<16xi32>
        %mul3A_734 = arith.muli %and3A_731, %mul3A_733 : vector<16xi32>
        %swap3A_735 = arith.constant 0 : i32
        %swap3A_736 = arith.index_cast %swap3A_735 : i32 to index
        %swap3A_737 = arith.constant 112 : index
        %swap3A_738 = tpu.vector_load %arg7[%swap3A_736, %swap3A_737] {strides = array<i32>} : memref<2x128xi32, #tpu.memory_space<vmem>>, vector<16xi32>,
        tpu.vector_store %arg7[%swap3A_736, %swap3A_737], %mul3A_734 {strides = array<i32>} : memref<2x128xi32, #tpu.memory_space<vmem>>, vector<16xi32>,
        %add3A_739 = arith.constant 2 : i32
        %add3A_740 = arith.addi %add3A_422, %add3A_739 : i32
        %dma_start3A_741 = arith.constant 0 : i32
        %dma_start3A_742 = arith.constant 0 : i32
        %dma_start3A_743 = arith.constant 0 : i32
        %dma_start3A_744 = arith.constant 0 : i32
        %dma_start3A_745 = tpu.memref_slice %arg8[%dma_start3A_742, %dma_start3A_743, %dma_start3A_744] : memref<2x128x128xf32, #tpu.memory_space<vmem>> -> memref<1x128x128xf32, #tpu.memory_space<vmem>>
        %dma_start3A_746 = tpu.memref_squeeze %dma_start3A_745 : memref<1x128x128xf32, #tpu.memory_space<vmem>> -> memref<128x128xf32, #tpu.memory_space<vmem>>
        %dma_start3A_747 = arith.constant 0 : i32
        %dma_start3A_748 = tpu.memref_slice %arg6[%dma_start3A_741, %dma_start3A_747] : memref<2x128xi32, #tpu.memory_space<vmem>> -> memref<1x128xi32, #tpu.memory_space<vmem>>
        %dma_start3A_749 = tpu.memref_squeeze %dma_start3A_748 : memref<1x128xi32, #tpu.memory_space<vmem>> -> memref<128xi32, #tpu.memory_space<vmem>>
        %dma_start3A_750 = arith.constant 0 : i32
        %dma_start3A_751 = arith.constant 0 : i32
        %dma_start3A_752 = tpu.memref_slice %arg3[%dma_start3A_750, %dma_start3A_751] : memref<500000x128xf32, #tpu.memory_space<hbm>> -> memref<500000x128xf32, #tpu.memory_space<hbm>>
        tpu.enqueue_indirect_dma source(%dma_start3A_752 : memref<500000x128xf32, #tpu.memory_space<hbm>>) target(%dma_start3A_746 : memref<128x128xf32, #tpu.memory_space<vmem>>) offsets(%dma_start3A_749 : memref<128xi32, #tpu.memory_space<vmem>>) semaphore(%arg10 : memref<!tpu.dma_semaphore, #tpu.memory_space<semaphore_mem>>)
      } else {
      }
      %mul3A_496 = arith.constant 2 : i32
      %mul3A_497 = arith.muli %mul3A_496, %scan3A_418 : i32
      %add3A_498 = arith.constant 1 : i32
      %add3A_499 = arith.addi %mul3A_497, %add3A_498 : i32
      %dma_wait3A_500 = arith.constant 1 : i32
      %dma_wait3A_501 = arith.constant 1 : i32
      %dma_wait3A_502 = arith.constant 0 : i32
      %dma_wait3A_503 = arith.constant 0 : i32
      %dma_wait3A_504 = tpu.memref_slice %arg8[%dma_wait3A_501, %dma_wait3A_502, %dma_wait3A_503] : memref<2x128x128xf32, #tpu.memory_space<vmem>> -> memref<1x128x128xf32, #tpu.memory_space<vmem>>
      %dma_wait3A_505 = tpu.memref_squeeze %dma_wait3A_504 : memref<1x128x128xf32, #tpu.memory_space<vmem>> -> memref<128x128xf32, #tpu.memory_space<vmem>>
      %dma_wait3A_506 = arith.constant 0 : i32
      %dma_wait3A_507 = tpu.memref_slice %arg6[%dma_wait3A_500, %dma_wait3A_506] : memref<2x128xi32, #tpu.memory_space<vmem>> -> memref<1x128xi32, #tpu.memory_space<vmem>>
      %dma_wait3A_508 = tpu.memref_squeeze %dma_wait3A_507 : memref<1x128xi32, #tpu.memory_space<vmem>> -> memref<128xi32, #tpu.memory_space<vmem>>
      %dma_wait3A_509 = arith.constant 0 : i32
      %dma_wait3A_510 = arith.constant 0 : i32
      %dma_wait3A_511 = tpu.memref_slice %arg3[%dma_wait3A_509, %dma_wait3A_510] : memref<500000x128xf32, #tpu.memory_space<hbm>> -> memref<500000x128xf32, #tpu.memory_space<hbm>>
      tpu.wait_indirect_dma semaphore(%arg11 : memref<!tpu.dma_semaphore, #tpu.memory_space<semaphore_mem>>) src(%dma_wait3A_511 : memref<500000x128xf32, #tpu.memory_space<hbm>>) dst(%dma_wait3A_505 : memref<128x128xf32, #tpu.memory_space<vmem>>)
      %ge3A_512 = arith.constant 1 : i32
      %ge3A_513 = arith.cmpi sge, %scan3A_418, %ge3A_512 : i32
      %convert_element_type3A_514 = arith.extui %ge3A_513 : i1 to i32
      %cond3A_515 = arith.constant 0 : i32
      %cond3A_516 = arith.cmpi ne, %convert_element_type3A_514, %cond3A_515 : i32
      scf.if %cond3A_516 {
        %sub3A = arith.constant 2 : i32
        %sub3A_577 = arith.subi %add3A_499, %sub3A : i32
        %dma_wait3A_578 = arith.constant 1 : i32
        %dma_wait3A_579 = arith.constant 0 : i32
        %dma_wait3A_580 = arith.constant 0 : i32
        %dma_wait3A_581 = tpu.memref_slice %arg9[%dma_wait3A_578, %dma_wait3A_579, %dma_wait3A_580] : memref<2x64x128xf32, #tpu.memory_space<vmem>> -> memref<1x64x128xf32, #tpu.memory_space<vmem>>
        %dma_wait3A_582 = tpu.memref_squeeze %dma_wait3A_581 : memref<1x64x128xf32, #tpu.memory_space<vmem>> -> memref<64x128xf32, #tpu.memory_space<vmem>>
        %dma_wait3A_583 = arith.constant 0 : i32
        %dma_wait3A_584 = tpu.memref_slice %arg4[%sub3A_577, %dma_wait3A_583, %mul3A_2] : memref<200x64x4096xf32, #tpu.memory_space<hbm>> -> memref<1x64x128xf32, #tpu.memory_space<hbm>>
        %dma_wait3A_585 = tpu.memref_squeeze %dma_wait3A_584 : memref<1x64x128xf32, #tpu.memory_space<hbm>> -> memref<64x128xf32, #tpu.memory_space<hbm>>
        %dma_wait3A_586 = arith.constant 0 : i32
        %dma_wait3A_587 = tpu.memref_slice %arg4[%sub3A_577, %dma_wait3A_586, %mul3A_2] : memref<200x64x4096xf32, #tpu.memory_space<hbm>> -> memref<1x64x128xf32, #tpu.memory_space<hbm>>
        %dma_wait3A_588 = tpu.memref_squeeze %dma_wait3A_587 : memref<1x64x128xf32, #tpu.memory_space<hbm>> -> memref<64x128xf32, #tpu.memory_space<hbm>>
        %dma_wait3A_589 = arith.constant 0 : i32
        %dma_wait3A_590 = arith.constant 0 : i32
        %dma_wait3A_591 = tpu.memref_slice %arg9[%dma_wait3A_578, %dma_wait3A_589, %dma_wait3A_590] : memref<2x64x128xf32, #tpu.memory_space<vmem>> -> memref<1x64x128xf32, #tpu.memory_space<vmem>>
        %dma_wait3A_592 = tpu.memref_squeeze %dma_wait3A_591 : memref<1x64x128xf32, #tpu.memory_space<vmem>> -> memref<64x128xf32, #tpu.memory_space<vmem>>
        tpu.wait_dma2 semaphore(%arg13 : memref<!tpu.dma_semaphore, #tpu.memory_space<semaphore_mem>>) src(%dma_wait3A_592 : memref<64x128xf32, #tpu.memory_space<vmem>>) dst(%dma_wait3A_588 : memref<64x128xf32, #tpu.memory_space<hbm>>)
      } else {
      }
      %get3A_517 = arith.constant 1 : i32
      %get3A_518 = arith.index_cast %get3A_517 : i32 to index
      %get3A_519 = arith.constant 0 : index
      %get3A_520 = tpu.vector_load %arg7[%get3A_518, %get3A_519] {strides = array<i32>} : memref<2x128xi32, #tpu.memory_space<vmem>>, vector<16xi32>,
      %get3A_521 = arith.constant 1 : i32
      %get3A_522 = arith.index_cast %get3A_521 : i32 to index
      %get3A_523 = arith.constant 16 : index
      %get3A_524 = tpu.vector_load %arg7[%get3A_522, %get3A_523] {strides = array<i32>} : memref<2x128xi32, #tpu.memory_space<vmem>>, vector<16xi32>,
      %get3A_525 = arith.constant 1 : i32
      %get3A_526 = arith.index_cast %get3A_525 : i32 to index
      %get3A_527 = arith.constant 32 : index
      %get3A_528 = tpu.vector_load %arg7[%get3A_526, %get3A_527] {strides = array<i32>} : memref<2x128xi32, #tpu.memory_space<vmem>>, vector<16xi32>,
      %get3A_529 = arith.constant 1 : i32
      %get3A_530 = arith.index_cast %get3A_529 : i32 to index
      %get3A_531 = arith.constant 48 : index
      %get3A_532 = tpu.vector_load %arg7[%get3A_530, %get3A_531] {strides = array<i32>} : memref<2x128xi32, #tpu.memory_space<vmem>>, vector<16xi32>,
      %get3A_533 = arith.constant 1 : i32
      %get3A_534 = arith.index_cast %get3A_533 : i32 to index
      %get3A_535 = arith.constant 64 : index
      %get3A_536 = tpu.vector_load %arg7[%get3A_534, %get3A_535] {strides = array<i32>} : memref<2x128xi32, #tpu.memory_space<vmem>>, vector<16xi32>,
      %get3A_537 = arith.constant 1 : i32
      %get3A_538 = arith.index_cast %get3A_537 : i32 to index
      %get3A_539 = arith.constant 80 : index
      %get3A_540 = tpu.vector_load %arg7[%get3A_538, %get3A_539] {strides = array<i32>} : memref<2x128xi32, #tpu.memory_space<vmem>>, vector<16xi32>,
      %get3A_541 = arith.constant 1 : i32
      %get3A_542 = arith.index_cast %get3A_541 : i32 to index
      %get3A_543 = arith.constant 96 : index
      %get3A_544 = tpu.vector_load %arg7[%get3A_542, %get3A_543] {strides = array<i32>} : memref<2x128xi32, #tpu.memory_space<vmem>>, vector<16xi32>,
      %get3A_545 = arith.constant 1 : i32
      %get3A_546 = arith.index_cast %get3A_545 : i32 to index
      %get3A_547 = arith.constant 112 : index
      %get3A_548 = tpu.vector_load %arg7[%get3A_546, %get3A_547] {strides = array<i32>} : memref<2x128xi32, #tpu.memory_space<vmem>>, vector<16xi32>,
      %scan3A_549 = arith.constant 0 : i32
      %scan3A_550 = arith.constant 0 : i32
      %scan3A_551 = arith.constant 32 : i32
      %scan3A_552 = arith.addi %scan3A_550, %scan3A_551 : i32
      %scan3A_553 = arith.constant 1 : i32
      scf.for %scan3A_577 = %scan3A_550 to %scan3A_552 step %scan3A_553  : i32 {
        %mul3A_578 = arith.constant 2 : i32
        %mul3A_579 = arith.muli %mul3A_578, %scan3A_577 : i32
        %add3A_580 = arith.constant 0 : i32
        %add3A_581 = arith.addi %mul3A_579, %add3A_580 : i32
        %add3A_582 = vector.broadcast %add3A_581 : i32 to vector<16xi32>
        %add3A_583 = arith.addi %iota3A, %add3A_582 : vector<16xi32>
        %and3A_584 = arith.constant 15 : i32
        %and3A_585 = vector.broadcast %and3A_584 : i32 to vector<16xi32>
        %and3A_586 = arith.andi %add3A_583, %and3A_585 : vector<16xi32>
        %and3A_587 = arith.constant 48 : i32
        %and3A_588 = arith.andi %add3A_581, %and3A_587 : i32
        %add3A_589 = vector.broadcast %and3A_588 : i32 to vector<16xi32>
        %add3A_590 = arith.addi %and3A_586, %add3A_589 : vector<16xi32>
        %add3A_591 = arith.addi %get3A_520, %add3A_590 : vector<16xi32>
        %add3A_592 = arith.addi %get3A_524, %add3A_590 : vector<16xi32>
        %add3A_593 = arith.addi %get3A_528, %add3A_590 : vector<16xi32>
        %add3A_594 = arith.addi %get3A_532, %add3A_590 : vector<16xi32>
        %add3A_595 = arith.addi %get3A_536, %add3A_590 : vector<16xi32>
        %add3A_596 = arith.addi %get3A_540, %add3A_590 : vector<16xi32>
        %add3A_597 = arith.addi %get3A_544, %add3A_590 : vector<16xi32>
        %add3A_598 = arith.addi %get3A_548, %add3A_590 : vector<16xi32>
        %gather3A = arith.constant 1 : i32
        %gather3A_599 = arith.constant 0 : i32
        %gather3A_600 = arith.constant 0 : i32
        %gather3A_601 = tpu.memref_slice %arg8[%gather3A, %gather3A_599, %gather3A_600] : memref<2x128x128xf32, #tpu.memory_space<vmem>> -> memref<1x128x128xf32, #tpu.memory_space<vmem>>
        %gather3A_602 = tpu.memref_squeeze %gather3A_601 : memref<1x128x128xf32, #tpu.memory_space<vmem>> -> memref<128x128xf32, #tpu.memory_space<vmem>>
        %gather3A_603 = tpu.vector_load_idx %gather3A_602[%add3A_5, %add3A_591] : memref<128x128xf32, #tpu.memory_space<vmem>>[vector<16xi32>, vector<16xi32>], vector<16xf32>,
        %gather3A_604 = arith.constant 1 : i32
        %gather3A_605 = arith.constant 0 : i32
        %gather3A_606 = arith.constant 0 : i32
        %gather3A_607 = tpu.memref_slice %arg8[%gather3A_604, %gather3A_605, %gather3A_606] : memref<2x128x128xf32, #tpu.memory_space<vmem>> -> memref<1x128x128xf32, #tpu.memory_space<vmem>>
        %gather3A_608 = tpu.memref_squeeze %gather3A_607 : memref<1x128x128xf32, #tpu.memory_space<vmem>> -> memref<128x128xf32, #tpu.memory_space<vmem>>
        %gather3A_609 = tpu.vector_load_idx %gather3A_608[%add3A_8, %add3A_592] : memref<128x128xf32, #tpu.memory_space<vmem>>[vector<16xi32>, vector<16xi32>], vector<16xf32>,
        %gather3A_610 = arith.constant 1 : i32
        %gather3A_611 = arith.constant 0 : i32
        %gather3A_612 = arith.constant 0 : i32
        %gather3A_613 = tpu.memref_slice %arg8[%gather3A_610, %gather3A_611, %gather3A_612] : memref<2x128x128xf32, #tpu.memory_space<vmem>> -> memref<1x128x128xf32, #tpu.memory_space<vmem>>
        %gather3A_614 = tpu.memref_squeeze %gather3A_613 : memref<1x128x128xf32, #tpu.memory_space<vmem>> -> memref<128x128xf32, #tpu.memory_space<vmem>>
        %gather3A_615 = tpu.vector_load_idx %gather3A_614[%add3A_11, %add3A_593] : memref<128x128xf32, #tpu.memory_space<vmem>>[vector<16xi32>, vector<16xi32>], vector<16xf32>,
        %gather3A_616 = arith.constant 1 : i32
        %gather3A_617 = arith.constant 0 : i32
        %gather3A_618 = arith.constant 0 : i32
        %gather3A_619 = tpu.memref_slice %arg8[%gather3A_616, %gather3A_617, %gather3A_618] : memref<2x128x128xf32, #tpu.memory_space<vmem>> -> memref<1x128x128xf32, #tpu.memory_space<vmem>>
        %gather3A_620 = tpu.memref_squeeze %gather3A_619 : memref<1x128x128xf32, #tpu.memory_space<vmem>> -> memref<128x128xf32, #tpu.memory_space<vmem>>
        %gather3A_621 = tpu.vector_load_idx %gather3A_620[%add3A_14, %add3A_594] : memref<128x128xf32, #tpu.memory_space<vmem>>[vector<16xi32>, vector<16xi32>], vector<16xf32>,
        %gather3A_622 = arith.constant 1 : i32
        %gather3A_623 = arith.constant 0 : i32
        %gather3A_624 = arith.constant 0 : i32
        %gather3A_625 = tpu.memref_slice %arg8[%gather3A_622, %gather3A_623, %gather3A_624] : memref<2x128x128xf32, #tpu.memory_space<vmem>> -> memref<1x128x128xf32, #tpu.memory_space<vmem>>
        %gather3A_626 = tpu.memref_squeeze %gather3A_625 : memref<1x128x128xf32, #tpu.memory_space<vmem>> -> memref<128x128xf32, #tpu.memory_space<vmem>>
        %gather3A_627 = tpu.vector_load_idx %gather3A_626[%add3A_17, %add3A_595] : memref<128x128xf32, #tpu.memory_space<vmem>>[vector<16xi32>, vector<16xi32>], vector<16xf32>,
        %gather3A_628 = arith.constant 1 : i32
        %gather3A_629 = arith.constant 0 : i32
        %gather3A_630 = arith.constant 0 : i32
        %gather3A_631 = tpu.memref_slice %arg8[%gather3A_628, %gather3A_629, %gather3A_630] : memref<2x128x128xf32, #tpu.memory_space<vmem>> -> memref<1x128x128xf32, #tpu.memory_space<vmem>>
        %gather3A_632 = tpu.memref_squeeze %gather3A_631 : memref<1x128x128xf32, #tpu.memory_space<vmem>> -> memref<128x128xf32, #tpu.memory_space<vmem>>
        %gather3A_633 = tpu.vector_load_idx %gather3A_632[%add3A_20, %add3A_596] : memref<128x128xf32, #tpu.memory_space<vmem>>[vector<16xi32>, vector<16xi32>], vector<16xf32>,
        %gather3A_634 = arith.constant 1 : i32
        %gather3A_635 = arith.constant 0 : i32
        %gather3A_636 = arith.constant 0 : i32
        %gather3A_637 = tpu.memref_slice %arg8[%gather3A_634, %gather3A_635, %gather3A_636] : memref<2x128x128xf32, #tpu.memory_space<vmem>> -> memref<1x128x128xf32, #tpu.memory_space<vmem>>
        %gather3A_638 = tpu.memref_squeeze %gather3A_637 : memref<1x128x128xf32, #tpu.memory_space<vmem>> -> memref<128x128xf32, #tpu.memory_space<vmem>>
        %gather3A_639 = tpu.vector_load_idx %gather3A_638[%add3A_23, %add3A_597] : memref<128x128xf32, #tpu.memory_space<vmem>>[vector<16xi32>, vector<16xi32>], vector<16xf32>,
        %gather3A_640 = arith.constant 1 : i32
        %gather3A_641 = arith.constant 0 : i32
        %gather3A_642 = arith.constant 0 : i32
        %gather3A_643 = tpu.memref_slice %arg8[%gather3A_640, %gather3A_641, %gather3A_642] : memref<2x128x128xf32, #tpu.memory_space<vmem>> -> memref<1x128x128xf32, #tpu.memory_space<vmem>>
        %gather3A_644 = tpu.memref_squeeze %gather3A_643 : memref<1x128x128xf32, #tpu.memory_space<vmem>> -> memref<128x128xf32, #tpu.memory_space<vmem>>
        %gather3A_645 = tpu.vector_load_idx %gather3A_644[%add3A_26, %add3A_598] : memref<128x128xf32, #tpu.memory_space<vmem>>[vector<16xi32>, vector<16xi32>], vector<16xf32>,
        %scatter3A = arith.constant 1 : i32
        %scatter3A_646 = arith.constant 0 : i32
        %scatter3A_647 = arith.constant 0 : i32
        %scatter3A_648 = tpu.memref_slice %arg9[%scatter3A, %scatter3A_646, %scatter3A_647] : memref<2x64x128xf32, #tpu.memory_space<vmem>> -> memref<1x64x128xf32, #tpu.memory_space<vmem>>
        %scatter3A_649 = tpu.memref_squeeze %scatter3A_648 : memref<1x64x128xf32, #tpu.memory_space<vmem>> -> memref<64x128xf32, #tpu.memory_space<vmem>>
        tpu.vector_store_idx %scatter3A_649[%add3A_590, %add3A_5], %gather3A_603 : memref<64x128xf32, #tpu.memory_space<vmem>>[vector<16xi32>, vector<16xi32>], vector<16xf32>,
        %scatter3A_650 = arith.constant 1 : i32
        %scatter3A_651 = arith.constant 0 : i32
        %scatter3A_652 = arith.constant 0 : i32
        %scatter3A_653 = tpu.memref_slice %arg9[%scatter3A_650, %scatter3A_651, %scatter3A_652] : memref<2x64x128xf32, #tpu.memory_space<vmem>> -> memref<1x64x128xf32, #tpu.memory_space<vmem>>
        %scatter3A_654 = tpu.memref_squeeze %scatter3A_653 : memref<1x64x128xf32, #tpu.memory_space<vmem>> -> memref<64x128xf32, #tpu.memory_space<vmem>>
        tpu.vector_store_idx %scatter3A_654[%add3A_590, %add3A_8], %gather3A_609 : memref<64x128xf32, #tpu.memory_space<vmem>>[vector<16xi32>, vector<16xi32>], vector<16xf32>,
        %scatter3A_655 = arith.constant 1 : i32
        %scatter3A_656 = arith.constant 0 : i32
        %scatter3A_657 = arith.constant 0 : i32
        %scatter3A_658 = tpu.memref_slice %arg9[%scatter3A_655, %scatter3A_656, %scatter3A_657] : memref<2x64x128xf32, #tpu.memory_space<vmem>> -> memref<1x64x128xf32, #tpu.memory_space<vmem>>
        %scatter3A_659 = tpu.memref_squeeze %scatter3A_658 : memref<1x64x128xf32, #tpu.memory_space<vmem>> -> memref<64x128xf32, #tpu.memory_space<vmem>>
        tpu.vector_store_idx %scatter3A_659[%add3A_590, %add3A_11], %gather3A_615 : memref<64x128xf32, #tpu.memory_space<vmem>>[vector<16xi32>, vector<16xi32>], vector<16xf32>,
        %scatter3A_660 = arith.constant 1 : i32
        %scatter3A_661 = arith.constant 0 : i32
        %scatter3A_662 = arith.constant 0 : i32
        %scatter3A_663 = tpu.memref_slice %arg9[%scatter3A_660, %scatter3A_661, %scatter3A_662] : memref<2x64x128xf32, #tpu.memory_space<vmem>> -> memref<1x64x128xf32, #tpu.memory_space<vmem>>
        %scatter3A_664 = tpu.memref_squeeze %scatter3A_663 : memref<1x64x128xf32, #tpu.memory_space<vmem>> -> memref<64x128xf32, #tpu.memory_space<vmem>>
        tpu.vector_store_idx %scatter3A_664[%add3A_590, %add3A_14], %gather3A_621 : memref<64x128xf32, #tpu.memory_space<vmem>>[vector<16xi32>, vector<16xi32>], vector<16xf32>,
        %scatter3A_665 = arith.constant 1 : i32
        %scatter3A_666 = arith.constant 0 : i32
        %scatter3A_667 = arith.constant 0 : i32
        %scatter3A_668 = tpu.memref_slice %arg9[%scatter3A_665, %scatter3A_666, %scatter3A_667] : memref<2x64x128xf32, #tpu.memory_space<vmem>> -> memref<1x64x128xf32, #tpu.memory_space<vmem>>
        %scatter3A_669 = tpu.memref_squeeze %scatter3A_668 : memref<1x64x128xf32, #tpu.memory_space<vmem>> -> memref<64x128xf32, #tpu.memory_space<vmem>>
        tpu.vector_store_idx %scatter3A_669[%add3A_590, %add3A_17], %gather3A_627 : memref<64x128xf32, #tpu.memory_space<vmem>>[vector<16xi32>, vector<16xi32>], vector<16xf32>,
        %scatter3A_670 = arith.constant 1 : i32
        %scatter3A_671 = arith.constant 0 : i32
        %scatter3A_672 = arith.constant 0 : i32
        %scatter3A_673 = tpu.memref_slice %arg9[%scatter3A_670, %scatter3A_671, %scatter3A_672] : memref<2x64x128xf32, #tpu.memory_space<vmem>> -> memref<1x64x128xf32, #tpu.memory_space<vmem>>
        %scatter3A_674 = tpu.memref_squeeze %scatter3A_673 : memref<1x64x128xf32, #tpu.memory_space<vmem>> -> memref<64x128xf32, #tpu.memory_space<vmem>>
        tpu.vector_store_idx %scatter3A_674[%add3A_590, %add3A_20], %gather3A_633 : memref<64x128xf32, #tpu.memory_space<vmem>>[vector<16xi32>, vector<16xi32>], vector<16xf32>,
        %scatter3A_675 = arith.constant 1 : i32
        %scatter3A_676 = arith.constant 0 : i32
        %scatter3A_677 = arith.constant 0 : i32
        %scatter3A_678 = tpu.memref_slice %arg9[%scatter3A_675, %scatter3A_676, %scatter3A_677] : memref<2x64x128xf32, #tpu.memory_space<vmem>> -> memref<1x64x128xf32, #tpu.memory_space<vmem>>
        %scatter3A_679 = tpu.memref_squeeze %scatter3A_678 : memref<1x64x128xf32, #tpu.memory_space<vmem>> -> memref<64x128xf32, #tpu.memory_space<vmem>>
        tpu.vector_store_idx %scatter3A_679[%add3A_590, %add3A_23], %gather3A_639 : memref<64x128xf32, #tpu.memory_space<vmem>>[vector<16xi32>, vector<16xi32>], vector<16xf32>,
        %scatter3A_680 = arith.constant 1 : i32
        %scatter3A_681 = arith.constant 0 : i32
        %scatter3A_682 = arith.constant 0 : i32
        %scatter3A_683 = tpu.memref_slice %arg9[%scatter3A_680, %scatter3A_681, %scatter3A_682] : memref<2x64x128xf32, #tpu.memory_space<vmem>> -> memref<1x64x128xf32, #tpu.memory_space<vmem>>
        %scatter3A_684 = tpu.memref_squeeze %scatter3A_683 : memref<1x64x128xf32, #tpu.memory_space<vmem>> -> memref<64x128xf32, #tpu.memory_space<vmem>>
        tpu.vector_store_idx %scatter3A_684[%add3A_590, %add3A_26], %gather3A_645 : memref<64x128xf32, #tpu.memory_space<vmem>>[vector<16xi32>, vector<16xi32>], vector<16xf32>,
        %mul3A_685 = arith.constant 2 : i32
        %mul3A_686 = arith.muli %mul3A_685, %scan3A_577 : i32
        %add3A_687 = arith.constant 1 : i32
        %add3A_688 = arith.addi %mul3A_686, %add3A_687 : i32
        %add3A_689 = vector.broadcast %add3A_688 : i32 to vector<16xi32>
        %add3A_690 = arith.addi %iota3A, %add3A_689 : vector<16xi32>
        %and3A_691 = arith.constant 15 : i32
        %and3A_692 = vector.broadcast %and3A_691 : i32 to vector<16xi32>
        %and3A_693 = arith.andi %add3A_690, %and3A_692 : vector<16xi32>
        %and3A_694 = arith.constant 48 : i32
        %and3A_695 = arith.andi %add3A_688, %and3A_694 : i32
        %add3A_696 = vector.broadcast %and3A_695 : i32 to vector<16xi32>
        %add3A_697 = arith.addi %and3A_693, %add3A_696 : vector<16xi32>
        %add3A_698 = arith.addi %get3A_520, %add3A_697 : vector<16xi32>
        %add3A_699 = arith.addi %get3A_524, %add3A_697 : vector<16xi32>
        %add3A_700 = arith.addi %get3A_528, %add3A_697 : vector<16xi32>
        %add3A_701 = arith.addi %get3A_532, %add3A_697 : vector<16xi32>
        %add3A_702 = arith.addi %get3A_536, %add3A_697 : vector<16xi32>
        %add3A_703 = arith.addi %get3A_540, %add3A_697 : vector<16xi32>
        %add3A_704 = arith.addi %get3A_544, %add3A_697 : vector<16xi32>
        %add3A_705 = arith.addi %get3A_548, %add3A_697 : vector<16xi32>
        %gather3A_706 = arith.constant 1 : i32
        %gather3A_707 = arith.constant 0 : i32
        %gather3A_708 = arith.constant 0 : i32
        %gather3A_709 = tpu.memref_slice %arg8[%gather3A_706, %gather3A_707, %gather3A_708] : memref<2x128x128xf32, #tpu.memory_space<vmem>> -> memref<1x128x128xf32, #tpu.memory_space<vmem>>
        %gather3A_710 = tpu.memref_squeeze %gather3A_709 : memref<1x128x128xf32, #tpu.memory_space<vmem>> -> memref<128x128xf32, #tpu.memory_space<vmem>>
        %gather3A_711 = tpu.vector_load_idx %gather3A_710[%add3A_5, %add3A_698] : memref<128x128xf32, #tpu.memory_space<vmem>>[vector<16xi32>, vector<16xi32>], vector<16xf32>,
        %gather3A_712 = arith.constant 1 : i32
        %gather3A_713 = arith.constant 0 : i32
        %gather3A_714 = arith.constant 0 : i32
        %gather3A_715 = tpu.memref_slice %arg8[%gather3A_712, %gather3A_713, %gather3A_714] : memref<2x128x128xf32, #tpu.memory_space<vmem>> -> memref<1x128x128xf32, #tpu.memory_space<vmem>>
        %gather3A_716 = tpu.memref_squeeze %gather3A_715 : memref<1x128x128xf32, #tpu.memory_space<vmem>> -> memref<128x128xf32, #tpu.memory_space<vmem>>
        %gather3A_717 = tpu.vector_load_idx %gather3A_716[%add3A_8, %add3A_699] : memref<128x128xf32, #tpu.memory_space<vmem>>[vector<16xi32>, vector<16xi32>], vector<16xf32>,
        %gather3A_718 = arith.constant 1 : i32
        %gather3A_719 = arith.constant 0 : i32
        %gather3A_720 = arith.constant 0 : i32
        %gather3A_721 = tpu.memref_slice %arg8[%gather3A_718, %gather3A_719, %gather3A_720] : memref<2x128x128xf32, #tpu.memory_space<vmem>> -> memref<1x128x128xf32, #tpu.memory_space<vmem>>
        %gather3A_722 = tpu.memref_squeeze %gather3A_721 : memref<1x128x128xf32, #tpu.memory_space<vmem>> -> memref<128x128xf32, #tpu.memory_space<vmem>>
        %gather3A_723 = tpu.vector_load_idx %gather3A_722[%add3A_11, %add3A_700] : memref<128x128xf32, #tpu.memory_space<vmem>>[vector<16xi32>, vector<16xi32>], vector<16xf32>,
        %gather3A_724 = arith.constant 1 : i32
        %gather3A_725 = arith.constant 0 : i32
        %gather3A_726 = arith.constant 0 : i32
        %gather3A_727 = tpu.memref_slice %arg8[%gather3A_724, %gather3A_725, %gather3A_726] : memref<2x128x128xf32, #tpu.memory_space<vmem>> -> memref<1x128x128xf32, #tpu.memory_space<vmem>>
        %gather3A_728 = tpu.memref_squeeze %gather3A_727 : memref<1x128x128xf32, #tpu.memory_space<vmem>> -> memref<128x128xf32, #tpu.memory_space<vmem>>
        %gather3A_729 = tpu.vector_load_idx %gather3A_728[%add3A_14, %add3A_701] : memref<128x128xf32, #tpu.memory_space<vmem>>[vector<16xi32>, vector<16xi32>], vector<16xf32>,
        %gather3A_730 = arith.constant 1 : i32
        %gather3A_731 = arith.constant 0 : i32
        %gather3A_732 = arith.constant 0 : i32
        %gather3A_733 = tpu.memref_slice %arg8[%gather3A_730, %gather3A_731, %gather3A_732] : memref<2x128x128xf32, #tpu.memory_space<vmem>> -> memref<1x128x128xf32, #tpu.memory_space<vmem>>
        %gather3A_734 = tpu.memref_squeeze %gather3A_733 : memref<1x128x128xf32, #tpu.memory_space<vmem>> -> memref<128x128xf32, #tpu.memory_space<vmem>>
        %gather3A_735 = tpu.vector_load_idx %gather3A_734[%add3A_17, %add3A_702] : memref<128x128xf32, #tpu.memory_space<vmem>>[vector<16xi32>, vector<16xi32>], vector<16xf32>,
        %gather3A_736 = arith.constant 1 : i32
        %gather3A_737 = arith.constant 0 : i32
        %gather3A_738 = arith.constant 0 : i32
        %gather3A_739 = tpu.memref_slice %arg8[%gather3A_736, %gather3A_737, %gather3A_738] : memref<2x128x128xf32, #tpu.memory_space<vmem>> -> memref<1x128x128xf32, #tpu.memory_space<vmem>>
        %gather3A_740 = tpu.memref_squeeze %gather3A_739 : memref<1x128x128xf32, #tpu.memory_space<vmem>> -> memref<128x128xf32, #tpu.memory_space<vmem>>
        %gather3A_741 = tpu.vector_load_idx %gather3A_740[%add3A_20, %add3A_703] : memref<128x128xf32, #tpu.memory_space<vmem>>[vector<16xi32>, vector<16xi32>], vector<16xf32>,
        %gather3A_742 = arith.constant 1 : i32
        %gather3A_743 = arith.constant 0 : i32
        %gather3A_744 = arith.constant 0 : i32
        %gather3A_745 = tpu.memref_slice %arg8[%gather3A_742, %gather3A_743, %gather3A_744] : memref<2x128x128xf32, #tpu.memory_space<vmem>> -> memref<1x128x128xf32, #tpu.memory_space<vmem>>
        %gather3A_746 = tpu.memref_squeeze %gather3A_745 : memref<1x128x128xf32, #tpu.memory_space<vmem>> -> memref<128x128xf32, #tpu.memory_space<vmem>>
        %gather3A_747 = tpu.vector_load_idx %gather3A_746[%add3A_23, %add3A_704] : memref<128x128xf32, #tpu.memory_space<vmem>>[vector<16xi32>, vector<16xi32>], vector<16xf32>,
        %gather3A_748 = arith.constant 1 : i32
        %gather3A_749 = arith.constant 0 : i32
        %gather3A_750 = arith.constant 0 : i32
        %gather3A_751 = tpu.memref_slice %arg8[%gather3A_748, %gather3A_749, %gather3A_750] : memref<2x128x128xf32, #tpu.memory_space<vmem>> -> memref<1x128x128xf32, #tpu.memory_space<vmem>>
        %gather3A_752 = tpu.memref_squeeze %gather3A_751 : memref<1x128x128xf32, #tpu.memory_space<vmem>> -> memref<128x128xf32, #tpu.memory_space<vmem>>
        %gather3A_753 = tpu.vector_load_idx %gather3A_752[%add3A_26, %add3A_705] : memref<128x128xf32, #tpu.memory_space<vmem>>[vector<16xi32>, vector<16xi32>], vector<16xf32>,
        %scatter3A_754 = arith.constant 1 : i32
        %scatter3A_755 = arith.constant 0 : i32
        %scatter3A_756 = arith.constant 0 : i32
        %scatter3A_757 = tpu.memref_slice %arg9[%scatter3A_754, %scatter3A_755, %scatter3A_756] : memref<2x64x128xf32, #tpu.memory_space<vmem>> -> memref<1x64x128xf32, #tpu.memory_space<vmem>>
        %scatter3A_758 = tpu.memref_squeeze %scatter3A_757 : memref<1x64x128xf32, #tpu.memory_space<vmem>> -> memref<64x128xf32, #tpu.memory_space<vmem>>
        tpu.vector_store_idx %scatter3A_758[%add3A_697, %add3A_5], %gather3A_711 : memref<64x128xf32, #tpu.memory_space<vmem>>[vector<16xi32>, vector<16xi32>], vector<16xf32>,
        %scatter3A_759 = arith.constant 1 : i32
        %scatter3A_760 = arith.constant 0 : i32
        %scatter3A_761 = arith.constant 0 : i32
        %scatter3A_762 = tpu.memref_slice %arg9[%scatter3A_759, %scatter3A_760, %scatter3A_761] : memref<2x64x128xf32, #tpu.memory_space<vmem>> -> memref<1x64x128xf32, #tpu.memory_space<vmem>>
        %scatter3A_763 = tpu.memref_squeeze %scatter3A_762 : memref<1x64x128xf32, #tpu.memory_space<vmem>> -> memref<64x128xf32, #tpu.memory_space<vmem>>
        tpu.vector_store_idx %scatter3A_763[%add3A_697, %add3A_8], %gather3A_717 : memref<64x128xf32, #tpu.memory_space<vmem>>[vector<16xi32>, vector<16xi32>], vector<16xf32>,
        %scatter3A_764 = arith.constant 1 : i32
        %scatter3A_765 = arith.constant 0 : i32
        %scatter3A_766 = arith.constant 0 : i32
        %scatter3A_767 = tpu.memref_slice %arg9[%scatter3A_764, %scatter3A_765, %scatter3A_766] : memref<2x64x128xf32, #tpu.memory_space<vmem>> -> memref<1x64x128xf32, #tpu.memory_space<vmem>>
        %scatter3A_768 = tpu.memref_squeeze %scatter3A_767 : memref<1x64x128xf32, #tpu.memory_space<vmem>> -> memref<64x128xf32, #tpu.memory_space<vmem>>
        tpu.vector_store_idx %scatter3A_768[%add3A_697, %add3A_11], %gather3A_723 : memref<64x128xf32, #tpu.memory_space<vmem>>[vector<16xi32>, vector<16xi32>], vector<16xf32>,
        %scatter3A_769 = arith.constant 1 : i32
        %scatter3A_770 = arith.constant 0 : i32
        %scatter3A_771 = arith.constant 0 : i32
        %scatter3A_772 = tpu.memref_slice %arg9[%scatter3A_769, %scatter3A_770, %scatter3A_771] : memref<2x64x128xf32, #tpu.memory_space<vmem>> -> memref<1x64x128xf32, #tpu.memory_space<vmem>>
        %scatter3A_773 = tpu.memref_squeeze %scatter3A_772 : memref<1x64x128xf32, #tpu.memory_space<vmem>> -> memref<64x128xf32, #tpu.memory_space<vmem>>
        tpu.vector_store_idx %scatter3A_773[%add3A_697, %add3A_14], %gather3A_729 : memref<64x128xf32, #tpu.memory_space<vmem>>[vector<16xi32>, vector<16xi32>], vector<16xf32>,
        %scatter3A_774 = arith.constant 1 : i32
        %scatter3A_775 = arith.constant 0 : i32
        %scatter3A_776 = arith.constant 0 : i32
        %scatter3A_777 = tpu.memref_slice %arg9[%scatter3A_774, %scatter3A_775, %scatter3A_776] : memref<2x64x128xf32, #tpu.memory_space<vmem>> -> memref<1x64x128xf32, #tpu.memory_space<vmem>>
        %scatter3A_778 = tpu.memref_squeeze %scatter3A_777 : memref<1x64x128xf32, #tpu.memory_space<vmem>> -> memref<64x128xf32, #tpu.memory_space<vmem>>
        tpu.vector_store_idx %scatter3A_778[%add3A_697, %add3A_17], %gather3A_735 : memref<64x128xf32, #tpu.memory_space<vmem>>[vector<16xi32>, vector<16xi32>], vector<16xf32>,
        %scatter3A_779 = arith.constant 1 : i32
        %scatter3A_780 = arith.constant 0 : i32
        %scatter3A_781 = arith.constant 0 : i32
        %scatter3A_782 = tpu.memref_slice %arg9[%scatter3A_779, %scatter3A_780, %scatter3A_781] : memref<2x64x128xf32, #tpu.memory_space<vmem>> -> memref<1x64x128xf32, #tpu.memory_space<vmem>>
        %scatter3A_783 = tpu.memref_squeeze %scatter3A_782 : memref<1x64x128xf32, #tpu.memory_space<vmem>> -> memref<64x128xf32, #tpu.memory_space<vmem>>
        tpu.vector_store_idx %scatter3A_783[%add3A_697, %add3A_20], %gather3A_741 : memref<64x128xf32, #tpu.memory_space<vmem>>[vector<16xi32>, vector<16xi32>], vector<16xf32>,
        %scatter3A_784 = arith.constant 1 : i32
        %scatter3A_785 = arith.constant 0 : i32
        %scatter3A_786 = arith.constant 0 : i32
        %scatter3A_787 = tpu.memref_slice %arg9[%scatter3A_784, %scatter3A_785, %scatter3A_786] : memref<2x64x128xf32, #tpu.memory_space<vmem>> -> memref<1x64x128xf32, #tpu.memory_space<vmem>>
        %scatter3A_788 = tpu.memref_squeeze %scatter3A_787 : memref<1x64x128xf32, #tpu.memory_space<vmem>> -> memref<64x128xf32, #tpu.memory_space<vmem>>
        tpu.vector_store_idx %scatter3A_788[%add3A_697, %add3A_23], %gather3A_747 : memref<64x128xf32, #tpu.memory_space<vmem>>[vector<16xi32>, vector<16xi32>], vector<16xf32>,
        %scatter3A_789 = arith.constant 1 : i32
        %scatter3A_790 = arith.constant 0 : i32
        %scatter3A_791 = arith.constant 0 : i32
        %scatter3A_792 = tpu.memref_slice %arg9[%scatter3A_789, %scatter3A_790, %scatter3A_791] : memref<2x64x128xf32, #tpu.memory_space<vmem>> -> memref<1x64x128xf32, #tpu.memory_space<vmem>>
        %scatter3A_793 = tpu.memref_squeeze %scatter3A_792 : memref<1x64x128xf32, #tpu.memory_space<vmem>> -> memref<64x128xf32, #tpu.memory_space<vmem>>
        tpu.vector_store_idx %scatter3A_793[%add3A_697, %add3A_26], %gather3A_753 : memref<64x128xf32, #tpu.memory_space<vmem>>[vector<16xi32>, vector<16xi32>], vector<16xf32>,
      }
      %scan3A_554 = arith.constant 32 : i32
      %dma_start3A_555 = arith.constant 1 : i32
      %dma_start3A_556 = arith.constant 0 : i32
      %dma_start3A_557 = arith.constant 0 : i32
      %dma_start3A_558 = tpu.memref_slice %arg9[%dma_start3A_555, %dma_start3A_556, %dma_start3A_557] : memref<2x64x128xf32, #tpu.memory_space<vmem>> -> memref<1x64x128xf32, #tpu.memory_space<vmem>>
      %dma_start3A_559 = tpu.memref_squeeze %dma_start3A_558 : memref<1x64x128xf32, #tpu.memory_space<vmem>> -> memref<64x128xf32, #tpu.memory_space<vmem>>
      %dma_start3A_560 = arith.constant 0 : i32
      %dma_start3A_561 = tpu.memref_slice %arg4[%add3A_499, %dma_start3A_560, %mul3A_2] : memref<200x64x4096xf32, #tpu.memory_space<hbm>> -> memref<1x64x128xf32, #tpu.memory_space<hbm>>
      %dma_start3A_562 = tpu.memref_squeeze %dma_start3A_561 : memref<1x64x128xf32, #tpu.memory_space<hbm>> -> memref<64x128xf32, #tpu.memory_space<hbm>>
      %dma_start3A_563 = arith.constant 0 : i32
      %dma_start3A_564 = tpu.memref_slice %arg4[%add3A_499, %dma_start3A_563, %mul3A_2] : memref<200x64x4096xf32, #tpu.memory_space<hbm>> -> memref<1x64x128xf32, #tpu.memory_space<hbm>>
      %dma_start3A_565 = tpu.memref_squeeze %dma_start3A_564 : memref<1x64x128xf32, #tpu.memory_space<hbm>> -> memref<64x128xf32, #tpu.memory_space<hbm>>
      %dma_start3A_566 = arith.constant 0 : i32
      %dma_start3A_567 = arith.constant 0 : i32
      %dma_start3A_568 = tpu.memref_slice %arg9[%dma_start3A_555, %dma_start3A_566, %dma_start3A_567] : memref<2x64x128xf32, #tpu.memory_space<vmem>> -> memref<1x64x128xf32, #tpu.memory_space<vmem>>
      %dma_start3A_569 = tpu.memref_squeeze %dma_start3A_568 : memref<1x64x128xf32, #tpu.memory_space<vmem>> -> memref<64x128xf32, #tpu.memory_space<vmem>>
      tpu.enqueue_dma source(%dma_start3A_569 : memref<64x128xf32, #tpu.memory_space<vmem>>) target(%dma_start3A_565 : memref<64x128xf32, #tpu.memory_space<hbm>>) target_semaphore(%arg13 : memref<!tpu.dma_semaphore, #tpu.memory_space<semaphore_mem>>)
      %add3A_570 = arith.constant 2 : i32
      %add3A_571 = arith.addi %add3A_499, %add3A_570 : i32
      %lt3A_572 = arith.constant 200 : i32
      %lt3A_573 = arith.cmpi slt, %add3A_571, %lt3A_572 : i32
      %convert_element_type3A_574 = arith.extui %lt3A_573 : i1 to i32
      %cond3A_575 = arith.constant 0 : i32
      %cond3A_576 = arith.cmpi ne, %convert_element_type3A_574, %cond3A_575 : i32
      scf.if %cond3A_576 {
        %add3A_577 = arith.constant 2 : i32
        %add3A_578 = arith.addi %add3A_499, %add3A_577 : i32
        %get3A_579 = arith.index_cast %add3A_578 : i32 to index
        %get3A_580 = arith.constant 0 : index
        %get3A_581 = tpu.vector_load %arg5[%get3A_579, %get3A_580] {strides = array<i32>} : memref<200x128xi32, #tpu.memory_space<vmem>>, vector<16xi32>,
        %shift_right_logical3A_582 = arith.constant 1 : i32
        %shift_right_logical3A_583 = vector.broadcast %shift_right_logical3A_582 : i32 to vector<16xi32>
        %shift_right_logical3A_584 = arith.shrui %get3A_581, %shift_right_logical3A_583 : vector<16xi32>
        %swap3A_585 = arith.constant 1 : i32
        %swap3A_586 = arith.index_cast %swap3A_585 : i32 to index
        %swap3A_587 = arith.constant 0 : index
        %swap3A_588 = tpu.vector_load %arg6[%swap3A_586, %swap3A_587] {strides = array<i32>} : memref<2x128xi32, #tpu.memory_space<vmem>>, vector<16xi32>,
        tpu.vector_store %arg6[%swap3A_586, %swap3A_587], %shift_right_logical3A_584 {strides = array<i32>} : memref<2x128xi32, #tpu.memory_space<vmem>>, vector<16xi32>,
        %and3A_589 = arith.constant 1 : i32
        %and3A_590 = vector.broadcast %and3A_589 : i32 to vector<16xi32>
        %and3A_591 = arith.andi %get3A_581, %and3A_590 : vector<16xi32>
        %mul3A_592 = arith.constant 64 : i32
        %mul3A_593 = vector.broadcast %mul3A_592 : i32 to vector<16xi32>
        %mul3A_594 = arith.muli %and3A_591, %mul3A_593 : vector<16xi32>
        %swap3A_595 = arith.constant 1 : i32
        %swap3A_596 = arith.index_cast %swap3A_595 : i32 to index
        %swap3A_597 = arith.constant 0 : index
        %swap3A_598 = tpu.vector_load %arg7[%swap3A_596, %swap3A_597] {strides = array<i32>} : memref<2x128xi32, #tpu.memory_space<vmem>>, vector<16xi32>,
        tpu.vector_store %arg7[%swap3A_596, %swap3A_597], %mul3A_594 {strides = array<i32>} : memref<2x128xi32, #tpu.memory_space<vmem>>, vector<16xi32>,
        %get3A_599 = arith.index_cast %add3A_578 : i32 to index
        %get3A_600 = arith.constant 16 : index
        %get3A_601 = tpu.vector_load %arg5[%get3A_599, %get3A_600] {strides = array<i32>} : memref<200x128xi32, #tpu.memory_space<vmem>>, vector<16xi32>,
        %shift_right_logical3A_602 = arith.constant 1 : i32
        %shift_right_logical3A_603 = vector.broadcast %shift_right_logical3A_602 : i32 to vector<16xi32>
        %shift_right_logical3A_604 = arith.shrui %get3A_601, %shift_right_logical3A_603 : vector<16xi32>
        %swap3A_605 = arith.constant 1 : i32
        %swap3A_606 = arith.index_cast %swap3A_605 : i32 to index
        %swap3A_607 = arith.constant 16 : index
        %swap3A_608 = tpu.vector_load %arg6[%swap3A_606, %swap3A_607] {strides = array<i32>} : memref<2x128xi32, #tpu.memory_space<vmem>>, vector<16xi32>,
        tpu.vector_store %arg6[%swap3A_606, %swap3A_607], %shift_right_logical3A_604 {strides = array<i32>} : memref<2x128xi32, #tpu.memory_space<vmem>>, vector<16xi32>,
        %and3A_609 = arith.constant 1 : i32
        %and3A_610 = vector.broadcast %and3A_609 : i32 to vector<16xi32>
        %and3A_611 = arith.andi %get3A_601, %and3A_610 : vector<16xi32>
        %mul3A_612 = arith.constant 64 : i32
        %mul3A_613 = vector.broadcast %mul3A_612 : i32 to vector<16xi32>
        %mul3A_614 = arith.muli %and3A_611, %mul3A_613 : vector<16xi32>
        %swap3A_615 = arith.constant 1 : i32
        %swap3A_616 = arith.index_cast %swap3A_615 : i32 to index
        %swap3A_617 = arith.constant 16 : index
        %swap3A_618 = tpu.vector_load %arg7[%swap3A_616, %swap3A_617] {strides = array<i32>} : memref<2x128xi32, #tpu.memory_space<vmem>>, vector<16xi32>,
        tpu.vector_store %arg7[%swap3A_616, %swap3A_617], %mul3A_614 {strides = array<i32>} : memref<2x128xi32, #tpu.memory_space<vmem>>, vector<16xi32>,
        %get3A_619 = arith.index_cast %add3A_578 : i32 to index
        %get3A_620 = arith.constant 32 : index
        %get3A_621 = tpu.vector_load %arg5[%get3A_619, %get3A_620] {strides = array<i32>} : memref<200x128xi32, #tpu.memory_space<vmem>>, vector<16xi32>,
        %shift_right_logical3A_622 = arith.constant 1 : i32
        %shift_right_logical3A_623 = vector.broadcast %shift_right_logical3A_622 : i32 to vector<16xi32>
        %shift_right_logical3A_624 = arith.shrui %get3A_621, %shift_right_logical3A_623 : vector<16xi32>
        %swap3A_625 = arith.constant 1 : i32
        %swap3A_626 = arith.index_cast %swap3A_625 : i32 to index
        %swap3A_627 = arith.constant 32 : index
        %swap3A_628 = tpu.vector_load %arg6[%swap3A_626, %swap3A_627] {strides = array<i32>} : memref<2x128xi32, #tpu.memory_space<vmem>>, vector<16xi32>,
        tpu.vector_store %arg6[%swap3A_626, %swap3A_627], %shift_right_logical3A_624 {strides = array<i32>} : memref<2x128xi32, #tpu.memory_space<vmem>>, vector<16xi32>,
        %and3A_629 = arith.constant 1 : i32
        %and3A_630 = vector.broadcast %and3A_629 : i32 to vector<16xi32>
        %and3A_631 = arith.andi %get3A_621, %and3A_630 : vector<16xi32>
        %mul3A_632 = arith.constant 64 : i32
        %mul3A_633 = vector.broadcast %mul3A_632 : i32 to vector<16xi32>
        %mul3A_634 = arith.muli %and3A_631, %mul3A_633 : vector<16xi32>
        %swap3A_635 = arith.constant 1 : i32
        %swap3A_636 = arith.index_cast %swap3A_635 : i32 to index
        %swap3A_637 = arith.constant 32 : index
        %swap3A_638 = tpu.vector_load %arg7[%swap3A_636, %swap3A_637] {strides = array<i32>} : memref<2x128xi32, #tpu.memory_space<vmem>>, vector<16xi32>,
        tpu.vector_store %arg7[%swap3A_636, %swap3A_637], %mul3A_634 {strides = array<i32>} : memref<2x128xi32, #tpu.memory_space<vmem>>, vector<16xi32>,
        %get3A_639 = arith.index_cast %add3A_578 : i32 to index
        %get3A_640 = arith.constant 48 : index
        %get3A_641 = tpu.vector_load %arg5[%get3A_639, %get3A_640] {strides = array<i32>} : memref<200x128xi32, #tpu.memory_space<vmem>>, vector<16xi32>,
        %shift_right_logical3A_642 = arith.constant 1 : i32
        %shift_right_logical3A_643 = vector.broadcast %shift_right_logical3A_642 : i32 to vector<16xi32>
        %shift_right_logical3A_644 = arith.shrui %get3A_641, %shift_right_logical3A_643 : vector<16xi32>
        %swap3A_645 = arith.constant 1 : i32
        %swap3A_646 = arith.index_cast %swap3A_645 : i32 to index
        %swap3A_647 = arith.constant 48 : index
        %swap3A_648 = tpu.vector_load %arg6[%swap3A_646, %swap3A_647] {strides = array<i32>} : memref<2x128xi32, #tpu.memory_space<vmem>>, vector<16xi32>,
        tpu.vector_store %arg6[%swap3A_646, %swap3A_647], %shift_right_logical3A_644 {strides = array<i32>} : memref<2x128xi32, #tpu.memory_space<vmem>>, vector<16xi32>,
        %and3A_649 = arith.constant 1 : i32
        %and3A_650 = vector.broadcast %and3A_649 : i32 to vector<16xi32>
        %and3A_651 = arith.andi %get3A_641, %and3A_650 : vector<16xi32>
        %mul3A_652 = arith.constant 64 : i32
        %mul3A_653 = vector.broadcast %mul3A_652 : i32 to vector<16xi32>
        %mul3A_654 = arith.muli %and3A_651, %mul3A_653 : vector<16xi32>
        %swap3A_655 = arith.constant 1 : i32
        %swap3A_656 = arith.index_cast %swap3A_655 : i32 to index
        %swap3A_657 = arith.constant 48 : index
        %swap3A_658 = tpu.vector_load %arg7[%swap3A_656, %swap3A_657] {strides = array<i32>} : memref<2x128xi32, #tpu.memory_space<vmem>>, vector<16xi32>,
        tpu.vector_store %arg7[%swap3A_656, %swap3A_657], %mul3A_654 {strides = array<i32>} : memref<2x128xi32, #tpu.memory_space<vmem>>, vector<16xi32>,
        %get3A_659 = arith.index_cast %add3A_578 : i32 to index
        %get3A_660 = arith.constant 64 : index
        %get3A_661 = tpu.vector_load %arg5[%get3A_659, %get3A_660] {strides = array<i32>} : memref<200x128xi32, #tpu.memory_space<vmem>>, vector<16xi32>,
        %shift_right_logical3A_662 = arith.constant 1 : i32
        %shift_right_logical3A_663 = vector.broadcast %shift_right_logical3A_662 : i32 to vector<16xi32>
        %shift_right_logical3A_664 = arith.shrui %get3A_661, %shift_right_logical3A_663 : vector<16xi32>
        %swap3A_665 = arith.constant 1 : i32
        %swap3A_666 = arith.index_cast %swap3A_665 : i32 to index
        %swap3A_667 = arith.constant 64 : index
        %swap3A_668 = tpu.vector_load %arg6[%swap3A_666, %swap3A_667] {strides = array<i32>} : memref<2x128xi32, #tpu.memory_space<vmem>>, vector<16xi32>,
        tpu.vector_store %arg6[%swap3A_666, %swap3A_667], %shift_right_logical3A_664 {strides = array<i32>} : memref<2x128xi32, #tpu.memory_space<vmem>>, vector<16xi32>,
        %and3A_669 = arith.constant 1 : i32
        %and3A_670 = vector.broadcast %and3A_669 : i32 to vector<16xi32>
        %and3A_671 = arith.andi %get3A_661, %and3A_670 : vector<16xi32>
        %mul3A_672 = arith.constant 64 : i32
        %mul3A_673 = vector.broadcast %mul3A_672 : i32 to vector<16xi32>
        %mul3A_674 = arith.muli %and3A_671, %mul3A_673 : vector<16xi32>
        %swap3A_675 = arith.constant 1 : i32
        %swap3A_676 = arith.index_cast %swap3A_675 : i32 to index
        %swap3A_677 = arith.constant 64 : index
        %swap3A_678 = tpu.vector_load %arg7[%swap3A_676, %swap3A_677] {strides = array<i32>} : memref<2x128xi32, #tpu.memory_space<vmem>>, vector<16xi32>,
        tpu.vector_store %arg7[%swap3A_676, %swap3A_677], %mul3A_674 {strides = array<i32>} : memref<2x128xi32, #tpu.memory_space<vmem>>, vector<16xi32>,
        %get3A_679 = arith.index_cast %add3A_578 : i32 to index
        %get3A_680 = arith.constant 80 : index
        %get3A_681 = tpu.vector_load %arg5[%get3A_679, %get3A_680] {strides = array<i32>} : memref<200x128xi32, #tpu.memory_space<vmem>>, vector<16xi32>,
        %shift_right_logical3A_682 = arith.constant 1 : i32
        %shift_right_logical3A_683 = vector.broadcast %shift_right_logical3A_682 : i32 to vector<16xi32>
        %shift_right_logical3A_684 = arith.shrui %get3A_681, %shift_right_logical3A_683 : vector<16xi32>
        %swap3A_685 = arith.constant 1 : i32
        %swap3A_686 = arith.index_cast %swap3A_685 : i32 to index
        %swap3A_687 = arith.constant 80 : index
        %swap3A_688 = tpu.vector_load %arg6[%swap3A_686, %swap3A_687] {strides = array<i32>} : memref<2x128xi32, #tpu.memory_space<vmem>>, vector<16xi32>,
        tpu.vector_store %arg6[%swap3A_686, %swap3A_687], %shift_right_logical3A_684 {strides = array<i32>} : memref<2x128xi32, #tpu.memory_space<vmem>>, vector<16xi32>,
        %and3A_689 = arith.constant 1 : i32
        %and3A_690 = vector.broadcast %and3A_689 : i32 to vector<16xi32>
        %and3A_691 = arith.andi %get3A_681, %and3A_690 : vector<16xi32>
        %mul3A_692 = arith.constant 64 : i32
        %mul3A_693 = vector.broadcast %mul3A_692 : i32 to vector<16xi32>
        %mul3A_694 = arith.muli %and3A_691, %mul3A_693 : vector<16xi32>
        %swap3A_695 = arith.constant 1 : i32
        %swap3A_696 = arith.index_cast %swap3A_695 : i32 to index
        %swap3A_697 = arith.constant 80 : index
        %swap3A_698 = tpu.vector_load %arg7[%swap3A_696, %swap3A_697] {strides = array<i32>} : memref<2x128xi32, #tpu.memory_space<vmem>>, vector<16xi32>,
        tpu.vector_store %arg7[%swap3A_696, %swap3A_697], %mul3A_694 {strides = array<i32>} : memref<2x128xi32, #tpu.memory_space<vmem>>, vector<16xi32>,
        %get3A_699 = arith.index_cast %add3A_578 : i32 to index
        %get3A_700 = arith.constant 96 : index
        %get3A_701 = tpu.vector_load %arg5[%get3A_699, %get3A_700] {strides = array<i32>} : memref<200x128xi32, #tpu.memory_space<vmem>>, vector<16xi32>,
        %shift_right_logical3A_702 = arith.constant 1 : i32
        %shift_right_logical3A_703 = vector.broadcast %shift_right_logical3A_702 : i32 to vector<16xi32>
        %shift_right_logical3A_704 = arith.shrui %get3A_701, %shift_right_logical3A_703 : vector<16xi32>
        %swap3A_705 = arith.constant 1 : i32
        %swap3A_706 = arith.index_cast %swap3A_705 : i32 to index
        %swap3A_707 = arith.constant 96 : index
        %swap3A_708 = tpu.vector_load %arg6[%swap3A_706, %swap3A_707] {strides = array<i32>} : memref<2x128xi32, #tpu.memory_space<vmem>>, vector<16xi32>,
        tpu.vector_store %arg6[%swap3A_706, %swap3A_707], %shift_right_logical3A_704 {strides = array<i32>} : memref<2x128xi32, #tpu.memory_space<vmem>>, vector<16xi32>,
        %and3A_709 = arith.constant 1 : i32
        %and3A_710 = vector.broadcast %and3A_709 : i32 to vector<16xi32>
        %and3A_711 = arith.andi %get3A_701, %and3A_710 : vector<16xi32>
        %mul3A_712 = arith.constant 64 : i32
        %mul3A_713 = vector.broadcast %mul3A_712 : i32 to vector<16xi32>
        %mul3A_714 = arith.muli %and3A_711, %mul3A_713 : vector<16xi32>
        %swap3A_715 = arith.constant 1 : i32
        %swap3A_716 = arith.index_cast %swap3A_715 : i32 to index
        %swap3A_717 = arith.constant 96 : index
        %swap3A_718 = tpu.vector_load %arg7[%swap3A_716, %swap3A_717] {strides = array<i32>} : memref<2x128xi32, #tpu.memory_space<vmem>>, vector<16xi32>,
        tpu.vector_store %arg7[%swap3A_716, %swap3A_717], %mul3A_714 {strides = array<i32>} : memref<2x128xi32, #tpu.memory_space<vmem>>, vector<16xi32>,
        %get3A_719 = arith.index_cast %add3A_578 : i32 to index
        %get3A_720 = arith.constant 112 : index
        %get3A_721 = tpu.vector_load %arg5[%get3A_719, %get3A_720] {strides = array<i32>} : memref<200x128xi32, #tpu.memory_space<vmem>>, vector<16xi32>,
        %shift_right_logical3A_722 = arith.constant 1 : i32
        %shift_right_logical3A_723 = vector.broadcast %shift_right_logical3A_722 : i32 to vector<16xi32>
        %shift_right_logical3A_724 = arith.shrui %get3A_721, %shift_right_logical3A_723 : vector<16xi32>
        %swap3A_725 = arith.constant 1 : i32
        %swap3A_726 = arith.index_cast %swap3A_725 : i32 to index
        %swap3A_727 = arith.constant 112 : index
        %swap3A_728 = tpu.vector_load %arg6[%swap3A_726, %swap3A_727] {strides = array<i32>} : memref<2x128xi32, #tpu.memory_space<vmem>>, vector<16xi32>,
        tpu.vector_store %arg6[%swap3A_726, %swap3A_727], %shift_right_logical3A_724 {strides = array<i32>} : memref<2x128xi32, #tpu.memory_space<vmem>>, vector<16xi32>,
        %and3A_729 = arith.constant 1 : i32
        %and3A_730 = vector.broadcast %and3A_729 : i32 to vector<16xi32>
        %and3A_731 = arith.andi %get3A_721, %and3A_730 : vector<16xi32>
        %mul3A_732 = arith.constant 64 : i32
        %mul3A_733 = vector.broadcast %mul3A_732 : i32 to vector<16xi32>
        %mul3A_734 = arith.muli %and3A_731, %mul3A_733 : vector<16xi32>
        %swap3A_735 = arith.constant 1 : i32
        %swap3A_736 = arith.index_cast %swap3A_735 : i32 to index
        %swap3A_737 = arith.constant 112 : index
        %swap3A_738 = tpu.vector_load %arg7[%swap3A_736, %swap3A_737] {strides = array<i32>} : memref<2x128xi32, #tpu.memory_space<vmem>>, vector<16xi32>,
        tpu.vector_store %arg7[%swap3A_736, %swap3A_737], %mul3A_734 {strides = array<i32>} : memref<2x128xi32, #tpu.memory_space<vmem>>, vector<16xi32>,
        %add3A_739 = arith.constant 2 : i32
        %add3A_740 = arith.addi %add3A_499, %add3A_739 : i32
        %dma_start3A_741 = arith.constant 1 : i32
        %dma_start3A_742 = arith.constant 1 : i32
        %dma_start3A_743 = arith.constant 0 : i32
        %dma_start3A_744 = arith.constant 0 : i32
        %dma_start3A_745 = tpu.memref_slice %arg8[%dma_start3A_742, %dma_start3A_743, %dma_start3A_744] : memref<2x128x128xf32, #tpu.memory_space<vmem>> -> memref<1x128x128xf32, #tpu.memory_space<vmem>>
        %dma_start3A_746 = tpu.memref_squeeze %dma_start3A_745 : memref<1x128x128xf32, #tpu.memory_space<vmem>> -> memref<128x128xf32, #tpu.memory_space<vmem>>
        %dma_start3A_747 = arith.constant 0 : i32
        %dma_start3A_748 = tpu.memref_slice %arg6[%dma_start3A_741, %dma_start3A_747] : memref<2x128xi32, #tpu.memory_space<vmem>> -> memref<1x128xi32, #tpu.memory_space<vmem>>
        %dma_start3A_749 = tpu.memref_squeeze %dma_start3A_748 : memref<1x128xi32, #tpu.memory_space<vmem>> -> memref<128xi32, #tpu.memory_space<vmem>>
        %dma_start3A_750 = arith.constant 0 : i32
        %dma_start3A_751 = arith.constant 0 : i32
        %dma_start3A_752 = tpu.memref_slice %arg3[%dma_start3A_750, %dma_start3A_751] : memref<500000x128xf32, #tpu.memory_space<hbm>> -> memref<500000x128xf32, #tpu.memory_space<hbm>>
        tpu.enqueue_indirect_dma source(%dma_start3A_752 : memref<500000x128xf32, #tpu.memory_space<hbm>>) target(%dma_start3A_746 : memref<128x128xf32, #tpu.memory_space<vmem>>) offsets(%dma_start3A_749 : memref<128xi32, #tpu.memory_space<vmem>>) semaphore(%arg11 : memref<!tpu.dma_semaphore, #tpu.memory_space<semaphore_mem>>)
      } else {
      }
    }
    %scan3A_386 = arith.constant 100 : i32
    %dma_wait3A = arith.constant 0 : i32
    %dma_wait3A_387 = arith.constant 198 : i32
    %dma_wait3A_388 = arith.constant 0 : i32
    %dma_wait3A_389 = arith.constant 0 : i32
    %dma_wait3A_390 = tpu.memref_slice %arg9[%dma_wait3A, %dma_wait3A_388, %dma_wait3A_389] : memref<2x64x128xf32, #tpu.memory_space<vmem>> -> memref<1x64x128xf32, #tpu.memory_space<vmem>>
    %dma_wait3A_391 = tpu.memref_squeeze %dma_wait3A_390 : memref<1x64x128xf32, #tpu.memory_space<vmem>> -> memref<64x128xf32, #tpu.memory_space<vmem>>
    %dma_wait3A_392 = arith.constant 0 : i32
    %dma_wait3A_393 = tpu.memref_slice %arg4[%dma_wait3A_387, %dma_wait3A_392, %mul3A_2] : memref<200x64x4096xf32, #tpu.memory_space<hbm>> -> memref<1x64x128xf32, #tpu.memory_space<hbm>>
    %dma_wait3A_394 = tpu.memref_squeeze %dma_wait3A_393 : memref<1x64x128xf32, #tpu.memory_space<hbm>> -> memref<64x128xf32, #tpu.memory_space<hbm>>
    %dma_wait3A_395 = arith.constant 0 : i32
    %dma_wait3A_396 = tpu.memref_slice %arg4[%dma_wait3A_387, %dma_wait3A_395, %mul3A_2] : memref<200x64x4096xf32, #tpu.memory_space<hbm>> -> memref<1x64x128xf32, #tpu.memory_space<hbm>>
    %dma_wait3A_397 = tpu.memref_squeeze %dma_wait3A_396 : memref<1x64x128xf32, #tpu.memory_space<hbm>> -> memref<64x128xf32, #tpu.memory_space<hbm>>
    %dma_wait3A_398 = arith.constant 0 : i32
    %dma_wait3A_399 = arith.constant 0 : i32
    %dma_wait3A_400 = tpu.memref_slice %arg9[%dma_wait3A, %dma_wait3A_398, %dma_wait3A_399] : memref<2x64x128xf32, #tpu.memory_space<vmem>> -> memref<1x64x128xf32, #tpu.memory_space<vmem>>
    %dma_wait3A_401 = tpu.memref_squeeze %dma_wait3A_400 : memref<1x64x128xf32, #tpu.memory_space<vmem>> -> memref<64x128xf32, #tpu.memory_space<vmem>>
    tpu.wait_dma2 semaphore(%arg12 : memref<!tpu.dma_semaphore, #tpu.memory_space<semaphore_mem>>) src(%dma_wait3A_401 : memref<64x128xf32, #tpu.memory_space<vmem>>) dst(%dma_wait3A_397 : memref<64x128xf32, #tpu.memory_space<hbm>>)
    %dma_wait3A_402 = arith.constant 1 : i32
    %dma_wait3A_403 = arith.constant 199 : i32
    %dma_wait3A_404 = arith.constant 0 : i32
    %dma_wait3A_405 = arith.constant 0 : i32
    %dma_wait3A_406 = tpu.memref_slice %arg9[%dma_wait3A_402, %dma_wait3A_404, %dma_wait3A_405] : memref<2x64x128xf32, #tpu.memory_space<vmem>> -> memref<1x64x128xf32, #tpu.memory_space<vmem>>
    %dma_wait3A_407 = tpu.memref_squeeze %dma_wait3A_406 : memref<1x64x128xf32, #tpu.memory_space<vmem>> -> memref<64x128xf32, #tpu.memory_space<vmem>>
    %dma_wait3A_408 = arith.constant 0 : i32
    %dma_wait3A_409 = tpu.memref_slice %arg4[%dma_wait3A_403, %dma_wait3A_408, %mul3A_2] : memref<200x64x4096xf32, #tpu.memory_space<hbm>> -> memref<1x64x128xf32, #tpu.memory_space<hbm>>
    %dma_wait3A_410 = tpu.memref_squeeze %dma_wait3A_409 : memref<1x64x128xf32, #tpu.memory_space<hbm>> -> memref<64x128xf32, #tpu.memory_space<hbm>>
    %dma_wait3A_411 = arith.constant 0 : i32
    %dma_wait3A_412 = tpu.memref_slice %arg4[%dma_wait3A_403, %dma_wait3A_411, %mul3A_2] : memref<200x64x4096xf32, #tpu.memory_space<hbm>> -> memref<1x64x128xf32, #tpu.memory_space<hbm>>
    %dma_wait3A_413 = tpu.memref_squeeze %dma_wait3A_412 : memref<1x64x128xf32, #tpu.memory_space<hbm>> -> memref<64x128xf32, #tpu.memory_space<hbm>>
    %dma_wait3A_414 = arith.constant 0 : i32
    %dma_wait3A_415 = arith.constant 0 : i32
    %dma_wait3A_416 = tpu.memref_slice %arg9[%dma_wait3A_402, %dma_wait3A_414, %dma_wait3A_415] : memref<2x64x128xf32, #tpu.memory_space<vmem>> -> memref<1x64x128xf32, #tpu.memory_space<vmem>>
    %dma_wait3A_417 = tpu.memref_squeeze %dma_wait3A_416 : memref<1x64x128xf32, #tpu.memory_space<vmem>> -> memref<64x128xf32, #tpu.memory_space<vmem>>
    tpu.wait_dma2 semaphore(%arg13 : memref<!tpu.dma_semaphore, #tpu.memory_space<semaphore_mem>>) src(%dma_wait3A_417 : memref<64x128xf32, #tpu.memory_space<vmem>>) dst(%dma_wait3A_413 : memref<64x128xf32, #tpu.memory_space<hbm>>)
    return
  }
}

</mosaic_0001>

<sc_bundles>
// kernel: kernel.4.cloned.1.call-start
scs
__scs_entry_jumppad:
0x0: {  	(pc) =	sbr.rel $0x88, $3  }
0x1: {  	(tag) =	ssettag $0x0;
	lr =	simm.s32 $0x1  }
0x2: {  	[smem:$0x3F9F] =	sst lr;
	_ =	strace $0xD0000000  }
0x3: {  	_ = 	snop  }
0x4: {  	_ = 	snop  }
0x5: {  	_ = 	snop  }
0x6: {  	_ = 	snop  }
0x7: {  	_ = 	snop  }
__scs_overlays_trampoline_lowered:
0x8: {  	[smem:$0x3FAE] =	sst s0  }
0x9: {  	[smem:$0x3FAF] =	sst s1  }
0xa: {  	[smem:$0x3FB0] =	sst s2  }
0xb: {  	[smem:$0x3FB1] =	sst s3  }
0xc: {  	[smem:$0x3FB2] =	sst s4  }
0xd: {  	[smem:$0x3FB3] =	sst s5  }
0xe: {  	[smem:$0x3FB4] =	sst s6  }
0xf: {  	[smem:$0x3FB5] =	sst s7  }
0x10: {  	[smem:$0x3FB6] =	sst s8  }
0x11: {  	[smem:$0x3FB7] =	sst s9;
	s0 =	simm.s32 @!p0 $0x0  }
0x12: {  	s1 =	sld [smem:$0x3F9D];
	s0 =	simm.s32 @p0 $0x1  }
0x13: {  	[smem:$0x3FB8] =	sst s0;
	s0 =	simm.s32 @!p1 $0x0  }
0x14: {  	s2 =	sld [smem:$0x3F9C];
	s0 =	simm.s32 @p1 $0x1  }
0x15: {  	[smem:$0x3FB9] =	sst s0;
	s0 =	simm.s32 @!p2 $0x0  }
0x16: {  	s3 =	sld [smem:$0x3FDB];
	s0 =	simm.s32 @p2 $0x1  }
0x17: {  	s4 =	simm.s32 $0x1BF5;
	[smem:$0x3FBB] =	sst s0  }
0x18: {  	s0 =	sld [smem:$0x3F9E];
	_ =	swait.ge [sflag:s4], $0x0  }
0x19: {  	s7 =	sld [smem:$0x3F9F]  }
0x1a: {  	s8 =	sadd.s32 $0xFFFFE003, lr  }
0x1b: {  	s9 =	sadd.s32 $0xFFFFFEF7, lr;
	s5 =	simm.s32 $0xFFFFFFFF;
	p2 =	slt.u32 s8, $0xFFFFF086  }
0x1c: {  	p1 =	slt.u32 s9, $0xF7A;
	s5 =	simm.s32 @!p2 $0x0  }
0x1d: {  	s5 =	simm.s32 @p1 $0x1;
	p0 =	seq.s32 s7, s2  }
0x1e: {  	s7 =	smul.u32 @!p0 $0xF7A, s2;
	p2 =	seq.s32 @!p0 s5, $0x0  }
0x1f: {  	s9 =	smul.u32 $0xF7A, s1;
	s8 =	simm.s32 @!p0 $0x1BF5;
	p2 =	por !p2, p0  }
0x20: {  	[sflag:s8] =	ssyncset.s32 @!p0 $0xFFFFF086;
	s6 =	sadd.s32 @!p0 s3, s7;
	s7 =	simm.s32 @!p0 $0x108  }
0x21: {  	s3 =	sadd.s32 s3, s9;
	s6 =	sadd.s32 @!p0 $0x88, s6;
	s7 =	simm.s32 @p2 $0x1082  }
0x22: {  	[simem:s7], [sflag:s8] =	dma.local @!p0 [hbm:s6], $0xF7A  }
0x23: {  	s9 =	sor.u32 $0xD0000000, s2;
	s6 =	simm.s32 $0x108;
	_ =	swait.ge @!p0 [sflag:s8], $0x0  }
0x24: {  	s3 =	sadd.s32 $0x88, s3;
	s6 =	simm.s32 @!p1 $0x1082;
	[sflag:s4] =	ssyncset.s32 $0xFFFFF086  }
0x25: {  	[simem:s6], [sflag:s4] =	dma.local [hbm:s3], $0xF7A  }
0x26: {  	[smem:$0x3F9F] =	sst s1;
	(tag) =	ssettag s2;
	_ =	strace s9  }
0x27: {  	s1 =	sld [smem:$0x3FAF]  }
0x28: {  	s2 =	sld [smem:$0x3FB0]  }
0x29: {  	s4 =	sld [smem:$0x3FB2]  }
0x2a: {  	p0 =	seq.s32 s5, $0x0;
	s5 =	sld [smem:$0x3FB3]  }
0x2b: {  	s6 =	sld [smem:$0x3FB4]  }
0x2c: {  	s7 =	sld [smem:$0x3FB5]  }
0x2d: {  	s3 =	simm.s32 $0x108;
	s8 =	sld [smem:$0x3FB6]  }
0x2e: {  	s3 =	simm.s32 @!p0 $0x1082;
	s9 =	sld [smem:$0x3FB7]  }
0x2f: {  	lr =	sadd.s32 s0, s3;
	s0 =	sld [smem:$0x3FAE]  }
0x30: {  	s3 =	sld [smem:$0x3FB1]  }
0x31: {  	[smem:$0x3FBA] =	sst s10  }
0x32: {  	s10 =	sld [smem:$0x3FB8];
	_ =	sdelay $0x3  }
0x33: {  	p0 =	seq.s32 s10, $0x1;
	s10 =	sld [smem:$0x3FBA];
	_ =	sdelay $0x3  }
0x34: {  	[smem:$0x3FBA] =	sst s10  }
0x35: {  	s10 =	sld [smem:$0x3FB9];
	_ =	sdelay $0x3  }
0x36: {  	p1 =	seq.s32 s10, $0x1;
	s10 =	sld [smem:$0x3FBA];
	_ =	sdelay $0x3  }
0x37: {  	[smem:$0x3FBA] =	sst s10  }
0x38: {  	s10 =	sld [smem:$0x3FBB]  }
0x39: {  	_ = 	snop;
	(pc) =	sbr.ind lr, $3  }
0x3a: {  	_ = 	snop  }
0x3b: {  	_ = 	snop  }
0x3c: {  	p2 =	seq.s32 s10, $0x1;
	s10 =	sld [smem:$0x3FBA]  }
0x3d: {  	_ =	shalt  }
0x3e: {  	_ =	shalt  }
0x3f: {  	_ =	shalt  }
0x40: {  	_ =	shalt  }
0x41: {  	_ =	shalt  }
0x42: {  	_ =	shalt  }
0x43: {  	_ =	shalt  }
0x44: {  	_ =	shalt  }
0x45: {  	_ =	shalt  }
0x46: {  	_ =	shalt  }
0x47: {  	_ =	shalt  }
0x48: {  	_ =	shalt  }
0x49: {  	_ =	shalt  }
0x4a: {  	_ =	shalt  }
0x4b: {  	_ =	shalt  }
0x4c: {  	_ =	shalt  }
0x4d: {  	_ =	shalt  }
0x4e: {  	_ =	shalt  }
0x4f: {  	_ =	shalt  }
0x50: {  	_ =	shalt  }
0x51: {  	_ =	shalt  }
0x52: {  	_ =	shalt  }
0x53: {  	_ =	shalt  }
0x54: {  	_ =	shalt  }
0x55: {  	_ =	shalt  }
0x56: {  	_ =	shalt  }
0x57: {  	_ =	shalt  }
0x58: {  	_ =	shalt  }
0x59: {  	_ =	shalt  }
0x5a: {  	_ =	shalt  }
0x5b: {  	_ =	shalt  }
0x5c: {  	_ =	shalt  }
0x5d: {  	_ =	shalt  }
0x5e: {  	_ =	shalt  }
0x5f: {  	_ =	shalt  }
0x60: {  	_ =	shalt  }
0x61: {  	_ =	shalt  }
0x62: {  	_ =	shalt  }
0x63: {  	_ =	shalt  }
0x64: {  	_ =	shalt  }
0x65: {  	_ =	shalt  }
0x66: {  	_ =	shalt  }
0x67: {  	_ =	shalt  }
0x68: {  	_ =	shalt  }
0x69: {  	_ =	shalt  }
0x6a: {  	_ =	shalt  }
0x6b: {  	_ =	shalt  }
0x6c: {  	_ =	shalt  }
0x6d: {  	_ =	shalt  }
0x6e: {  	_ =	shalt  }
0x6f: {  	_ =	shalt  }
0x70: {  	_ =	shalt  }
0x71: {  	_ =	shalt  }
0x72: {  	_ =	shalt  }
0x73: {  	_ =	shalt  }
0x74: {  	_ =	shalt  }
0x75: {  	_ =	shalt  }
0x76: {  	_ =	shalt  }
0x77: {  	_ =	shalt  }
0x78: {  	_ =	shalt  }
0x79: {  	_ =	shalt  }
0x7a: {  	_ =	shalt  }
0x7b: {  	_ =	shalt  }
0x7c: {  	_ =	shalt  }
0x7d: {  	_ =	shalt  }
0x7e: {  	_ =	shalt  }
0x7f: {  	_ =	shalt  }
0x80: {  	_ =	shalt  }
0x81: {  	_ =	shalt  }
0x82: {  	_ =	shalt  }
0x83: {  	_ =	shalt  }
0x84: {  	_ =	shalt  }
0x85: {  	_ =	shalt  }
0x86: {  	_ =	shalt  }
0x87: {  	_ =	shalt  }
.Lfunc_end0:
.L_simem_size_0:
called_computation_lowered:
.L_overlay_start_0:
0x88: {  	s2 =	sld [smem:$0x3FD9]  }
0x89: {  	s3 =	sld [smem:$0x3FFE];
	_ =	sdelay $0x1  }
0x8a: {  	s1 =	srdreg.scid  }
0x8b: {  	s0 =	sand.u32 $0x1, s1  }
0x8c: {  	s17 =	sshll.u32 s0, $0xA;
	s2 =	sadd.s32 s3, s2  }
0x8d: {  	s2 =	sadd.s32 s2, s17  }
0x8e: {  	[smem:$0x3FC6] =	sst s2  }
0x8f: {  	_ = 	snop  }
0x90: {  	s2 =	sld [smem:$0x3FC8]  }
0x91: {  	s18 =	sld [smem:$0x3FD0];
	(tm) =	ssettm $0x1  }
0x92: {  	s4 =	sld [smem:$0x3FFB];
	_ =	sdelay $0x3  }
0x93: {  	_ =	strace s4  }
0x94: {  	s4 =	sld [smem:$0x3FFC];
	_ =	sdelay $0x3  }
0x95: {  	_ =	strace s4  }
0x96: {  	s4 =	sld [smem:$0x3FFD];
	_ =	sdelay $0x3  }
0x97: {  	_ =	strace s4  }
0x98: {  	_ =	strace $0x8FFFFFFF  }
0x99: {  	s19 =	sld [smem:$0x3FDB];
	_ =	sdelay $0x1  }
0x9a: {  	s5 =	simm.s32 $_scs_section_size  }
0x9b: {  	s6 =	simm.s32 $_size__tile_overlayer_lowered;
	s7 =	simm.s32 $_tile_overlayer_lowered  }
0x9c: {  	s22 =	simm.s32 $0x1BFF;
	s21 =	sshll.u32 s7, $0x1;
	s4 =	sadd.s32 s5, s19  }
0x9d: {  	s8 =	simm.s32 $0x0;
	s20 =	sshll.u32 s6, $0x1;
	s6 =	sadd.s32 s21, s4  }
0x9e: {  	[timem:s8], [sflag:s22] =	dma.local [hbm:s6], s20  }
0x9f: {  	_ =	swait.ge [sflag:s22], s20  }
0xa0: {  	s5 =	ssub.s32 $0x0, s20;
	[sflag:s22] =	ssyncset.done $0x0  }
0xa1: {  	[sflag:s22] =	ssyncadd.s32 s5;
	_ =	sdelay $0x1  }
0xa2: {  	s23 =	simm.s32 $0x1B8B  }
0xa3: {  	_ =	swait.ge [sflag:s23], $0x1  }
0xa4: {  	[sflag:s23] =	ssyncset.done $0x0  }
0xa5: {  	s25 =	simm.s32 $0x1B8E;
	s24 =	sld [smem:$0x3FFE];
	[sflag:s23] =	ssyncadd.s32 $0xFFFFFFFF  }
0xa6: {  	s26 =	simm.s32 $execute0_lowered;
	[smem:$0x3FD2] =	sst s25  }
0xa7: {  	s6 =	sshll.u32 s26, $0x1;
	_ =	strace $0x80000046;
	[dreg:$0x1] =	wrdreg $0xFFFFFFFF  }
0xa8: {  	s28 =	simm.s32 $_size_execute0_lowered;
	s4 =	sadd.s32 s4, s6;
	[dreg:$0x0] =	wrdreg $0x0  }
0xa9: {  	s6 =	sshll.u32 s28, $0x1;
	[dreg:$0x2] =	wrdreg s4  }
0xaa: {  	[dreg:$0x3] =	wrdreg s6  }
0xab: {  	[dreg:$0x4] =	wrdreg $0xC0  }
0xac: {  	_ =	task [dreg:s8], $0x5FFFF  }
0xad: {  	[dreg:$0x1] =	wrdreg $0xFFFFFFFF  }
0xae: {  	[dreg:$0x0] =	wrdreg $0x60  }
0xaf: {  	[dreg:$0x2] =	wrdreg s2  }
0xb0: {  	[dreg:$0x3] =	wrdreg s18  }
0xb1: {  	[dreg:$0x4] =	wrdreg s24  }
0xb2: {  	[dreg:$0x5] =	wrdreg $0x9  }
0xb3: {  	_ =	task.clear_ibuf [dreg:s8], $0x6FFFF;
	_ =	strace $0x90000046  }
0xb4: {  	s29 =	simm.s32 $0x9;
	_ =	strace $0x80000048  }
0xb5: {  	_ =	swait.ge [sflag:s29], $0x1  }
0xb6: {  	[sflag:s29] =	ssyncadd.s32 $0xFFFFFFFF  }
0xb7: {  	_ =	strace $0x90000048  }
0xb8: {  	_ =	sfence  }
0xb9: {  	s30 =	sld [smem:$0x0];
	_ =	sdelay $0x2  }
0xba: {  	s31 =	sshll.u32 s1, $0xD;
	s1 =	sshrl.u32 s1, $0x2  }
0xbb: {  	s3 =	sand.u32 $0x4000, s31;
	s1 =	sadd.s32 s1, s30  }
0xbc: {  	s0 =	sor.u32 s3, s0;
	s1 =	sshll.u32 s1, $0x11  }
0xbd: {  	s0 =	sor.u32 s1, s0  }
0xbe: {  	s0 =	sadd.s32 $0x8F2B, s0  }
0xbf: {  	[sflag:s0] =	ssyncadd.remote.s32 $0x1  }
0xc0: {  	_ =	sfence.sel $0xFFFF  }
0xc1: {  	[dreg:$0x0] =	wrdreg $0xFFFFFFFF;
	(pc) =	sbr.abs _section_cstart, $3  }
0xc2: {  	[dreg:$0x1] =	wrdreg $0xFFFFFFFF  }
0xc3: {  	_ =	task.clear_ibuf [dreg:s8], $0x2FFFF;
	_ =	strace $0x9FFFFFFF  }
0xc4: {  	(tm) =	ssettm $0x7FFFFFFF  }
0xc5: {  	_ =	shalt  }
tec
execute0_lowered:
.L_overlay_start_1:
0x0: {  	(tag) =	ssettag $0x1  }
0x1: {  	s1 =	rddreg [dreg:$0x0]  }
0x2: {  	s3 =	rddreg [dreg:$0x1];
	s2 =	srdreg.scid  }
0x3: {  	s0 =	stileid.u32;
	s12 =	rddreg [dreg:$0x2]  }
0x4: {  	s14 =	simm.s32 $0x400;
	s15 =	simm.s32 $0x7A1400;
	s16 =	simm.s32 $0x2000  }
0x5: {  	s17 =	simm.s32 $0x1;
	s18 =	simm.s32 $0x4000;
	s19 =	simm.s32 $0x2  }
0x6: {  	s20 =	simm.s32 $0x6000;
	s22 =	simm.s32 $0x4;
	s23 =	simm.s32 $0x0  }
0x7: {  	s5 =	sand.u32 $0x1, s2;
	s4 =	sshll.u32 s0, $0x1;
	s2 =	rddreg [dreg:$0x3]  }
0x8: {  	p0 =	seq.s32 s0, $0x0;
	s21 =	sor.u32 s5, s4;
	s4 =	simm.s32 $0x0  }
0x9: {  	v0 =	vlaneseq.u32;
	s9 =	ssub.s32 $0x2, s5;
	s6 =	smul.u32 $0xF4, s21;
	s7 =	smin.u32 s21, $0x2  }
0xa: {  	v1 =	vor.u32 $0x10, v0;
	[smem:$0x7FF] =	sst s4;
	s10 =	sshrl.u32 s9, $0x1;
	s7 =	sshll.u32 s7, $0x1  }
0xb: {  	v2 =	vor.u32 $0x20, v0;
	v3 =	vmul.u32 $0x40, v0;
	v4 =	vor.u32 $0x30, v0;
	_ =	strace $0x80000047;
	s13 =	ssub.s32 s9, s10;
	s5 =	sadd.s32 s6, s7  }
0xc: {  	v5 =	vor.u32 $0x40, v0;
	v6 =	vor.u32 $0x50, v0;
	s6 =	sadd.s32 $0x800, s12;
	s7 =	simm.s32 $0xF6;
	s12 =	sadd.s32 $0x7A1800, s12  }
0xd: {  	v7 =	vor.u32 $0x60, v0;
	v8 =	vor.u32 $0x70, v0;
	v9 =	vor.u32 $0x400, v3;
	s13 =	smax.u32 s13, $0x1;
	s8 =	sshll.u32 s5, $0x7;
	s7 =	simm.s32 @!p0 $0xF4  }
0xe: {  	v10 =	vor.u32 $0x800, v3;
	v11 =	vor.u32 $0xC00, v3;
	v12 =	vor.u32 $0x1000, v3;
	s11 =	sor.u32 $0x1, s5;
	p0 =	sne.s32 s21, $0x0;
	s8 =	sadd.s32 s1, s8  }
0xf: {  	v13 =	vor.u32 $0x1400, v3;
	v14 =	vor.u32 $0x1800, v3;
	v15 =	vor.u32 $0x1C00, v3;
	s21 =	simm.s32 $0x3;
	s10 =	sshrl.u32 s7, $0x1;
	s9 =	sadd.s32 $0x80, s8  }
.LBB2_1:
0x10: {  	[tilespmem:s4], [sflag:$0x1] =	stream.strided.gather [hbm4b:s8+s14], $0x2000, s15, s14, $0x38;
	[tilespmem:$0x8000] =	vst v63  }
0x11: {  	s24 =	simm.s32 $0x0  }
0x12: {  	[tilespmem:s16], [sflag:$0x2] =	stream.strided.gather [hbm4b:s9+s14], $0x2000, s15, s14, $0x38;
	[tilespmem:$0x8000] =	vst v63  }
.LBB2_2:
0x13: {  	s25 =	simm.s32 $0x0  }
0x14: {  	v16 =	vadd.s32 s25, v0  }
0x15: {  	s25 =	sand.u32 $0x30, s25;
	v16 =	vand.u32 $0xF, v16  }
0x16: {  	v17 =	vor.u32 s25, v16  }
0x17: {  	_ =	swait.ge [sflag:s17], $0x2000;
	v16 =	vshll.u32 v17, $0x7  }
0x18: {  	p1 =	seq.s32 s24, $0x0;
	[sflag:s17] =	ssyncset.done $0x0;
	v18 =	vor.u32 v1, v16  }
0x19: {  	s26 =	simm.s32 @!p1 $0x3;
	[sflag:s17] =	ssyncadd.s32 $0xFFFFE000;
	v19 =	vor.u32 v2, v16  }
0x1a: {  	_ =	swait.ge @!p1 [sflag:s26], $0x2000;
	v20 =	vor.u32 v0, v16  }
0x1b: {  	[sflag:s26] =	ssyncset.done @!p1 $0x0;
	v21 =	vor.u32 v7, v16  }
0x1c: {  	[sflag:s26] =	ssyncadd.s32 @!p1 $0xFFFFE000;
	v22 =	vor.u32 v5, v16  }
0x1d: {  	v23 =	vor.u32 v4, v16;
	v18 =	vld.idx.msk [tilespmem:v18+s4+$0x0], $0xffff  }
0x1e: {  	v24 =	vor.u32 v8, v16;
	v19 =	vld.idx.msk [tilespmem:v19+s4+$0x0], $0xffff  }
0x1f: {  	v25 =	vor.u32 v3, v17;
	v16 =	vor.u32 v6, v16;
	v20 =	vld.idx.msk [tilespmem:v20+s4+$0x0], $0xffff  }
0x20: {  	v26 =	vor.u32 v9, v17;
	v21 =	vld.idx.msk [tilespmem:v21+s4+$0x0], $0xffff  }
0x21: {  	v27 =	vor.u32 v10, v17;
	v22 =	vld.idx.msk [tilespmem:v22+s4+$0x0], $0xffff  }
0x22: {  	s31 =	simm.s32 $0x1;
	v28 =	vor.u32 v11, v17;
	v23 =	vld.idx.msk [tilespmem:v23+s4+$0x0], $0xffff  }
0x23: {  	v29 =	vadd.s32 s31, v0;
	v31 =	vor.u32 v12, v17;
	v24 =	vld.idx.msk [tilespmem:v24+s4+$0x0], $0xffff  }
0x24: {  	v30 =	vld.idx.msk [tilespmem:v16+s4+$0x0], $0xffff;
	v16 =	vand.u32 $0xF, v29;
	[tilespmem:v25+s18+$0x0] =	vst.idx.msk $0xffff, v20;
	v20 =	vor.u32 v13, v17  }
0x25: {  	v16 =	vor.u32 s25, v16;
	[tilespmem:v26+s18+$0x0] =	vst.idx.msk $0xffff, v18;
	v18 =	vor.u32 v14, v17  }
0x26: {  	v25 =	vshll.u32 v16, $0x7;
	v17 =	vor.u32 v15, v17;
	[tilespmem:v27+s18+$0x0] =	vst.idx.msk $0xffff, v19  }
0x27: {  	v19 =	vor.u32 v1, v25;
	[tilespmem:v28+s18+$0x0] =	vst.idx.msk $0xffff, v23  }
0x28: {  	v23 =	vor.u32 v6, v25;
	[tilespmem:v31+s18+$0x0] =	vst.idx.msk $0xffff, v22  }
0x29: {  	v26 =	vor.u32 v0, v25;
	[tilespmem:v20+s18+$0x0] =	vst.idx.msk $0xffff, v30  }
0x2a: {  	v28 =	vor.u32 v5, v25;
	[tilespmem:v18+s18+$0x0] =	vst.idx.msk $0xffff, v21  }
0x2b: {  	v20 =	vor.u32 v2, v25;
	[tilespmem:v17+s18+$0x0] =	vst.idx.msk $0xffff, v24  }
0x2c: {  	v34 =	vor.u32 v8, v25;
	v22 =	vld.idx.msk [tilespmem:v19+s4+$0x0], $0xffff  }
0x2d: {  	v17 =	vor.u32 v4, v25;
	v21 =	vld.idx.msk [tilespmem:v23+s4+$0x0], $0xffff  }
0x2e: {  	s29 =	simm.s32 $0x2;
	s30 =	simm.s32 $0x3;
	v29 =	vor.u32 v9, v16;
	v32 =	vor.u32 v10, v16;
	v31 =	vor.u32 v7, v25;
	v24 =	vld.idx.msk [tilespmem:v26+s4+$0x0], $0xffff  }
0x2f: {  	v27 =	vor.u32 v3, v16;
	v25 =	vadd.s32 s30, v0;
	v19 =	vadd.s32 s29, v0;
	v30 =	vld.idx.msk [tilespmem:v28+s4+$0x0], $0xffff  }
0x30: {  	s31 =	sand.u32 $0x30, s29;
	v33 =	vor.u32 v11, v16;
	v19 =	vand.u32 $0xF, v19;
	v23 =	vld.idx.msk [tilespmem:v20+s4+$0x0], $0xffff;
	v20 =	vand.u32 $0xF, v25  }
0x31: {  	s25 =	sshll.u32 s24, $0x1;
	v18 =	vor.u32 v13, v16;
	v28 =	vld.idx.msk [tilespmem:v34+s4+$0x0], $0xffff;
	v19 =	vor.u32 s31, v19;
	v20 =	vor.u32 s31, v20  }
0x32: {  	s28 =	simm.s32 $0x4;
	s26 =	sadd.s32 s5, s25;
	v34 =	vor.u32 v12, v16;
	v26 =	vshll.u32 v19, $0x7;
	v25 =	vld.idx.msk [tilespmem:v17+s4+$0x0], $0xffff;
	v17 =	vshll.u32 v20, $0x7  }
.LBB2_3:
0x33: {  	p2 =	sne.s32 s28, $0x3E;
	v35 =	vor.u32 v0, v26;
	v36 =	vor.u32 v13, v20;
	v31 =	vld.idx.msk [tilespmem:v31+s4+$0x0], $0xffff;
	s29 =	smov.u32 s28;
	s28 =	sadd.s32 $0x2, s28  }
0x34: {  	v37 =	vor.u32 v1, v26;
	[tilespmem:v27+s18+$0x0] =	vst.idx.msk $0xffff, v24;
	v24 =	vor.u32 v14, v16  }
0x35: {  	v27 =	vor.u32 v2, v26;
	[tilespmem:v29+s18+$0x0] =	vst.idx.msk $0xffff, v22;
	v22 =	vor.u32 v15, v16;
	v16 =	vmov v20  }
0x36: {  	v20 =	vor.u32 v4, v26;
	[tilespmem:v32+s18+$0x0] =	vst.idx.msk $0xffff, v23  }
0x37: {  	v29 =	vor.u32 v8, v26;
	v23 =	vor.u32 v5, v26;
	[tilespmem:v33+s18+$0x0] =	vst.idx.msk $0xffff, v25  }
0x38: {  	v25 =	vor.u32 v6, v26;
	v26 =	vor.u32 v7, v26;
	[tilespmem:v34+s18+$0x0] =	vst.idx.msk $0xffff, v30  }
0x39: {  	[tilespmem:v18+s18+$0x0] =	vst.idx.msk $0xffff, v21;
	v18 =	vmov v36  }
0x3a: {  	[tilespmem:v24+s18+$0x0] =	vst.idx.msk $0xffff, v31  }
0x3b: {  	[tilespmem:v22+s18+$0x0] =	vst.idx.msk $0xffff, v28  }
0x3c: {  	v21 =	vld.idx.msk [tilespmem:v37+s4+$0x0], $0xffff  }
0x3d: {  	v22 =	vld.idx.msk [tilespmem:v27+s4+$0x0], $0xffff  }
0x3e: {  	v24 =	vld.idx.msk [tilespmem:v35+s4+$0x0], $0xffff  }
0x3f: {  	v27 =	vor.u32 v3, v19;
	v26 =	vld.idx.msk [tilespmem:v26+s4+$0x0], $0xffff  }
0x40: {  	v28 =	vor.u32 v9, v19;
	v23 =	vld.idx.msk [tilespmem:v23+s4+$0x0], $0xffff  }
0x41: {  	v30 =	vor.u32 v10, v19;
	v20 =	vld.idx.msk [tilespmem:v20+s4+$0x0], $0xffff  }
0x42: {  	v31 =	vor.u32 v11, v19;
	v29 =	vld.idx.msk [tilespmem:v29+s4+$0x0], $0xffff  }
0x43: {  	v32 =	vor.u32 v12, v19;
	v25 =	vld.idx.msk [tilespmem:v25+s4+$0x0], $0xffff  }
0x44: {  	[tilespmem:v27+s18+$0x0] =	vst.idx.msk $0xffff, v24;
	v24 =	vor.u32 v13, v19  }
0x45: {  	[tilespmem:v28+s18+$0x0] =	vst.idx.msk $0xffff, v21;
	v21 =	vor.u32 v14, v19  }
0x46: {  	v19 =	vor.u32 v15, v19;
	[tilespmem:v30+s18+$0x0] =	vst.idx.msk $0xffff, v22  }
0x47: {  	[tilespmem:v31+s18+$0x0] =	vst.idx.msk $0xffff, v20;
	v20 =	vor.u32 v1, v17  }
0x48: {  	v27 =	vor.u32 v6, v17;
	[tilespmem:v32+s18+$0x0] =	vst.idx.msk $0xffff, v23;
	v23 =	vor.u32 v0, v17  }
0x49: {  	[tilespmem:v24+s18+$0x0] =	vst.idx.msk $0xffff, v25  }
0x4a: {  	v25 =	vor.u32 v2, v17;
	[tilespmem:v21+s18+$0x0] =	vst.idx.msk $0xffff, v26  }
0x4b: {  	[tilespmem:v19+s18+$0x0] =	vst.idx.msk $0xffff, v29;
	v19 =	vor.u32 v4, v17  }
0x4c: {  	v26 =	vor.u32 v5, v17;
	v22 =	vld.idx.msk [tilespmem:v20+s4+$0x0], $0xffff  }
0x4d: {  	v28 =	vor.u32 v8, v17;
	v21 =	vld.idx.msk [tilespmem:v27+s4+$0x0], $0xffff  }
.Ltmp0:
0x4e: {  	s30 =	sadd.s32 $0x1, s29;
	v31 =	vor.u32 v7, v17;
	v27 =	vor.u32 v3, v16;
	v24 =	vld.idx.msk [tilespmem:v23+s4+$0x0], $0xffff;
	(pc) =	sbr.rel @p2 .LBB2_3-.Ltmp0, $4  }
0x4f: {  	v17 =	vadd.s32 s29, v0;
	v29 =	vor.u32 v9, v16;
	v20 =	vadd.s32 s30, v0;
	v23 =	vld.idx.msk [tilespmem:v25+s4+$0x0], $0xffff  }
0x50: {  	v32 =	vor.u32 v10, v16;
	s29 =	sand.u32 $0x30, s29;
	v17 =	vand.u32 $0xF, v17;
	v20 =	vand.u32 $0xF, v20;
	v25 =	vld.idx.msk [tilespmem:v19+s4+$0x0], $0xffff  }
0x51: {  	v33 =	vor.u32 v11, v16;
	v20 =	vor.u32 s29, v20;
	v19 =	vor.u32 s29, v17;
	v30 =	vld.idx.msk [tilespmem:v26+s4+$0x0], $0xffff  }
0x52: {  	v34 =	vor.u32 v12, v16;
	v17 =	vshll.u32 v20, $0x7;
	v26 =	vshll.u32 v19, $0x7;
	v28 =	vld.idx.msk [tilespmem:v28+s4+$0x0], $0xffff  }
0x53: {  	_ =	sdelay $0x3  }
0x54: {  	v31 =	vld.idx.msk [tilespmem:v31+s4+$0x0], $0xffff;
	[tilespmem:v27+s18+$0x0] =	vst.idx.msk $0xffff, v24  }
0x55: {  	v24 =	vor.u32 v14, v16;
	[tilespmem:v29+s18+$0x0] =	vst.idx.msk $0xffff, v22  }
0x56: {  	v16 =	vor.u32 v15, v16;
	[tilespmem:v32+s18+$0x0] =	vst.idx.msk $0xffff, v23  }
0x57: {  	v22 =	vor.u32 v1, v26;
	[tilespmem:v33+s18+$0x0] =	vst.idx.msk $0xffff, v25  }
0x58: {  	v23 =	vor.u32 v2, v26;
	[tilespmem:v34+s18+$0x0] =	vst.idx.msk $0xffff, v30  }
0x59: {  	v25 =	vor.u32 v0, v26;
	[tilespmem:v18+s18+$0x0] =	vst.idx.msk $0xffff, v21  }
0x5a: {  	v18 =	vor.u32 v7, v26;
	[tilespmem:v24+s18+$0x0] =	vst.idx.msk $0xffff, v31  }
0x5b: {  	v21 =	vor.u32 v5, v26;
	[tilespmem:v16+s18+$0x0] =	vst.idx.msk $0xffff, v28  }
0x5c: {  	v16 =	vor.u32 v4, v26;
	v22 =	vld.idx.msk [tilespmem:v22+s4+$0x0], $0xffff  }
0x5d: {  	v24 =	vor.u32 v8, v26;
	v23 =	vld.idx.msk [tilespmem:v23+s4+$0x0], $0xffff  }
0x5e: {  	v27 =	vor.u32 v3, v19;
	v26 =	vor.u32 v6, v26;
	v25 =	vld.idx.msk [tilespmem:v25+s4+$0x0], $0xffff  }
0x5f: {  	v28 =	vor.u32 v9, v19;
	v18 =	vld.idx.msk [tilespmem:v18+s4+$0x0], $0xffff  }
0x60: {  	v29 =	vor.u32 v10, v19;
	v21 =	vld.idx.msk [tilespmem:v21+s4+$0x0], $0xffff  }
0x61: {  	v30 =	vor.u32 v11, v19;
	v16 =	vld.idx.msk [tilespmem:v16+s4+$0x0], $0xffff  }
0x62: {  	v31 =	vor.u32 v12, v19;
	v24 =	vld.idx.msk [tilespmem:v24+s4+$0x0], $0xffff  }
0x63: {  	v26 =	vld.idx.msk [tilespmem:v26+s4+$0x0], $0xffff;
	[tilespmem:v27+s18+$0x0] =	vst.idx.msk $0xffff, v25;
	v25 =	vor.u32 v13, v19  }
0x64: {  	[tilespmem:v28+s18+$0x0] =	vst.idx.msk $0xffff, v22;
	v22 =	vor.u32 v14, v19  }
0x65: {  	v19 =	vor.u32 v15, v19;
	[tilespmem:v29+s18+$0x0] =	vst.idx.msk $0xffff, v23  }
0x66: {  	[tilespmem:v30+s18+$0x0] =	vst.idx.msk $0xffff, v16;
	v16 =	vor.u32 v1, v17  }
0x67: {  	v23 =	vor.u32 v0, v17;
	[tilespmem:v31+s18+$0x0] =	vst.idx.msk $0xffff, v21  }
0x68: {  	v21 =	vor.u32 v6, v17;
	[tilespmem:v25+s18+$0x0] =	vst.idx.msk $0xffff, v26  }
0x69: {  	[tilespmem:v22+s18+$0x0] =	vst.idx.msk $0xffff, v18;
	v18 =	vor.u32 v2, v17  }
0x6a: {  	v22 =	vor.u32 v5, v17;
	[tilespmem:v19+s18+$0x0] =	vst.idx.msk $0xffff, v24  }
0x6b: {  	v19 =	vor.u32 v4, v17;
	v16 =	vld.idx.msk [tilespmem:v16+s4+$0x0], $0xffff  }
0x6c: {  	v24 =	vor.u32 v8, v17;
	v23 =	vld.idx.msk [tilespmem:v23+s4+$0x0], $0xffff  }
0x6d: {  	v25 =	vor.u32 v3, v20;
	v17 =	vor.u32 v7, v17;
	v21 =	vld.idx.msk [tilespmem:v21+s4+$0x0], $0xffff  }
0x6e: {  	v26 =	vor.u32 v9, v20;
	v18 =	vld.idx.msk [tilespmem:v18+s4+$0x0], $0xffff  }
0x6f: {  	v27 =	vor.u32 v10, v20;
	v22 =	vld.idx.msk [tilespmem:v22+s4+$0x0], $0xffff  }
0x70: {  	v28 =	vor.u32 v11, v20;
	v19 =	vld.idx.msk [tilespmem:v19+s4+$0x0], $0xffff  }
0x71: {  	v29 =	vor.u32 v12, v20;
	v24 =	vld.idx.msk [tilespmem:v24+s4+$0x0], $0xffff  }
0x72: {  	v30 =	vor.u32 v13, v20;
	v17 =	vld.idx.msk [tilespmem:v17+s4+$0x0], $0xffff;
	[tilespmem:v25+s18+$0x0] =	vst.idx.msk $0xffff, v23  }
0x73: {  	v23 =	vor.u32 v14, v20;
	[tilespmem:v26+s18+$0x0] =	vst.idx.msk $0xffff, v16  }
0x74: {  	v16 =	vor.u32 v15, v20;
	[tilespmem:v27+s18+$0x0] =	vst.idx.msk $0xffff, v18  }
0x75: {  	[tilespmem:v28+s18+$0x0] =	vst.idx.msk $0xffff, v19  }
0x76: {  	[tilespmem:v29+s18+$0x0] =	vst.idx.msk $0xffff, v22  }
0x77: {  	s26 =	sshll.u32 s26, $0xA;
	[tilespmem:v30+s18+$0x0] =	vst.idx.msk $0xffff, v21  }
0x78: {  	s26 =	sand.u32 $0x1FFFF800, s26;
	[tilespmem:v23+s18+$0x0] =	vst.idx.msk $0xffff, v17  }
0x79: {  	s26 =	sadd.s32 s6, s26;
	[tilespmem:v16+s18+$0x0] =	vst.idx.msk $0xffff, v24  }
0x7a: {  	[hbm4b:s26+s4] =	stream.linear.scatter [tilespmem:s18], [sflag:$0x3], $0x2000, $0x38;
	[tilespmem:$0x8000] =	vst v63  }
0x7b: {  	s26 =	sadd.s32 $0x2, s25  }
0x7c: {  	p2 =	sge.u32 s26, s7  }
0x7d: {  	s26 =	sadd.s32 @!p2 s5, s26  }
0x7e: {  	s28 =	simm.s32 $0x0;
	s26 =	sshll.u32 @!p2 s26, $0x7  }
0x7f: {  	v16 =	vadd.s32 s28, v0;
	s28 =	sand.u32 $0x30, s28;
	s29 =	simm.s32 @!p2 $0x400;
	s26 =	sand.u32 @!p2 $0x1FFFFF00, s26  }
0x80: {  	v16 =	vand.u32 $0xF, v16;
	s30 =	simm.s32 @!p2 $0x7A1400;
	s31 =	simm.s32 @!p2 $0x0;
	s26 =	sadd.s32 @!p2 s1, s26  }
0x81: {  	v17 =	vor.u32 s28, v16;
	[tilespmem:s31], [sflag:$0x1] =	stream.strided.gather @!p2 [hbm4b:s26+s29], $0x2000, s30, s29, $0x38;
	[tilespmem:$0x8000] =	vst v63  }
0x82: {  	v16 =	vshll.u32 v17, $0x7;
	_ =	swait.ge [sflag:s19], $0x2000  }
0x83: {  	v18 =	vor.u32 v1, v16;
	[sflag:s19] =	ssyncset.done $0x0  }
0x84: {  	v19 =	vor.u32 v2, v16;
	s26 =	simm.s32 @!p1 $0x4;
	[sflag:s19] =	ssyncadd.s32 $0xFFFFE000  }
0x85: {  	v20 =	vor.u32 v0, v16;
	_ =	swait.ge @!p1 [sflag:s26], $0x2000  }
0x86: {  	v21 =	vor.u32 v7, v16;
	[sflag:s26] =	ssyncset.done @!p1 $0x0  }
0x87: {  	v22 =	vor.u32 v5, v16;
	[sflag:s26] =	ssyncadd.s32 @!p1 $0xFFFFE000  }
0x88: {  	v23 =	vor.u32 v4, v16;
	v18 =	vld.idx.msk [tilespmem:v18+s16+$0x0], $0xffff  }
0x89: {  	v24 =	vor.u32 v8, v16;
	v19 =	vld.idx.msk [tilespmem:v19+s16+$0x0], $0xffff  }
0x8a: {  	v25 =	vor.u32 v3, v17;
	v16 =	vor.u32 v6, v16;
	v20 =	vld.idx.msk [tilespmem:v20+s16+$0x0], $0xffff  }
0x8b: {  	v26 =	vor.u32 v9, v17;
	v21 =	vld.idx.msk [tilespmem:v21+s16+$0x0], $0xffff  }
0x8c: {  	v27 =	vor.u32 v10, v17;
	v22 =	vld.idx.msk [tilespmem:v22+s16+$0x0], $0xffff  }
0x8d: {  	v28 =	vor.u32 v11, v17;
	s30 =	simm.s32 $0x1;
	v23 =	vld.idx.msk [tilespmem:v23+s16+$0x0], $0xffff  }
0x8e: {  	v31 =	vor.u32 v12, v17;
	v29 =	vadd.s32 s30, v0;
	v24 =	vld.idx.msk [tilespmem:v24+s16+$0x0], $0xffff  }
0x8f: {  	v30 =	vld.idx.msk [tilespmem:v16+s16+$0x0], $0xffff;
	v16 =	vand.u32 $0xF, v29;
	[tilespmem:v25+s20+$0x0] =	vst.idx.msk $0xffff, v20;
	v20 =	vor.u32 v13, v17  }
0x90: {  	v16 =	vor.u32 s28, v16;
	[tilespmem:v26+s20+$0x0] =	vst.idx.msk $0xffff, v18;
	v18 =	vor.u32 v14, v17  }
0x91: {  	v25 =	vshll.u32 v16, $0x7;
	v17 =	vor.u32 v15, v17;
	[tilespmem:v27+s20+$0x0] =	vst.idx.msk $0xffff, v19  }
0x92: {  	v19 =	vor.u32 v1, v25;
	[tilespmem:v28+s20+$0x0] =	vst.idx.msk $0xffff, v23  }
0x93: {  	v23 =	vor.u32 v6, v25;
	[tilespmem:v31+s20+$0x0] =	vst.idx.msk $0xffff, v22  }
0x94: {  	v26 =	vor.u32 v0, v25;
	[tilespmem:v20+s20+$0x0] =	vst.idx.msk $0xffff, v30  }
0x95: {  	v28 =	vor.u32 v5, v25;
	[tilespmem:v18+s20+$0x0] =	vst.idx.msk $0xffff, v21  }
0x96: {  	v20 =	vor.u32 v2, v25;
	[tilespmem:v17+s20+$0x0] =	vst.idx.msk $0xffff, v24  }
0x97: {  	v63 =	vor.u32 v8, v25;
	v22 =	vld.idx.msk [tilespmem:v19+s16+$0x0], $0xffff  }
0x98: {  	v17 =	vor.u32 v4, v25;
	v21 =	vld.idx.msk [tilespmem:v23+s16+$0x0], $0xffff  }
0x99: {  	s31 =	simm.s32 $0x2;
	s28 =	simm.s32 $0x3;
	v32 =	vor.u32 v10, v16;
	v33 =	vor.u32 v11, v16;
	v31 =	vor.u32 v7, v25;
	v24 =	vld.idx.msk [tilespmem:v26+s16+$0x0], $0xffff  }
0x9a: {  	v27 =	vor.u32 v3, v16;
	v25 =	vadd.s32 s28, v0;
	v19 =	vadd.s32 s31, v0;
	v29 =	vld.idx.msk [tilespmem:v28+s16+$0x0], $0xffff  }
0x9b: {  	s26 =	sand.u32 $0x30, s31;
	v30 =	vor.u32 v9, v16;
	v19 =	vand.u32 $0xF, v19;
	v23 =	vld.idx.msk [tilespmem:v20+s16+$0x0], $0xffff;
	v20 =	vand.u32 $0xF, v25  }
0x9c: {  	v34 =	vor.u32 v12, v16;
	v28 =	vld.idx.msk [tilespmem:v63+s16+$0x0], $0xffff;
	v19 =	vor.u32 s26, v19;
	v20 =	vor.u32 s26, v20  }
0x9d: {  	v18 =	vor.u32 v13, v16;
	s28 =	simm.s32 $0x4;
	s26 =	sadd.s32 s25, s11;
	v25 =	vshll.u32 v19, $0x7;
	v26 =	vld.idx.msk [tilespmem:v17+s16+$0x0], $0xffff;
	v17 =	vshll.u32 v20, $0x7  }
.LBB2_5:
0x9e: {  	p1 =	sne.s32 s28, $0x3E;
	v35 =	vor.u32 v0, v25;
	v36 =	vor.u32 v13, v20;
	v31 =	vld.idx.msk [tilespmem:v31+s16+$0x0], $0xffff;
	s29 =	smov.u32 s28;
	s28 =	sadd.s32 $0x2, s28  }
0x9f: {  	v37 =	vor.u32 v1, v25;
	[tilespmem:v27+s20+$0x0] =	vst.idx.msk $0xffff, v24;
	v24 =	vor.u32 v14, v16  }
0xa0: {  	v27 =	vor.u32 v2, v25;
	[tilespmem:v30+s20+$0x0] =	vst.idx.msk $0xffff, v22;
	v22 =	vor.u32 v15, v16;
	v16 =	vmov v20  }
0xa1: {  	v20 =	vor.u32 v4, v25;
	[tilespmem:v32+s20+$0x0] =	vst.idx.msk $0xffff, v23  }
0xa2: {  	v30 =	vor.u32 v8, v25;
	v23 =	vor.u32 v5, v25;
	[tilespmem:v33+s20+$0x0] =	vst.idx.msk $0xffff, v26  }
0xa3: {  	v26 =	vor.u32 v6, v25;
	v25 =	vor.u32 v7, v25;
	[tilespmem:v34+s20+$0x0] =	vst.idx.msk $0xffff, v29  }
0xa4: {  	[tilespmem:v18+s20+$0x0] =	vst.idx.msk $0xffff, v21;
	v18 =	vmov v36  }
0xa5: {  	[tilespmem:v24+s20+$0x0] =	vst.idx.msk $0xffff, v31  }
0xa6: {  	[tilespmem:v22+s20+$0x0] =	vst.idx.msk $0xffff, v28  }
0xa7: {  	v21 =	vld.idx.msk [tilespmem:v37+s16+$0x0], $0xffff  }
0xa8: {  	v22 =	vld.idx.msk [tilespmem:v27+s16+$0x0], $0xffff  }
0xa9: {  	v24 =	vld.idx.msk [tilespmem:v35+s16+$0x0], $0xffff  }
0xaa: {  	v27 =	vor.u32 v3, v19;
	v25 =	vld.idx.msk [tilespmem:v25+s16+$0x0], $0xffff  }
0xab: {  	v28 =	vor.u32 v9, v19;
	v23 =	vld.idx.msk [tilespmem:v23+s16+$0x0], $0xffff  }
0xac: {  	v29 =	vor.u32 v10, v19;
	v20 =	vld.idx.msk [tilespmem:v20+s16+$0x0], $0xffff  }
0xad: {  	v31 =	vor.u32 v11, v19;
	v30 =	vld.idx.msk [tilespmem:v30+s16+$0x0], $0xffff  }
0xae: {  	v32 =	vor.u32 v12, v19;
	v26 =	vld.idx.msk [tilespmem:v26+s16+$0x0], $0xffff  }
0xaf: {  	[tilespmem:v27+s20+$0x0] =	vst.idx.msk $0xffff, v24;
	v24 =	vor.u32 v13, v19  }
0xb0: {  	[tilespmem:v28+s20+$0x0] =	vst.idx.msk $0xffff, v21;
	v21 =	vor.u32 v14, v19  }
0xb1: {  	v19 =	vor.u32 v15, v19;
	[tilespmem:v29+s20+$0x0] =	vst.idx.msk $0xffff, v22  }
0xb2: {  	[tilespmem:v31+s20+$0x0] =	vst.idx.msk $0xffff, v20;
	v20 =	vor.u32 v1, v17  }
0xb3: {  	v27 =	vor.u32 v6, v17;
	[tilespmem:v32+s20+$0x0] =	vst.idx.msk $0xffff, v23;
	v23 =	vor.u32 v0, v17  }
0xb4: {  	[tilespmem:v24+s20+$0x0] =	vst.idx.msk $0xffff, v26  }
0xb5: {  	[tilespmem:v21+s20+$0x0] =	vst.idx.msk $0xffff, v25;
	v25 =	vor.u32 v2, v17  }
0xb6: {  	[tilespmem:v19+s20+$0x0] =	vst.idx.msk $0xffff, v30;
	v19 =	vor.u32 v4, v17  }
0xb7: {  	v28 =	vor.u32 v5, v17;
	v22 =	vld.idx.msk [tilespmem:v20+s16+$0x0], $0xffff  }
0xb8: {  	v34 =	vor.u32 v8, v17;
	v21 =	vld.idx.msk [tilespmem:v27+s16+$0x0], $0xffff  }
.Ltmp1:
0xb9: {  	s30 =	sadd.s32 $0x1, s29;
	v31 =	vor.u32 v7, v17;
	v27 =	vor.u32 v3, v16;
	v24 =	vld.idx.msk [tilespmem:v23+s16+$0x0], $0xffff;
	(pc) =	sbr.rel @p1 .LBB2_5-.Ltmp1, $4  }
0xba: {  	v17 =	vadd.s32 s29, v0;
	v30 =	vor.u32 v9, v16;
	v20 =	vadd.s32 s30, v0;
	v23 =	vld.idx.msk [tilespmem:v25+s16+$0x0], $0xffff  }
0xbb: {  	v32 =	vor.u32 v10, v16;
	s29 =	sand.u32 $0x30, s29;
	v17 =	vand.u32 $0xF, v17;
	v20 =	vand.u32 $0xF, v20;
	v26 =	vld.idx.msk [tilespmem:v19+s16+$0x0], $0xffff  }
0xbc: {  	v33 =	vor.u32 v11, v16;
	v20 =	vor.u32 s29, v20;
	v19 =	vor.u32 s29, v17;
	v29 =	vld.idx.msk [tilespmem:v28+s16+$0x0], $0xffff  }
0xbd: {  	v17 =	vshll.u32 v20, $0x7;
	v25 =	vshll.u32 v19, $0x7;
	v28 =	vld.idx.msk [tilespmem:v34+s16+$0x0], $0xffff;
	v34 =	vor.u32 v12, v16  }
0xbe: {  	_ =	sdelay $0x3  }
0xbf: {  	v31 =	vld.idx.msk [tilespmem:v31+s16+$0x0], $0xffff;
	[tilespmem:v27+s20+$0x0] =	vst.idx.msk $0xffff, v24  }
0xc0: {  	v35 =	vor.u32 v14, v16;
	[tilespmem:v30+s20+$0x0] =	vst.idx.msk $0xffff, v22  }
0xc1: {  	v16 =	vor.u32 v15, v16;
	[tilespmem:v32+s20+$0x0] =	vst.idx.msk $0xffff, v23  }
0xc2: {  	v36 =	vor.u32 v1, v25;
	[tilespmem:v33+s20+$0x0] =	vst.idx.msk $0xffff, v26  }
0xc3: {  	v37 =	vor.u32 v2, v25;
	[tilespmem:v34+s20+$0x0] =	vst.idx.msk $0xffff, v29  }
0xc4: {  	v38 =	vor.u32 v0, v25;
	[tilespmem:v18+s20+$0x0] =	vst.idx.msk $0xffff, v21  }
0xc5: {  	v39 =	vor.u32 v7, v25;
	[tilespmem:v35+s20+$0x0] =	vst.idx.msk $0xffff, v31  }
0xc6: {  	v40 =	vor.u32 v5, v25;
	[tilespmem:v16+s20+$0x0] =	vst.idx.msk $0xffff, v28  }
0xc7: {  	v16 =	vor.u32 v4, v25;
	v22 =	vld.idx.msk [tilespmem:v36+s16+$0x0], $0xffff  }
0xc8: {  	v41 =	vor.u32 v8, v25;
	v23 =	vld.idx.msk [tilespmem:v37+s16+$0x0], $0xffff  }
0xc9: {  	v42 =	vor.u32 v6, v25;
	v43 =	vor.u32 v3, v19;
	v26 =	vld.idx.msk [tilespmem:v38+s16+$0x0], $0xffff  }
0xca: {  	v44 =	vor.u32 v9, v19;
	v18 =	vld.idx.msk [tilespmem:v39+s16+$0x0], $0xffff  }
0xcb: {  	v45 =	vor.u32 v10, v19;
	v21 =	vld.idx.msk [tilespmem:v40+s16+$0x0], $0xffff  }
0xcc: {  	v46 =	vor.u32 v11, v19;
	v16 =	vld.idx.msk [tilespmem:v16+s16+$0x0], $0xffff  }
0xcd: {  	v47 =	vor.u32 v12, v19;
	v24 =	vld.idx.msk [tilespmem:v41+s16+$0x0], $0xffff  }
0xce: {  	v48 =	vor.u32 v13, v19;
	v25 =	vld.idx.msk [tilespmem:v42+s16+$0x0], $0xffff;
	[tilespmem:v43+s20+$0x0] =	vst.idx.msk $0xffff, v26  }
0xcf: {  	v49 =	vor.u32 v14, v19;
	[tilespmem:v44+s20+$0x0] =	vst.idx.msk $0xffff, v22  }
0xd0: {  	v50 =	vor.u32 v15, v19;
	[tilespmem:v45+s20+$0x0] =	vst.idx.msk $0xffff, v23  }
0xd1: {  	[tilespmem:v46+s20+$0x0] =	vst.idx.msk $0xffff, v16;
	v16 =	vor.u32 v1, v17  }
0xd2: {  	v51 =	vor.u32 v6, v17;
	[tilespmem:v47+s20+$0x0] =	vst.idx.msk $0xffff, v21  }
0xd3: {  	v52 =	vor.u32 v0, v17;
	[tilespmem:v48+s20+$0x0] =	vst.idx.msk $0xffff, v25  }
0xd4: {  	v53 =	vor.u32 v2, v17;
	[tilespmem:v49+s20+$0x0] =	vst.idx.msk $0xffff, v18  }
0xd5: {  	v54 =	vor.u32 v4, v17;
	[tilespmem:v50+s20+$0x0] =	vst.idx.msk $0xffff, v24  }
0xd6: {  	v55 =	vor.u32 v5, v17;
	v16 =	vld.idx.msk [tilespmem:v16+s16+$0x0], $0xffff  }
0xd7: {  	v56 =	vor.u32 v8, v17;
	v21 =	vld.idx.msk [tilespmem:v51+s16+$0x0], $0xffff  }
0xd8: {  	v57 =	vor.u32 v3, v20;
	v17 =	vor.u32 v7, v17;
	v23 =	vld.idx.msk [tilespmem:v52+s16+$0x0], $0xffff  }
0xd9: {  	v58 =	vor.u32 v9, v20;
	v18 =	vld.idx.msk [tilespmem:v53+s16+$0x0], $0xffff  }
0xda: {  	v59 =	vor.u32 v10, v20;
	v19 =	vld.idx.msk [tilespmem:v54+s16+$0x0], $0xffff  }
0xdb: {  	v60 =	vor.u32 v11, v20;
	v22 =	vld.idx.msk [tilespmem:v55+s16+$0x0], $0xffff  }
0xdc: {  	v61 =	vor.u32 v12, v20;
	v24 =	vld.idx.msk [tilespmem:v56+s16+$0x0], $0xffff  }
0xdd: {  	v62 =	vor.u32 v13, v20;
	v17 =	vld.idx.msk [tilespmem:v17+s16+$0x0], $0xffff;
	[tilespmem:v57+s20+$0x0] =	vst.idx.msk $0xffff, v23  }
0xde: {  	v63 =	vor.u32 v14, v20;
	[tilespmem:v58+s20+$0x0] =	vst.idx.msk $0xffff, v16  }
0xdf: {  	v16 =	vor.u32 v15, v20;
	[tilespmem:v59+s20+$0x0] =	vst.idx.msk $0xffff, v18  }
0xe0: {  	s25 =	sadd.s32 $0x3, s25;
	[tilespmem:v60+s20+$0x0] =	vst.idx.msk $0xffff, v19  }
0xe1: {  	p1 =	sge.u32 s25, s7;
	[tilespmem:v61+s20+$0x0] =	vst.idx.msk $0xffff, v22  }
0xe2: {  	s26 =	sshll.u32 s26, $0xA;
	s25 =	sadd.s32 @!p1 s5, s25;
	[tilespmem:v62+s20+$0x0] =	vst.idx.msk $0xffff, v21  }
0xe3: {  	s24 =	sadd.s32 $0x1, s24;
	s26 =	sand.u32 $0x1FFFFC00, s26;
	s25 =	sshll.u32 @!p1 s25, $0x7;
	[tilespmem:v63+s20+$0x0] =	vst.idx.msk $0xffff, v17  }
0xe4: {  	s26 =	sadd.s32 s6, s26;
	s28 =	simm.s32 @!p1 $0x7A1400;
	s25 =	sand.u32 @!p1 $0x1FFFFF80, s25;
	[tilespmem:v16+s20+$0x0] =	vst.idx.msk $0xffff, v24  }
0xe5: {  	[hbm4b:s26+s4] =	stream.linear.scatter [tilespmem:s20], [sflag:$0x4], $0x2000, $0x38;
	[tilespmem:$0x8000] =	vst v63  }
0xe6: {  	s29 =	simm.s32 @!p1 $0x2000;
	s25 =	sadd.s32 @!p1 s1, s25;
	s26 =	simm.s32 @!p1 $0x400  }
0xe7: {  	[tilespmem:s29], [sflag:$0x2] =	stream.strided.gather @!p1 [hbm4b:s25+s26], $0x2000, s28, s26, $0x38;
	[tilespmem:$0x8000] =	vst v63  }
0xe8: {  	p1 =	sne.s32 s24, s10  }
.Ltmp2:
0xe9: {  	_ = 	snop;
	(pc) =	sbr.rel @p1 .LBB2_2-.Ltmp2, $1  }
0xea: {  	_ =	sdelay $0x3  }
0xeb: {  	_ =	swait.ge [sflag:s21], $0x2000  }
0xec: {  	[sflag:s21] =	ssyncset.done $0x0  }
0xed: {  	[sflag:s21] =	ssyncadd.s32 $0xFFFFE000  }
0xee: {  	_ =	swait.ge [sflag:s22], $0x2000  }
0xef: {  	s24 =	simm.s32 @!p0 $0x0;
	[sflag:s22] =	ssyncset.done $0x0  }
0xf0: {  	s25 =	simm.s32 @!p0 $0x4000;
	s26 =	simm.s32 @!p0 $0x5;
	[sflag:s22] =	ssyncadd.s32 $0xFFFFE000  }
0xf1: {  	[tilespmem:s25], [sflag:$0x5] =	stream.linear.gather @!p0 [hbm4b:s3+s24], $0x1000, $0x38;
	[tilespmem:$0x8000] =	vst v63  }
0xf2: {  	s23 =	sadd.s32 $0x1, s23;
	_ =	swait.ge @!p0 [sflag:s26], $0x1000  }
0xf3: {  	p1 =	sne.s32 s23, s13;
	[sflag:s26] =	ssyncset.done @!p0 $0x0  }
.Ltmp3:
0xf4: {  	[sflag:s26] =	ssyncadd.s32 @!p0 $0xFFFFF000;
	(pc) =	sbr.rel @p1 .LBB2_1-.Ltmp3, $4  }
0xf5: {  	[hbm4b:s12+s24] =	stream.linear.scatter @!p0 [tilespmem:s25], [sflag:$0x5], $0x1000, $0x38;
	[tilespmem:$0x8000] =	vst v63  }
0xf6: {  	_ =	swait.ge @!p0 [sflag:s26], $0x1000  }
0xf7: {  	[sflag:s26] =	ssyncset.done @!p0 $0x0  }
0xf8: {  	[sflag:s26] =	ssyncadd.s32 @!p0 $0xFFFFF000  }
0xf9: {  	_ =	sfence.sel $0x180000  }
0xfa: {  	[bflag:$0x0] =	sbarrier.arrive $0xFFFF  }
0xfb: {  	p0 =	sne.s32 s0, $0x0;
	_ =	strace $0x90000047  }
0xfc: {  	s0 =	sadd.s32 @!p0 $0x100000, s2;
	[bflag:$0x2] =	sbarrier.arrive $0xFFFF  }
0xfd: {  	[sflag:s0] =	ssyncadd.tile.s32 @!p0 $0x1;
	_ =	shalt  }
.Lfunc_end2:
_tile_overlayer_lowered:
.L_overlay_start_2:
0xfe: {  	(tag) =	ssettag $0x2  }
0xff: {  	s0 =	rddreg [dreg:$0x0];
	s2 =	stileid.u32  }
0x100: {  	s1 =	rddreg [dreg:$0x1];
	p0 =	sne.s32 s2, $0x0  }
0x101: {  	s3 =	rddreg [dreg:$0x2];
	[bflag:$0x3] =	sbarrier.arrive $0xFFFF;
	s2 =	simm.s32 @!p0 $0x1C05  }
0x102: {  	[timem:s3], [sflag:s2] =	dma.local @!p0 [hbm:s0], s1  }
0x103: {  	s0 =	simm.s32 @!p0 $0x5  }
0x104: {  	_ =	swait.ge @!p0 [sflag:s0], s1  }
0x105: {  	s1 =	ssub.s32 @!p0 $0x0, s1;
	[sflag:s0] =	ssyncset.done @!p0 $0x0  }
0x106: {  	[sflag:s0] =	ssyncadd.s32 @!p0 s1  }
0x107: {  	[bflag:$0x3] =	sbarrier.arrive $0xFFFF  }
0x108: {  	_ =	shalt  }

// kernel: kernel.7.cloned.1.call-start
scs
__scs_entry_jumppad:
0x0: {  	(pc) =	sbr.rel $0x88, $3  }
0x1: {  	(tag) =	ssettag $0x0;
	lr =	simm.s32 $0x1  }
0x2: {  	[smem:$0x3F9F] =	sst lr;
	_ =	strace $0xD0000000  }
0x3: {  	_ = 	snop  }
0x4: {  	_ = 	snop  }
0x5: {  	_ = 	snop  }
0x6: {  	_ = 	snop  }
0x7: {  	_ = 	snop  }
__scs_overlays_trampoline_lowered:
0x8: {  	[smem:$0x3FAE] =	sst s0  }
0x9: {  	[smem:$0x3FAF] =	sst s1  }
0xa: {  	[smem:$0x3FB0] =	sst s2  }
0xb: {  	[smem:$0x3FB1] =	sst s3  }
0xc: {  	[smem:$0x3FB2] =	sst s4  }
0xd: {  	[smem:$0x3FB3] =	sst s5  }
0xe: {  	[smem:$0x3FB4] =	sst s6  }
0xf: {  	[smem:$0x3FB5] =	sst s7  }
0x10: {  	[smem:$0x3FB6] =	sst s8  }
0x11: {  	[smem:$0x3FB7] =	sst s9;
	s0 =	simm.s32 @!p0 $0x0  }
0x12: {  	s1 =	sld [smem:$0x3F9D];
	s0 =	simm.s32 @p0 $0x1  }
0x13: {  	[smem:$0x3FB8] =	sst s0;
	s0 =	simm.s32 @!p1 $0x0  }
0x14: {  	s2 =	sld [smem:$0x3F9C];
	s0 =	simm.s32 @p1 $0x1  }
0x15: {  	[smem:$0x3FB9] =	sst s0;
	s0 =	simm.s32 @!p2 $0x0  }
0x16: {  	s3 =	sld [smem:$0x3FDB];
	s0 =	simm.s32 @p2 $0x1  }
0x17: {  	s4 =	simm.s32 $0x1BF5;
	[smem:$0x3FBB] =	sst s0  }
0x18: {  	s0 =	sld [smem:$0x3F9E];
	_ =	swait.ge [sflag:s4], $0x0  }
0x19: {  	s7 =	sld [smem:$0x3F9F]  }
0x1a: {  	s8 =	sadd.s32 $0xFFFFE003, lr  }
0x1b: {  	s9 =	sadd.s32 $0xFFFFFEF7, lr;
	s5 =	simm.s32 $0xFFFFFFFF;
	p2 =	slt.u32 s8, $0xFFFFF086  }
0x1c: {  	p1 =	slt.u32 s9, $0xF7A;
	s5 =	simm.s32 @!p2 $0x0  }
0x1d: {  	s5 =	simm.s32 @p1 $0x1;
	p0 =	seq.s32 s7, s2  }
0x1e: {  	s7 =	smul.u32 @!p0 $0xF7A, s2;
	p2 =	seq.s32 @!p0 s5, $0x0  }
0x1f: {  	s9 =	smul.u32 $0xF7A, s1;
	s8 =	simm.s32 @!p0 $0x1BF5;
	p2 =	por !p2, p0  }
0x20: {  	[sflag:s8] =	ssyncset.s32 @!p0 $0xFFFFF086;
	s6 =	sadd.s32 @!p0 s3, s7;
	s7 =	simm.s32 @!p0 $0x108  }
0x21: {  	s3 =	sadd.s32 s3, s9;
	s6 =	sadd.s32 @!p0 $0x88, s6;
	s7 =	simm.s32 @p2 $0x1082  }
0x22: {  	[simem:s7], [sflag:s8] =	dma.local @!p0 [hbm:s6], $0xF7A  }
0x23: {  	s9 =	sor.u32 $0xD0000000, s2;
	s6 =	simm.s32 $0x108;
	_ =	swait.ge @!p0 [sflag:s8], $0x0  }
0x24: {  	s3 =	sadd.s32 $0x88, s3;
	s6 =	simm.s32 @!p1 $0x1082;
	[sflag:s4] =	ssyncset.s32 $0xFFFFF086  }
0x25: {  	[simem:s6], [sflag:s4] =	dma.local [hbm:s3], $0xF7A  }
0x26: {  	[smem:$0x3F9F] =	sst s1;
	(tag) =	ssettag s2;
	_ =	strace s9  }
0x27: {  	s1 =	sld [smem:$0x3FAF]  }
0x28: {  	s2 =	sld [smem:$0x3FB0]  }
0x29: {  	s4 =	sld [smem:$0x3FB2]  }
0x2a: {  	p0 =	seq.s32 s5, $0x0;
	s5 =	sld [smem:$0x3FB3]  }
0x2b: {  	s6 =	sld [smem:$0x3FB4]  }
0x2c: {  	s7 =	sld [smem:$0x3FB5]  }
0x2d: {  	s3 =	simm.s32 $0x108;
	s8 =	sld [smem:$0x3FB6]  }
0x2e: {  	s3 =	simm.s32 @!p0 $0x1082;
	s9 =	sld [smem:$0x3FB7]  }
0x2f: {  	lr =	sadd.s32 s0, s3;
	s0 =	sld [smem:$0x3FAE]  }
0x30: {  	s3 =	sld [smem:$0x3FB1]  }
0x31: {  	[smem:$0x3FBA] =	sst s10  }
0x32: {  	s10 =	sld [smem:$0x3FB8];
	_ =	sdelay $0x3  }
0x33: {  	p0 =	seq.s32 s10, $0x1;
	s10 =	sld [smem:$0x3FBA];
	_ =	sdelay $0x3  }
0x34: {  	[smem:$0x3FBA] =	sst s10  }
0x35: {  	s10 =	sld [smem:$0x3FB9];
	_ =	sdelay $0x3  }
0x36: {  	p1 =	seq.s32 s10, $0x1;
	s10 =	sld [smem:$0x3FBA];
	_ =	sdelay $0x3  }
0x37: {  	[smem:$0x3FBA] =	sst s10  }
0x38: {  	s10 =	sld [smem:$0x3FBB]  }
0x39: {  	_ = 	snop;
	(pc) =	sbr.ind lr, $3  }
0x3a: {  	_ = 	snop  }
0x3b: {  	_ = 	snop  }
0x3c: {  	p2 =	seq.s32 s10, $0x1;
	s10 =	sld [smem:$0x3FBA]  }
0x3d: {  	_ =	shalt  }
0x3e: {  	_ =	shalt  }
0x3f: {  	_ =	shalt  }
0x40: {  	_ =	shalt  }
0x41: {  	_ =	shalt  }
0x42: {  	_ =	shalt  }
0x43: {  	_ =	shalt  }
0x44: {  	_ =	shalt  }
0x45: {  	_ =	shalt  }
0x46: {  	_ =	shalt  }
0x47: {  	_ =	shalt  }
0x48: {  	_ =	shalt  }
0x49: {  	_ =	shalt  }
0x4a: {  	_ =	shalt  }
0x4b: {  	_ =	shalt  }
0x4c: {  	_ =	shalt  }
0x4d: {  	_ =	shalt  }
0x4e: {  	_ =	shalt  }
0x4f: {  	_ =	shalt  }
0x50: {  	_ =	shalt  }
0x51: {  	_ =	shalt  }
0x52: {  	_ =	shalt  }
0x53: {  	_ =	shalt  }
0x54: {  	_ =	shalt  }
0x55: {  	_ =	shalt  }
0x56: {  	_ =	shalt  }
0x57: {  	_ =	shalt  }
0x58: {  	_ =	shalt  }
0x59: {  	_ =	shalt  }
0x5a: {  	_ =	shalt  }
0x5b: {  	_ =	shalt  }
0x5c: {  	_ =	shalt  }
0x5d: {  	_ =	shalt  }
0x5e: {  	_ =	shalt  }
0x5f: {  	_ =	shalt  }
0x60: {  	_ =	shalt  }
0x61: {  	_ =	shalt  }
0x62: {  	_ =	shalt  }
0x63: {  	_ =	shalt  }
0x64: {  	_ =	shalt  }
0x65: {  	_ =	shalt  }
0x66: {  	_ =	shalt  }
0x67: {  	_ =	shalt  }
0x68: {  	_ =	shalt  }
0x69: {  	_ =	shalt  }
0x6a: {  	_ =	shalt  }
0x6b: {  	_ =	shalt  }
0x6c: {  	_ =	shalt  }
0x6d: {  	_ =	shalt  }
0x6e: {  	_ =	shalt  }
0x6f: {  	_ =	shalt  }
0x70: {  	_ =	shalt  }
0x71: {  	_ =	shalt  }
0x72: {  	_ =	shalt  }
0x73: {  	_ =	shalt  }
0x74: {  	_ =	shalt  }
0x75: {  	_ =	shalt  }
0x76: {  	_ =	shalt  }
0x77: {  	_ =	shalt  }
0x78: {  	_ =	shalt  }
0x79: {  	_ =	shalt  }
0x7a: {  	_ =	shalt  }
0x7b: {  	_ =	shalt  }
0x7c: {  	_ =	shalt  }
0x7d: {  	_ =	shalt  }
0x7e: {  	_ =	shalt  }
0x7f: {  	_ =	shalt  }
0x80: {  	_ =	shalt  }
0x81: {  	_ =	shalt  }
0x82: {  	_ =	shalt  }
0x83: {  	_ =	shalt  }
0x84: {  	_ =	shalt  }
0x85: {  	_ =	shalt  }
0x86: {  	_ =	shalt  }
0x87: {  	_ =	shalt  }
.Lfunc_end0:
.L_simem_size_0:
called_computation.1_lowered:
.L_overlay_start_0:
0x88: {  	s2 =	sld [smem:$0x3FD9]  }
0x89: {  	s3 =	sld [smem:$0x3FFE];
	_ =	sdelay $0x1  }
0x8a: {  	s1 =	srdreg.scid  }
0x8b: {  	s0 =	sand.u32 $0x1, s1  }
0x8c: {  	s17 =	sshll.u32 s0, $0xA;
	s2 =	sadd.s32 s3, s2  }
0x8d: {  	s2 =	sadd.s32 s2, s17  }
0x8e: {  	[smem:$0x3FC6] =	sst s2  }
0x8f: {  	_ = 	snop  }
0x90: {  	s2 =	sld [smem:$0x3FC9]  }
0x91: {  	s18 =	sld [smem:$0x3FD0];
	(tm) =	ssettm $0x1  }
0x92: {  	s4 =	sld [smem:$0x3FFB];
	_ =	sdelay $0x3  }
0x93: {  	_ =	strace s4  }
0x94: {  	s4 =	sld [smem:$0x3FFC];
	_ =	sdelay $0x3  }
0x95: {  	_ =	strace s4  }
0x96: {  	s4 =	sld [smem:$0x3FFD];
	_ =	sdelay $0x3  }
0x97: {  	_ =	strace s4  }
0x98: {  	_ =	strace $0x8FFFFFFF  }
0x99: {  	s19 =	sld [smem:$0x3FDB];
	_ =	sdelay $0x1  }
0x9a: {  	s5 =	simm.s32 $_scs_section_size  }
0x9b: {  	s6 =	simm.s32 $_size__tile_overlayer_lowered;
	s7 =	simm.s32 $_tile_overlayer_lowered  }
0x9c: {  	s22 =	simm.s32 $0x1BFF;
	s21 =	sshll.u32 s7, $0x1;
	s4 =	sadd.s32 s5, s19  }
0x9d: {  	s8 =	simm.s32 $0x0;
	s20 =	sshll.u32 s6, $0x1;
	s6 =	sadd.s32 s21, s4  }
0x9e: {  	[timem:s8], [sflag:s22] =	dma.local [hbm:s6], s20  }
0x9f: {  	_ =	swait.ge [sflag:s22], s20  }
0xa0: {  	s5 =	ssub.s32 $0x0, s20;
	[sflag:s22] =	ssyncset.done $0x0  }
0xa1: {  	[sflag:s22] =	ssyncadd.s32 s5;
	_ =	sdelay $0x1  }
0xa2: {  	s23 =	simm.s32 $0x1B8B  }
0xa3: {  	_ =	swait.ge [sflag:s23], $0x1  }
0xa4: {  	[sflag:s23] =	ssyncset.done $0x0  }
0xa5: {  	s25 =	simm.s32 $0x1B8E;
	s24 =	sld [smem:$0x3FFE];
	[sflag:s23] =	ssyncadd.s32 $0xFFFFFFFF  }
0xa6: {  	s26 =	simm.s32 $execute0_lowered;
	[smem:$0x3FD2] =	sst s25  }
0xa7: {  	s6 =	sshll.u32 s26, $0x1;
	_ =	strace $0x80000049;
	[dreg:$0x1] =	wrdreg $0xFFFFFFFF  }
0xa8: {  	s28 =	simm.s32 $_size_execute0_lowered;
	s4 =	sadd.s32 s4, s6;
	[dreg:$0x0] =	wrdreg $0x0  }
0xa9: {  	s6 =	sshll.u32 s28, $0x1;
	[dreg:$0x2] =	wrdreg s4  }
0xaa: {  	[dreg:$0x3] =	wrdreg s6  }
0xab: {  	[dreg:$0x4] =	wrdreg $0xC0  }
0xac: {  	_ =	task [dreg:s8], $0x5FFFF  }
0xad: {  	[dreg:$0x1] =	wrdreg $0xFFFFFFFF  }
0xae: {  	[dreg:$0x0] =	wrdreg $0x60  }
0xaf: {  	[dreg:$0x2] =	wrdreg s2  }
0xb0: {  	[dreg:$0x3] =	wrdreg s24  }
0xb1: {  	[dreg:$0x4] =	wrdreg s18  }
0xb2: {  	[dreg:$0x5] =	wrdreg $0x9  }
0xb3: {  	_ =	task.clear_ibuf [dreg:s8], $0x6FFFF;
	_ =	strace $0x90000049  }
0xb4: {  	s29 =	simm.s32 $0x9;
	_ =	strace $0x8000004B  }
0xb5: {  	_ =	swait.ge [sflag:s29], $0x1  }
0xb6: {  	[sflag:s29] =	ssyncadd.s32 $0xFFFFFFFF  }
0xb7: {  	_ =	strace $0x9000004B  }
0xb8: {  	_ =	sfence  }
0xb9: {  	s30 =	sld [smem:$0x0];
	_ =	sdelay $0x2  }
0xba: {  	s31 =	sshll.u32 s1, $0xD;
	s1 =	sshrl.u32 s1, $0x2  }
0xbb: {  	s3 =	sand.u32 $0x4000, s31;
	s1 =	sadd.s32 s1, s30  }
0xbc: {  	s0 =	sor.u32 s3, s0;
	s1 =	sshll.u32 s1, $0x11  }
0xbd: {  	s0 =	sor.u32 s1, s0  }
0xbe: {  	s0 =	sadd.s32 $0x8F2B, s0  }
0xbf: {  	[sflag:s0] =	ssyncadd.remote.s32 $0x1  }
0xc0: {  	_ =	sfence.sel $0xFFFF  }
0xc1: {  	[dreg:$0x0] =	wrdreg $0xFFFFFFFF;
	(pc) =	sbr.abs _section_cstart, $3  }
0xc2: {  	[dreg:$0x1] =	wrdreg $0xFFFFFFFF  }
0xc3: {  	_ =	task.clear_ibuf [dreg:s8], $0x2FFFF;
	_ =	strace $0x9FFFFFFF  }
0xc4: {  	(tm) =	ssettm $0x7FFFFFFF  }
0xc5: {  	_ =	shalt  }
tec
execute0_lowered:
.L_overlay_start_1:
0x0: {  	(tag) =	ssettag $0x1  }
0x1: {  	s6 =	rddreg [dreg:$0x0]  }
0x2: {  	s5 =	rddreg [dreg:$0x1]  }
0x3: {  	s1 =	rddreg [dreg:$0x2]  }
0x4: {  	s0 =	rddreg [dreg:$0x3]  }
0x5: {  	s3 =	simm.s32 $0x0;
	s4 =	srdreg.scid;
	s2 =	stileid.u32  }
0x6: {  	s10 =	simm.s32 $0x8000;
	s11 =	simm.s32 $0x5;
	s12 =	simm.s32 $0x80  }
0x7: {  	s13 =	simm.s32 $0x6400;
	s14 =	simm.s32 $0x6600;
	s15 =	simm.s32 $0x6480  }
0x8: {  	s16 =	simm.s32 $0xA600;
	s17 =	simm.s32 $0x1;
	s18 =	simm.s32 $0xE600  }
0x9: {  	s19 =	simm.s32 $0x2;
	s20 =	simm.s32 $0x4;
	s21 =	simm.s32 $0x10600  }
0xa: {  	v0 =	vlaneseq.u32;
	s22 =	simm.s32 $0x3;
	s23 =	simm.s32 $0x0;
	[smem:$0x7FF] =	sst s3  }
.Ltmp0:
0xb: {  	s4 =	sand.u32 $0x1, s4;
	s8 =	sshll.u32 s2, $0xB;
	v1 =	vmul.u32 $0x80, v0;
	v9 =	vor.u32 $0x10, v0;
	v10 =	vor.u32 $0x20, v0;
	(pc) =	sbr.rel .LBB2_1-.Ltmp0, $4  }
0xc: {  	s5 =	sadd.s32 $0x800, s5;
	v11 =	vor.u32 $0x30, v0;
	v12 =	vor.u32 $0x40, v0;
	v13 =	vor.u32 $0x50, v0;
	s7 =	ssub.s32 $0x2, s4;
	s4 =	sshll.u32 s4, $0xA  }
0xd: {  	v14 =	vor.u32 $0x60, v0;
	v15 =	vor.u32 $0x70, v0;
	_ =	strace $0x8000004A;
	s9 =	sshrl.u32 s7, $0x1;
	s4 =	sor.u32 s4, s8;
	v2 =	vor.u32 $0x800, v1  }
0xe: {  	v3 =	vor.u32 $0x1000, v1;
	v4 =	vor.u32 $0x1800, v1;
	v5 =	vor.u32 $0x2000, v1;
	s30 =	ssub.s32 s7, s9;
	s31 =	sshrl.u32 s4, $0x3;
	s7 =	sadd.s32 $0x8000, s1  }
0xf: {  	v6 =	vor.u32 $0x2800, v1;
	v7 =	vor.u32 $0x3000, v1;
	v8 =	vor.u32 $0x3800, v1;
	s9 =	simm.s32 $0x400;
	s6 =	sadd.s32 s6, s31;
	s8 =	smax.u32 s30, $0x1  }
.LBB2_12:
0x10: {  	s23 =	sadd.s32 $0x1, s23  }
0x11: {  	_ =	swait.ge [sflag:s22], $0x2000;
	p0 =	sne.s32 s23, s8  }
.Ltmp1:
0x12: {  	[sflag:s22] =	ssyncset.done $0x0;
	(pc) =	sbr.rel @!p0 .LBB2_13-.Ltmp1, $4  }
0x13: {  	[sflag:s22] =	ssyncadd.s32 $0xFFFFE000  }
0x14: {  	_ =	swait.ge [sflag:s20], $0x2000  }
0x15: {  	[sflag:s20] =	ssyncset.done $0x0  }
0x16: {  	[sflag:s20] =	ssyncadd.s32 $0xFFFFE000  }
.LBB2_1:
0x17: {  	[tilespmem:s3], [sflag:$0x5] =	stream.strided.gather [hbm4b:s6+s9], $0x6400, s10, s9, $0x38;
	[tilespmem:$0x12600] =	vst v63  }
0x18: {  	_ =	swait.ge [sflag:s11], $0x6400  }
0x19: {  	[sflag:s11] =	ssyncset.done $0x0  }
0x1a: {  	[sflag:s11] =	ssyncadd.s32 $0xFFFF9C00  }
0x1b: {  	v16 =	vld [tilespmem:$0x0];
	_ =	sdelay $0x1  }
0x1c: {  	v17 =	vld [tilespmem:$0x10];
	_ =	sdelay $0x1  }
0x1d: {  	v18 =	vld [tilespmem:$0x20]  }
0x1e: {  	v19 =	vshrl.u32 v16, $0x1;
	v16 =	vshll.u32 v16, $0x6  }
0x1f: {  	v54 =	vld [tilespmem:$0x30];
	[tilespmem:$0x6400] =	vst v19;
	v16 =	vand.u32 $0x40, v16  }
0x20: {  	[tilespmem:$0x6500] =	vst v16;
	v16 =	vshrl.u32 v17, $0x1;
	v17 =	vshll.u32 v17, $0x6  }
0x21: {  	[tilespmem:$0x6410] =	vst v16;
	v16 =	vand.u32 $0x40, v17;
	v17 =	vld [tilespmem:$0x40]  }
0x22: {  	[tilespmem:$0x6510] =	vst v16;
	v16 =	vshrl.u32 v18, $0x1;
	v18 =	vshll.u32 v18, $0x6  }
0x23: {  	v55 =	vld [tilespmem:$0x50];
	[tilespmem:$0x6420] =	vst v16;
	v16 =	vand.u32 $0x40, v18  }
0x24: {  	v19 =	vshll.u32 v54, $0x6;
	[tilespmem:$0x6520] =	vst v16;
	v16 =	vshrl.u32 v54, $0x1  }
0x25: {  	v56 =	vld [tilespmem:$0x60];
	[tilespmem:$0x6430] =	vst v16;
	v16 =	vand.u32 $0x40, v19  }
0x26: {  	[tilespmem:$0x6530] =	vst v16;
	v16 =	vshrl.u32 v17, $0x1;
	v17 =	vshll.u32 v17, $0x6  }
0x27: {  	[tilespmem:$0x6440] =	vst v16;
	v16 =	vand.u32 $0x40, v17;
	v17 =	vld [tilespmem:$0x70]  }
0x28: {  	v18 =	vshll.u32 v55, $0x6;
	[tilespmem:$0x6540] =	vst v16;
	v16 =	vshrl.u32 v55, $0x1  }
0x29: {  	[tilespmem:$0x6450] =	vst v16;
	v16 =	vand.u32 $0x40, v18  }
0x2a: {  	v57 =	vshll.u32 v56, $0x6;
	[tilespmem:$0x6550] =	vst v16;
	v16 =	vshrl.u32 v56, $0x1  }
0x2b: {  	[tilespmem:$0x6460] =	vst v16;
	v16 =	vand.u32 $0x40, v57  }
0x2c: {  	[tilespmem:$0x6560] =	vst v16;
	v16 =	vshrl.u32 v17, $0x1;
	v17 =	vshll.u32 v17, $0x6  }
0x2d: {  	[tilespmem:$0x6470] =	vst v16;
	v16 =	vand.u32 $0x40, v17  }
0x2e: {  	[tilespmem:$0x6570] =	vst v16  }
0x2f: {  	[tilespmem:s14], [sflag:$0x1] =	stream.indirect.gather [hbm4b:s5+s12], $0x80, s13, s12, $0xb8;
	[tilespmem:$0x12600] =	vst v63  }
0x30: {  	v16 =	vld [tilespmem:$0x80];
	_ =	sdelay $0x1  }
0x31: {  	v17 =	vld [tilespmem:$0x90];
	_ =	sdelay $0x1  }
0x32: {  	v58 =	vld [tilespmem:$0xA0]  }
0x33: {  	v59 =	vshrl.u32 v16, $0x1;
	v16 =	vshll.u32 v16, $0x6  }
0x34: {  	v60 =	vld [tilespmem:$0xB0];
	[tilespmem:$0x6480] =	vst v59;
	v16 =	vand.u32 $0x40, v16  }
0x35: {  	[tilespmem:$0x6580] =	vst v16;
	v16 =	vshrl.u32 v17, $0x1;
	v17 =	vshll.u32 v17, $0x6  }
0x36: {  	[tilespmem:$0x6490] =	vst v16;
	v16 =	vand.u32 $0x40, v17;
	v17 =	vld [tilespmem:$0xC0]  }
0x37: {  	v18 =	vshll.u32 v58, $0x6;
	[tilespmem:$0x6590] =	vst v16;
	v16 =	vshrl.u32 v58, $0x1  }
0x38: {  	v61 =	vld [tilespmem:$0xD0];
	[tilespmem:$0x64A0] =	vst v16;
	v16 =	vand.u32 $0x40, v18  }
0x39: {  	v19 =	vshll.u32 v60, $0x6;
	[tilespmem:$0x65A0] =	vst v16;
	v16 =	vshrl.u32 v60, $0x1  }
0x3a: {  	v62 =	vld [tilespmem:$0xE0];
	[tilespmem:$0x64B0] =	vst v16;
	v16 =	vand.u32 $0x40, v19  }
0x3b: {  	[tilespmem:$0x65B0] =	vst v16;
	v16 =	vshrl.u32 v17, $0x1;
	v17 =	vshll.u32 v17, $0x6  }
0x3c: {  	[tilespmem:$0x64C0] =	vst v16;
	v16 =	vand.u32 $0x40, v17;
	v17 =	vld [tilespmem:$0xF0]  }
0x3d: {  	v18 =	vshll.u32 v61, $0x6;
	[tilespmem:$0x65C0] =	vst v16;
	v16 =	vshrl.u32 v61, $0x1  }
0x3e: {  	[tilespmem:$0x64D0] =	vst v16;
	v16 =	vand.u32 $0x40, v18  }
0x3f: {  	v63 =	vshll.u32 v62, $0x6;
	[tilespmem:$0x65D0] =	vst v16;
	v16 =	vshrl.u32 v62, $0x1  }
0x40: {  	[tilespmem:$0x64E0] =	vst v16;
	v16 =	vand.u32 $0x40, v63  }
0x41: {  	[tilespmem:$0x65E0] =	vst v16;
	v16 =	vshrl.u32 v17, $0x1;
	v17 =	vshll.u32 v17, $0x6  }
0x42: {  	[tilespmem:$0x64F0] =	vst v16;
	v16 =	vand.u32 $0x40, v17  }
0x43: {  	s24 =	simm.s32 $0x0;
	[tilespmem:$0x65F0] =	vst v16  }
0x44: {  	[tilespmem:s16], [sflag:$0x2] =	stream.indirect.gather [hbm4b:s5+s12], $0x80, s15, s12, $0xb8;
	[tilespmem:$0x12600] =	vst v63  }
.LBB2_2:
0x45: {  	_ =	swait.ge [sflag:s17], $0x4000  }
0x46: {  	p0 =	seq.s32 s24, $0x0;
	[sflag:s17] =	ssyncset.done $0x0  }
0x47: {  	s25 =	simm.s32 @!p0 $0x3;
	[sflag:s17] =	ssyncadd.s32 $0xFFFFC000  }
0x48: {  	_ =	swait.ge @!p0 [sflag:s25], $0x2000  }
0x49: {  	[sflag:s25] =	ssyncset.done @!p0 $0x0  }
0x4a: {  	[sflag:s25] =	ssyncadd.s32 @!p0 $0xFFFFE000  }
0x4b: {  	v16 =	vld [tilespmem:$0x6530]  }
0x4c: {  	s29 =	simm.s32 $0x0;
	v18 =	vld [tilespmem:$0x6520]  }
0x4d: {  	v17 =	vadd.s32 s29, v0;
	v20 =	vld [tilespmem:$0x6500]  }
0x4e: {  	v17 =	vand.u32 $0xF, v17;
	s25 =	sand.u32 $0x30, s29;
	v22 =	vld [tilespmem:$0x6510]  }
0x4f: {  	v19 =	vld [tilespmem:$0x6540];
	v24 =	vor.u32 s25, v17  }
0x50: {  	v17 =	vld [tilespmem:$0x6560];
	v21 =	vadd.s32 v16, v24  }
0x51: {  	v23 =	vld [tilespmem:$0x6550];
	v25 =	vadd.s32 v18, v24;
	v26 =	vadd.s32 v4, v21  }
0x52: {  	v27 =	vadd.s32 v20, v24;
	v21 =	vld [tilespmem:$0x6570];
	v25 =	vadd.s32 v3, v25  }
0x53: {  	v28 =	vadd.s32 v22, v24;
	v27 =	vadd.s32 v1, v27  }
0x54: {  	v29 =	vadd.s32 v19, v24;
	v28 =	vadd.s32 v2, v28  }
0x55: {  	v30 =	vadd.s32 v17, v24;
	v29 =	vadd.s32 v5, v29  }
0x56: {  	v31 =	vadd.s32 v23, v24;
	v30 =	vadd.s32 v7, v30;
	v26 =	vld.idx.msk [tilespmem:v26+s14+$0x0], $0xffff  }
0x57: {  	v31 =	vadd.s32 v6, v31;
	v32 =	vadd.s32 v21, v24;
	v25 =	vld.idx.msk [tilespmem:v25+s14+$0x0], $0xffff;
	v24 =	vshll.u32 v24, $0x7  }
0x58: {  	v27 =	vld.idx.msk [tilespmem:v27+s14+$0x0], $0xffff;
	v32 =	vadd.s32 v8, v32;
	v33 =	vor.u32 v0, v24  }
0x59: {  	v28 =	vld.idx.msk [tilespmem:v28+s14+$0x0], $0xffff;
	v34 =	vor.u32 v9, v24  }
0x5a: {  	v29 =	vld.idx.msk [tilespmem:v29+s14+$0x0], $0xffff;
	v35 =	vor.u32 v10, v24  }
0x5b: {  	s26 =	simm.s32 $0x1;
	v30 =	vld.idx.msk [tilespmem:v30+s14+$0x0], $0xffff;
	v36 =	vor.u32 v11, v24  }
0x5c: {  	v37 =	vadd.s32 s26, v0;
	v31 =	vld.idx.msk [tilespmem:v31+s14+$0x0], $0xffff;
	v38 =	vor.u32 v12, v24  }
0x5d: {  	v37 =	vand.u32 $0xF, v37;
	v32 =	vld.idx.msk [tilespmem:v32+s14+$0x0], $0xffff;
	[tilespmem:v33+s18+$0x0] =	vst.idx.msk $0xffff, v27;
	v27 =	vor.u32 v13, v24  }
0x5e: {  	v56 =	vor.u32 s25, v37;
	[tilespmem:v34+s18+$0x0] =	vst.idx.msk $0xffff, v28;
	v28 =	vor.u32 v14, v24  }
0x5f: {  	v57 =	vadd.s32 v23, v56;
	v24 =	vor.u32 v15, v24;
	[tilespmem:v35+s18+$0x0] =	vst.idx.msk $0xffff, v25  }
0x60: {  	v25 =	vadd.s32 v22, v56;
	[tilespmem:v36+s18+$0x0] =	vst.idx.msk $0xffff, v26;
	v26 =	vadd.s32 v6, v57  }
0x61: {  	v58 =	vadd.s32 v20, v56;
	v25 =	vadd.s32 v2, v25;
	[tilespmem:v38+s18+$0x0] =	vst.idx.msk $0xffff, v29  }
0x62: {  	v29 =	vadd.s32 v18, v56;
	[tilespmem:v27+s18+$0x0] =	vst.idx.msk $0xffff, v31;
	v27 =	vadd.s32 v1, v58  }
0x63: {  	v31 =	vadd.s32 v19, v56;
	[tilespmem:v28+s18+$0x0] =	vst.idx.msk $0xffff, v30;
	v28 =	vadd.s32 v3, v29  }
0x64: {  	v29 =	vadd.s32 v16, v56;
	v59 =	vadd.s32 v5, v31;
	[tilespmem:v24+s18+$0x0] =	vst.idx.msk $0xffff, v32  }
0x65: {  	s31 =	simm.s32 $0x3;
	v24 =	vadd.s32 v21, v56;
	v60 =	vadd.s32 v4, v29;
	v26 =	vld.idx.msk [tilespmem:v26+s14+$0x0], $0xffff  }
0x66: {  	v62 =	vadd.s32 s31, v0;
	v30 =	vadd.s32 v17, v56;
	v29 =	vld.idx.msk [tilespmem:v25+s14+$0x0], $0xffff;
	v39 =	vadd.s32 v8, v24  }
0x67: {  	v63 =	vand.u32 $0xF, v62;
	v61 =	vshll.u32 v56, $0x7;
	v45 =	vadd.s32 v7, v30;
	v34 =	vld.idx.msk [tilespmem:v27+s14+$0x0], $0xffff  }
0x68: {  	s30 =	simm.s32 $0x2;
	v37 =	vor.u32 v0, v61;
	v40 =	vor.u32 v9, v61;
	v41 =	vor.u32 v10, v61;
	v31 =	vld.idx.msk [tilespmem:v28+s14+$0x0], $0xffff  }
0x69: {  	v42 =	vor.u32 v11, v61;
	v30 =	vor.u32 v12, v61;
	v25 =	vadd.s32 s30, v0;
	v33 =	vld.idx.msk [tilespmem:v59+s14+$0x0], $0xffff  }
0x6a: {  	s25 =	sand.u32 $0x30, s30;
	v24 =	vor.u32 v13, v61;
	v25 =	vand.u32 $0xF, v25;
	v27 =	vor.u32 v15, v61;
	v38 =	vld.idx.msk [tilespmem:v60+s14+$0x0], $0xffff  }
0x6b: {  	v35 =	vor.u32 s25, v25;
	v25 =	vor.u32 s25, v63;
	v28 =	vor.u32 v14, v61;
	v32 =	vld.idx.msk [tilespmem:v39+s14+$0x0], $0xffff  }
0x6c: {  	s26 =	simm.s32 $0x4;
	s25 =	sshll.u32 s24, $0x8;
	v44 =	vadd.s32 v20, v35;
	v43 =	vadd.s32 v18, v35;
	v36 =	vadd.s32 v21, v35;
	v39 =	vld.idx.msk [tilespmem:v45+s14+$0x0], $0xffff  }
.LBB2_3:
0x6d: {  	p1 =	sne.s32 s26, $0x3E;
	v45 =	vadd.s32 v16, v35;
	v44 =	vadd.s32 v1, v44;
	v46 =	vshll.u32 v35, $0x7;
	[tilespmem:v37+s18+$0x0] =	vst.idx.msk $0xffff, v34;
	s28 =	smov.u32 s26;
	s26 =	sadd.s32 $0x2, s26  }
0x6e: {  	v34 =	vadd.s32 v22, v35;
	v37 =	vadd.s32 v4, v45;
	v45 =	vshll.u32 v25, $0x7;
	[tilespmem:v40+s18+$0x0] =	vst.idx.msk $0xffff, v29  }
0x6f: {  	v29 =	vadd.s32 v19, v35;
	v40 =	vadd.s32 v3, v43;
	[tilespmem:v41+s18+$0x0] =	vst.idx.msk $0xffff, v31  }
0x70: {  	v31 =	vadd.s32 v23, v35;
	v35 =	vadd.s32 v17, v35;
	[tilespmem:v42+s18+$0x0] =	vst.idx.msk $0xffff, v38  }
0x71: {  	v34 =	vadd.s32 v2, v34;
	v35 =	vadd.s32 v7, v35;
	[tilespmem:v30+s18+$0x0] =	vst.idx.msk $0xffff, v33  }
0x72: {  	v29 =	vadd.s32 v5, v29;
	v30 =	vadd.s32 v6, v31;
	[tilespmem:v24+s18+$0x0] =	vst.idx.msk $0xffff, v26  }
0x73: {  	v31 =	vadd.s32 v23, v25;
	v26 =	vadd.s32 v8, v36;
	[tilespmem:v28+s18+$0x0] =	vst.idx.msk $0xffff, v39  }
0x74: {  	v33 =	vadd.s32 v22, v25;
	v28 =	vadd.s32 v20, v25;
	[tilespmem:v27+s18+$0x0] =	vst.idx.msk $0xffff, v32  }
0x75: {  	v36 =	vadd.s32 v16, v25;
	v32 =	vadd.s32 v18, v25;
	v27 =	vld.idx.msk [tilespmem:v37+s14+$0x0], $0xffff;
	v37 =	vadd.s32 v19, v25  }
0x76: {  	v24 =	vor.u32 v13, v45;
	v39 =	vadd.s32 v17, v25;
	v25 =	vadd.s32 v21, v25;
	v38 =	vld.idx.msk [tilespmem:v40+s14+$0x0], $0xffff  }
0x77: {  	v40 =	vld.idx.msk [tilespmem:v44+s14+$0x0], $0xffff  }
0x78: {  	v41 =	vor.u32 v0, v46;
	v34 =	vld.idx.msk [tilespmem:v34+s14+$0x0], $0xffff  }
0x79: {  	v42 =	vor.u32 v9, v46;
	v29 =	vld.idx.msk [tilespmem:v29+s14+$0x0], $0xffff  }
0x7a: {  	v43 =	vor.u32 v10, v46;
	v35 =	vld.idx.msk [tilespmem:v35+s14+$0x0], $0xffff  }
0x7b: {  	v44 =	vor.u32 v11, v46;
	v30 =	vld.idx.msk [tilespmem:v30+s14+$0x0], $0xffff  }
0x7c: {  	v47 =	vor.u32 v12, v46;
	v26 =	vld.idx.msk [tilespmem:v26+s14+$0x0], $0xffff  }
0x7d: {  	[tilespmem:v41+s18+$0x0] =	vst.idx.msk $0xffff, v40;
	v40 =	vor.u32 v13, v46  }
0x7e: {  	[tilespmem:v42+s18+$0x0] =	vst.idx.msk $0xffff, v34;
	v34 =	vor.u32 v14, v46  }
0x7f: {  	[tilespmem:v43+s18+$0x0] =	vst.idx.msk $0xffff, v38;
	v38 =	vor.u32 v15, v46  }
0x80: {  	[tilespmem:v44+s18+$0x0] =	vst.idx.msk $0xffff, v27;
	v27 =	vadd.s32 v6, v31  }
0x81: {  	[tilespmem:v47+s18+$0x0] =	vst.idx.msk $0xffff, v29;
	v29 =	vadd.s32 v2, v33  }
0x82: {  	v28 =	vadd.s32 v1, v28;
	[tilespmem:v40+s18+$0x0] =	vst.idx.msk $0xffff, v30  }
0x83: {  	v30 =	vadd.s32 v3, v32;
	[tilespmem:v34+s18+$0x0] =	vst.idx.msk $0xffff, v35  }
0x84: {  	v32 =	vadd.s32 v5, v37;
	[tilespmem:v38+s18+$0x0] =	vst.idx.msk $0xffff, v26  }
0x85: {  	v35 =	vadd.s32 v4, v36;
	v26 =	vld.idx.msk [tilespmem:v27+s14+$0x0], $0xffff  }
0x86: {  	v36 =	vadd.s32 v8, v25;
	v29 =	vld.idx.msk [tilespmem:v29+s14+$0x0], $0xffff  }
0x87: {  	v39 =	vadd.s32 v7, v39;
	v27 =	vor.u32 v15, v45;
	v34 =	vld.idx.msk [tilespmem:v28+s14+$0x0], $0xffff  }
.Ltmp2:
0x88: {  	s29 =	sadd.s32 $0x1, s28;
	v37 =	vor.u32 v0, v45;
	v28 =	vor.u32 v14, v45;
	v31 =	vld.idx.msk [tilespmem:v30+s14+$0x0], $0xffff;
	v30 =	vor.u32 v12, v45;
	(pc) =	sbr.rel @p1 .LBB2_3-.Ltmp2, $4  }
0x89: {  	v40 =	vor.u32 v9, v45;
	v25 =	vadd.s32 s28, v0;
	v38 =	vadd.s32 s29, v0;
	v33 =	vld.idx.msk [tilespmem:v32+s14+$0x0], $0xffff  }
0x8a: {  	v41 =	vor.u32 v10, v45;
	s28 =	sand.u32 $0x30, s28;
	v25 =	vand.u32 $0xF, v25;
	v32 =	vand.u32 $0xF, v38;
	v38 =	vld.idx.msk [tilespmem:v35+s14+$0x0], $0xffff  }
0x8b: {  	v42 =	vor.u32 v11, v45;
	v35 =	vor.u32 s28, v25;
	v25 =	vor.u32 s28, v32;
	v32 =	vld.idx.msk [tilespmem:v36+s14+$0x0], $0xffff  }
0x8c: {  	v44 =	vadd.s32 v20, v35;
	v43 =	vadd.s32 v18, v35;
	v36 =	vadd.s32 v21, v35;
	v39 =	vld.idx.msk [tilespmem:v39+s14+$0x0], $0xffff  }
0x8d: {  	_ =	sdelay $0x3  }
0x8e: {  	[tilespmem:v37+s18+$0x0] =	vst.idx.msk $0xffff, v34  }
0x8f: {  	[tilespmem:v40+s18+$0x0] =	vst.idx.msk $0xffff, v29  }
0x90: {  	v62 =	vadd.s32 v16, v35;
	[tilespmem:v41+s18+$0x0] =	vst.idx.msk $0xffff, v31  }
0x91: {  	v29 =	vadd.s32 v4, v62;
	[tilespmem:v42+s18+$0x0] =	vst.idx.msk $0xffff, v38  }
0x92: {  	v63 =	vadd.s32 v3, v43;
	[tilespmem:v30+s18+$0x0] =	vst.idx.msk $0xffff, v33  }
0x93: {  	v37 =	vadd.s32 v1, v44;
	v38 =	vadd.s32 v22, v35;
	[tilespmem:v24+s18+$0x0] =	vst.idx.msk $0xffff, v26  }
0x94: {  	v41 =	vadd.s32 v2, v38;
	[tilespmem:v28+s18+$0x0] =	vst.idx.msk $0xffff, v39  }
0x95: {  	v45 =	vadd.s32 v8, v36;
	v40 =	vadd.s32 v19, v35;
	[tilespmem:v27+s18+$0x0] =	vst.idx.msk $0xffff, v32  }
0x96: {  	v42 =	vadd.s32 v17, v35;
	v24 =	vadd.s32 v5, v40;
	v29 =	vld.idx.msk [tilespmem:v29+s14+$0x0], $0xffff  }
0x97: {  	v43 =	vadd.s32 v23, v35;
	v44 =	vshll.u32 v35, $0x7;
	v28 =	vadd.s32 v7, v42;
	v31 =	vld.idx.msk [tilespmem:v63+s14+$0x0], $0xffff  }
0x98: {  	v46 =	vor.u32 v0, v44;
	v27 =	vadd.s32 v6, v43;
	v30 =	vld.idx.msk [tilespmem:v37+s14+$0x0], $0xffff  }
0x99: {  	v35 =	vor.u32 v9, v44;
	v26 =	vld.idx.msk [tilespmem:v41+s14+$0x0], $0xffff  }
0x9a: {  	v47 =	vor.u32 v10, v44;
	v33 =	vld.idx.msk [tilespmem:v45+s14+$0x0], $0xffff  }
0x9b: {  	v48 =	vor.u32 v11, v44;
	v24 =	vld.idx.msk [tilespmem:v24+s14+$0x0], $0xffff  }
0x9c: {  	v49 =	vor.u32 v12, v44;
	v28 =	vld.idx.msk [tilespmem:v28+s14+$0x0], $0xffff  }
0x9d: {  	v50 =	vor.u32 v13, v44;
	v27 =	vld.idx.msk [tilespmem:v27+s14+$0x0], $0xffff;
	[tilespmem:v46+s18+$0x0] =	vst.idx.msk $0xffff, v30  }
0x9e: {  	v51 =	vor.u32 v14, v44;
	[tilespmem:v35+s18+$0x0] =	vst.idx.msk $0xffff, v26  }
0x9f: {  	v52 =	vadd.s32 v23, v25;
	v53 =	vor.u32 v15, v44;
	[tilespmem:v47+s18+$0x0] =	vst.idx.msk $0xffff, v31  }
0xa0: {  	v54 =	vadd.s32 v22, v25;
	v23 =	vadd.s32 v6, v52;
	[tilespmem:v48+s18+$0x0] =	vst.idx.msk $0xffff, v29  }
0xa1: {  	v20 =	vadd.s32 v20, v25;
	v22 =	vadd.s32 v2, v54;
	[tilespmem:v49+s18+$0x0] =	vst.idx.msk $0xffff, v24  }
0xa2: {  	v18 =	vadd.s32 v18, v25;
	v20 =	vadd.s32 v1, v20;
	[tilespmem:v50+s18+$0x0] =	vst.idx.msk $0xffff, v27  }
0xa3: {  	v55 =	vadd.s32 v19, v25;
	v18 =	vadd.s32 v3, v18;
	[tilespmem:v51+s18+$0x0] =	vst.idx.msk $0xffff, v28  }
0xa4: {  	v16 =	vadd.s32 v16, v25;
	v19 =	vadd.s32 v5, v55;
	[tilespmem:v53+s18+$0x0] =	vst.idx.msk $0xffff, v33  }
0xa5: {  	v21 =	vadd.s32 v21, v25;
	v16 =	vadd.s32 v4, v16;
	v23 =	vld.idx.msk [tilespmem:v23+s14+$0x0], $0xffff  }
0xa6: {  	v56 =	vshll.u32 v25, $0x7;
	v21 =	vadd.s32 v8, v21;
	v17 =	vadd.s32 v17, v25;
	v22 =	vld.idx.msk [tilespmem:v22+s14+$0x0], $0xffff  }
0xa7: {  	v25 =	vor.u32 v0, v56;
	v17 =	vadd.s32 v7, v17;
	v20 =	vld.idx.msk [tilespmem:v20+s14+$0x0], $0xffff  }
0xa8: {  	v57 =	vor.u32 v9, v56;
	v18 =	vld.idx.msk [tilespmem:v18+s14+$0x0], $0xffff  }
0xa9: {  	v58 =	vor.u32 v10, v56;
	v19 =	vld.idx.msk [tilespmem:v19+s14+$0x0], $0xffff  }
0xaa: {  	v59 =	vor.u32 v11, v56;
	v16 =	vld.idx.msk [tilespmem:v16+s14+$0x0], $0xffff  }
0xab: {  	v60 =	vor.u32 v12, v56;
	v21 =	vld.idx.msk [tilespmem:v21+s14+$0x0], $0xffff  }
0xac: {  	v61 =	vor.u32 v13, v56;
	v17 =	vld.idx.msk [tilespmem:v17+s14+$0x0], $0xffff;
	[tilespmem:v25+s18+$0x0] =	vst.idx.msk $0xffff, v20  }
0xad: {  	v62 =	vor.u32 v14, v56;
	[tilespmem:v57+s18+$0x0] =	vst.idx.msk $0xffff, v22  }
0xae: {  	v63 =	vor.u32 v15, v56;
	[tilespmem:v58+s18+$0x0] =	vst.idx.msk $0xffff, v18  }
0xaf: {  	p1 =	sne.s32 s24, $0x63;
	[tilespmem:v59+s18+$0x0] =	vst.idx.msk $0xffff, v16  }
.Ltmp3:
0xb0: {  	s26 =	sshll.u32 s24, $0x13;
	[tilespmem:v60+s18+$0x0] =	vst.idx.msk $0xffff, v19;
	(pc) =	sbr.rel @p1 .LBB2_6-.Ltmp3, $4  }
0xb1: {  	s26 =	sor.u32 s4, s26;
	[tilespmem:v61+s18+$0x0] =	vst.idx.msk $0xffff, v23  }
0xb2: {  	s26 =	sshrl.u32 s26, $0x3;
	[tilespmem:v62+s18+$0x0] =	vst.idx.msk $0xffff, v17  }
0xb3: {  	s28 =	sadd.s32 s1, s26;
	[tilespmem:v63+s18+$0x0] =	vst.idx.msk $0xffff, v21  }
0xb4: {  	[hbm4b:s28+s9] =	stream.strided.scatter [tilespmem:s18], [sflag:$0x3], $0x2000, s10, s9, $0x38;
	[tilespmem:$0x12600] =	vst v63  }
.Ltmp4:
0xb5: {  	(pc) =	sbr.rel .LBB2_7-.Ltmp4, $4  }
0xb6: {  	_ = 	snop  }
0xb7: {  	_ =	swait.ge [sflag:s19], $0x4000  }
0xb8: {  	[sflag:s19] =	ssyncset.done $0x0  }
0xb9: {  	[sflag:s19] =	ssyncadd.s32 $0xFFFFC000  }
.LBB2_6:
0xba: {  	v16 =	vld [tilespmem:s25+$0x100];
	_ =	sdelay $0x4  }
0xbb: {  	v17 =	vshrl.u32 v16, $0x1;
	v16 =	vshll.u32 v16, $0x6  }
0xbc: {  	[tilespmem:$0x6400] =	vst v17;
	v16 =	vand.u32 $0x40, v16  }
0xbd: {  	[tilespmem:$0x6500] =	vst v16  }
0xbe: {  	v16 =	vld [tilespmem:s25+$0x110];
	_ =	sdelay $0x4  }
0xbf: {  	v17 =	vshrl.u32 v16, $0x1;
	v16 =	vshll.u32 v16, $0x6  }
0xc0: {  	[tilespmem:$0x6410] =	vst v17;
	v16 =	vand.u32 $0x40, v16  }
0xc1: {  	[tilespmem:$0x6510] =	vst v16  }
0xc2: {  	v16 =	vld [tilespmem:s25+$0x120];
	_ =	sdelay $0x4  }
0xc3: {  	v17 =	vshrl.u32 v16, $0x1;
	v16 =	vshll.u32 v16, $0x6  }
0xc4: {  	[tilespmem:$0x6420] =	vst v17;
	v16 =	vand.u32 $0x40, v16  }
0xc5: {  	[tilespmem:$0x6520] =	vst v16  }
0xc6: {  	v16 =	vld [tilespmem:s25+$0x130];
	_ =	sdelay $0x4  }
0xc7: {  	v17 =	vshrl.u32 v16, $0x1;
	v16 =	vshll.u32 v16, $0x6  }
0xc8: {  	[tilespmem:$0x6430] =	vst v17;
	v16 =	vand.u32 $0x40, v16  }
0xc9: {  	[tilespmem:$0x6530] =	vst v16  }
0xca: {  	v16 =	vld [tilespmem:s25+$0x140];
	_ =	sdelay $0x4  }
0xcb: {  	v17 =	vshrl.u32 v16, $0x1;
	v16 =	vshll.u32 v16, $0x6  }
0xcc: {  	[tilespmem:$0x6440] =	vst v17;
	v16 =	vand.u32 $0x40, v16  }
0xcd: {  	[tilespmem:$0x6540] =	vst v16  }
0xce: {  	v16 =	vld [tilespmem:s25+$0x150];
	_ =	sdelay $0x4  }
0xcf: {  	v17 =	vshrl.u32 v16, $0x1;
	v16 =	vshll.u32 v16, $0x6  }
0xd0: {  	[tilespmem:$0x6450] =	vst v17;
	v16 =	vand.u32 $0x40, v16  }
0xd1: {  	[tilespmem:$0x6550] =	vst v16  }
0xd2: {  	v16 =	vld [tilespmem:s25+$0x160];
	_ =	sdelay $0x4  }
0xd3: {  	v17 =	vshrl.u32 v16, $0x1;
	v16 =	vshll.u32 v16, $0x6  }
0xd4: {  	[tilespmem:$0x6460] =	vst v17;
	v16 =	vand.u32 $0x40, v16  }
0xd5: {  	[tilespmem:$0x6560] =	vst v16  }
0xd6: {  	v16 =	vld [tilespmem:s25+$0x170];
	_ =	sdelay $0x4  }
0xd7: {  	v17 =	vshrl.u32 v16, $0x1;
	v16 =	vshll.u32 v16, $0x6  }
0xd8: {  	[tilespmem:$0x6470] =	vst v17;
	v16 =	vand.u32 $0x40, v16  }
.Ltmp5:
0xd9: {  	[tilespmem:$0x6570] =	vst v16;
	(pc) =	sbr.rel @p0 .LBB2_8-.Ltmp5, $4  }
0xda: {  	[tilespmem:s14], [sflag:$0x1] =	stream.indirect.gather [hbm4b:s5+s12], $0x80, s13, s12, $0xb8;
	[tilespmem:$0x12600] =	vst v63  }
0xdb: {  	_ =	swait.ge [sflag:s19], $0x4000  }
0xdc: {  	[sflag:s19] =	ssyncset.done $0x0  }
0xdd: {  	[sflag:s19] =	ssyncadd.s32 $0xFFFFC000  }
.LBB2_7:
0xde: {  	_ =	swait.ge [sflag:s20], $0x2000  }
0xdf: {  	[sflag:s20] =	ssyncset.done $0x0  }
0xe0: {  	[sflag:s20] =	ssyncadd.s32 $0xFFFFE000  }
.LBB2_8:
0xe1: {  	v16 =	vld [tilespmem:$0x65B0]  }
0xe2: {  	v18 =	vld [tilespmem:$0x65A0];
	s28 =	simm.s32 $0x0  }
0xe3: {  	v20 =	vld [tilespmem:$0x6580];
	v17 =	vadd.s32 s28, v0  }
0xe4: {  	v22 =	vld [tilespmem:$0x6590];
	s28 =	sand.u32 $0x30, s28;
	v17 =	vand.u32 $0xF, v17  }
0xe5: {  	v19 =	vld [tilespmem:$0x65C0];
	v24 =	vor.u32 s28, v17  }
0xe6: {  	v23 =	vld [tilespmem:$0x65D0];
	v21 =	vadd.s32 v16, v24  }
0xe7: {  	v17 =	vld [tilespmem:$0x65E0];
	v25 =	vadd.s32 v18, v24;
	v26 =	vadd.s32 v4, v21  }
0xe8: {  	v27 =	vadd.s32 v20, v24;
	v21 =	vld [tilespmem:$0x65F0];
	v25 =	vadd.s32 v3, v25  }
0xe9: {  	v28 =	vadd.s32 v22, v24;
	v27 =	vadd.s32 v1, v27  }
0xea: {  	v29 =	vadd.s32 v19, v24;
	v28 =	vadd.s32 v2, v28  }
0xeb: {  	v31 =	vadd.s32 v23, v24;
	v29 =	vadd.s32 v5, v29  }
0xec: {  	v31 =	vadd.s32 v6, v31;
	v30 =	vadd.s32 v17, v24;
	v26 =	vld.idx.msk [tilespmem:v26+s16+$0x0], $0xffff  }
0xed: {  	v30 =	vadd.s32 v7, v30;
	v32 =	vadd.s32 v21, v24;
	v25 =	vld.idx.msk [tilespmem:v25+s16+$0x0], $0xffff;
	v24 =	vshll.u32 v24, $0x7  }
0xee: {  	v27 =	vld.idx.msk [tilespmem:v27+s16+$0x0], $0xffff;
	v32 =	vadd.s32 v8, v32;
	v33 =	vor.u32 v0, v24  }
0xef: {  	v28 =	vld.idx.msk [tilespmem:v28+s16+$0x0], $0xffff;
	v34 =	vor.u32 v9, v24  }
0xf0: {  	v29 =	vld.idx.msk [tilespmem:v29+s16+$0x0], $0xffff;
	v35 =	vor.u32 v10, v24  }
0xf1: {  	s29 =	simm.s32 $0x1;
	v31 =	vld.idx.msk [tilespmem:v31+s16+$0x0], $0xffff;
	v36 =	vor.u32 v11, v24  }
0xf2: {  	v37 =	vadd.s32 s29, v0;
	v38 =	vor.u32 v12, v24;
	v30 =	vld.idx.msk [tilespmem:v30+s16+$0x0], $0xffff  }
0xf3: {  	v37 =	vand.u32 $0xF, v37;
	v32 =	vld.idx.msk [tilespmem:v32+s16+$0x0], $0xffff;
	[tilespmem:v33+s21+$0x0] =	vst.idx.msk $0xffff, v27;
	v27 =	vor.u32 v13, v24  }
0xf4: {  	v56 =	vor.u32 s28, v37;
	[tilespmem:v34+s21+$0x0] =	vst.idx.msk $0xffff, v28;
	v28 =	vor.u32 v14, v24  }
0xf5: {  	v57 =	vadd.s32 v23, v56;
	v24 =	vor.u32 v15, v24;
	[tilespmem:v35+s21+$0x0] =	vst.idx.msk $0xffff, v25  }
0xf6: {  	v25 =	vadd.s32 v22, v56;
	[tilespmem:v36+s21+$0x0] =	vst.idx.msk $0xffff, v26;
	v26 =	vadd.s32 v6, v57  }
0xf7: {  	v58 =	vadd.s32 v20, v56;
	v25 =	vadd.s32 v2, v25;
	[tilespmem:v38+s21+$0x0] =	vst.idx.msk $0xffff, v29  }
0xf8: {  	v29 =	vadd.s32 v18, v56;
	[tilespmem:v27+s21+$0x0] =	vst.idx.msk $0xffff, v31;
	v27 =	vadd.s32 v1, v58  }
0xf9: {  	v31 =	vadd.s32 v19, v56;
	[tilespmem:v28+s21+$0x0] =	vst.idx.msk $0xffff, v30;
	v28 =	vadd.s32 v3, v29  }
0xfa: {  	v29 =	vadd.s32 v16, v56;
	v59 =	vadd.s32 v5, v31;
	[tilespmem:v24+s21+$0x0] =	vst.idx.msk $0xffff, v32  }
0xfb: {  	s31 =	simm.s32 $0x3;
	v24 =	vadd.s32 v21, v56;
	v60 =	vadd.s32 v4, v29;
	v26 =	vld.idx.msk [tilespmem:v26+s16+$0x0], $0xffff  }
0xfc: {  	v62 =	vadd.s32 s31, v0;
	v30 =	vadd.s32 v17, v56;
	v29 =	vld.idx.msk [tilespmem:v25+s16+$0x0], $0xffff;
	v39 =	vadd.s32 v8, v24  }
0xfd: {  	v63 =	vand.u32 $0xF, v62;
	v61 =	vshll.u32 v56, $0x7;
	v45 =	vadd.s32 v7, v30;
	v34 =	vld.idx.msk [tilespmem:v27+s16+$0x0], $0xffff  }
0xfe: {  	s28 =	simm.s32 $0x2;
	v37 =	vor.u32 v0, v61;
	v40 =	vor.u32 v9, v61;
	v41 =	vor.u32 v10, v61;
	v31 =	vld.idx.msk [tilespmem:v28+s16+$0x0], $0xffff  }
0xff: {  	v42 =	vor.u32 v11, v61;
	v30 =	vor.u32 v12, v61;
	v25 =	vadd.s32 s28, v0;
	v33 =	vld.idx.msk [tilespmem:v59+s16+$0x0], $0xffff  }
0x100: {  	v24 =	vor.u32 v13, v61;
	s28 =	sand.u32 $0x30, s28;
	v25 =	vand.u32 $0xF, v25;
	v27 =	vor.u32 v15, v61;
	v38 =	vld.idx.msk [tilespmem:v60+s16+$0x0], $0xffff  }
0x101: {  	v35 =	vor.u32 s28, v25;
	v25 =	vor.u32 s28, v63;
	v28 =	vor.u32 v14, v61;
	v32 =	vld.idx.msk [tilespmem:v39+s16+$0x0], $0xffff  }
0x102: {  	s28 =	simm.s32 $0x4;
	v44 =	vadd.s32 v20, v35;
	v43 =	vadd.s32 v18, v35;
	v36 =	vadd.s32 v21, v35;
	v39 =	vld.idx.msk [tilespmem:v45+s16+$0x0], $0xffff  }
.LBB2_9:
0x103: {  	p0 =	sne.s32 s28, $0x3E;
	v45 =	vadd.s32 v16, v35;
	v44 =	vadd.s32 v1, v44;
	v46 =	vshll.u32 v35, $0x7;
	[tilespmem:v37+s21+$0x0] =	vst.idx.msk $0xffff, v34;
	s29 =	smov.u32 s28;
	s28 =	sadd.s32 $0x2, s28  }
0x104: {  	v34 =	vadd.s32 v22, v35;
	v37 =	vadd.s32 v4, v45;
	v45 =	vshll.u32 v25, $0x7;
	[tilespmem:v40+s21+$0x0] =	vst.idx.msk $0xffff, v29  }
0x105: {  	v29 =	vadd.s32 v19, v35;
	v40 =	vadd.s32 v3, v43;
	[tilespmem:v41+s21+$0x0] =	vst.idx.msk $0xffff, v31  }
0x106: {  	v31 =	vadd.s32 v23, v35;
	v35 =	vadd.s32 v17, v35;
	[tilespmem:v42+s21+$0x0] =	vst.idx.msk $0xffff, v38  }
0x107: {  	v34 =	vadd.s32 v2, v34;
	v35 =	vadd.s32 v7, v35;
	[tilespmem:v30+s21+$0x0] =	vst.idx.msk $0xffff, v33  }
0x108: {  	v29 =	vadd.s32 v5, v29;
	v30 =	vadd.s32 v6, v31;
	[tilespmem:v24+s21+$0x0] =	vst.idx.msk $0xffff, v26  }
0x109: {  	v31 =	vadd.s32 v23, v25;
	v26 =	vadd.s32 v8, v36;
	[tilespmem:v28+s21+$0x0] =	vst.idx.msk $0xffff, v39  }
0x10a: {  	v33 =	vadd.s32 v22, v25;
	v28 =	vadd.s32 v20, v25;
	[tilespmem:v27+s21+$0x0] =	vst.idx.msk $0xffff, v32  }
0x10b: {  	v36 =	vadd.s32 v16, v25;
	v32 =	vadd.s32 v18, v25;
	v27 =	vld.idx.msk [tilespmem:v37+s16+$0x0], $0xffff;
	v37 =	vadd.s32 v19, v25  }
0x10c: {  	v24 =	vor.u32 v13, v45;
	v39 =	vadd.s32 v17, v25;
	v25 =	vadd.s32 v21, v25;
	v38 =	vld.idx.msk [tilespmem:v40+s16+$0x0], $0xffff  }
0x10d: {  	v40 =	vld.idx.msk [tilespmem:v44+s16+$0x0], $0xffff  }
0x10e: {  	v41 =	vor.u32 v0, v46;
	v34 =	vld.idx.msk [tilespmem:v34+s16+$0x0], $0xffff  }
0x10f: {  	v42 =	vor.u32 v9, v46;
	v29 =	vld.idx.msk [tilespmem:v29+s16+$0x0], $0xffff  }
0x110: {  	v43 =	vor.u32 v10, v46;
	v35 =	vld.idx.msk [tilespmem:v35+s16+$0x0], $0xffff  }
0x111: {  	v44 =	vor.u32 v11, v46;
	v30 =	vld.idx.msk [tilespmem:v30+s16+$0x0], $0xffff  }
0x112: {  	v47 =	vor.u32 v12, v46;
	v26 =	vld.idx.msk [tilespmem:v26+s16+$0x0], $0xffff  }
0x113: {  	[tilespmem:v41+s21+$0x0] =	vst.idx.msk $0xffff, v40;
	v40 =	vor.u32 v13, v46  }
0x114: {  	[tilespmem:v42+s21+$0x0] =	vst.idx.msk $0xffff, v34;
	v34 =	vor.u32 v14, v46  }
0x115: {  	[tilespmem:v43+s21+$0x0] =	vst.idx.msk $0xffff, v38;
	v38 =	vor.u32 v15, v46  }
0x116: {  	[tilespmem:v44+s21+$0x0] =	vst.idx.msk $0xffff, v27;
	v27 =	vadd.s32 v6, v31  }
0x117: {  	[tilespmem:v47+s21+$0x0] =	vst.idx.msk $0xffff, v29;
	v29 =	vadd.s32 v2, v33  }
0x118: {  	v28 =	vadd.s32 v1, v28;
	[tilespmem:v40+s21+$0x0] =	vst.idx.msk $0xffff, v30  }
0x119: {  	v30 =	vadd.s32 v3, v32;
	[tilespmem:v34+s21+$0x0] =	vst.idx.msk $0xffff, v35  }
0x11a: {  	v32 =	vadd.s32 v5, v37;
	[tilespmem:v38+s21+$0x0] =	vst.idx.msk $0xffff, v26  }
0x11b: {  	v35 =	vadd.s32 v4, v36;
	v26 =	vld.idx.msk [tilespmem:v27+s16+$0x0], $0xffff  }
0x11c: {  	v36 =	vadd.s32 v8, v25;
	v29 =	vld.idx.msk [tilespmem:v29+s16+$0x0], $0xffff  }
0x11d: {  	v39 =	vadd.s32 v7, v39;
	v27 =	vor.u32 v15, v45;
	v34 =	vld.idx.msk [tilespmem:v28+s16+$0x0], $0xffff  }
.Ltmp6:
0x11e: {  	s30 =	sadd.s32 $0x1, s29;
	v37 =	vor.u32 v0, v45;
	v28 =	vor.u32 v14, v45;
	v31 =	vld.idx.msk [tilespmem:v30+s16+$0x0], $0xffff;
	v30 =	vor.u32 v12, v45;
	(pc) =	sbr.rel @p0 .LBB2_9-.Ltmp6, $4  }
0x11f: {  	v40 =	vor.u32 v9, v45;
	v25 =	vadd.s32 s29, v0;
	v38 =	vadd.s32 s30, v0;
	v33 =	vld.idx.msk [tilespmem:v32+s16+$0x0], $0xffff  }
0x120: {  	v41 =	vor.u32 v10, v45;
	s29 =	sand.u32 $0x30, s29;
	v25 =	vand.u32 $0xF, v25;
	v32 =	vand.u32 $0xF, v38;
	v38 =	vld.idx.msk [tilespmem:v35+s16+$0x0], $0xffff  }
0x121: {  	v42 =	vor.u32 v11, v45;
	v35 =	vor.u32 s29, v25;
	v25 =	vor.u32 s29, v32;
	v32 =	vld.idx.msk [tilespmem:v36+s16+$0x0], $0xffff  }
0x122: {  	v44 =	vadd.s32 v20, v35;
	v43 =	vadd.s32 v18, v35;
	v36 =	vadd.s32 v21, v35;
	v39 =	vld.idx.msk [tilespmem:v39+s16+$0x0], $0xffff  }
0x123: {  	_ =	sdelay $0x3  }
0x124: {  	[tilespmem:v37+s21+$0x0] =	vst.idx.msk $0xffff, v34  }
0x125: {  	[tilespmem:v40+s21+$0x0] =	vst.idx.msk $0xffff, v29  }
0x126: {  	v62 =	vadd.s32 v16, v35;
	[tilespmem:v41+s21+$0x0] =	vst.idx.msk $0xffff, v31  }
0x127: {  	v29 =	vadd.s32 v4, v62;
	[tilespmem:v42+s21+$0x0] =	vst.idx.msk $0xffff, v38  }
0x128: {  	v63 =	vadd.s32 v3, v43;
	[tilespmem:v30+s21+$0x0] =	vst.idx.msk $0xffff, v33  }
0x129: {  	v37 =	vadd.s32 v1, v44;
	v38 =	vadd.s32 v22, v35;
	[tilespmem:v24+s21+$0x0] =	vst.idx.msk $0xffff, v26  }
0x12a: {  	v41 =	vadd.s32 v2, v38;
	[tilespmem:v28+s21+$0x0] =	vst.idx.msk $0xffff, v39  }
0x12b: {  	v45 =	vadd.s32 v8, v36;
	v40 =	vadd.s32 v19, v35;
	[tilespmem:v27+s21+$0x0] =	vst.idx.msk $0xffff, v32  }
0x12c: {  	v42 =	vadd.s32 v17, v35;
	v24 =	vadd.s32 v5, v40;
	v29 =	vld.idx.msk [tilespmem:v29+s16+$0x0], $0xffff  }
0x12d: {  	v43 =	vadd.s32 v23, v35;
	v44 =	vshll.u32 v35, $0x7;
	v28 =	vadd.s32 v7, v42;
	v31 =	vld.idx.msk [tilespmem:v63+s16+$0x0], $0xffff  }
0x12e: {  	v46 =	vor.u32 v0, v44;
	v27 =	vadd.s32 v6, v43;
	v30 =	vld.idx.msk [tilespmem:v37+s16+$0x0], $0xffff  }
0x12f: {  	v35 =	vor.u32 v9, v44;
	v26 =	vld.idx.msk [tilespmem:v41+s16+$0x0], $0xffff  }
0x130: {  	v47 =	vor.u32 v10, v44;
	v33 =	vld.idx.msk [tilespmem:v45+s16+$0x0], $0xffff  }
0x131: {  	v48 =	vor.u32 v11, v44;
	v24 =	vld.idx.msk [tilespmem:v24+s16+$0x0], $0xffff  }
0x132: {  	v49 =	vor.u32 v12, v44;
	v28 =	vld.idx.msk [tilespmem:v28+s16+$0x0], $0xffff  }
0x133: {  	v50 =	vor.u32 v13, v44;
	v27 =	vld.idx.msk [tilespmem:v27+s16+$0x0], $0xffff;
	[tilespmem:v46+s21+$0x0] =	vst.idx.msk $0xffff, v30  }
0x134: {  	v51 =	vor.u32 v14, v44;
	[tilespmem:v35+s21+$0x0] =	vst.idx.msk $0xffff, v26  }
0x135: {  	v52 =	vadd.s32 v23, v25;
	v53 =	vor.u32 v15, v44;
	[tilespmem:v47+s21+$0x0] =	vst.idx.msk $0xffff, v31  }
0x136: {  	v54 =	vadd.s32 v22, v25;
	v23 =	vadd.s32 v6, v52;
	[tilespmem:v48+s21+$0x0] =	vst.idx.msk $0xffff, v29  }
0x137: {  	v20 =	vadd.s32 v20, v25;
	v22 =	vadd.s32 v2, v54;
	[tilespmem:v49+s21+$0x0] =	vst.idx.msk $0xffff, v24  }
0x138: {  	v18 =	vadd.s32 v18, v25;
	v20 =	vadd.s32 v1, v20;
	[tilespmem:v50+s21+$0x0] =	vst.idx.msk $0xffff, v27  }
0x139: {  	v55 =	vadd.s32 v19, v25;
	v18 =	vadd.s32 v3, v18;
	[tilespmem:v51+s21+$0x0] =	vst.idx.msk $0xffff, v28  }
0x13a: {  	v16 =	vadd.s32 v16, v25;
	v19 =	vadd.s32 v5, v55;
	[tilespmem:v53+s21+$0x0] =	vst.idx.msk $0xffff, v33  }
0x13b: {  	v21 =	vadd.s32 v21, v25;
	v16 =	vadd.s32 v4, v16;
	v23 =	vld.idx.msk [tilespmem:v23+s16+$0x0], $0xffff  }
0x13c: {  	v56 =	vshll.u32 v25, $0x7;
	v21 =	vadd.s32 v8, v21;
	v17 =	vadd.s32 v17, v25;
	v22 =	vld.idx.msk [tilespmem:v22+s16+$0x0], $0xffff  }
0x13d: {  	v25 =	vor.u32 v0, v56;
	v17 =	vadd.s32 v7, v17;
	v20 =	vld.idx.msk [tilespmem:v20+s16+$0x0], $0xffff  }
0x13e: {  	v57 =	vor.u32 v9, v56;
	v18 =	vld.idx.msk [tilespmem:v18+s16+$0x0], $0xffff  }
0x13f: {  	v58 =	vor.u32 v10, v56;
	v19 =	vld.idx.msk [tilespmem:v19+s16+$0x0], $0xffff  }
0x140: {  	v59 =	vor.u32 v11, v56;
	v16 =	vld.idx.msk [tilespmem:v16+s16+$0x0], $0xffff  }
0x141: {  	v60 =	vor.u32 v12, v56;
	v21 =	vld.idx.msk [tilespmem:v21+s16+$0x0], $0xffff  }
0x142: {  	v61 =	vor.u32 v13, v56;
	v17 =	vld.idx.msk [tilespmem:v17+s16+$0x0], $0xffff;
	[tilespmem:v25+s21+$0x0] =	vst.idx.msk $0xffff, v20  }
0x143: {  	v62 =	vor.u32 v14, v56;
	[tilespmem:v57+s21+$0x0] =	vst.idx.msk $0xffff, v22  }
0x144: {  	v63 =	vor.u32 v15, v56;
	[tilespmem:v58+s21+$0x0] =	vst.idx.msk $0xffff, v18  }
0x145: {  	p0 =	seq.s32 s24, $0x63;
	[tilespmem:v59+s21+$0x0] =	vst.idx.msk $0xffff, v16  }
.Ltmp7:
0x146: {  	[tilespmem:v60+s21+$0x0] =	vst.idx.msk $0xffff, v19;
	(pc) =	sbr.rel @p0 .LBB2_12-.Ltmp7, $4  }
0x147: {  	[tilespmem:v61+s21+$0x0] =	vst.idx.msk $0xffff, v23  }
0x148: {  	[tilespmem:v62+s21+$0x0] =	vst.idx.msk $0xffff, v17  }
0x149: {  	s26 =	sadd.s32 s26, s7;
	[tilespmem:v63+s21+$0x0] =	vst.idx.msk $0xffff, v21  }
0x14a: {  	[hbm4b:s26+s9] =	stream.strided.scatter [tilespmem:s21], [sflag:$0x4], $0x2000, s10, s9, $0x38;
	[tilespmem:$0x12600] =	vst v63  }
0x14b: {  	v16 =	vld [tilespmem:s25+$0x180];
	_ =	sdelay $0x4  }
0x14c: {  	v17 =	vshrl.u32 v16, $0x1;
	v16 =	vshll.u32 v16, $0x6  }
0x14d: {  	[tilespmem:$0x6480] =	vst v17;
	v16 =	vand.u32 $0x40, v16  }
0x14e: {  	[tilespmem:$0x6580] =	vst v16  }
0x14f: {  	v16 =	vld [tilespmem:s25+$0x190];
	_ =	sdelay $0x4  }
0x150: {  	v17 =	vshrl.u32 v16, $0x1;
	v16 =	vshll.u32 v16, $0x6  }
0x151: {  	[tilespmem:$0x6490] =	vst v17;
	v16 =	vand.u32 $0x40, v16  }
0x152: {  	[tilespmem:$0x6590] =	vst v16  }
0x153: {  	v16 =	vld [tilespmem:s25+$0x1A0];
	_ =	sdelay $0x4  }
0x154: {  	v17 =	vshrl.u32 v16, $0x1;
	v16 =	vshll.u32 v16, $0x6  }
0x155: {  	[tilespmem:$0x64A0] =	vst v17;
	v16 =	vand.u32 $0x40, v16  }
0x156: {  	[tilespmem:$0x65A0] =	vst v16  }
0x157: {  	v16 =	vld [tilespmem:s25+$0x1B0];
	_ =	sdelay $0x4  }
0x158: {  	v17 =	vshrl.u32 v16, $0x1;
	v16 =	vshll.u32 v16, $0x6  }
0x159: {  	[tilespmem:$0x64B0] =	vst v17;
	v16 =	vand.u32 $0x40, v16  }
0x15a: {  	[tilespmem:$0x65B0] =	vst v16  }
0x15b: {  	v16 =	vld [tilespmem:s25+$0x1C0];
	_ =	sdelay $0x4  }
0x15c: {  	v17 =	vshrl.u32 v16, $0x1;
	v16 =	vshll.u32 v16, $0x6  }
0x15d: {  	[tilespmem:$0x64C0] =	vst v17;
	v16 =	vand.u32 $0x40, v16  }
0x15e: {  	[tilespmem:$0x65C0] =	vst v16  }
0x15f: {  	v16 =	vld [tilespmem:s25+$0x1D0];
	_ =	sdelay $0x4  }
0x160: {  	v17 =	vshrl.u32 v16, $0x1;
	v16 =	vshll.u32 v16, $0x6  }
0x161: {  	[tilespmem:$0x64D0] =	vst v17;
	v16 =	vand.u32 $0x40, v16  }
0x162: {  	[tilespmem:$0x65D0] =	vst v16  }
0x163: {  	v16 =	vld [tilespmem:s25+$0x1E0];
	_ =	sdelay $0x4  }
0x164: {  	v17 =	vshrl.u32 v16, $0x1;
	v16 =	vshll.u32 v16, $0x6  }
0x165: {  	[tilespmem:$0x64E0] =	vst v17;
	v16 =	vand.u32 $0x40, v16  }
0x166: {  	[tilespmem:$0x65E0] =	vst v16  }
0x167: {  	v16 =	vld [tilespmem:s25+$0x1F0];
	_ =	sdelay $0x3  }
.Ltmp8:
0x168: {  	_ = 	snop;
	(pc) =	sbr.rel .LBB2_2-.Ltmp8, $4  }
0x169: {  	v17 =	vshrl.u32 v16, $0x1;
	v16 =	vshll.u32 v16, $0x6  }
0x16a: {  	[tilespmem:$0x64F0] =	vst v17;
	v16 =	vand.u32 $0x40, v16  }
0x16b: {  	s24 =	sadd.s32 $0x1, s24;
	[tilespmem:$0x65F0] =	vst v16  }
0x16c: {  	[tilespmem:s16], [sflag:$0x2] =	stream.indirect.gather [hbm4b:s5+s12], $0x80, s15, s12, $0xb8;
	[tilespmem:$0x12600] =	vst v63  }
.LBB2_13:
0x16d: {  	_ =	sfence.sel $0x180000  }
0x16e: {  	[bflag:$0x0] =	sbarrier.arrive $0xFFFF  }
0x16f: {  	p0 =	sne.s32 s2, $0x0;
	_ =	strace $0x9000004A  }
0x170: {  	s0 =	sadd.s32 @!p0 $0x100000, s0;
	[bflag:$0x2] =	sbarrier.arrive $0xFFFF  }
0x171: {  	[sflag:s0] =	ssyncadd.tile.s32 @!p0 $0x1;
	_ =	shalt  }
.Lfunc_end2:
_tile_overlayer_lowered:
.L_overlay_start_2:
0x172: {  	(tag) =	ssettag $0x2  }
0x173: {  	s0 =	rddreg [dreg:$0x0];
	s2 =	stileid.u32  }
0x174: {  	s1 =	rddreg [dreg:$0x1];
	p0 =	sne.s32 s2, $0x0  }
0x175: {  	s3 =	rddreg [dreg:$0x2];
	[bflag:$0x3] =	sbarrier.arrive $0xFFFF;
	s2 =	simm.s32 @!p0 $0x1C05  }
0x176: {  	[timem:s3], [sflag:s2] =	dma.local @!p0 [hbm:s0], s1  }
0x177: {  	s0 =	simm.s32 @!p0 $0x5  }
0x178: {  	_ =	swait.ge @!p0 [sflag:s0], s1  }
0x179: {  	s1 =	ssub.s32 @!p0 $0x0, s1;
	[sflag:s0] =	ssyncset.done @!p0 $0x0  }
0x17a: {  	[sflag:s0] =	ssyncadd.s32 @!p0 s1  }
0x17b: {  	[bflag:$0x3] =	sbarrier.arrive $0xFFFF  }
0x17c: {  	_ =	shalt  }

</sc_bundles>
